<compile_context>
chip_gen: v7x
topology: tpu7x:2x2x1
jax: 0.10.2.dev20260603
libtpu: 0.0.44.dev20260713+nightly
codegen_flags: <defaults>
</compile_context>

<pallas_src>
import functools

import jax
import jax.numpy as jnp
from jax import lax
from jax.experimental import pallas as pl
from jax.experimental.pallas import tpu as pltpu
from jax.experimental.pallas import tpu_sc as plsc

N = 10000
E = 160000
D = 256
HH = 128
NP = 10240
NBLK = 8
RB = NP // NBLK
NC = 2
NS = 16
RPT = NP // NS

EPD = E + 256
ETD = EPD // 32

EPE = 163840
ETL = EPE // NS
LK = 128
NCHL = ETL // LK

ETE = EPE // NS
EK = 128
NCHE = ETE // EK

def _dot(a, b, prec=jax.lax.Precision.DEFAULT):
    return jnp.dot(a, b, preferred_element_type=jnp.float32, precision=prec)



def _mesh():
    return plsc.VectorSubcoreMesh(
        core_axis_name="c", subcore_axis_name="s",
        num_cores=NC, num_subcores=NS)


_SC_PARAMS = pltpu.CompilerParams(use_tc_tiling_on_sc=False)


@functools.cache
def _make_sc_deg():
    return functools.partial(
        pl.kernel,
        out_type=jax.ShapeDtypeStruct((NC, NP, 16), jnp.float32),
        mesh=_mesh(),
        scratch_types=[
            pltpu.VMEM((ETD,), jnp.int32),
            pltpu.VMEM((ETD, 16), jnp.float32),
            pltpu.VMEM_SHARED((NP, 16), jnp.float32),
        ],
        compiler_params=_SC_PARAMS,
    )(_sc_deg_body)


def _sc_deg_body(dstp_hbm, ones_hbm, zeros_hbm, out_hbm, idx_v, ones_v, deg_sp):
    cid = lax.axis_index("c")
    sid = lax.axis_index("s")
    w = sid * NC + cid
    stripe = pl.ds(pl.multiple_of(sid * RPT, 8), RPT)
    pltpu.sync_copy(zeros_hbm.at[stripe], deg_sp.at[stripe])
    pltpu.sync_copy(ones_hbm, ones_v)
    pltpu.sync_copy(dstp_hbm.at[pl.ds(pl.multiple_of(w * ETD, 8), ETD)], idx_v)
    plsc.subcore_barrier()
    pltpu.sync_copy(ones_v, deg_sp.at[idx_v], add=True)
    plsc.subcore_barrier()
    pltpu.sync_copy(deg_sp.at[stripe], out_hbm.at[cid, stripe])


@functools.cache
def _make_sc_layer():
    buf = lambda: [pltpu.VMEM((LK,), jnp.int32),
                   pltpu.VMEM((LK,), jnp.int32),
                   pltpu.VMEM((LK, HH), jnp.float32),
                   pltpu.SemaphoreType.DMA]
    return functools.partial(
        pl.kernel,
        out_type=jax.ShapeDtypeStruct((2 * NP, HH), jnp.float32),
        mesh=_mesh(),
        scratch_types=buf() + buf() + [
            pltpu.VMEM_SHARED((NP, HH), jnp.float32),
        ],
        compiler_params=_SC_PARAMS,
    )(_sc_layer_body)


def _sc_layer_body(ycat_hbm, src2_hbm, dst_hbm, zcat_hbm,
                   src0, dst0, rows0, sem0, src1, dst1, rows1, sem1, z_sp):
    cid = lax.axis_index("c")
    sid = lax.axis_index("s")
    bufs = ((src0, dst0, rows0, sem0), (src1, dst1, rows1, sem1))
    stripe = pl.ds(pl.multiple_of(sid * RPT, 8), RPT)
    gstripe = pl.ds(pl.multiple_of(cid * NP + sid * RPT, 8), RPT)
    pltpu.sync_copy(ycat_hbm.at[gstripe], z_sp.at[stripe])
    plsc.subcore_barrier()

    def off_of(c):
        return pl.multiple_of(sid * ETL + c * LK, 8)

    def prefetch(c, b):
        src_v, _, rows_v, sem = bufs[b]
        pltpu.sync_copy(src2_hbm.at[cid, pl.ds(off_of(c), LK)], src_v)
        pltpu.async_copy(ycat_hbm.at[src_v], rows_v, sem)

    def consume(c, b):
        src_v, dst_v, rows_v, sem = bufs[b]
        pltpu.sync_copy(dst_hbm.at[pl.ds(off_of(c), LK)], dst_v)
        pltpu.make_async_copy(ycat_hbm.at[src_v], rows_v, sem).wait()
        pltpu.sync_copy(rows_v, z_sp.at[dst_v], add=True)

    prefetch(0, 0)

    def step(c2, _):
        c0 = c2 * 2
        prefetch(c0 + 1, 1)
        consume(c0, 0)

        @pl.when(c0 + 2 < NCHL)
        def _():
            prefetch(c0 + 2, 0)

        consume(c0 + 1, 1)
        return 0

    lax.fori_loop(0, NCHL // 2, step, 0)
    plsc.subcore_barrier()
    pltpu.sync_copy(z_sp.at[stripe], zcat_hbm.at[gstripe])


@functools.cache
def _make_sc_edge():
    buf = lambda: [pltpu.VMEM((EK,), jnp.int32),
                   pltpu.VMEM((EK,), jnp.int32),
                   pltpu.VMEM((EK, HH), jnp.float32),
                   pltpu.VMEM((EK, HH), jnp.float32),
                   pltpu.VMEM((EK, HH), jnp.float32),
                   pltpu.VMEM((EK // 8, HH), jnp.float32),
                   pltpu.SemaphoreType.DMA]
    return functools.partial(
        pl.kernel,
        out_type=jax.ShapeDtypeStruct((NC, EPE // 8, HH), jnp.float32),
        mesh=_mesh(),
        scratch_types=buf() + buf() + [pltpu.VMEM((HH,), jnp.float32)],
        compiler_params=_SC_PARAMS,
    )(_sc_edge_body)


def _sc_edge_body(tcat_hbm, esrc2_hbm, edst2_hbm, ch_hbm, w2h_hbm, out_hbm,
                  s0, d0, a0, b0, c0, o0, sem0,
                  s1, d1, a1, b1, c1, o1, sem1, w2_v):
    cid = lax.axis_index("c")
    sid = lax.axis_index("s")
    bufs = ((s0, d0, a0, b0, c0, o0, sem0), (s1, d1, a1, b1, c1, o1, sem1))
    pltpu.sync_copy(w2h_hbm.at[cid], w2_v)
    w2regs = [w2_v[pl.ds(k * 16, 16)] for k in range(HH // 16)]

    def off_of(c):
        return pl.multiple_of(sid * ETE + c * EK, 8)

    def off8_of(c):
        return pl.multiple_of((sid * ETE + c * EK) // 8, 8)

    def prefetch(c, b):
        src_v, dst_v, a_v, b_v, c_v, _, sem = bufs[b]
        off = off_of(c)
        pltpu.sync_copy(esrc2_hbm.at[cid, pl.ds(off, EK)], src_v)
        pltpu.sync_copy(edst2_hbm.at[cid, pl.ds(off, EK)], dst_v)
        pltpu.async_copy(tcat_hbm.at[src_v], a_v, sem)
        pltpu.async_copy(tcat_hbm.at[dst_v], b_v, sem)
        pltpu.async_copy(ch_hbm.at[cid, pl.ds(off_of(c), EK)], c_v, sem)

    def consume(c, b):
        src_v, dst_v, a_v, b_v, c_v, o_v, sem = bufs[b]
        pltpu.make_async_copy(tcat_hbm.at[src_v], a_v, sem).wait()
        pltpu.make_async_copy(tcat_hbm.at[dst_v], b_v, sem).wait()
        pltpu.make_async_copy(
            ch_hbm.at[cid, pl.ds(off_of(c), EK)], c_v, sem).wait()

        def row8(r, _):
            for er in range(8):
                e = r * 8 + er
                acc = jnp.zeros((16,), jnp.float32)
                for k in range(HH // 16):
                    sl = pl.ds(k * 16, 16)
                    v = a_v[e, sl] + b_v[e, sl] + c_v[e, sl]
                    acc = acc + jnp.maximum(v, 0.0) * w2regs[k]
                o_v[r, pl.ds(er * 16, 16)] = acc
            return 0

        lax.fori_loop(0, EK // 8, row8, 0)
        pltpu.sync_copy(o_v, out_hbm.at[cid, pl.ds(off8_of(c), EK // 8)])

    prefetch(0, 0)

    def step(c2, _):
        ch = c2 * 2
        prefetch(ch + 1, 1)
        consume(ch, 0)

        @pl.when(ch + 2 < NCHE)
        def _():
            prefetch(ch + 2, 0)

        consume(ch + 1, 1)
        return 0

    lax.fori_loop(0, NCHE // 2, step, 0)


def _run_deg(dstp, ones, zeros):
    return _make_sc_deg()(dstp, ones, zeros)


def _run_layer(ycat, src2, dst):
    return _make_sc_layer()(ycat, src2, dst)


def _run_edge(ab, esrc, edst, cmat, w2v):
    return _make_sc_edge()(ab, esrc, edst, cmat, w2v)




def _tc1_body(x_ref, w_ref, p_ref, y_ref, dinv_ref):
    deg = 1.0 + jnp.sum(p_ref[...], axis=(0, 2))
    dinv = lax.rsqrt(deg).reshape(RB, 1)
    xw = _dot(x_ref[...], w_ref[...])
    y_ref[...] = xw * dinv
    dinv_ref[...] = dinv


def _tc1(x_pad, W1, partials):
    return pl.pallas_call(
        _tc1_body,
        grid=(2, NBLK),
        in_specs=[
            pl.BlockSpec((RB, D), lambda j, i: (i, 0)),
            pl.BlockSpec((D, HH), lambda j, i: (0, j)),
            pl.BlockSpec((NC, RB, 16), lambda j, i: (0, i, 0)),
        ],
        out_specs=[
            pl.BlockSpec((RB, HH), lambda j, i: (j * NBLK + i, 0)),
            pl.BlockSpec((RB, 1), lambda j, i: (i, 0)),
        ],
        out_shape=[
            jax.ShapeDtypeStruct((2 * NP, HH), jnp.float32),
            jax.ShapeDtypeStruct((NP, 1), jnp.float32),
        ],
    )(x_pad, W1, partials)


def _tc2_body(za_ref, zb_ref, dinv_ref, b_ref, w_ref, y_ref):
    dinv = dinv_ref[...]
    z = jnp.concatenate([za_ref[...], zb_ref[...]], axis=1)
    h = jnp.maximum(dinv * z + b_ref[...], 0.0)
    y_ref[...] = _dot(h, w_ref[...]) * dinv


def _tc2(zcat, dinv, b1r, W2):
    return pl.pallas_call(
        _tc2_body,
        grid=(2, NBLK),
        in_specs=[
            pl.BlockSpec((RB, HH), lambda j, i: (i, 0)),
            pl.BlockSpec((RB, HH), lambda j, i: (NBLK + i, 0)),
            pl.BlockSpec((RB, 1), lambda j, i: (i, 0)),
            pl.BlockSpec((1, D), lambda j, i: (0, 0)),
            pl.BlockSpec((D, HH), lambda j, i: (0, j)),
        ],
        out_specs=pl.BlockSpec((RB, HH), lambda j, i: (j * NBLK + i, 0)),
        out_shape=jax.ShapeDtypeStruct((2 * NP, HH), jnp.float32),
    )(zcat, zcat, dinv, b1r, W2)


def _tc3_body(za_ref, zb_ref, dinv_ref, b_ref, we_ref, wn1_ref, bn1_ref,
              wn2_ref, bn2_ref, t_ref, h_ref, n_ref):
    dinv = dinv_ref[...]
    z = jnp.concatenate([za_ref[...], zb_ref[...]], axis=1)
    h = jnp.maximum(dinv * z + b_ref[...], 0.0)
    h_ref[...] = h
    t_ref[...] = _dot(h, we_ref[0])
    nmid = jnp.maximum(_dot(h, wn1_ref[...]) + bn1_ref[...], 0.0)
    n_ref[...] = _dot(nmid, wn2_ref[...]) + bn2_ref[...]


def _tc3(zcat, dinv, b2r, We1ab, Wn1, bn1r, Wn2, bn2r):
    return pl.pallas_call(
        _tc3_body,
        grid=(2, 2, NBLK),
        in_specs=[
            pl.BlockSpec((RB, HH), lambda j, p, i: (i, 0)),
            pl.BlockSpec((RB, HH), lambda j, p, i: (NBLK + i, 0)),
            pl.BlockSpec((RB, 1), lambda j, p, i: (i, 0)),
            pl.BlockSpec((1, D), lambda j, p, i: (0, 0)),
            pl.BlockSpec((1, D, HH), lambda j, p, i: (j, 0, p)),
            pl.BlockSpec((D, HH), lambda j, p, i: (0, 0)),
            pl.BlockSpec((1, HH), lambda j, p, i: (0, 0)),
            pl.BlockSpec((HH, 1), lambda j, p, i: (0, 0)),
            pl.BlockSpec((1, 1), lambda j, p, i: (0, 0)),
        ],
        out_specs=[
            pl.BlockSpec((RB, HH), lambda j, p, i: ((p * 2 + j) * NBLK + i, 0)),
            pl.BlockSpec((RB, D), lambda j, p, i: (i, 0)),
            pl.BlockSpec((RB, 1), lambda j, p, i: (i, 0)),
        ],
        out_shape=[
            jax.ShapeDtypeStruct((4 * NP, HH), jnp.float32),
            jax.ShapeDtypeStruct((NP, D), jnp.float32),
            jax.ShapeDtypeStruct((NP, 1), jnp.float32),
        ],
    )(zcat, zcat, dinv, b2r, We1ab, Wn1, bn1r, Wn2, bn2r)


def _tc3b_body(ea_ref, we_ref, be_ref, c_ref):
    c_ref[0] = _dot(ea_ref[...], we_ref[...]) + be_ref[...]


def _tc3b(ea, We1e, be1r):
    eb = 2000
    return pl.pallas_call(
        _tc3b_body,
        grid=(2, E // eb),
        in_specs=[
            pl.BlockSpec((eb, 16), lambda j, i: (i, 0)),
            pl.BlockSpec((16, HH), lambda j, i: (0, j)),
            pl.BlockSpec((1, HH), lambda j, i: (0, j)),
        ],
        out_specs=pl.BlockSpec((1, eb, HH), lambda j, i: (j, i, 0)),
        out_shape=jax.ShapeDtypeStruct((NC, EPE, HH), jnp.float32),
    )(ea, We1e, be1r)


def _tc4_body(ep_ref, be2_ref, out_ref):
    v = ep_ref[0] + ep_ref[1]
    r = lax.broadcasted_iota(jnp.int32, (HH, 8), 0) // 16
    c = lax.broadcasted_iota(jnp.int32, (HH, 8), 1)
    mask = (r == c).astype(jnp.float32)
    out_ref[...] = _dot(v, mask, jax.lax.Precision.HIGHEST) + be2_ref[...]


def _tc4(epart8, be2r):
    eb8 = 512
    return pl.pallas_call(
        _tc4_body,
        grid=(EPE // 8 // eb8,),
        in_specs=[
            pl.BlockSpec((NC, eb8, HH), lambda i: (0, i, 0)),
            pl.BlockSpec((1, 1), lambda i: (0, 0)),
        ],
        out_specs=pl.BlockSpec((eb8, 8), lambda i: (i, 0)),
        out_shape=jax.ShapeDtypeStruct((EPE // 8, 8), jnp.float32),
    )(epart8, be2r)




def kernel(x, edge_index, edge_attr, W1, b1, W2, b2, We1, be1, We2, be2,
           Wn1, bn1, Wn2, bn2):
    src = edge_index[0]
    dst = edge_index[1]

    dstp = jnp.concatenate(
        [dst, jnp.full((EPD - E,), NP - 1, jnp.int32)])
    deg_ones = jnp.full((ETD, 16), 0.0625, jnp.float32)
    deg_zeros = jnp.zeros((NP, 16), jnp.float32)
    pad_idx = (jnp.arange(EPE - E, dtype=jnp.int32) % N)
    srcp = jnp.concatenate([src, pad_idx])
    dstl = jnp.concatenate(
        [dst, N + (jnp.arange(EPE - E, dtype=jnp.int32) % (NP - N))])
    src2 = jnp.stack([srcp, srcp + NP])
    dstp_e = jnp.concatenate([dst, pad_idx])
    esrc2 = jnp.stack([srcp, srcp + 2 * NP])
    edst2 = jnp.stack([dstp_e + NP, dstp_e + 3 * NP])
    x_pad = jnp.pad(x, ((0, NP - N), (0, 0)))

    b1r = b1.reshape(1, D)
    b2r = b2.reshape(1, D)
    be1r = be1.reshape(1, D)
    be2r = be2.reshape(1, 1)
    bn1r = bn1.reshape(1, HH)
    bn2r = bn2.reshape(1, 1)
    We1ab = jnp.stack([We1[:D], We1[D:2 * D]])
    We1e = We1[2 * D:]
    w2h = We2[:, 0].reshape(NC, HH)

    partials = _run_deg(dstp, deg_ones, deg_zeros)
    ch = _tc3b(edge_attr, We1e, be1r)
    ycat, dinv = _tc1(x_pad, W1, partials)
    zcat = _run_layer(ycat, src2, dstl)
    y2cat = _tc2(zcat, dinv, b1r, W2)
    z2cat = _run_layer(y2cat, src2, dstl)
    tcat, h_pad, nout = _tc3(z2cat, dinv, b2r, We1ab, Wn1, bn1r, Wn2, bn2r)
    epart8 = _run_edge(tcat, esrc2, edst2, ch, w2h)
    eout = _tc4(epart8, be2r)

    return (eout.reshape(EPE)[:E], nout[:N, 0], h_pad[:N])

# --- scband reference (transcript-rebuilt; emitter-appended) ---
"""Pipeline reference for scband-multi-task-gnn-42073499631702 (READ-ONLY COPY).

The authoritative reference and input builder live on the scoring server;
editing this copy changes nothing except your own understanding.
"""

import jax, jax.numpy as jnp
import numpy as np

N = 10000
E = 160000
D_IN = 256
H = 256
D_EDGE = 16

def _gcn_conv(x, src, dst, W, b):
    n = x.shape[0]
    xw = x @ W
    loop = jnp.arange(n, dtype=src.dtype)
    s = jnp.concatenate([src, loop])
    d = jnp.concatenate([dst, loop])
    deg = jnp.zeros((n,), jnp.float32).at[d].add(1.0)
    dinv = jnp.where(deg > 0, jax.lax.rsqrt(deg), 0.0)
    norm = dinv[s] * dinv[d]
    msgs = xw[s] * norm[:, None]
    out = jnp.zeros_like(xw).at[d].add(msgs)
    return out + b

def _glorot(k, shape):
    lim = float(np.sqrt(6.0 / (shape[0] + shape[1])))
    return jax.random.uniform(k, shape, jnp.float32, -lim, lim)

def setup_inputs(seed: int = 0):
    key = jax.random.key(seed)
    ks = jax.random.split(key, 16)
    inp = {}
    inp['x'] = jax.random.normal(ks[0], (N, D_IN), jnp.float32)
    inp['edge_index'] = jax.random.randint(ks[1], (2, E), 0, N, jnp.int32)
    inp['edge_attr'] = jax.random.normal(ks[2], (E, D_EDGE), jnp.float32)
    inp['W1'] = _glorot(ks[3], (D_IN, H)); inp['b1'] = jnp.zeros((H,), jnp.float32)
    inp['W2'] = _glorot(ks[4], (H, H)); inp['b2'] = jnp.zeros((H,), jnp.float32)
    inp['We1'] = _glorot(ks[5], (2 * H + D_EDGE, H)); inp['be1'] = jnp.zeros((H,), jnp.float32)
    inp['We2'] = _glorot(ks[6], (H, 1)); inp['be2'] = jnp.zeros((1,), jnp.float32)
    inp['Wn1'] = _glorot(ks[7], (H, H // 2)); inp['bn1'] = jnp.zeros((H // 2,), jnp.float32)
    inp['Wn2'] = _glorot(ks[8], (H // 2, 1)); inp['bn2'] = jnp.zeros((1,), jnp.float32)
    return inp

def reference(x, edge_index, edge_attr, W1, b1, W2, b2, We1, be1, We2, be2, Wn1, bn1, Wn2, bn2):
    src = edge_index[0]
    dst = edge_index[1]
    h = jax.nn.relu(_gcn_conv(x, src, dst, W1, b1))
    h = jax.nn.relu(_gcn_conv(h, src, dst, W2, b2))
    edge_input = jnp.concatenate([h[src], h[dst], edge_attr], axis=1)
    e = jax.nn.relu(edge_input @ We1 + be1)
    edge_out = (e @ We2 + be2).squeeze()
    nmid = jax.nn.relu(h @ Wn1 + bn1)
    node_out = (nmid @ Wn2 + bn2).squeeze()
    return (edge_out, node_out, h)

if __name__ == "__main__":
    import jax
    _d = setup_inputs()
    print(jax.jit(kernel)(*tuple(_d.values())))

</pallas_src>

<mosaic_0001>
#map = affine_map<(d0, d1) -> (0)>
#map1 = affine_map<(d0, d1) -> (0, 0)>
#map2 = affine_map<(d0, d1) -> (0, 0, 0)>
module attributes {stable_mosaic.version = 14 : i64} {
  func.func @_sc_deg_body(%arg0: i32, %arg1: i32, %arg2: memref<160256xi32, #tpu.memory_space<hbm>>, %arg3: memref<5008x16xf32, #tpu.memory_space<hbm>>, %arg4: memref<10240x16xf32, #tpu.memory_space<hbm>>, %arg5: memref<2x10240x16xf32, #tpu.memory_space<hbm>>, %arg6: memref<5008xi32, #tpu.memory_space<vmem>>, %arg7: memref<5008x16xf32, #tpu.memory_space<vmem>>, %arg8: memref<10240x16xf32, #tpu.memory_space<vmem_shared>>) attributes {dimension_semantics = [#tpu.dimension_semantics<core_parallel>, #tpu.dimension_semantics<subcore_parallel>], iteration_bounds = array<i64: 2, 16>, scalar_prefetch = 0 : i64, scratch_operands = 3 : i64, tpu.core_type = #tpu.core_type<sc_vector_subcore>, window_params = [{transform_indices = #map}, {transform_indices = #map1}, {transform_indices = #map1}, {transform_indices = #map2}]} {
    %mul3A = arith.constant 2 : i32
    %mul3A_0 = arith.muli %arg1, %mul3A : i32
    %add3A = arith.addi %mul3A_0, %arg0 : i32
    %mul3A_1 = arith.constant 640 : i32
    %mul3A_2 = arith.muli %arg1, %mul3A_1 : i32
    %multiple_of3A = tpu.assume_multiple %mul3A_2, 8 : i32
    "tpu.region"() ({
      %run_scoped3A = tpu.sem_alloc : memref<!tpu.dma_semaphore, #tpu.memory_space<semaphore_mem>>
      %dma_start3A = arith.constant 0 : i32
      %dma_start3A_7 = tpu.memref_slice %arg8[%multiple_of3A, %dma_start3A] : memref<10240x16xf32, #tpu.memory_space<vmem_shared>> -> memref<640x16xf32, #tpu.memory_space<vmem_shared>>
      %dma_start3A_8 = arith.constant 0 : i32
      %dma_start3A_9 = tpu.memref_slice %arg4[%multiple_of3A, %dma_start3A_8] : memref<10240x16xf32, #tpu.memory_space<hbm>> -> memref<640x16xf32, #tpu.memory_space<hbm>>
      tpu.enqueue_dma source(%dma_start3A_9 : memref<640x16xf32, #tpu.memory_space<hbm>>) target(%dma_start3A_7 : memref<640x16xf32, #tpu.memory_space<vmem_shared>>) target_semaphore(%run_scoped3A : memref<!tpu.dma_semaphore, #tpu.memory_space<semaphore_mem>>)
      %dma_wait3A = arith.constant 0 : i32
      %dma_wait3A_10 = tpu.memref_slice %arg8[%multiple_of3A, %dma_wait3A] : memref<10240x16xf32, #tpu.memory_space<vmem_shared>> -> memref<640x16xf32, #tpu.memory_space<vmem_shared>>
      %dma_wait3A_11 = arith.constant 0 : i32
      %dma_wait3A_12 = tpu.memref_slice %arg4[%multiple_of3A, %dma_wait3A_11] : memref<10240x16xf32, #tpu.memory_space<hbm>> -> memref<640x16xf32, #tpu.memory_space<hbm>>
      tpu.wait_dma2 semaphore(%run_scoped3A : memref<!tpu.dma_semaphore, #tpu.memory_space<semaphore_mem>>) src(%dma_wait3A_12 : memref<640x16xf32, #tpu.memory_space<hbm>>) dst(%dma_wait3A_10 : memref<640x16xf32, #tpu.memory_space<vmem_shared>>)
      tpu.yield
    }) : () -> ()
    "tpu.region"() ({
      %run_scoped3A = tpu.sem_alloc : memref<!tpu.dma_semaphore, #tpu.memory_space<semaphore_mem>>
      tpu.enqueue_dma source(%arg3 : memref<5008x16xf32, #tpu.memory_space<hbm>>) target(%arg7 : memref<5008x16xf32, #tpu.memory_space<vmem>>) target_semaphore(%run_scoped3A : memref<!tpu.dma_semaphore, #tpu.memory_space<semaphore_mem>>)
      tpu.wait_dma2 semaphore(%run_scoped3A : memref<!tpu.dma_semaphore, #tpu.memory_space<semaphore_mem>>) src(%arg3 : memref<5008x16xf32, #tpu.memory_space<hbm>>) dst(%arg7 : memref<5008x16xf32, #tpu.memory_space<vmem>>)
      tpu.yield
    }) : () -> ()
    %mul3A_3 = arith.constant 5008 : i32
    %mul3A_4 = arith.muli %add3A, %mul3A_3 : i32
    %multiple_of3A_5 = tpu.assume_multiple %mul3A_4, 8 : i32
    "tpu.region"() ({
      %run_scoped3A = tpu.sem_alloc : memref<!tpu.dma_semaphore, #tpu.memory_space<semaphore_mem>>
      %dma_start3A = tpu.memref_slice %arg2[%multiple_of3A_5] : memref<160256xi32, #tpu.memory_space<hbm>> -> memref<5008xi32, #tpu.memory_space<hbm>>
      %dma_start3A_7 = tpu.memref_slice %arg2[%multiple_of3A_5] : memref<160256xi32, #tpu.memory_space<hbm>> -> memref<5008xi32, #tpu.memory_space<hbm>>
      tpu.enqueue_dma source(%dma_start3A_7 : memref<5008xi32, #tpu.memory_space<hbm>>) target(%arg6 : memref<5008xi32, #tpu.memory_space<vmem>>) target_semaphore(%run_scoped3A : memref<!tpu.dma_semaphore, #tpu.memory_space<semaphore_mem>>)
      %dma_wait3A = tpu.memref_slice %arg2[%multiple_of3A_5] : memref<160256xi32, #tpu.memory_space<hbm>> -> memref<5008xi32, #tpu.memory_space<hbm>>
      %dma_wait3A_8 = tpu.memref_slice %arg2[%multiple_of3A_5] : memref<160256xi32, #tpu.memory_space<hbm>> -> memref<5008xi32, #tpu.memory_space<hbm>>
      tpu.wait_dma2 semaphore(%run_scoped3A : memref<!tpu.dma_semaphore, #tpu.memory_space<semaphore_mem>>) src(%dma_wait3A_8 : memref<5008xi32, #tpu.memory_space<hbm>>) dst(%arg6 : memref<5008xi32, #tpu.memory_space<vmem>>)
      tpu.yield
    }) : () -> ()
    %barrier3A = arith.constant 0 : index
    tpu.barrier barrier_id(%barrier3A)
    "tpu.region"() ({
      %run_scoped3A = tpu.sem_alloc : memref<!tpu.dma_semaphore, #tpu.memory_space<semaphore_mem>>
      %dma_start3A = arith.constant 0 : i32
      %dma_start3A_7 = arith.constant 0 : i32
      %dma_start3A_8 = tpu.memref_slice %arg8[%dma_start3A, %dma_start3A_7] : memref<10240x16xf32, #tpu.memory_space<vmem_shared>> -> memref<10240x16xf32, #tpu.memory_space<vmem_shared>>
      tpu.enqueue_indirect_dma source(%arg7 : memref<5008x16xf32, #tpu.memory_space<vmem>>) target(%dma_start3A_8 : memref<10240x16xf32, #tpu.memory_space<vmem_shared>>) offsets(%arg6 : memref<5008xi32, #tpu.memory_space<vmem>>) semaphore(%run_scoped3A : memref<!tpu.dma_semaphore, #tpu.memory_space<semaphore_mem>>) {add = true}
      %dma_wait3A = arith.constant 0 : i32
      %dma_wait3A_9 = arith.constant 0 : i32
      %dma_wait3A_10 = tpu.memref_slice %arg8[%dma_wait3A, %dma_wait3A_9] : memref<10240x16xf32, #tpu.memory_space<vmem_shared>> -> memref<10240x16xf32, #tpu.memory_space<vmem_shared>>
      tpu.wait_indirect_dma semaphore(%run_scoped3A : memref<!tpu.dma_semaphore, #tpu.memory_space<semaphore_mem>>) src(%arg7 : memref<5008x16xf32, #tpu.memory_space<vmem>>) dst(%dma_wait3A_10 : memref<10240x16xf32, #tpu.memory_space<vmem_shared>>)
      tpu.yield
    }) : () -> ()
    %barrier3A_6 = arith.constant 0 : index
    tpu.barrier barrier_id(%barrier3A_6)
    "tpu.region"() ({
      %run_scoped3A = tpu.sem_alloc : memref<!tpu.dma_semaphore, #tpu.memory_space<semaphore_mem>>
      %dma_start3A = arith.constant 0 : i32
      %dma_start3A_7 = tpu.memref_slice %arg5[%arg0, %multiple_of3A, %dma_start3A] : memref<2x10240x16xf32, #tpu.memory_space<hbm>> -> memref<1x640x16xf32, #tpu.memory_space<hbm>>
      %dma_start3A_8 = tpu.memref_squeeze %dma_start3A_7 : memref<1x640x16xf32, #tpu.memory_space<hbm>> -> memref<640x16xf32, #tpu.memory_space<hbm>>
      %dma_start3A_9 = arith.constant 0 : i32
      %dma_start3A_10 = tpu.memref_slice %arg8[%multiple_of3A, %dma_start3A_9] : memref<10240x16xf32, #tpu.memory_space<vmem_shared>> -> memref<640x16xf32, #tpu.memory_space<vmem_shared>>
      tpu.enqueue_dma source(%dma_start3A_10 : memref<640x16xf32, #tpu.memory_space<vmem_shared>>) target(%dma_start3A_8 : memref<640x16xf32, #tpu.memory_space<hbm>>) target_semaphore(%run_scoped3A : memref<!tpu.dma_semaphore, #tpu.memory_space<semaphore_mem>>)
      %dma_wait3A = arith.constant 0 : i32
      %dma_wait3A_11 = tpu.memref_slice %arg5[%arg0, %multiple_of3A, %dma_wait3A] : memref<2x10240x16xf32, #tpu.memory_space<hbm>> -> memref<1x640x16xf32, #tpu.memory_space<hbm>>
      %dma_wait3A_12 = tpu.memref_squeeze %dma_wait3A_11 : memref<1x640x16xf32, #tpu.memory_space<hbm>> -> memref<640x16xf32, #tpu.memory_space<hbm>>
      %dma_wait3A_13 = arith.constant 0 : i32
      %dma_wait3A_14 = tpu.memref_slice %arg8[%multiple_of3A, %dma_wait3A_13] : memref<10240x16xf32, #tpu.memory_space<vmem_shared>> -> memref<640x16xf32, #tpu.memory_space<vmem_shared>>
      tpu.wait_dma2 semaphore(%run_scoped3A : memref<!tpu.dma_semaphore, #tpu.memory_space<semaphore_mem>>) src(%dma_wait3A_14 : memref<640x16xf32, #tpu.memory_space<vmem_shared>>) dst(%dma_wait3A_12 : memref<640x16xf32, #tpu.memory_space<hbm>>)
      tpu.yield
    }) : () -> ()
    return
  }
}

#map = affine_map<(d0, d1) -> (0, 0)>
#map1 = affine_map<(d0, d1) -> (0)>
module attributes {stable_mosaic.version = 14 : i64} {
  func.func @_sc_layer_body(%arg0: i32, %arg1: i32, %arg2: memref<20480x128xf32, #tpu.memory_space<hbm>>, %arg3: memref<2x163840xi32, #tpu.memory_space<hbm>>, %arg4: memref<163840xi32, #tpu.memory_space<hbm>>, %arg5: memref<20480x128xf32, #tpu.memory_space<hbm>>, %arg6: memref<128xi32, #tpu.memory_space<vmem>>, %arg7: memref<128xi32, #tpu.memory_space<vmem>>, %arg8: memref<128x128xf32, #tpu.memory_space<vmem>>, %arg9: memref<!tpu.dma_semaphore, #tpu.memory_space<semaphore_mem>>, %arg10: memref<128xi32, #tpu.memory_space<vmem>>, %arg11: memref<128xi32, #tpu.memory_space<vmem>>, %arg12: memref<128x128xf32, #tpu.memory_space<vmem>>, %arg13: memref<!tpu.dma_semaphore, #tpu.memory_space<semaphore_mem>>, %arg14: memref<10240x128xf32, #tpu.memory_space<vmem_shared>>) attributes {dimension_semantics = [#tpu.dimension_semantics<core_parallel>, #tpu.dimension_semantics<subcore_parallel>], iteration_bounds = array<i64: 2, 16>, scalar_prefetch = 0 : i64, scratch_operands = 9 : i64, tpu.core_type = #tpu.core_type<sc_vector_subcore>, window_params = [{transform_indices = #map}, {transform_indices = #map}, {transform_indices = #map1}, {transform_indices = #map}]} {
    %mul3A = arith.constant 640 : i32
    %mul3A_0 = arith.muli %arg1, %mul3A : i32
    %multiple_of3A = tpu.assume_multiple %mul3A_0, 8 : i32
    %mul3A_1 = arith.constant 10240 : i32
    %mul3A_2 = arith.muli %arg0, %mul3A_1 : i32
    %mul3A_3 = arith.constant 640 : i32
    %mul3A_4 = arith.muli %arg1, %mul3A_3 : i32
    %add3A = arith.addi %mul3A_2, %mul3A_4 : i32
    %multiple_of3A_5 = tpu.assume_multiple %add3A, 8 : i32
    "tpu.region"() ({
      %run_scoped3A = tpu.sem_alloc : memref<!tpu.dma_semaphore, #tpu.memory_space<semaphore_mem>>
      %dma_start3A_20 = arith.constant 0 : i32
      %dma_start3A_21 = tpu.memref_slice %arg14[%multiple_of3A, %dma_start3A_20] : memref<10240x128xf32, #tpu.memory_space<vmem_shared>> -> memref<640x128xf32, #tpu.memory_space<vmem_shared>>
      %dma_start3A_22 = arith.constant 0 : i32
      %dma_start3A_23 = tpu.memref_slice %arg2[%multiple_of3A_5, %dma_start3A_22] : memref<20480x128xf32, #tpu.memory_space<hbm>> -> memref<640x128xf32, #tpu.memory_space<hbm>>
      tpu.enqueue_dma source(%dma_start3A_23 : memref<640x128xf32, #tpu.memory_space<hbm>>) target(%dma_start3A_21 : memref<640x128xf32, #tpu.memory_space<vmem_shared>>) target_semaphore(%run_scoped3A : memref<!tpu.dma_semaphore, #tpu.memory_space<semaphore_mem>>)
      %dma_wait3A = arith.constant 0 : i32
      %dma_wait3A_24 = tpu.memref_slice %arg14[%multiple_of3A, %dma_wait3A] : memref<10240x128xf32, #tpu.memory_space<vmem_shared>> -> memref<640x128xf32, #tpu.memory_space<vmem_shared>>
      %dma_wait3A_25 = arith.constant 0 : i32
      %dma_wait3A_26 = tpu.memref_slice %arg2[%multiple_of3A_5, %dma_wait3A_25] : memref<20480x128xf32, #tpu.memory_space<hbm>> -> memref<640x128xf32, #tpu.memory_space<hbm>>
      tpu.wait_dma2 semaphore(%run_scoped3A : memref<!tpu.dma_semaphore, #tpu.memory_space<semaphore_mem>>) src(%dma_wait3A_26 : memref<640x128xf32, #tpu.memory_space<hbm>>) dst(%dma_wait3A_24 : memref<640x128xf32, #tpu.memory_space<vmem_shared>>)
      tpu.yield
    }) : () -> ()
    %barrier3A = arith.constant 0 : index
    tpu.barrier barrier_id(%barrier3A)
    %mul3A_6 = arith.constant 10240 : i32
    %mul3A_7 = arith.muli %arg1, %mul3A_6 : i32
    %add3A_8 = arith.constant 0 : i32
    %add3A_9 = arith.addi %mul3A_7, %add3A_8 : i32
    %multiple_of3A_10 = tpu.assume_multiple %add3A_9, 8 : i32
    "tpu.region"() ({
      %run_scoped3A = tpu.sem_alloc : memref<!tpu.dma_semaphore, #tpu.memory_space<semaphore_mem>>
      %dma_start3A_20 = tpu.memref_slice %arg3[%arg0, %multiple_of3A_10] : memref<2x163840xi32, #tpu.memory_space<hbm>> -> memref<1x128xi32, #tpu.memory_space<hbm>>
      %dma_start3A_21 = tpu.memref_squeeze %dma_start3A_20 : memref<1x128xi32, #tpu.memory_space<hbm>> -> memref<128xi32, #tpu.memory_space<hbm>>
      %dma_start3A_22 = tpu.memref_slice %arg3[%arg0, %multiple_of3A_10] : memref<2x163840xi32, #tpu.memory_space<hbm>> -> memref<1x128xi32, #tpu.memory_space<hbm>>
      %dma_start3A_23 = tpu.memref_squeeze %dma_start3A_22 : memref<1x128xi32, #tpu.memory_space<hbm>> -> memref<128xi32, #tpu.memory_space<hbm>>
      tpu.enqueue_dma source(%dma_start3A_23 : memref<128xi32, #tpu.memory_space<hbm>>) target(%arg6 : memref<128xi32, #tpu.memory_space<vmem>>) target_semaphore(%run_scoped3A : memref<!tpu.dma_semaphore, #tpu.memory_space<semaphore_mem>>)
      %dma_wait3A = tpu.memref_slice %arg3[%arg0, %multiple_of3A_10] : memref<2x163840xi32, #tpu.memory_space<hbm>> -> memref<1x128xi32, #tpu.memory_space<hbm>>
      %dma_wait3A_24 = tpu.memref_squeeze %dma_wait3A : memref<1x128xi32, #tpu.memory_space<hbm>> -> memref<128xi32, #tpu.memory_space<hbm>>
      %dma_wait3A_25 = tpu.memref_slice %arg3[%arg0, %multiple_of3A_10] : memref<2x163840xi32, #tpu.memory_space<hbm>> -> memref<1x128xi32, #tpu.memory_space<hbm>>
      %dma_wait3A_26 = tpu.memref_squeeze %dma_wait3A_25 : memref<1x128xi32, #tpu.memory_space<hbm>> -> memref<128xi32, #tpu.memory_space<hbm>>
      tpu.wait_dma2 semaphore(%run_scoped3A : memref<!tpu.dma_semaphore, #tpu.memory_space<semaphore_mem>>) src(%dma_wait3A_26 : memref<128xi32, #tpu.memory_space<hbm>>) dst(%arg6 : memref<128xi32, #tpu.memory_space<vmem>>)
      tpu.yield
    }) : () -> ()
    %dma_start3A = arith.constant 0 : i32
    %dma_start3A_11 = arith.constant 0 : i32
    %dma_start3A_12 = tpu.memref_slice %arg2[%dma_start3A, %dma_start3A_11] : memref<20480x128xf32, #tpu.memory_space<hbm>> -> memref<20480x128xf32, #tpu.memory_space<hbm>>
    tpu.enqueue_indirect_dma source(%dma_start3A_12 : memref<20480x128xf32, #tpu.memory_space<hbm>>) target(%arg8 : memref<128x128xf32, #tpu.memory_space<vmem>>) offsets(%arg6 : memref<128xi32, #tpu.memory_space<vmem>>) semaphore(%arg9 : memref<!tpu.dma_semaphore, #tpu.memory_space<semaphore_mem>>)
    %scan3A = arith.constant 0 : i32
    %scan3A_13 = arith.constant 0 : i32
    %scan3A_14 = arith.constant 40 : i32
    %scan3A_15 = arith.addi %scan3A_13, %scan3A_14 : i32
    %scan3A_16 = arith.constant 1 : i32
    %scan3A_17 = scf.for %scan3A_20 = %scan3A_13 to %scan3A_15 step %scan3A_16 iter_args(%scan3A_21 = %scan3A) -> (i32)  : i32 {
      %mul3A_22 = arith.constant 2 : i32
      %mul3A_23 = arith.muli %scan3A_20, %mul3A_22 : i32
      %add3A_24 = arith.constant 1 : i32
      %add3A_25 = arith.addi %mul3A_23, %add3A_24 : i32
      %mul3A_26 = arith.constant 10240 : i32
      %mul3A_27 = arith.muli %arg1, %mul3A_26 : i32
      %mul3A_28 = arith.constant 128 : i32
      %mul3A_29 = arith.muli %add3A_25, %mul3A_28 : i32
      %add3A_30 = arith.addi %mul3A_27, %mul3A_29 : i32
      %multiple_of3A_31 = tpu.assume_multiple %add3A_30, 8 : i32
      "tpu.region"() ({
        %run_scoped3A = tpu.sem_alloc : memref<!tpu.dma_semaphore, #tpu.memory_space<semaphore_mem>>
        %dma_start3A_59 = tpu.memref_slice %arg3[%arg0, %multiple_of3A_31] : memref<2x163840xi32, #tpu.memory_space<hbm>> -> memref<1x128xi32, #tpu.memory_space<hbm>>
        %dma_start3A_60 = tpu.memref_squeeze %dma_start3A_59 : memref<1x128xi32, #tpu.memory_space<hbm>> -> memref<128xi32, #tpu.memory_space<hbm>>
        %dma_start3A_61 = tpu.memref_slice %arg3[%arg0, %multiple_of3A_31] : memref<2x163840xi32, #tpu.memory_space<hbm>> -> memref<1x128xi32, #tpu.memory_space<hbm>>
        %dma_start3A_62 = tpu.memref_squeeze %dma_start3A_61 : memref<1x128xi32, #tpu.memory_space<hbm>> -> memref<128xi32, #tpu.memory_space<hbm>>
        tpu.enqueue_dma source(%dma_start3A_62 : memref<128xi32, #tpu.memory_space<hbm>>) target(%arg10 : memref<128xi32, #tpu.memory_space<vmem>>) target_semaphore(%run_scoped3A : memref<!tpu.dma_semaphore, #tpu.memory_space<semaphore_mem>>)
        %dma_wait3A_63 = tpu.memref_slice %arg3[%arg0, %multiple_of3A_31] : memref<2x163840xi32, #tpu.memory_space<hbm>> -> memref<1x128xi32, #tpu.memory_space<hbm>>
        %dma_wait3A_64 = tpu.memref_squeeze %dma_wait3A_63 : memref<1x128xi32, #tpu.memory_space<hbm>> -> memref<128xi32, #tpu.memory_space<hbm>>
        %dma_wait3A_65 = tpu.memref_slice %arg3[%arg0, %multiple_of3A_31] : memref<2x163840xi32, #tpu.memory_space<hbm>> -> memref<1x128xi32, #tpu.memory_space<hbm>>
        %dma_wait3A_66 = tpu.memref_squeeze %dma_wait3A_65 : memref<1x128xi32, #tpu.memory_space<hbm>> -> memref<128xi32, #tpu.memory_space<hbm>>
        tpu.wait_dma2 semaphore(%run_scoped3A : memref<!tpu.dma_semaphore, #tpu.memory_space<semaphore_mem>>) src(%dma_wait3A_66 : memref<128xi32, #tpu.memory_space<hbm>>) dst(%arg10 : memref<128xi32, #tpu.memory_space<vmem>>)
        tpu.yield
      }) : () -> ()
      %dma_start3A_32 = arith.constant 0 : i32
      %dma_start3A_33 = arith.constant 0 : i32
      %dma_start3A_34 = tpu.memref_slice %arg2[%dma_start3A_32, %dma_start3A_33] : memref<20480x128xf32, #tpu.memory_space<hbm>> -> memref<20480x128xf32, #tpu.memory_space<hbm>>
      tpu.enqueue_indirect_dma source(%dma_start3A_34 : memref<20480x128xf32, #tpu.memory_space<hbm>>) target(%arg12 : memref<128x128xf32, #tpu.memory_space<vmem>>) offsets(%arg10 : memref<128xi32, #tpu.memory_space<vmem>>) semaphore(%arg13 : memref<!tpu.dma_semaphore, #tpu.memory_space<semaphore_mem>>)
      %mul3A_35 = arith.constant 10240 : i32
      %mul3A_36 = arith.muli %arg1, %mul3A_35 : i32
      %mul3A_37 = arith.constant 128 : i32
      %mul3A_38 = arith.muli %mul3A_23, %mul3A_37 : i32
      %add3A_39 = arith.addi %mul3A_36, %mul3A_38 : i32
      %multiple_of3A_40 = tpu.assume_multiple %add3A_39, 8 : i32
      "tpu.region"() ({
        %run_scoped3A = tpu.sem_alloc : memref<!tpu.dma_semaphore, #tpu.memory_space<semaphore_mem>>
        %dma_start3A_59 = tpu.memref_slice %arg4[%multiple_of3A_40] : memref<163840xi32, #tpu.memory_space<hbm>> -> memref<128xi32, #tpu.memory_space<hbm>>
        %dma_start3A_60 = tpu.memref_slice %arg4[%multiple_of3A_40] : memref<163840xi32, #tpu.memory_space<hbm>> -> memref<128xi32, #tpu.memory_space<hbm>>
        tpu.enqueue_dma source(%dma_start3A_60 : memref<128xi32, #tpu.memory_space<hbm>>) target(%arg7 : memref<128xi32, #tpu.memory_space<vmem>>) target_semaphore(%run_scoped3A : memref<!tpu.dma_semaphore, #tpu.memory_space<semaphore_mem>>)
        %dma_wait3A_61 = tpu.memref_slice %arg4[%multiple_of3A_40] : memref<163840xi32, #tpu.memory_space<hbm>> -> memref<128xi32, #tpu.memory_space<hbm>>
        %dma_wait3A_62 = tpu.memref_slice %arg4[%multiple_of3A_40] : memref<163840xi32, #tpu.memory_space<hbm>> -> memref<128xi32, #tpu.memory_space<hbm>>
        tpu.wait_dma2 semaphore(%run_scoped3A : memref<!tpu.dma_semaphore, #tpu.memory_space<semaphore_mem>>) src(%dma_wait3A_62 : memref<128xi32, #tpu.memory_space<hbm>>) dst(%arg7 : memref<128xi32, #tpu.memory_space<vmem>>)
        tpu.yield
      }) : () -> ()
      %dma_wait3A = arith.constant 0 : i32
      %dma_wait3A_41 = arith.constant 0 : i32
      %dma_wait3A_42 = tpu.memref_slice %arg2[%dma_wait3A, %dma_wait3A_41] : memref<20480x128xf32, #tpu.memory_space<hbm>> -> memref<20480x128xf32, #tpu.memory_space<hbm>>
      tpu.wait_indirect_dma semaphore(%arg9 : memref<!tpu.dma_semaphore, #tpu.memory_space<semaphore_mem>>) src(%dma_wait3A_42 : memref<20480x128xf32, #tpu.memory_space<hbm>>) dst(%arg8 : memref<128x128xf32, #tpu.memory_space<vmem>>)
      "tpu.region"() ({
        %run_scoped3A = tpu.sem_alloc : memref<!tpu.dma_semaphore, #tpu.memory_space<semaphore_mem>>
        %dma_start3A_59 = arith.constant 0 : i32
        %dma_start3A_60 = arith.constant 0 : i32
        %dma_start3A_61 = tpu.memref_slice %arg14[%dma_start3A_59, %dma_start3A_60] : memref<10240x128xf32, #tpu.memory_space<vmem_shared>> -> memref<10240x128xf32, #tpu.memory_space<vmem_shared>>
        tpu.enqueue_indirect_dma source(%arg8 : memref<128x128xf32, #tpu.memory_space<vmem>>) target(%dma_start3A_61 : memref<10240x128xf32, #tpu.memory_space<vmem_shared>>) offsets(%arg7 : memref<128xi32, #tpu.memory_space<vmem>>) semaphore(%run_scoped3A : memref<!tpu.dma_semaphore, #tpu.memory_space<semaphore_mem>>) {add = true}
        %dma_wait3A_62 = arith.constant 0 : i32
        %dma_wait3A_63 = arith.constant 0 : i32
        %dma_wait3A_64 = tpu.memref_slice %arg14[%dma_wait3A_62, %dma_wait3A_63] : memref<10240x128xf32, #tpu.memory_space<vmem_shared>> -> memref<10240x128xf32, #tpu.memory_space<vmem_shared>>
        tpu.wait_indirect_dma semaphore(%run_scoped3A : memref<!tpu.dma_semaphore, #tpu.memory_space<semaphore_mem>>) src(%arg8 : memref<128x128xf32, #tpu.memory_space<vmem>>) dst(%dma_wait3A_64 : memref<10240x128xf32, #tpu.memory_space<vmem_shared>>)
        tpu.yield
      }) : () -> ()
      %add3A_43 = arith.constant 2 : i32
      %add3A_44 = arith.addi %mul3A_23, %add3A_43 : i32
      %lt3A = arith.constant 80 : i32
      %lt3A_45 = arith.cmpi slt, %add3A_44, %lt3A : i32
      %convert_element_type3A = arith.extui %lt3A_45 : i1 to i32
      %cond3A = arith.constant 0 : i32
      %cond3A_46 = arith.cmpi ne, %convert_element_type3A, %cond3A : i32
      scf.if %cond3A_46 {
        %add3A_59 = arith.constant 2 : i32
        %add3A_60 = arith.addi %mul3A_23, %add3A_59 : i32
        %mul3A_61 = arith.constant 10240 : i32
        %mul3A_62 = arith.muli %arg1, %mul3A_61 : i32
        %mul3A_63 = arith.constant 128 : i32
        %mul3A_64 = arith.muli %add3A_60, %mul3A_63 : i32
        %add3A_65 = arith.addi %mul3A_62, %mul3A_64 : i32
        %multiple_of3A_66 = tpu.assume_multiple %add3A_65, 8 : i32
        "tpu.region"() ({
          %run_scoped3A = tpu.sem_alloc : memref<!tpu.dma_semaphore, #tpu.memory_space<semaphore_mem>>
          %dma_start3A_70 = tpu.memref_slice %arg3[%arg0, %multiple_of3A_66] : memref<2x163840xi32, #tpu.memory_space<hbm>> -> memref<1x128xi32, #tpu.memory_space<hbm>>
          %dma_start3A_71 = tpu.memref_squeeze %dma_start3A_70 : memref<1x128xi32, #tpu.memory_space<hbm>> -> memref<128xi32, #tpu.memory_space<hbm>>
          %dma_start3A_72 = tpu.memref_slice %arg3[%arg0, %multiple_of3A_66] : memref<2x163840xi32, #tpu.memory_space<hbm>> -> memref<1x128xi32, #tpu.memory_space<hbm>>
          %dma_start3A_73 = tpu.memref_squeeze %dma_start3A_72 : memref<1x128xi32, #tpu.memory_space<hbm>> -> memref<128xi32, #tpu.memory_space<hbm>>
          tpu.enqueue_dma source(%dma_start3A_73 : memref<128xi32, #tpu.memory_space<hbm>>) target(%arg6 : memref<128xi32, #tpu.memory_space<vmem>>) target_semaphore(%run_scoped3A : memref<!tpu.dma_semaphore, #tpu.memory_space<semaphore_mem>>)
          %dma_wait3A_74 = tpu.memref_slice %arg3[%arg0, %multiple_of3A_66] : memref<2x163840xi32, #tpu.memory_space<hbm>> -> memref<1x128xi32, #tpu.memory_space<hbm>>
          %dma_wait3A_75 = tpu.memref_squeeze %dma_wait3A_74 : memref<1x128xi32, #tpu.memory_space<hbm>> -> memref<128xi32, #tpu.memory_space<hbm>>
          %dma_wait3A_76 = tpu.memref_slice %arg3[%arg0, %multiple_of3A_66] : memref<2x163840xi32, #tpu.memory_space<hbm>> -> memref<1x128xi32, #tpu.memory_space<hbm>>
          %dma_wait3A_77 = tpu.memref_squeeze %dma_wait3A_76 : memref<1x128xi32, #tpu.memory_space<hbm>> -> memref<128xi32, #tpu.memory_space<hbm>>
          tpu.wait_dma2 semaphore(%run_scoped3A : memref<!tpu.dma_semaphore, #tpu.memory_space<semaphore_mem>>) src(%dma_wait3A_77 : memref<128xi32, #tpu.memory_space<hbm>>) dst(%arg6 : memref<128xi32, #tpu.memory_space<vmem>>)
          tpu.yield
        }) : () -> ()
        %dma_start3A_67 = arith.constant 0 : i32
        %dma_start3A_68 = arith.constant 0 : i32
        %dma_start3A_69 = tpu.memref_slice %arg2[%dma_start3A_67, %dma_start3A_68] : memref<20480x128xf32, #tpu.memory_space<hbm>> -> memref<20480x128xf32, #tpu.memory_space<hbm>>
        tpu.enqueue_indirect_dma source(%dma_start3A_69 : memref<20480x128xf32, #tpu.memory_space<hbm>>) target(%arg8 : memref<128x128xf32, #tpu.memory_space<vmem>>) offsets(%arg6 : memref<128xi32, #tpu.memory_space<vmem>>) semaphore(%arg9 : memref<!tpu.dma_semaphore, #tpu.memory_space<semaphore_mem>>)
      } else {
      }
      %add3A_47 = arith.constant 1 : i32
      %add3A_48 = arith.addi %mul3A_23, %add3A_47 : i32
      %mul3A_49 = arith.constant 10240 : i32
      %mul3A_50 = arith.muli %arg1, %mul3A_49 : i32
      %mul3A_51 = arith.constant 128 : i32
      %mul3A_52 = arith.muli %add3A_48, %mul3A_51 : i32
      %add3A_53 = arith.addi %mul3A_50, %mul3A_52 : i32
      %multiple_of3A_54 = tpu.assume_multiple %add3A_53, 8 : i32
      "tpu.region"() ({
        %run_scoped3A = tpu.sem_alloc : memref<!tpu.dma_semaphore, #tpu.memory_space<semaphore_mem>>
        %dma_start3A_59 = tpu.memref_slice %arg4[%multiple_of3A_54] : memref<163840xi32, #tpu.memory_space<hbm>> -> memref<128xi32, #tpu.memory_space<hbm>>
        %dma_start3A_60 = tpu.memref_slice %arg4[%multiple_of3A_54] : memref<163840xi32, #tpu.memory_space<hbm>> -> memref<128xi32, #tpu.memory_space<hbm>>
        tpu.enqueue_dma source(%dma_start3A_60 : memref<128xi32, #tpu.memory_space<hbm>>) target(%arg11 : memref<128xi32, #tpu.memory_space<vmem>>) target_semaphore(%run_scoped3A : memref<!tpu.dma_semaphore, #tpu.memory_space<semaphore_mem>>)
        %dma_wait3A_61 = tpu.memref_slice %arg4[%multiple_of3A_54] : memref<163840xi32, #tpu.memory_space<hbm>> -> memref<128xi32, #tpu.memory_space<hbm>>
        %dma_wait3A_62 = tpu.memref_slice %arg4[%multiple_of3A_54] : memref<163840xi32, #tpu.memory_space<hbm>> -> memref<128xi32, #tpu.memory_space<hbm>>
        tpu.wait_dma2 semaphore(%run_scoped3A : memref<!tpu.dma_semaphore, #tpu.memory_space<semaphore_mem>>) src(%dma_wait3A_62 : memref<128xi32, #tpu.memory_space<hbm>>) dst(%arg11 : memref<128xi32, #tpu.memory_space<vmem>>)
        tpu.yield
      }) : () -> ()
      %dma_wait3A_55 = arith.constant 0 : i32
      %dma_wait3A_56 = arith.constant 0 : i32
      %dma_wait3A_57 = tpu.memref_slice %arg2[%dma_wait3A_55, %dma_wait3A_56] : memref<20480x128xf32, #tpu.memory_space<hbm>> -> memref<20480x128xf32, #tpu.memory_space<hbm>>
      tpu.wait_indirect_dma semaphore(%arg13 : memref<!tpu.dma_semaphore, #tpu.memory_space<semaphore_mem>>) src(%dma_wait3A_57 : memref<20480x128xf32, #tpu.memory_space<hbm>>) dst(%arg12 : memref<128x128xf32, #tpu.memory_space<vmem>>)
      "tpu.region"() ({
        %run_scoped3A = tpu.sem_alloc : memref<!tpu.dma_semaphore, #tpu.memory_space<semaphore_mem>>
        %dma_start3A_59 = arith.constant 0 : i32
        %dma_start3A_60 = arith.constant 0 : i32
        %dma_start3A_61 = tpu.memref_slice %arg14[%dma_start3A_59, %dma_start3A_60] : memref<10240x128xf32, #tpu.memory_space<vmem_shared>> -> memref<10240x128xf32, #tpu.memory_space<vmem_shared>>
        tpu.enqueue_indirect_dma source(%arg12 : memref<128x128xf32, #tpu.memory_space<vmem>>) target(%dma_start3A_61 : memref<10240x128xf32, #tpu.memory_space<vmem_shared>>) offsets(%arg11 : memref<128xi32, #tpu.memory_space<vmem>>) semaphore(%run_scoped3A : memref<!tpu.dma_semaphore, #tpu.memory_space<semaphore_mem>>) {add = true}
        %dma_wait3A_62 = arith.constant 0 : i32
        %dma_wait3A_63 = arith.constant 0 : i32
        %dma_wait3A_64 = tpu.memref_slice %arg14[%dma_wait3A_62, %dma_wait3A_63] : memref<10240x128xf32, #tpu.memory_space<vmem_shared>> -> memref<10240x128xf32, #tpu.memory_space<vmem_shared>>
        tpu.wait_indirect_dma semaphore(%run_scoped3A : memref<!tpu.dma_semaphore, #tpu.memory_space<semaphore_mem>>) src(%arg12 : memref<128x128xf32, #tpu.memory_space<vmem>>) dst(%dma_wait3A_64 : memref<10240x128xf32, #tpu.memory_space<vmem_shared>>)
        tpu.yield
      }) : () -> ()
      %scan3A_58 = arith.constant 0 : i32
      scf.yield %scan3A_58 : i32
    }
    %scan3A_18 = arith.constant 40 : i32
    %barrier3A_19 = arith.constant 0 : index
    tpu.barrier barrier_id(%barrier3A_19)
    "tpu.region"() ({
      %run_scoped3A = tpu.sem_alloc : memref<!tpu.dma_semaphore, #tpu.memory_space<semaphore_mem>>
      %dma_start3A_20 = arith.constant 0 : i32
      %dma_start3A_21 = tpu.memref_slice %arg5[%multiple_of3A_5, %dma_start3A_20] : memref<20480x128xf32, #tpu.memory_space<hbm>> -> memref<640x128xf32, #tpu.memory_space<hbm>>
      %dma_start3A_22 = arith.constant 0 : i32
      %dma_start3A_23 = tpu.memref_slice %arg14[%multiple_of3A, %dma_start3A_22] : memref<10240x128xf32, #tpu.memory_space<vmem_shared>> -> memref<640x128xf32, #tpu.memory_space<vmem_shared>>
      tpu.enqueue_dma source(%dma_start3A_23 : memref<640x128xf32, #tpu.memory_space<vmem_shared>>) target(%dma_start3A_21 : memref<640x128xf32, #tpu.memory_space<hbm>>) target_semaphore(%run_scoped3A : memref<!tpu.dma_semaphore, #tpu.memory_space<semaphore_mem>>)
      %dma_wait3A = arith.constant 0 : i32
      %dma_wait3A_24 = tpu.memref_slice %arg5[%multiple_of3A_5, %dma_wait3A] : memref<20480x128xf32, #tpu.memory_space<hbm>> -> memref<640x128xf32, #tpu.memory_space<hbm>>
      %dma_wait3A_25 = arith.constant 0 : i32
      %dma_wait3A_26 = tpu.memref_slice %arg14[%multiple_of3A, %dma_wait3A_25] : memref<10240x128xf32, #tpu.memory_space<vmem_shared>> -> memref<640x128xf32, #tpu.memory_space<vmem_shared>>
      tpu.wait_dma2 semaphore(%run_scoped3A : memref<!tpu.dma_semaphore, #tpu.memory_space<semaphore_mem>>) src(%dma_wait3A_26 : memref<640x128xf32, #tpu.memory_space<vmem_shared>>) dst(%dma_wait3A_24 : memref<640x128xf32, #tpu.memory_space<hbm>>)
      tpu.yield
    }) : () -> ()
    return
  }
}

#map = affine_map<(d0, d1) -> (0, 0)>
#map1 = affine_map<(d0, d1) -> (0, 0, 0)>
module attributes {stable_mosaic.version = 14 : i64} {
  func.func @_sc_edge_body(%arg0: i32, %arg1: i32, %arg2: memref<40960x128xf32, #tpu.memory_space<hbm>>, %arg3: memref<2x163840xi32, #tpu.memory_space<hbm>>, %arg4: memref<2x163840xi32, #tpu.memory_space<hbm>>, %arg5: memref<2x163840x128xf32, #tpu.memory_space<hbm>>, %arg6: memref<2x128xf32, #tpu.memory_space<hbm>>, %arg7: memref<2x20480x128xf32, #tpu.memory_space<hbm>>, %arg8: memref<128xi32, #tpu.memory_space<vmem>>, %arg9: memref<128xi32, #tpu.memory_space<vmem>>, %arg10: memref<128x128xf32, #tpu.memory_space<vmem>>, %arg11: memref<128x128xf32, #tpu.memory_space<vmem>>, %arg12: memref<128x128xf32, #tpu.memory_space<vmem>>, %arg13: memref<16x128xf32, #tpu.memory_space<vmem>>, %arg14: memref<!tpu.dma_semaphore, #tpu.memory_space<semaphore_mem>>, %arg15: memref<128xi32, #tpu.memory_space<vmem>>, %arg16: memref<128xi32, #tpu.memory_space<vmem>>, %arg17: memref<128x128xf32, #tpu.memory_space<vmem>>, %arg18: memref<128x128xf32, #tpu.memory_space<vmem>>, %arg19: memref<128x128xf32, #tpu.memory_space<vmem>>, %arg20: memref<16x128xf32, #tpu.memory_space<vmem>>, %arg21: memref<!tpu.dma_semaphore, #tpu.memory_space<semaphore_mem>>, %arg22: memref<128xf32, #tpu.memory_space<vmem>>) attributes {dimension_semantics = [#tpu.dimension_semantics<core_parallel>, #tpu.dimension_semantics<subcore_parallel>], iteration_bounds = array<i64: 2, 16>, scalar_prefetch = 0 : i64, scratch_operands = 15 : i64, tpu.core_type = #tpu.core_type<sc_vector_subcore>, window_params = [{transform_indices = #map}, {transform_indices = #map}, {transform_indices = #map}, {transform_indices = #map1}, {transform_indices = #map}, {transform_indices = #map1}]} {
    "tpu.region"() ({
      %run_scoped3A = tpu.sem_alloc : memref<!tpu.dma_semaphore, #tpu.memory_space<semaphore_mem>>
      %dma_start3A_47 = arith.constant 0 : i32
      %dma_start3A_48 = tpu.memref_slice %arg6[%arg0, %dma_start3A_47] : memref<2x128xf32, #tpu.memory_space<hbm>> -> memref<1x128xf32, #tpu.memory_space<hbm>>
      %dma_start3A_49 = tpu.memref_squeeze %dma_start3A_48 : memref<1x128xf32, #tpu.memory_space<hbm>> -> memref<128xf32, #tpu.memory_space<hbm>>
      %dma_start3A_50 = arith.constant 0 : i32
      %dma_start3A_51 = tpu.memref_slice %arg6[%arg0, %dma_start3A_50] : memref<2x128xf32, #tpu.memory_space<hbm>> -> memref<1x128xf32, #tpu.memory_space<hbm>>
      %dma_start3A_52 = tpu.memref_squeeze %dma_start3A_51 : memref<1x128xf32, #tpu.memory_space<hbm>> -> memref<128xf32, #tpu.memory_space<hbm>>
      tpu.enqueue_dma source(%dma_start3A_52 : memref<128xf32, #tpu.memory_space<hbm>>) target(%arg22 : memref<128xf32, #tpu.memory_space<vmem>>) target_semaphore(%run_scoped3A : memref<!tpu.dma_semaphore, #tpu.memory_space<semaphore_mem>>)
      %dma_wait3A = arith.constant 0 : i32
      %dma_wait3A_53 = tpu.memref_slice %arg6[%arg0, %dma_wait3A] : memref<2x128xf32, #tpu.memory_space<hbm>> -> memref<1x128xf32, #tpu.memory_space<hbm>>
      %dma_wait3A_54 = tpu.memref_squeeze %dma_wait3A_53 : memref<1x128xf32, #tpu.memory_space<hbm>> -> memref<128xf32, #tpu.memory_space<hbm>>
      %dma_wait3A_55 = arith.constant 0 : i32
      %dma_wait3A_56 = tpu.memref_slice %arg6[%arg0, %dma_wait3A_55] : memref<2x128xf32, #tpu.memory_space<hbm>> -> memref<1x128xf32, #tpu.memory_space<hbm>>
      %dma_wait3A_57 = tpu.memref_squeeze %dma_wait3A_56 : memref<1x128xf32, #tpu.memory_space<hbm>> -> memref<128xf32, #tpu.memory_space<hbm>>
      tpu.wait_dma2 semaphore(%run_scoped3A : memref<!tpu.dma_semaphore, #tpu.memory_space<semaphore_mem>>) src(%dma_wait3A_57 : memref<128xf32, #tpu.memory_space<hbm>>) dst(%arg22 : memref<128xf32, #tpu.memory_space<vmem>>)
      tpu.yield
    }) : () -> ()
    %get3A = arith.constant 0 : index
    %get3A_0 = tpu.vector_load %arg22[%get3A] {strides = array<i32>} : memref<128xf32, #tpu.memory_space<vmem>>, vector<16xf32>,
    %get3A_1 = vector.shape_cast %get3A_0 : vector<16xf32> to vector<16xf32>
    %get3A_2 = arith.constant 16 : index
    %get3A_3 = tpu.vector_load %arg22[%get3A_2] {strides = array<i32>} : memref<128xf32, #tpu.memory_space<vmem>>, vector<16xf32>,
    %get3A_4 = vector.shape_cast %get3A_3 : vector<16xf32> to vector<16xf32>
    %get3A_5 = arith.constant 32 : index
    %get3A_6 = tpu.vector_load %arg22[%get3A_5] {strides = array<i32>} : memref<128xf32, #tpu.memory_space<vmem>>, vector<16xf32>,
    %get3A_7 = vector.shape_cast %get3A_6 : vector<16xf32> to vector<16xf32>
    %get3A_8 = arith.constant 48 : index
    %get3A_9 = tpu.vector_load %arg22[%get3A_8] {strides = array<i32>} : memref<128xf32, #tpu.memory_space<vmem>>, vector<16xf32>,
    %get3A_10 = vector.shape_cast %get3A_9 : vector<16xf32> to vector<16xf32>
    %get3A_11 = arith.constant 64 : index
    %get3A_12 = tpu.vector_load %arg22[%get3A_11] {strides = array<i32>} : memref<128xf32, #tpu.memory_space<vmem>>, vector<16xf32>,
    %get3A_13 = vector.shape_cast %get3A_12 : vector<16xf32> to vector<16xf32>
    %get3A_14 = arith.constant 80 : index
    %get3A_15 = tpu.vector_load %arg22[%get3A_14] {strides = array<i32>} : memref<128xf32, #tpu.memory_space<vmem>>, vector<16xf32>,
    %get3A_16 = vector.shape_cast %get3A_15 : vector<16xf32> to vector<16xf32>
    %get3A_17 = arith.constant 96 : index
    %get3A_18 = tpu.vector_load %arg22[%get3A_17] {strides = array<i32>} : memref<128xf32, #tpu.memory_space<vmem>>, vector<16xf32>,
    %get3A_19 = vector.shape_cast %get3A_18 : vector<16xf32> to vector<16xf32>
    %get3A_20 = arith.constant 112 : index
    %get3A_21 = tpu.vector_load %arg22[%get3A_20] {strides = array<i32>} : memref<128xf32, #tpu.memory_space<vmem>>, vector<16xf32>,
    %get3A_22 = vector.shape_cast %get3A_21 : vector<16xf32> to vector<16xf32>
    %mul3A = arith.constant 10240 : i32
    %mul3A_23 = arith.muli %arg1, %mul3A : i32
    %add3A = arith.constant 0 : i32
    %add3A_24 = arith.addi %mul3A_23, %add3A : i32
    %multiple_of3A = tpu.assume_multiple %add3A_24, 8 : i32
    "tpu.region"() ({
      %run_scoped3A = tpu.sem_alloc : memref<!tpu.dma_semaphore, #tpu.memory_space<semaphore_mem>>
      %dma_start3A_47 = tpu.memref_slice %arg3[%arg0, %multiple_of3A] : memref<2x163840xi32, #tpu.memory_space<hbm>> -> memref<1x128xi32, #tpu.memory_space<hbm>>
      %dma_start3A_48 = tpu.memref_squeeze %dma_start3A_47 : memref<1x128xi32, #tpu.memory_space<hbm>> -> memref<128xi32, #tpu.memory_space<hbm>>
      %dma_start3A_49 = tpu.memref_slice %arg3[%arg0, %multiple_of3A] : memref<2x163840xi32, #tpu.memory_space<hbm>> -> memref<1x128xi32, #tpu.memory_space<hbm>>
      %dma_start3A_50 = tpu.memref_squeeze %dma_start3A_49 : memref<1x128xi32, #tpu.memory_space<hbm>> -> memref<128xi32, #tpu.memory_space<hbm>>
      tpu.enqueue_dma source(%dma_start3A_50 : memref<128xi32, #tpu.memory_space<hbm>>) target(%arg8 : memref<128xi32, #tpu.memory_space<vmem>>) target_semaphore(%run_scoped3A : memref<!tpu.dma_semaphore, #tpu.memory_space<semaphore_mem>>)
      %dma_wait3A = tpu.memref_slice %arg3[%arg0, %multiple_of3A] : memref<2x163840xi32, #tpu.memory_space<hbm>> -> memref<1x128xi32, #tpu.memory_space<hbm>>
      %dma_wait3A_51 = tpu.memref_squeeze %dma_wait3A : memref<1x128xi32, #tpu.memory_space<hbm>> -> memref<128xi32, #tpu.memory_space<hbm>>
      %dma_wait3A_52 = tpu.memref_slice %arg3[%arg0, %multiple_of3A] : memref<2x163840xi32, #tpu.memory_space<hbm>> -> memref<1x128xi32, #tpu.memory_space<hbm>>
      %dma_wait3A_53 = tpu.memref_squeeze %dma_wait3A_52 : memref<1x128xi32, #tpu.memory_space<hbm>> -> memref<128xi32, #tpu.memory_space<hbm>>
      tpu.wait_dma2 semaphore(%run_scoped3A : memref<!tpu.dma_semaphore, #tpu.memory_space<semaphore_mem>>) src(%dma_wait3A_53 : memref<128xi32, #tpu.memory_space<hbm>>) dst(%arg8 : memref<128xi32, #tpu.memory_space<vmem>>)
      tpu.yield
    }) : () -> ()
    "tpu.region"() ({
      %run_scoped3A = tpu.sem_alloc : memref<!tpu.dma_semaphore, #tpu.memory_space<semaphore_mem>>
      %dma_start3A_47 = tpu.memref_slice %arg4[%arg0, %multiple_of3A] : memref<2x163840xi32, #tpu.memory_space<hbm>> -> memref<1x128xi32, #tpu.memory_space<hbm>>
      %dma_start3A_48 = tpu.memref_squeeze %dma_start3A_47 : memref<1x128xi32, #tpu.memory_space<hbm>> -> memref<128xi32, #tpu.memory_space<hbm>>
      %dma_start3A_49 = tpu.memref_slice %arg4[%arg0, %multiple_of3A] : memref<2x163840xi32, #tpu.memory_space<hbm>> -> memref<1x128xi32, #tpu.memory_space<hbm>>
      %dma_start3A_50 = tpu.memref_squeeze %dma_start3A_49 : memref<1x128xi32, #tpu.memory_space<hbm>> -> memref<128xi32, #tpu.memory_space<hbm>>
      tpu.enqueue_dma source(%dma_start3A_50 : memref<128xi32, #tpu.memory_space<hbm>>) target(%arg9 : memref<128xi32, #tpu.memory_space<vmem>>) target_semaphore(%run_scoped3A : memref<!tpu.dma_semaphore, #tpu.memory_space<semaphore_mem>>)
      %dma_wait3A = tpu.memref_slice %arg4[%arg0, %multiple_of3A] : memref<2x163840xi32, #tpu.memory_space<hbm>> -> memref<1x128xi32, #tpu.memory_space<hbm>>
      %dma_wait3A_51 = tpu.memref_squeeze %dma_wait3A : memref<1x128xi32, #tpu.memory_space<hbm>> -> memref<128xi32, #tpu.memory_space<hbm>>
      %dma_wait3A_52 = tpu.memref_slice %arg4[%arg0, %multiple_of3A] : memref<2x163840xi32, #tpu.memory_space<hbm>> -> memref<1x128xi32, #tpu.memory_space<hbm>>
      %dma_wait3A_53 = tpu.memref_squeeze %dma_wait3A_52 : memref<1x128xi32, #tpu.memory_space<hbm>> -> memref<128xi32, #tpu.memory_space<hbm>>
      tpu.wait_dma2 semaphore(%run_scoped3A : memref<!tpu.dma_semaphore, #tpu.memory_space<semaphore_mem>>) src(%dma_wait3A_53 : memref<128xi32, #tpu.memory_space<hbm>>) dst(%arg9 : memref<128xi32, #tpu.memory_space<vmem>>)
      tpu.yield
    }) : () -> ()
    %dma_start3A = arith.constant 0 : i32
    %dma_start3A_25 = arith.constant 0 : i32
    %dma_start3A_26 = tpu.memref_slice %arg2[%dma_start3A, %dma_start3A_25] : memref<40960x128xf32, #tpu.memory_space<hbm>> -> memref<40960x128xf32, #tpu.memory_space<hbm>>
    tpu.enqueue_indirect_dma source(%dma_start3A_26 : memref<40960x128xf32, #tpu.memory_space<hbm>>) target(%arg10 : memref<128x128xf32, #tpu.memory_space<vmem>>) offsets(%arg8 : memref<128xi32, #tpu.memory_space<vmem>>) semaphore(%arg14 : memref<!tpu.dma_semaphore, #tpu.memory_space<semaphore_mem>>)
    %dma_start3A_27 = arith.constant 0 : i32
    %dma_start3A_28 = arith.constant 0 : i32
    %dma_start3A_29 = tpu.memref_slice %arg2[%dma_start3A_27, %dma_start3A_28] : memref<40960x128xf32, #tpu.memory_space<hbm>> -> memref<40960x128xf32, #tpu.memory_space<hbm>>
    tpu.enqueue_indirect_dma source(%dma_start3A_29 : memref<40960x128xf32, #tpu.memory_space<hbm>>) target(%arg11 : memref<128x128xf32, #tpu.memory_space<vmem>>) offsets(%arg9 : memref<128xi32, #tpu.memory_space<vmem>>) semaphore(%arg14 : memref<!tpu.dma_semaphore, #tpu.memory_space<semaphore_mem>>)
    %mul3A_30 = arith.constant 10240 : i32
    %mul3A_31 = arith.muli %arg1, %mul3A_30 : i32
    %add3A_32 = arith.constant 0 : i32
    %add3A_33 = arith.addi %mul3A_31, %add3A_32 : i32
    %multiple_of3A_34 = tpu.assume_multiple %add3A_33, 8 : i32
    %dma_start3A_35 = arith.constant 0 : i32
    %dma_start3A_36 = tpu.memref_slice %arg5[%arg0, %multiple_of3A_34, %dma_start3A_35] : memref<2x163840x128xf32, #tpu.memory_space<hbm>> -> memref<1x128x128xf32, #tpu.memory_space<hbm>>
    %dma_start3A_37 = tpu.memref_squeeze %dma_start3A_36 : memref<1x128x128xf32, #tpu.memory_space<hbm>> -> memref<128x128xf32, #tpu.memory_space<hbm>>
    %dma_start3A_38 = arith.constant 0 : i32
    %dma_start3A_39 = tpu.memref_slice %arg5[%arg0, %multiple_of3A_34, %dma_start3A_38] : memref<2x163840x128xf32, #tpu.memory_space<hbm>> -> memref<1x128x128xf32, #tpu.memory_space<hbm>>
    %dma_start3A_40 = tpu.memref_squeeze %dma_start3A_39 : memref<1x128x128xf32, #tpu.memory_space<hbm>> -> memref<128x128xf32, #tpu.memory_space<hbm>>
    tpu.enqueue_dma source(%dma_start3A_40 : memref<128x128xf32, #tpu.memory_space<hbm>>) target(%arg12 : memref<128x128xf32, #tpu.memory_space<vmem>>) target_semaphore(%arg14 : memref<!tpu.dma_semaphore, #tpu.memory_space<semaphore_mem>>)
    %scan3A = arith.constant 0 : i32
    %scan3A_41 = arith.constant 0 : i32
    %scan3A_42 = arith.constant 40 : i32
    %scan3A_43 = arith.addi %scan3A_41, %scan3A_42 : i32
    %scan3A_44 = arith.constant 1 : i32
    %scan3A_45 = scf.for %scan3A_47 = %scan3A_41 to %scan3A_43 step %scan3A_44 iter_args(%scan3A_48 = %scan3A) -> (i32)  : i32 {
      %mul3A_49 = arith.constant 2 : i32
      %mul3A_50 = arith.muli %scan3A_47, %mul3A_49 : i32
      %add3A_51 = arith.constant 1 : i32
      %add3A_52 = arith.addi %mul3A_50, %add3A_51 : i32
      %mul3A_53 = arith.constant 10240 : i32
      %mul3A_54 = arith.muli %arg1, %mul3A_53 : i32
      %mul3A_55 = arith.constant 128 : i32
      %mul3A_56 = arith.muli %add3A_52, %mul3A_55 : i32
      %add3A_57 = arith.addi %mul3A_54, %mul3A_56 : i32
      %multiple_of3A_58 = tpu.assume_multiple %add3A_57, 8 : i32
      "tpu.region"() ({
        %run_scoped3A = tpu.sem_alloc : memref<!tpu.dma_semaphore, #tpu.memory_space<semaphore_mem>>
        %dma_start3A_185 = tpu.memref_slice %arg3[%arg0, %multiple_of3A_58] : memref<2x163840xi32, #tpu.memory_space<hbm>> -> memref<1x128xi32, #tpu.memory_space<hbm>>
        %dma_start3A_186 = tpu.memref_squeeze %dma_start3A_185 : memref<1x128xi32, #tpu.memory_space<hbm>> -> memref<128xi32, #tpu.memory_space<hbm>>
        %dma_start3A_187 = tpu.memref_slice %arg3[%arg0, %multiple_of3A_58] : memref<2x163840xi32, #tpu.memory_space<hbm>> -> memref<1x128xi32, #tpu.memory_space<hbm>>
        %dma_start3A_188 = tpu.memref_squeeze %dma_start3A_187 : memref<1x128xi32, #tpu.memory_space<hbm>> -> memref<128xi32, #tpu.memory_space<hbm>>
        tpu.enqueue_dma source(%dma_start3A_188 : memref<128xi32, #tpu.memory_space<hbm>>) target(%arg15 : memref<128xi32, #tpu.memory_space<vmem>>) target_semaphore(%run_scoped3A : memref<!tpu.dma_semaphore, #tpu.memory_space<semaphore_mem>>)
        %dma_wait3A_189 = tpu.memref_slice %arg3[%arg0, %multiple_of3A_58] : memref<2x163840xi32, #tpu.memory_space<hbm>> -> memref<1x128xi32, #tpu.memory_space<hbm>>
        %dma_wait3A_190 = tpu.memref_squeeze %dma_wait3A_189 : memref<1x128xi32, #tpu.memory_space<hbm>> -> memref<128xi32, #tpu.memory_space<hbm>>
        %dma_wait3A_191 = tpu.memref_slice %arg3[%arg0, %multiple_of3A_58] : memref<2x163840xi32, #tpu.memory_space<hbm>> -> memref<1x128xi32, #tpu.memory_space<hbm>>
        %dma_wait3A_192 = tpu.memref_squeeze %dma_wait3A_191 : memref<1x128xi32, #tpu.memory_space<hbm>> -> memref<128xi32, #tpu.memory_space<hbm>>
        tpu.wait_dma2 semaphore(%run_scoped3A : memref<!tpu.dma_semaphore, #tpu.memory_space<semaphore_mem>>) src(%dma_wait3A_192 : memref<128xi32, #tpu.memory_space<hbm>>) dst(%arg15 : memref<128xi32, #tpu.memory_space<vmem>>)
        tpu.yield
      }) : () -> ()
      "tpu.region"() ({
        %run_scoped3A = tpu.sem_alloc : memref<!tpu.dma_semaphore, #tpu.memory_space<semaphore_mem>>
        %dma_start3A_185 = tpu.memref_slice %arg4[%arg0, %multiple_of3A_58] : memref<2x163840xi32, #tpu.memory_space<hbm>> -> memref<1x128xi32, #tpu.memory_space<hbm>>
        %dma_start3A_186 = tpu.memref_squeeze %dma_start3A_185 : memref<1x128xi32, #tpu.memory_space<hbm>> -> memref<128xi32, #tpu.memory_space<hbm>>
        %dma_start3A_187 = tpu.memref_slice %arg4[%arg0, %multiple_of3A_58] : memref<2x163840xi32, #tpu.memory_space<hbm>> -> memref<1x128xi32, #tpu.memory_space<hbm>>
        %dma_start3A_188 = tpu.memref_squeeze %dma_start3A_187 : memref<1x128xi32, #tpu.memory_space<hbm>> -> memref<128xi32, #tpu.memory_space<hbm>>
        tpu.enqueue_dma source(%dma_start3A_188 : memref<128xi32, #tpu.memory_space<hbm>>) target(%arg16 : memref<128xi32, #tpu.memory_space<vmem>>) target_semaphore(%run_scoped3A : memref<!tpu.dma_semaphore, #tpu.memory_space<semaphore_mem>>)
        %dma_wait3A_189 = tpu.memref_slice %arg4[%arg0, %multiple_of3A_58] : memref<2x163840xi32, #tpu.memory_space<hbm>> -> memref<1x128xi32, #tpu.memory_space<hbm>>
        %dma_wait3A_190 = tpu.memref_squeeze %dma_wait3A_189 : memref<1x128xi32, #tpu.memory_space<hbm>> -> memref<128xi32, #tpu.memory_space<hbm>>
        %dma_wait3A_191 = tpu.memref_slice %arg4[%arg0, %multiple_of3A_58] : memref<2x163840xi32, #tpu.memory_space<hbm>> -> memref<1x128xi32, #tpu.memory_space<hbm>>
        %dma_wait3A_192 = tpu.memref_squeeze %dma_wait3A_191 : memref<1x128xi32, #tpu.memory_space<hbm>> -> memref<128xi32, #tpu.memory_space<hbm>>
        tpu.wait_dma2 semaphore(%run_scoped3A : memref<!tpu.dma_semaphore, #tpu.memory_space<semaphore_mem>>) src(%dma_wait3A_192 : memref<128xi32, #tpu.memory_space<hbm>>) dst(%arg16 : memref<128xi32, #tpu.memory_space<vmem>>)
        tpu.yield
      }) : () -> ()
      %dma_start3A_59 = arith.constant 0 : i32
      %dma_start3A_60 = arith.constant 0 : i32
      %dma_start3A_61 = tpu.memref_slice %arg2[%dma_start3A_59, %dma_start3A_60] : memref<40960x128xf32, #tpu.memory_space<hbm>> -> memref<40960x128xf32, #tpu.memory_space<hbm>>
      tpu.enqueue_indirect_dma source(%dma_start3A_61 : memref<40960x128xf32, #tpu.memory_space<hbm>>) target(%arg17 : memref<128x128xf32, #tpu.memory_space<vmem>>) offsets(%arg15 : memref<128xi32, #tpu.memory_space<vmem>>) semaphore(%arg21 : memref<!tpu.dma_semaphore, #tpu.memory_space<semaphore_mem>>)
      %dma_start3A_62 = arith.constant 0 : i32
      %dma_start3A_63 = arith.constant 0 : i32
      %dma_start3A_64 = tpu.memref_slice %arg2[%dma_start3A_62, %dma_start3A_63] : memref<40960x128xf32, #tpu.memory_space<hbm>> -> memref<40960x128xf32, #tpu.memory_space<hbm>>
      tpu.enqueue_indirect_dma source(%dma_start3A_64 : memref<40960x128xf32, #tpu.memory_space<hbm>>) target(%arg18 : memref<128x128xf32, #tpu.memory_space<vmem>>) offsets(%arg16 : memref<128xi32, #tpu.memory_space<vmem>>) semaphore(%arg21 : memref<!tpu.dma_semaphore, #tpu.memory_space<semaphore_mem>>)
      %mul3A_65 = arith.constant 10240 : i32
      %mul3A_66 = arith.muli %arg1, %mul3A_65 : i32
      %mul3A_67 = arith.constant 128 : i32
      %mul3A_68 = arith.muli %add3A_52, %mul3A_67 : i32
      %add3A_69 = arith.addi %mul3A_66, %mul3A_68 : i32
      %multiple_of3A_70 = tpu.assume_multiple %add3A_69, 8 : i32
      %dma_start3A_71 = arith.constant 0 : i32
      %dma_start3A_72 = tpu.memref_slice %arg5[%arg0, %multiple_of3A_70, %dma_start3A_71] : memref<2x163840x128xf32, #tpu.memory_space<hbm>> -> memref<1x128x128xf32, #tpu.memory_space<hbm>>
      %dma_start3A_73 = tpu.memref_squeeze %dma_start3A_72 : memref<1x128x128xf32, #tpu.memory_space<hbm>> -> memref<128x128xf32, #tpu.memory_space<hbm>>
      %dma_start3A_74 = arith.constant 0 : i32
      %dma_start3A_75 = tpu.memref_slice %arg5[%arg0, %multiple_of3A_70, %dma_start3A_74] : memref<2x163840x128xf32, #tpu.memory_space<hbm>> -> memref<1x128x128xf32, #tpu.memory_space<hbm>>
      %dma_start3A_76 = tpu.memref_squeeze %dma_start3A_75 : memref<1x128x128xf32, #tpu.memory_space<hbm>> -> memref<128x128xf32, #tpu.memory_space<hbm>>
      tpu.enqueue_dma source(%dma_start3A_76 : memref<128x128xf32, #tpu.memory_space<hbm>>) target(%arg19 : memref<128x128xf32, #tpu.memory_space<vmem>>) target_semaphore(%arg21 : memref<!tpu.dma_semaphore, #tpu.memory_space<semaphore_mem>>)
      %dma_wait3A = arith.constant 0 : i32
      %dma_wait3A_77 = arith.constant 0 : i32
      %dma_wait3A_78 = tpu.memref_slice %arg2[%dma_wait3A, %dma_wait3A_77] : memref<40960x128xf32, #tpu.memory_space<hbm>> -> memref<40960x128xf32, #tpu.memory_space<hbm>>
      tpu.wait_indirect_dma semaphore(%arg14 : memref<!tpu.dma_semaphore, #tpu.memory_space<semaphore_mem>>) src(%dma_wait3A_78 : memref<40960x128xf32, #tpu.memory_space<hbm>>) dst(%arg10 : memref<128x128xf32, #tpu.memory_space<vmem>>)
      %dma_wait3A_79 = arith.constant 0 : i32
      %dma_wait3A_80 = arith.constant 0 : i32
      %dma_wait3A_81 = tpu.memref_slice %arg2[%dma_wait3A_79, %dma_wait3A_80] : memref<40960x128xf32, #tpu.memory_space<hbm>> -> memref<40960x128xf32, #tpu.memory_space<hbm>>
      tpu.wait_indirect_dma semaphore(%arg14 : memref<!tpu.dma_semaphore, #tpu.memory_space<semaphore_mem>>) src(%dma_wait3A_81 : memref<40960x128xf32, #tpu.memory_space<hbm>>) dst(%arg11 : memref<128x128xf32, #tpu.memory_space<vmem>>)
      %mul3A_82 = arith.constant 10240 : i32
      %mul3A_83 = arith.muli %arg1, %mul3A_82 : i32
      %mul3A_84 = arith.constant 128 : i32
      %mul3A_85 = arith.muli %mul3A_50, %mul3A_84 : i32
      %add3A_86 = arith.addi %mul3A_83, %mul3A_85 : i32
      %multiple_of3A_87 = tpu.assume_multiple %add3A_86, 8 : i32
      %dma_wait3A_88 = arith.constant 0 : i32
      %dma_wait3A_89 = tpu.memref_slice %arg5[%arg0, %multiple_of3A_87, %dma_wait3A_88] : memref<2x163840x128xf32, #tpu.memory_space<hbm>> -> memref<1x128x128xf32, #tpu.memory_space<hbm>>
      %dma_wait3A_90 = tpu.memref_squeeze %dma_wait3A_89 : memref<1x128x128xf32, #tpu.memory_space<hbm>> -> memref<128x128xf32, #tpu.memory_space<hbm>>
      %dma_wait3A_91 = arith.constant 0 : i32
      %dma_wait3A_92 = tpu.memref_slice %arg5[%arg0, %multiple_of3A_87, %dma_wait3A_91] : memref<2x163840x128xf32, #tpu.memory_space<hbm>> -> memref<1x128x128xf32, #tpu.memory_space<hbm>>
      %dma_wait3A_93 = tpu.memref_squeeze %dma_wait3A_92 : memref<1x128x128xf32, #tpu.memory_space<hbm>> -> memref<128x128xf32, #tpu.memory_space<hbm>>
      tpu.wait_dma2 semaphore(%arg14 : memref<!tpu.dma_semaphore, #tpu.memory_space<semaphore_mem>>) src(%dma_wait3A_93 : memref<128x128xf32, #tpu.memory_space<hbm>>) dst(%arg12 : memref<128x128xf32, #tpu.memory_space<vmem>>)
      %scan3A_94 = arith.constant 0 : i32
      %scan3A_95 = arith.constant 0 : i32
      %scan3A_96 = arith.constant 16 : i32
      %scan3A_97 = arith.addi %scan3A_95, %scan3A_96 : i32
      %scan3A_98 = arith.constant 1 : i32
      %scan3A_99 = scf.for %scan3A_185 = %scan3A_95 to %scan3A_97 step %scan3A_98 iter_args(%scan3A_186 = %scan3A_94) -> (i32)  : i32 {
        %mul3A_187 = arith.constant 8 : i32
        %mul3A_188 = arith.muli %scan3A_185, %mul3A_187 : i32
        %add3A_189 = arith.constant 0 : i32
        %add3A_190 = arith.addi %mul3A_188, %add3A_189 : i32
        %broadcast_in_dim3A = arith.constant 0.000000e+00 : f32
        %broadcast_in_dim3A_191 = vector.broadcast %broadcast_in_dim3A : f32 to vector<16xf32>
        %get3A_192 = arith.index_cast %add3A_190 : i32 to index
        %get3A_193 = arith.constant 0 : index
        %get3A_194 = tpu.vector_load %arg10[%get3A_192, %get3A_193] {strides = array<i32>} : memref<128x128xf32, #tpu.memory_space<vmem>>, vector<1x16xf32>,
        %get3A_195 = vector.shape_cast %get3A_194 : vector<1x16xf32> to vector<16xf32>
        %get3A_196 = arith.index_cast %add3A_190 : i32 to index
        %get3A_197 = arith.constant 0 : index
        %get3A_198 = tpu.vector_load %arg11[%get3A_196, %get3A_197] {strides = array<i32>} : memref<128x128xf32, #tpu.memory_space<vmem>>, vector<1x16xf32>,
        %get3A_199 = vector.shape_cast %get3A_198 : vector<1x16xf32> to vector<16xf32>
        %add3A_200 = arith.addf %get3A_195, %get3A_199 : vector<16xf32>
        %get3A_201 = arith.index_cast %add3A_190 : i32 to index
        %get3A_202 = arith.constant 0 : index
        %get3A_203 = tpu.vector_load %arg12[%get3A_201, %get3A_202] {strides = array<i32>} : memref<128x128xf32, #tpu.memory_space<vmem>>, vector<1x16xf32>,
        %get3A_204 = vector.shape_cast %get3A_203 : vector<1x16xf32> to vector<16xf32>
        %add3A_205 = arith.addf %add3A_200, %get3A_204 : vector<16xf32>
        %max3A = arith.constant 0.000000e+00 : f32
        %max3A_206 = vector.broadcast %max3A : f32 to vector<16xf32>
        %max3A_207 = arith.maximumf %add3A_205, %max3A_206 : vector<16xf32>
        %mul3A_208 = arith.mulf %max3A_207, %get3A_1 : vector<16xf32>
        %add3A_209 = arith.addf %broadcast_in_dim3A_191, %mul3A_208 : vector<16xf32>
        %get3A_210 = arith.index_cast %add3A_190 : i32 to index
        %get3A_211 = arith.constant 16 : index
        %get3A_212 = tpu.vector_load %arg10[%get3A_210, %get3A_211] {strides = array<i32>} : memref<128x128xf32, #tpu.memory_space<vmem>>, vector<1x16xf32>,
        %get3A_213 = vector.shape_cast %get3A_212 : vector<1x16xf32> to vector<16xf32>
        %get3A_214 = arith.index_cast %add3A_190 : i32 to index
        %get3A_215 = arith.constant 16 : index
        %get3A_216 = tpu.vector_load %arg11[%get3A_214, %get3A_215] {strides = array<i32>} : memref<128x128xf32, #tpu.memory_space<vmem>>, vector<1x16xf32>,
        %get3A_217 = vector.shape_cast %get3A_216 : vector<1x16xf32> to vector<16xf32>
        %add3A_218 = arith.addf %get3A_213, %get3A_217 : vector<16xf32>
        %get3A_219 = arith.index_cast %add3A_190 : i32 to index
        %get3A_220 = arith.constant 16 : index
        %get3A_221 = tpu.vector_load %arg12[%get3A_219, %get3A_220] {strides = array<i32>} : memref<128x128xf32, #tpu.memory_space<vmem>>, vector<1x16xf32>,
        %get3A_222 = vector.shape_cast %get3A_221 : vector<1x16xf32> to vector<16xf32>
        %add3A_223 = arith.addf %add3A_218, %get3A_222 : vector<16xf32>
        %max3A_224 = arith.constant 0.000000e+00 : f32
        %max3A_225 = vector.broadcast %max3A_224 : f32 to vector<16xf32>
        %max3A_226 = arith.maximumf %add3A_223, %max3A_225 : vector<16xf32>
        %mul3A_227 = arith.mulf %max3A_226, %get3A_4 : vector<16xf32>
        %add3A_228 = arith.addf %add3A_209, %mul3A_227 : vector<16xf32>
        %get3A_229 = arith.index_cast %add3A_190 : i32 to index
        %get3A_230 = arith.constant 32 : index
        %get3A_231 = tpu.vector_load %arg10[%get3A_229, %get3A_230] {strides = array<i32>} : memref<128x128xf32, #tpu.memory_space<vmem>>, vector<1x16xf32>,
        %get3A_232 = vector.shape_cast %get3A_231 : vector<1x16xf32> to vector<16xf32>
        %get3A_233 = arith.index_cast %add3A_190 : i32 to index
        %get3A_234 = arith.constant 32 : index
        %get3A_235 = tpu.vector_load %arg11[%get3A_233, %get3A_234] {strides = array<i32>} : memref<128x128xf32, #tpu.memory_space<vmem>>, vector<1x16xf32>,
        %get3A_236 = vector.shape_cast %get3A_235 : vector<1x16xf32> to vector<16xf32>
        %add3A_237 = arith.addf %get3A_232, %get3A_236 : vector<16xf32>
        %get3A_238 = arith.index_cast %add3A_190 : i32 to index
        %get3A_239 = arith.constant 32 : index
        %get3A_240 = tpu.vector_load %arg12[%get3A_238, %get3A_239] {strides = array<i32>} : memref<128x128xf32, #tpu.memory_space<vmem>>, vector<1x16xf32>,
        %get3A_241 = vector.shape_cast %get3A_240 : vector<1x16xf32> to vector<16xf32>
        %add3A_242 = arith.addf %add3A_237, %get3A_241 : vector<16xf32>
        %max3A_243 = arith.constant 0.000000e+00 : f32
        %max3A_244 = vector.broadcast %max3A_243 : f32 to vector<16xf32>
        %max3A_245 = arith.maximumf %add3A_242, %max3A_244 : vector<16xf32>
        %mul3A_246 = arith.mulf %max3A_245, %get3A_7 : vector<16xf32>
        %add3A_247 = arith.addf %add3A_228, %mul3A_246 : vector<16xf32>
        %get3A_248 = arith.index_cast %add3A_190 : i32 to index
        %get3A_249 = arith.constant 48 : index
        %get3A_250 = tpu.vector_load %arg10[%get3A_248, %get3A_249] {strides = array<i32>} : memref<128x128xf32, #tpu.memory_space<vmem>>, vector<1x16xf32>,
        %get3A_251 = vector.shape_cast %get3A_250 : vector<1x16xf32> to vector<16xf32>
        %get3A_252 = arith.index_cast %add3A_190 : i32 to index
        %get3A_253 = arith.constant 48 : index
        %get3A_254 = tpu.vector_load %arg11[%get3A_252, %get3A_253] {strides = array<i32>} : memref<128x128xf32, #tpu.memory_space<vmem>>, vector<1x16xf32>,
        %get3A_255 = vector.shape_cast %get3A_254 : vector<1x16xf32> to vector<16xf32>
        %add3A_256 = arith.addf %get3A_251, %get3A_255 : vector<16xf32>
        %get3A_257 = arith.index_cast %add3A_190 : i32 to index
        %get3A_258 = arith.constant 48 : index
        %get3A_259 = tpu.vector_load %arg12[%get3A_257, %get3A_258] {strides = array<i32>} : memref<128x128xf32, #tpu.memory_space<vmem>>, vector<1x16xf32>,
        %get3A_260 = vector.shape_cast %get3A_259 : vector<1x16xf32> to vector<16xf32>
        %add3A_261 = arith.addf %add3A_256, %get3A_260 : vector<16xf32>
        %max3A_262 = arith.constant 0.000000e+00 : f32
        %max3A_263 = vector.broadcast %max3A_262 : f32 to vector<16xf32>
        %max3A_264 = arith.maximumf %add3A_261, %max3A_263 : vector<16xf32>
        %mul3A_265 = arith.mulf %max3A_264, %get3A_10 : vector<16xf32>
        %add3A_266 = arith.addf %add3A_247, %mul3A_265 : vector<16xf32>
        %get3A_267 = arith.index_cast %add3A_190 : i32 to index
        %get3A_268 = arith.constant 64 : index
        %get3A_269 = tpu.vector_load %arg10[%get3A_267, %get3A_268] {strides = array<i32>} : memref<128x128xf32, #tpu.memory_space<vmem>>, vector<1x16xf32>,
        %get3A_270 = vector.shape_cast %get3A_269 : vector<1x16xf32> to vector<16xf32>
        %get3A_271 = arith.index_cast %add3A_190 : i32 to index
        %get3A_272 = arith.constant 64 : index
        %get3A_273 = tpu.vector_load %arg11[%get3A_271, %get3A_272] {strides = array<i32>} : memref<128x128xf32, #tpu.memory_space<vmem>>, vector<1x16xf32>,
        %get3A_274 = vector.shape_cast %get3A_273 : vector<1x16xf32> to vector<16xf32>
        %add3A_275 = arith.addf %get3A_270, %get3A_274 : vector<16xf32>
        %get3A_276 = arith.index_cast %add3A_190 : i32 to index
        %get3A_277 = arith.constant 64 : index
        %get3A_278 = tpu.vector_load %arg12[%get3A_276, %get3A_277] {strides = array<i32>} : memref<128x128xf32, #tpu.memory_space<vmem>>, vector<1x16xf32>,
        %get3A_279 = vector.shape_cast %get3A_278 : vector<1x16xf32> to vector<16xf32>
        %add3A_280 = arith.addf %add3A_275, %get3A_279 : vector<16xf32>
        %max3A_281 = arith.constant 0.000000e+00 : f32
        %max3A_282 = vector.broadcast %max3A_281 : f32 to vector<16xf32>
        %max3A_283 = arith.maximumf %add3A_280, %max3A_282 : vector<16xf32>
        %mul3A_284 = arith.mulf %max3A_283, %get3A_13 : vector<16xf32>
        %add3A_285 = arith.addf %add3A_266, %mul3A_284 : vector<16xf32>
        %get3A_286 = arith.index_cast %add3A_190 : i32 to index
        %get3A_287 = arith.constant 80 : index
        %get3A_288 = tpu.vector_load %arg10[%get3A_286, %get3A_287] {strides = array<i32>} : memref<128x128xf32, #tpu.memory_space<vmem>>, vector<1x16xf32>,
        %get3A_289 = vector.shape_cast %get3A_288 : vector<1x16xf32> to vector<16xf32>
        %get3A_290 = arith.index_cast %add3A_190 : i32 to index
        %get3A_291 = arith.constant 80 : index
        %get3A_292 = tpu.vector_load %arg11[%get3A_290, %get3A_291] {strides = array<i32>} : memref<128x128xf32, #tpu.memory_space<vmem>>, vector<1x16xf32>,
        %get3A_293 = vector.shape_cast %get3A_292 : vector<1x16xf32> to vector<16xf32>
        %add3A_294 = arith.addf %get3A_289, %get3A_293 : vector<16xf32>
        %get3A_295 = arith.index_cast %add3A_190 : i32 to index
        %get3A_296 = arith.constant 80 : index
        %get3A_297 = tpu.vector_load %arg12[%get3A_295, %get3A_296] {strides = array<i32>} : memref<128x128xf32, #tpu.memory_space<vmem>>, vector<1x16xf32>,
        %get3A_298 = vector.shape_cast %get3A_297 : vector<1x16xf32> to vector<16xf32>
        %add3A_299 = arith.addf %add3A_294, %get3A_298 : vector<16xf32>
        %max3A_300 = arith.constant 0.000000e+00 : f32
        %max3A_301 = vector.broadcast %max3A_300 : f32 to vector<16xf32>
        %max3A_302 = arith.maximumf %add3A_299, %max3A_301 : vector<16xf32>
        %mul3A_303 = arith.mulf %max3A_302, %get3A_16 : vector<16xf32>
        %add3A_304 = arith.addf %add3A_285, %mul3A_303 : vector<16xf32>
        %get3A_305 = arith.index_cast %add3A_190 : i32 to index
        %get3A_306 = arith.constant 96 : index
        %get3A_307 = tpu.vector_load %arg10[%get3A_305, %get3A_306] {strides = array<i32>} : memref<128x128xf32, #tpu.memory_space<vmem>>, vector<1x16xf32>,
        %get3A_308 = vector.shape_cast %get3A_307 : vector<1x16xf32> to vector<16xf32>
        %get3A_309 = arith.index_cast %add3A_190 : i32 to index
        %get3A_310 = arith.constant 96 : index
        %get3A_311 = tpu.vector_load %arg11[%get3A_309, %get3A_310] {strides = array<i32>} : memref<128x128xf32, #tpu.memory_space<vmem>>, vector<1x16xf32>,
        %get3A_312 = vector.shape_cast %get3A_311 : vector<1x16xf32> to vector<16xf32>
        %add3A_313 = arith.addf %get3A_308, %get3A_312 : vector<16xf32>
        %get3A_314 = arith.index_cast %add3A_190 : i32 to index
        %get3A_315 = arith.constant 96 : index
        %get3A_316 = tpu.vector_load %arg12[%get3A_314, %get3A_315] {strides = array<i32>} : memref<128x128xf32, #tpu.memory_space<vmem>>, vector<1x16xf32>,
        %get3A_317 = vector.shape_cast %get3A_316 : vector<1x16xf32> to vector<16xf32>
        %add3A_318 = arith.addf %add3A_313, %get3A_317 : vector<16xf32>
        %max3A_319 = arith.constant 0.000000e+00 : f32
        %max3A_320 = vector.broadcast %max3A_319 : f32 to vector<16xf32>
        %max3A_321 = arith.maximumf %add3A_318, %max3A_320 : vector<16xf32>
        %mul3A_322 = arith.mulf %max3A_321, %get3A_19 : vector<16xf32>
        %add3A_323 = arith.addf %add3A_304, %mul3A_322 : vector<16xf32>
        %get3A_324 = arith.index_cast %add3A_190 : i32 to index
        %get3A_325 = arith.constant 112 : index
        %get3A_326 = tpu.vector_load %arg10[%get3A_324, %get3A_325] {strides = array<i32>} : memref<128x128xf32, #tpu.memory_space<vmem>>, vector<1x16xf32>,
        %get3A_327 = vector.shape_cast %get3A_326 : vector<1x16xf32> to vector<16xf32>
        %get3A_328 = arith.index_cast %add3A_190 : i32 to index
        %get3A_329 = arith.constant 112 : index
        %get3A_330 = tpu.vector_load %arg11[%get3A_328, %get3A_329] {strides = array<i32>} : memref<128x128xf32, #tpu.memory_space<vmem>>, vector<1x16xf32>,
        %get3A_331 = vector.shape_cast %get3A_330 : vector<1x16xf32> to vector<16xf32>
        %add3A_332 = arith.addf %get3A_327, %get3A_331 : vector<16xf32>
        %get3A_333 = arith.index_cast %add3A_190 : i32 to index
        %get3A_334 = arith.constant 112 : index
        %get3A_335 = tpu.vector_load %arg12[%get3A_333, %get3A_334] {strides = array<i32>} : memref<128x128xf32, #tpu.memory_space<vmem>>, vector<1x16xf32>,
        %get3A_336 = vector.shape_cast %get3A_335 : vector<1x16xf32> to vector<16xf32>
        %add3A_337 = arith.addf %add3A_332, %get3A_336 : vector<16xf32>
        %max3A_338 = arith.constant 0.000000e+00 : f32
        %max3A_339 = vector.broadcast %max3A_338 : f32 to vector<16xf32>
        %max3A_340 = arith.maximumf %add3A_337, %max3A_339 : vector<16xf32>
        %mul3A_341 = arith.mulf %max3A_340, %get3A_22 : vector<16xf32>
        %add3A_342 = arith.addf %add3A_323, %mul3A_341 : vector<16xf32>
        %swap3A = arith.index_cast %scan3A_185 : i32 to index
        %swap3A_343 = arith.constant 0 : index
        %swap3A_344 = tpu.vector_load %arg13[%swap3A, %swap3A_343] {strides = array<i32>} : memref<16x128xf32, #tpu.memory_space<vmem>>, vector<1x16xf32>,
        %swap3A_345 = vector.shape_cast %swap3A_344 : vector<1x16xf32> to vector<16xf32>
        %swap3A_346 = vector.shape_cast %add3A_342 : vector<16xf32> to vector<1x16xf32>
        tpu.vector_store %arg13[%swap3A, %swap3A_343], %swap3A_346 {strides = array<i32>} : memref<16x128xf32, #tpu.memory_space<vmem>>, vector<1x16xf32>,
        %mul3A_347 = arith.constant 8 : i32
        %mul3A_348 = arith.muli %scan3A_185, %mul3A_347 : i32
        %add3A_349 = arith.constant 1 : i32
        %add3A_350 = arith.addi %mul3A_348, %add3A_349 : i32
        %broadcast_in_dim3A_351 = arith.constant 0.000000e+00 : f32
        %broadcast_in_dim3A_352 = vector.broadcast %broadcast_in_dim3A_351 : f32 to vector<16xf32>
        %get3A_353 = arith.index_cast %add3A_350 : i32 to index
        %get3A_354 = arith.constant 0 : index
        %get3A_355 = tpu.vector_load %arg10[%get3A_353, %get3A_354] {strides = array<i32>} : memref<128x128xf32, #tpu.memory_space<vmem>>, vector<1x16xf32>,
        %get3A_356 = vector.shape_cast %get3A_355 : vector<1x16xf32> to vector<16xf32>
        %get3A_357 = arith.index_cast %add3A_350 : i32 to index
        %get3A_358 = arith.constant 0 : index
        %get3A_359 = tpu.vector_load %arg11[%get3A_357, %get3A_358] {strides = array<i32>} : memref<128x128xf32, #tpu.memory_space<vmem>>, vector<1x16xf32>,
        %get3A_360 = vector.shape_cast %get3A_359 : vector<1x16xf32> to vector<16xf32>
        %add3A_361 = arith.addf %get3A_356, %get3A_360 : vector<16xf32>
        %get3A_362 = arith.index_cast %add3A_350 : i32 to index
        %get3A_363 = arith.constant 0 : index
        %get3A_364 = tpu.vector_load %arg12[%get3A_362, %get3A_363] {strides = array<i32>} : memref<128x128xf32, #tpu.memory_space<vmem>>, vector<1x16xf32>,
        %get3A_365 = vector.shape_cast %get3A_364 : vector<1x16xf32> to vector<16xf32>
        %add3A_366 = arith.addf %add3A_361, %get3A_365 : vector<16xf32>
        %max3A_367 = arith.constant 0.000000e+00 : f32
        %max3A_368 = vector.broadcast %max3A_367 : f32 to vector<16xf32>
        %max3A_369 = arith.maximumf %add3A_366, %max3A_368 : vector<16xf32>
        %mul3A_370 = arith.mulf %max3A_369, %get3A_1 : vector<16xf32>
        %add3A_371 = arith.addf %broadcast_in_dim3A_352, %mul3A_370 : vector<16xf32>
        %get3A_372 = arith.index_cast %add3A_350 : i32 to index
        %get3A_373 = arith.constant 16 : index
        %get3A_374 = tpu.vector_load %arg10[%get3A_372, %get3A_373] {strides = array<i32>} : memref<128x128xf32, #tpu.memory_space<vmem>>, vector<1x16xf32>,
        %get3A_375 = vector.shape_cast %get3A_374 : vector<1x16xf32> to vector<16xf32>
        %get3A_376 = arith.index_cast %add3A_350 : i32 to index
        %get3A_377 = arith.constant 16 : index
        %get3A_378 = tpu.vector_load %arg11[%get3A_376, %get3A_377] {strides = array<i32>} : memref<128x128xf32, #tpu.memory_space<vmem>>, vector<1x16xf32>,
        %get3A_379 = vector.shape_cast %get3A_378 : vector<1x16xf32> to vector<16xf32>
        %add3A_380 = arith.addf %get3A_375, %get3A_379 : vector<16xf32>
        %get3A_381 = arith.index_cast %add3A_350 : i32 to index
        %get3A_382 = arith.constant 16 : index
        %get3A_383 = tpu.vector_load %arg12[%get3A_381, %get3A_382] {strides = array<i32>} : memref<128x128xf32, #tpu.memory_space<vmem>>, vector<1x16xf32>,
        %get3A_384 = vector.shape_cast %get3A_383 : vector<1x16xf32> to vector<16xf32>
        %add3A_385 = arith.addf %add3A_380, %get3A_384 : vector<16xf32>
        %max3A_386 = arith.constant 0.000000e+00 : f32
        %max3A_387 = vector.broadcast %max3A_386 : f32 to vector<16xf32>
        %max3A_388 = arith.maximumf %add3A_385, %max3A_387 : vector<16xf32>
        %mul3A_389 = arith.mulf %max3A_388, %get3A_4 : vector<16xf32>
        %add3A_390 = arith.addf %add3A_371, %mul3A_389 : vector<16xf32>
        %get3A_391 = arith.index_cast %add3A_350 : i32 to index
        %get3A_392 = arith.constant 32 : index
        %get3A_393 = tpu.vector_load %arg10[%get3A_391, %get3A_392] {strides = array<i32>} : memref<128x128xf32, #tpu.memory_space<vmem>>, vector<1x16xf32>,
        %get3A_394 = vector.shape_cast %get3A_393 : vector<1x16xf32> to vector<16xf32>
        %get3A_395 = arith.index_cast %add3A_350 : i32 to index
        %get3A_396 = arith.constant 32 : index
        %get3A_397 = tpu.vector_load %arg11[%get3A_395, %get3A_396] {strides = array<i32>} : memref<128x128xf32, #tpu.memory_space<vmem>>, vector<1x16xf32>,
        %get3A_398 = vector.shape_cast %get3A_397 : vector<1x16xf32> to vector<16xf32>
        %add3A_399 = arith.addf %get3A_394, %get3A_398 : vector<16xf32>
        %get3A_400 = arith.index_cast %add3A_350 : i32 to index
        %get3A_401 = arith.constant 32 : index
        %get3A_402 = tpu.vector_load %arg12[%get3A_400, %get3A_401] {strides = array<i32>} : memref<128x128xf32, #tpu.memory_space<vmem>>, vector<1x16xf32>,
        %get3A_403 = vector.shape_cast %get3A_402 : vector<1x16xf32> to vector<16xf32>
        %add3A_404 = arith.addf %add3A_399, %get3A_403 : vector<16xf32>
        %max3A_405 = arith.constant 0.000000e+00 : f32
        %max3A_406 = vector.broadcast %max3A_405 : f32 to vector<16xf32>
        %max3A_407 = arith.maximumf %add3A_404, %max3A_406 : vector<16xf32>
        %mul3A_408 = arith.mulf %max3A_407, %get3A_7 : vector<16xf32>
        %add3A_409 = arith.addf %add3A_390, %mul3A_408 : vector<16xf32>
        %get3A_410 = arith.index_cast %add3A_350 : i32 to index
        %get3A_411 = arith.constant 48 : index
        %get3A_412 = tpu.vector_load %arg10[%get3A_410, %get3A_411] {strides = array<i32>} : memref<128x128xf32, #tpu.memory_space<vmem>>, vector<1x16xf32>,
        %get3A_413 = vector.shape_cast %get3A_412 : vector<1x16xf32> to vector<16xf32>
        %get3A_414 = arith.index_cast %add3A_350 : i32 to index
        %get3A_415 = arith.constant 48 : index
        %get3A_416 = tpu.vector_load %arg11[%get3A_414, %get3A_415] {strides = array<i32>} : memref<128x128xf32, #tpu.memory_space<vmem>>, vector<1x16xf32>,
        %get3A_417 = vector.shape_cast %get3A_416 : vector<1x16xf32> to vector<16xf32>
        %add3A_418 = arith.addf %get3A_413, %get3A_417 : vector<16xf32>
        %get3A_419 = arith.index_cast %add3A_350 : i32 to index
        %get3A_420 = arith.constant 48 : index
        %get3A_421 = tpu.vector_load %arg12[%get3A_419, %get3A_420] {strides = array<i32>} : memref<128x128xf32, #tpu.memory_space<vmem>>, vector<1x16xf32>,
        %get3A_422 = vector.shape_cast %get3A_421 : vector<1x16xf32> to vector<16xf32>
        %add3A_423 = arith.addf %add3A_418, %get3A_422 : vector<16xf32>
        %max3A_424 = arith.constant 0.000000e+00 : f32
        %max3A_425 = vector.broadcast %max3A_424 : f32 to vector<16xf32>
        %max3A_426 = arith.maximumf %add3A_423, %max3A_425 : vector<16xf32>
        %mul3A_427 = arith.mulf %max3A_426, %get3A_10 : vector<16xf32>
        %add3A_428 = arith.addf %add3A_409, %mul3A_427 : vector<16xf32>
        %get3A_429 = arith.index_cast %add3A_350 : i32 to index
        %get3A_430 = arith.constant 64 : index
        %get3A_431 = tpu.vector_load %arg10[%get3A_429, %get3A_430] {strides = array<i32>} : memref<128x128xf32, #tpu.memory_space<vmem>>, vector<1x16xf32>,
        %get3A_432 = vector.shape_cast %get3A_431 : vector<1x16xf32> to vector<16xf32>
        %get3A_433 = arith.index_cast %add3A_350 : i32 to index
        %get3A_434 = arith.constant 64 : index
        %get3A_435 = tpu.vector_load %arg11[%get3A_433, %get3A_434] {strides = array<i32>} : memref<128x128xf32, #tpu.memory_space<vmem>>, vector<1x16xf32>,
        %get3A_436 = vector.shape_cast %get3A_435 : vector<1x16xf32> to vector<16xf32>
        %add3A_437 = arith.addf %get3A_432, %get3A_436 : vector<16xf32>
        %get3A_438 = arith.index_cast %add3A_350 : i32 to index
        %get3A_439 = arith.constant 64 : index
        %get3A_440 = tpu.vector_load %arg12[%get3A_438, %get3A_439] {strides = array<i32>} : memref<128x128xf32, #tpu.memory_space<vmem>>, vector<1x16xf32>,
        %get3A_441 = vector.shape_cast %get3A_440 : vector<1x16xf32> to vector<16xf32>
        %add3A_442 = arith.addf %add3A_437, %get3A_441 : vector<16xf32>
        %max3A_443 = arith.constant 0.000000e+00 : f32
        %max3A_444 = vector.broadcast %max3A_443 : f32 to vector<16xf32>
        %max3A_445 = arith.maximumf %add3A_442, %max3A_444 : vector<16xf32>
        %mul3A_446 = arith.mulf %max3A_445, %get3A_13 : vector<16xf32>
        %add3A_447 = arith.addf %add3A_428, %mul3A_446 : vector<16xf32>
        %get3A_448 = arith.index_cast %add3A_350 : i32 to index
        %get3A_449 = arith.constant 80 : index
        %get3A_450 = tpu.vector_load %arg10[%get3A_448, %get3A_449] {strides = array<i32>} : memref<128x128xf32, #tpu.memory_space<vmem>>, vector<1x16xf32>,
        %get3A_451 = vector.shape_cast %get3A_450 : vector<1x16xf32> to vector<16xf32>
        %get3A_452 = arith.index_cast %add3A_350 : i32 to index
        %get3A_453 = arith.constant 80 : index
        %get3A_454 = tpu.vector_load %arg11[%get3A_452, %get3A_453] {strides = array<i32>} : memref<128x128xf32, #tpu.memory_space<vmem>>, vector<1x16xf32>,
        %get3A_455 = vector.shape_cast %get3A_454 : vector<1x16xf32> to vector<16xf32>
        %add3A_456 = arith.addf %get3A_451, %get3A_455 : vector<16xf32>
        %get3A_457 = arith.index_cast %add3A_350 : i32 to index
        %get3A_458 = arith.constant 80 : index
        %get3A_459 = tpu.vector_load %arg12[%get3A_457, %get3A_458] {strides = array<i32>} : memref<128x128xf32, #tpu.memory_space<vmem>>, vector<1x16xf32>,
        %get3A_460 = vector.shape_cast %get3A_459 : vector<1x16xf32> to vector<16xf32>
        %add3A_461 = arith.addf %add3A_456, %get3A_460 : vector<16xf32>
        %max3A_462 = arith.constant 0.000000e+00 : f32
        %max3A_463 = vector.broadcast %max3A_462 : f32 to vector<16xf32>
        %max3A_464 = arith.maximumf %add3A_461, %max3A_463 : vector<16xf32>
        %mul3A_465 = arith.mulf %max3A_464, %get3A_16 : vector<16xf32>
        %add3A_466 = arith.addf %add3A_447, %mul3A_465 : vector<16xf32>
        %get3A_467 = arith.index_cast %add3A_350 : i32 to index
        %get3A_468 = arith.constant 96 : index
        %get3A_469 = tpu.vector_load %arg10[%get3A_467, %get3A_468] {strides = array<i32>} : memref<128x128xf32, #tpu.memory_space<vmem>>, vector<1x16xf32>,
        %get3A_470 = vector.shape_cast %get3A_469 : vector<1x16xf32> to vector<16xf32>
        %get3A_471 = arith.index_cast %add3A_350 : i32 to index
        %get3A_472 = arith.constant 96 : index
        %get3A_473 = tpu.vector_load %arg11[%get3A_471, %get3A_472] {strides = array<i32>} : memref<128x128xf32, #tpu.memory_space<vmem>>, vector<1x16xf32>,
        %get3A_474 = vector.shape_cast %get3A_473 : vector<1x16xf32> to vector<16xf32>
        %add3A_475 = arith.addf %get3A_470, %get3A_474 : vector<16xf32>
        %get3A_476 = arith.index_cast %add3A_350 : i32 to index
        %get3A_477 = arith.constant 96 : index
        %get3A_478 = tpu.vector_load %arg12[%get3A_476, %get3A_477] {strides = array<i32>} : memref<128x128xf32, #tpu.memory_space<vmem>>, vector<1x16xf32>,
        %get3A_479 = vector.shape_cast %get3A_478 : vector<1x16xf32> to vector<16xf32>
        %add3A_480 = arith.addf %add3A_475, %get3A_479 : vector<16xf32>
        %max3A_481 = arith.constant 0.000000e+00 : f32
        %max3A_482 = vector.broadcast %max3A_481 : f32 to vector<16xf32>
        %max3A_483 = arith.maximumf %add3A_480, %max3A_482 : vector<16xf32>
        %mul3A_484 = arith.mulf %max3A_483, %get3A_19 : vector<16xf32>
        %add3A_485 = arith.addf %add3A_466, %mul3A_484 : vector<16xf32>
        %get3A_486 = arith.index_cast %add3A_350 : i32 to index
        %get3A_487 = arith.constant 112 : index
        %get3A_488 = tpu.vector_load %arg10[%get3A_486, %get3A_487] {strides = array<i32>} : memref<128x128xf32, #tpu.memory_space<vmem>>, vector<1x16xf32>,
        %get3A_489 = vector.shape_cast %get3A_488 : vector<1x16xf32> to vector<16xf32>
        %get3A_490 = arith.index_cast %add3A_350 : i32 to index
        %get3A_491 = arith.constant 112 : index
        %get3A_492 = tpu.vector_load %arg11[%get3A_490, %get3A_491] {strides = array<i32>} : memref<128x128xf32, #tpu.memory_space<vmem>>, vector<1x16xf32>,
        %get3A_493 = vector.shape_cast %get3A_492 : vector<1x16xf32> to vector<16xf32>
        %add3A_494 = arith.addf %get3A_489, %get3A_493 : vector<16xf32>
        %get3A_495 = arith.index_cast %add3A_350 : i32 to index
        %get3A_496 = arith.constant 112 : index
        %get3A_497 = tpu.vector_load %arg12[%get3A_495, %get3A_496] {strides = array<i32>} : memref<128x128xf32, #tpu.memory_space<vmem>>, vector<1x16xf32>,
        %get3A_498 = vector.shape_cast %get3A_497 : vector<1x16xf32> to vector<16xf32>
        %add3A_499 = arith.addf %add3A_494, %get3A_498 : vector<16xf32>
        %max3A_500 = arith.constant 0.000000e+00 : f32
        %max3A_501 = vector.broadcast %max3A_500 : f32 to vector<16xf32>
        %max3A_502 = arith.maximumf %add3A_499, %max3A_501 : vector<16xf32>
        %mul3A_503 = arith.mulf %max3A_502, %get3A_22 : vector<16xf32>
        %add3A_504 = arith.addf %add3A_485, %mul3A_503 : vector<16xf32>
        %swap3A_505 = arith.index_cast %scan3A_185 : i32 to index
        %swap3A_506 = arith.constant 16 : index
        %swap3A_507 = tpu.vector_load %arg13[%swap3A_505, %swap3A_506] {strides = array<i32>} : memref<16x128xf32, #tpu.memory_space<vmem>>, vector<1x16xf32>,
        %swap3A_508 = vector.shape_cast %swap3A_507 : vector<1x16xf32> to vector<16xf32>
        %swap3A_509 = vector.shape_cast %add3A_504 : vector<16xf32> to vector<1x16xf32>
        tpu.vector_store %arg13[%swap3A_505, %swap3A_506], %swap3A_509 {strides = array<i32>} : memref<16x128xf32, #tpu.memory_space<vmem>>, vector<1x16xf32>,
        %mul3A_510 = arith.constant 8 : i32
        %mul3A_511 = arith.muli %scan3A_185, %mul3A_510 : i32
        %add3A_512 = arith.constant 2 : i32
        %add3A_513 = arith.addi %mul3A_511, %add3A_512 : i32
        %broadcast_in_dim3A_514 = arith.constant 0.000000e+00 : f32
        %broadcast_in_dim3A_515 = vector.broadcast %broadcast_in_dim3A_514 : f32 to vector<16xf32>
        %get3A_516 = arith.index_cast %add3A_513 : i32 to index
        %get3A_517 = arith.constant 0 : index
        %get3A_518 = tpu.vector_load %arg10[%get3A_516, %get3A_517] {strides = array<i32>} : memref<128x128xf32, #tpu.memory_space<vmem>>, vector<1x16xf32>,
        %get3A_519 = vector.shape_cast %get3A_518 : vector<1x16xf32> to vector<16xf32>
        %get3A_520 = arith.index_cast %add3A_513 : i32 to index
        %get3A_521 = arith.constant 0 : index
        %get3A_522 = tpu.vector_load %arg11[%get3A_520, %get3A_521] {strides = array<i32>} : memref<128x128xf32, #tpu.memory_space<vmem>>, vector<1x16xf32>,
        %get3A_523 = vector.shape_cast %get3A_522 : vector<1x16xf32> to vector<16xf32>
        %add3A_524 = arith.addf %get3A_519, %get3A_523 : vector<16xf32>
        %get3A_525 = arith.index_cast %add3A_513 : i32 to index
        %get3A_526 = arith.constant 0 : index
        %get3A_527 = tpu.vector_load %arg12[%get3A_525, %get3A_526] {strides = array<i32>} : memref<128x128xf32, #tpu.memory_space<vmem>>, vector<1x16xf32>,
        %get3A_528 = vector.shape_cast %get3A_527 : vector<1x16xf32> to vector<16xf32>
        %add3A_529 = arith.addf %add3A_524, %get3A_528 : vector<16xf32>
        %max3A_530 = arith.constant 0.000000e+00 : f32
        %max3A_531 = vector.broadcast %max3A_530 : f32 to vector<16xf32>
        %max3A_532 = arith.maximumf %add3A_529, %max3A_531 : vector<16xf32>
        %mul3A_533 = arith.mulf %max3A_532, %get3A_1 : vector<16xf32>
        %add3A_534 = arith.addf %broadcast_in_dim3A_515, %mul3A_533 : vector<16xf32>
        %get3A_535 = arith.index_cast %add3A_513 : i32 to index
        %get3A_536 = arith.constant 16 : index
        %get3A_537 = tpu.vector_load %arg10[%get3A_535, %get3A_536] {strides = array<i32>} : memref<128x128xf32, #tpu.memory_space<vmem>>, vector<1x16xf32>,
        %get3A_538 = vector.shape_cast %get3A_537 : vector<1x16xf32> to vector<16xf32>
        %get3A_539 = arith.index_cast %add3A_513 : i32 to index
        %get3A_540 = arith.constant 16 : index
        %get3A_541 = tpu.vector_load %arg11[%get3A_539, %get3A_540] {strides = array<i32>} : memref<128x128xf32, #tpu.memory_space<vmem>>, vector<1x16xf32>,
        %get3A_542 = vector.shape_cast %get3A_541 : vector<1x16xf32> to vector<16xf32>
        %add3A_543 = arith.addf %get3A_538, %get3A_542 : vector<16xf32>
        %get3A_544 = arith.index_cast %add3A_513 : i32 to index
        %get3A_545 = arith.constant 16 : index
        %get3A_546 = tpu.vector_load %arg12[%get3A_544, %get3A_545] {strides = array<i32>} : memref<128x128xf32, #tpu.memory_space<vmem>>, vector<1x16xf32>,
        %get3A_547 = vector.shape_cast %get3A_546 : vector<1x16xf32> to vector<16xf32>
        %add3A_548 = arith.addf %add3A_543, %get3A_547 : vector<16xf32>
        %max3A_549 = arith.constant 0.000000e+00 : f32
        %max3A_550 = vector.broadcast %max3A_549 : f32 to vector<16xf32>
        %max3A_551 = arith.maximumf %add3A_548, %max3A_550 : vector<16xf32>
        %mul3A_552 = arith.mulf %max3A_551, %get3A_4 : vector<16xf32>
        %add3A_553 = arith.addf %add3A_534, %mul3A_552 : vector<16xf32>
        %get3A_554 = arith.index_cast %add3A_513 : i32 to index
        %get3A_555 = arith.constant 32 : index
        %get3A_556 = tpu.vector_load %arg10[%get3A_554, %get3A_555] {strides = array<i32>} : memref<128x128xf32, #tpu.memory_space<vmem>>, vector<1x16xf32>,
        %get3A_557 = vector.shape_cast %get3A_556 : vector<1x16xf32> to vector<16xf32>
        %get3A_558 = arith.index_cast %add3A_513 : i32 to index
        %get3A_559 = arith.constant 32 : index
        %get3A_560 = tpu.vector_load %arg11[%get3A_558, %get3A_559] {strides = array<i32>} : memref<128x128xf32, #tpu.memory_space<vmem>>, vector<1x16xf32>,
        %get3A_561 = vector.shape_cast %get3A_560 : vector<1x16xf32> to vector<16xf32>
        %add3A_562 = arith.addf %get3A_557, %get3A_561 : vector<16xf32>
        %get3A_563 = arith.index_cast %add3A_513 : i32 to index
        %get3A_564 = arith.constant 32 : index
        %get3A_565 = tpu.vector_load %arg12[%get3A_563, %get3A_564] {strides = array<i32>} : memref<128x128xf32, #tpu.memory_space<vmem>>, vector<1x16xf32>,
        %get3A_566 = vector.shape_cast %get3A_565 : vector<1x16xf32> to vector<16xf32>
        %add3A_567 = arith.addf %add3A_562, %get3A_566 : vector<16xf32>
        %max3A_568 = arith.constant 0.000000e+00 : f32
        %max3A_569 = vector.broadcast %max3A_568 : f32 to vector<16xf32>
        %max3A_570 = arith.maximumf %add3A_567, %max3A_569 : vector<16xf32>
        %mul3A_571 = arith.mulf %max3A_570, %get3A_7 : vector<16xf32>
        %add3A_572 = arith.addf %add3A_553, %mul3A_571 : vector<16xf32>
        %get3A_573 = arith.index_cast %add3A_513 : i32 to index
        %get3A_574 = arith.constant 48 : index
        %get3A_575 = tpu.vector_load %arg10[%get3A_573, %get3A_574] {strides = array<i32>} : memref<128x128xf32, #tpu.memory_space<vmem>>, vector<1x16xf32>,
        %get3A_576 = vector.shape_cast %get3A_575 : vector<1x16xf32> to vector<16xf32>
        %get3A_577 = arith.index_cast %add3A_513 : i32 to index
        %get3A_578 = arith.constant 48 : index
        %get3A_579 = tpu.vector_load %arg11[%get3A_577, %get3A_578] {strides = array<i32>} : memref<128x128xf32, #tpu.memory_space<vmem>>, vector<1x16xf32>,
        %get3A_580 = vector.shape_cast %get3A_579 : vector<1x16xf32> to vector<16xf32>
        %add3A_581 = arith.addf %get3A_576, %get3A_580 : vector<16xf32>
        %get3A_582 = arith.index_cast %add3A_513 : i32 to index
        %get3A_583 = arith.constant 48 : index
        %get3A_584 = tpu.vector_load %arg12[%get3A_582, %get3A_583] {strides = array<i32>} : memref<128x128xf32, #tpu.memory_space<vmem>>, vector<1x16xf32>,
        %get3A_585 = vector.shape_cast %get3A_584 : vector<1x16xf32> to vector<16xf32>
        %add3A_586 = arith.addf %add3A_581, %get3A_585 : vector<16xf32>
        %max3A_587 = arith.constant 0.000000e+00 : f32
        %max3A_588 = vector.broadcast %max3A_587 : f32 to vector<16xf32>
        %max3A_589 = arith.maximumf %add3A_586, %max3A_588 : vector<16xf32>
        %mul3A_590 = arith.mulf %max3A_589, %get3A_10 : vector<16xf32>
        %add3A_591 = arith.addf %add3A_572, %mul3A_590 : vector<16xf32>
        %get3A_592 = arith.index_cast %add3A_513 : i32 to index
        %get3A_593 = arith.constant 64 : index
        %get3A_594 = tpu.vector_load %arg10[%get3A_592, %get3A_593] {strides = array<i32>} : memref<128x128xf32, #tpu.memory_space<vmem>>, vector<1x16xf32>,
        %get3A_595 = vector.shape_cast %get3A_594 : vector<1x16xf32> to vector<16xf32>
        %get3A_596 = arith.index_cast %add3A_513 : i32 to index
        %get3A_597 = arith.constant 64 : index
        %get3A_598 = tpu.vector_load %arg11[%get3A_596, %get3A_597] {strides = array<i32>} : memref<128x128xf32, #tpu.memory_space<vmem>>, vector<1x16xf32>,
        %get3A_599 = vector.shape_cast %get3A_598 : vector<1x16xf32> to vector<16xf32>
        %add3A_600 = arith.addf %get3A_595, %get3A_599 : vector<16xf32>
        %get3A_601 = arith.index_cast %add3A_513 : i32 to index
        %get3A_602 = arith.constant 64 : index
        %get3A_603 = tpu.vector_load %arg12[%get3A_601, %get3A_602] {strides = array<i32>} : memref<128x128xf32, #tpu.memory_space<vmem>>, vector<1x16xf32>,
        %get3A_604 = vector.shape_cast %get3A_603 : vector<1x16xf32> to vector<16xf32>
        %add3A_605 = arith.addf %add3A_600, %get3A_604 : vector<16xf32>
        %max3A_606 = arith.constant 0.000000e+00 : f32
        %max3A_607 = vector.broadcast %max3A_606 : f32 to vector<16xf32>
        %max3A_608 = arith.maximumf %add3A_605, %max3A_607 : vector<16xf32>
        %mul3A_609 = arith.mulf %max3A_608, %get3A_13 : vector<16xf32>
        %add3A_610 = arith.addf %add3A_591, %mul3A_609 : vector<16xf32>
        %get3A_611 = arith.index_cast %add3A_513 : i32 to index
        %get3A_612 = arith.constant 80 : index
        %get3A_613 = tpu.vector_load %arg10[%get3A_611, %get3A_612] {strides = array<i32>} : memref<128x128xf32, #tpu.memory_space<vmem>>, vector<1x16xf32>,
        %get3A_614 = vector.shape_cast %get3A_613 : vector<1x16xf32> to vector<16xf32>
        %get3A_615 = arith.index_cast %add3A_513 : i32 to index
        %get3A_616 = arith.constant 80 : index
        %get3A_617 = tpu.vector_load %arg11[%get3A_615, %get3A_616] {strides = array<i32>} : memref<128x128xf32, #tpu.memory_space<vmem>>, vector<1x16xf32>,
        %get3A_618 = vector.shape_cast %get3A_617 : vector<1x16xf32> to vector<16xf32>
        %add3A_619 = arith.addf %get3A_614, %get3A_618 : vector<16xf32>
        %get3A_620 = arith.index_cast %add3A_513 : i32 to index
        %get3A_621 = arith.constant 80 : index
        %get3A_622 = tpu.vector_load %arg12[%get3A_620, %get3A_621] {strides = array<i32>} : memref<128x128xf32, #tpu.memory_space<vmem>>, vector<1x16xf32>,
        %get3A_623 = vector.shape_cast %get3A_622 : vector<1x16xf32> to vector<16xf32>
        %add3A_624 = arith.addf %add3A_619, %get3A_623 : vector<16xf32>
        %max3A_625 = arith.constant 0.000000e+00 : f32
        %max3A_626 = vector.broadcast %max3A_625 : f32 to vector<16xf32>
        %max3A_627 = arith.maximumf %add3A_624, %max3A_626 : vector<16xf32>
        %mul3A_628 = arith.mulf %max3A_627, %get3A_16 : vector<16xf32>
        %add3A_629 = arith.addf %add3A_610, %mul3A_628 : vector<16xf32>
        %get3A_630 = arith.index_cast %add3A_513 : i32 to index
        %get3A_631 = arith.constant 96 : index
        %get3A_632 = tpu.vector_load %arg10[%get3A_630, %get3A_631] {strides = array<i32>} : memref<128x128xf32, #tpu.memory_space<vmem>>, vector<1x16xf32>,
        %get3A_633 = vector.shape_cast %get3A_632 : vector<1x16xf32> to vector<16xf32>
        %get3A_634 = arith.index_cast %add3A_513 : i32 to index
        %get3A_635 = arith.constant 96 : index
        %get3A_636 = tpu.vector_load %arg11[%get3A_634, %get3A_635] {strides = array<i32>} : memref<128x128xf32, #tpu.memory_space<vmem>>, vector<1x16xf32>,
        %get3A_637 = vector.shape_cast %get3A_636 : vector<1x16xf32> to vector<16xf32>
        %add3A_638 = arith.addf %get3A_633, %get3A_637 : vector<16xf32>
        %get3A_639 = arith.index_cast %add3A_513 : i32 to index
        %get3A_640 = arith.constant 96 : index
        %get3A_641 = tpu.vector_load %arg12[%get3A_639, %get3A_640] {strides = array<i32>} : memref<128x128xf32, #tpu.memory_space<vmem>>, vector<1x16xf32>,
        %get3A_642 = vector.shape_cast %get3A_641 : vector<1x16xf32> to vector<16xf32>
        %add3A_643 = arith.addf %add3A_638, %get3A_642 : vector<16xf32>
        %max3A_644 = arith.constant 0.000000e+00 : f32
        %max3A_645 = vector.broadcast %max3A_644 : f32 to vector<16xf32>
        %max3A_646 = arith.maximumf %add3A_643, %max3A_645 : vector<16xf32>
        %mul3A_647 = arith.mulf %max3A_646, %get3A_19 : vector<16xf32>
        %add3A_648 = arith.addf %add3A_629, %mul3A_647 : vector<16xf32>
        %get3A_649 = arith.index_cast %add3A_513 : i32 to index
        %get3A_650 = arith.constant 112 : index
        %get3A_651 = tpu.vector_load %arg10[%get3A_649, %get3A_650] {strides = array<i32>} : memref<128x128xf32, #tpu.memory_space<vmem>>, vector<1x16xf32>,
        %get3A_652 = vector.shape_cast %get3A_651 : vector<1x16xf32> to vector<16xf32>
        %get3A_653 = arith.index_cast %add3A_513 : i32 to index
        %get3A_654 = arith.constant 112 : index
        %get3A_655 = tpu.vector_load %arg11[%get3A_653, %get3A_654] {strides = array<i32>} : memref<128x128xf32, #tpu.memory_space<vmem>>, vector<1x16xf32>,
        %get3A_656 = vector.shape_cast %get3A_655 : vector<1x16xf32> to vector<16xf32>
        %add3A_657 = arith.addf %get3A_652, %get3A_656 : vector<16xf32>
        %get3A_658 = arith.index_cast %add3A_513 : i32 to index
        %get3A_659 = arith.constant 112 : index
        %get3A_660 = tpu.vector_load %arg12[%get3A_658, %get3A_659] {strides = array<i32>} : memref<128x128xf32, #tpu.memory_space<vmem>>, vector<1x16xf32>,
        %get3A_661 = vector.shape_cast %get3A_660 : vector<1x16xf32> to vector<16xf32>
        %add3A_662 = arith.addf %add3A_657, %get3A_661 : vector<16xf32>
        %max3A_663 = arith.constant 0.000000e+00 : f32
        %max3A_664 = vector.broadcast %max3A_663 : f32 to vector<16xf32>
        %max3A_665 = arith.maximumf %add3A_662, %max3A_664 : vector<16xf32>
        %mul3A_666 = arith.mulf %max3A_665, %get3A_22 : vector<16xf32>
        %add3A_667 = arith.addf %add3A_648, %mul3A_666 : vector<16xf32>
        %swap3A_668 = arith.index_cast %scan3A_185 : i32 to index
        %swap3A_669 = arith.constant 32 : index
        %swap3A_670 = tpu.vector_load %arg13[%swap3A_668, %swap3A_669] {strides = array<i32>} : memref<16x128xf32, #tpu.memory_space<vmem>>, vector<1x16xf32>,
        %swap3A_671 = vector.shape_cast %swap3A_670 : vector<1x16xf32> to vector<16xf32>
        %swap3A_672 = vector.shape_cast %add3A_667 : vector<16xf32> to vector<1x16xf32>
        tpu.vector_store %arg13[%swap3A_668, %swap3A_669], %swap3A_672 {strides = array<i32>} : memref<16x128xf32, #tpu.memory_space<vmem>>, vector<1x16xf32>,
        %mul3A_673 = arith.constant 8 : i32
        %mul3A_674 = arith.muli %scan3A_185, %mul3A_673 : i32
        %add3A_675 = arith.constant 3 : i32
        %add3A_676 = arith.addi %mul3A_674, %add3A_675 : i32
        %broadcast_in_dim3A_677 = arith.constant 0.000000e+00 : f32
        %broadcast_in_dim3A_678 = vector.broadcast %broadcast_in_dim3A_677 : f32 to vector<16xf32>
        %get3A_679 = arith.index_cast %add3A_676 : i32 to index
        %get3A_680 = arith.constant 0 : index
        %get3A_681 = tpu.vector_load %arg10[%get3A_679, %get3A_680] {strides = array<i32>} : memref<128x128xf32, #tpu.memory_space<vmem>>, vector<1x16xf32>,
        %get3A_682 = vector.shape_cast %get3A_681 : vector<1x16xf32> to vector<16xf32>
        %get3A_683 = arith.index_cast %add3A_676 : i32 to index
        %get3A_684 = arith.constant 0 : index
        %get3A_685 = tpu.vector_load %arg11[%get3A_683, %get3A_684] {strides = array<i32>} : memref<128x128xf32, #tpu.memory_space<vmem>>, vector<1x16xf32>,
        %get3A_686 = vector.shape_cast %get3A_685 : vector<1x16xf32> to vector<16xf32>
        %add3A_687 = arith.addf %get3A_682, %get3A_686 : vector<16xf32>
        %get3A_688 = arith.index_cast %add3A_676 : i32 to index
        %get3A_689 = arith.constant 0 : index
        %get3A_690 = tpu.vector_load %arg12[%get3A_688, %get3A_689] {strides = array<i32>} : memref<128x128xf32, #tpu.memory_space<vmem>>, vector<1x16xf32>,
        %get3A_691 = vector.shape_cast %get3A_690 : vector<1x16xf32> to vector<16xf32>
        %add3A_692 = arith.addf %add3A_687, %get3A_691 : vector<16xf32>
        %max3A_693 = arith.constant 0.000000e+00 : f32
        %max3A_694 = vector.broadcast %max3A_693 : f32 to vector<16xf32>
        %max3A_695 = arith.maximumf %add3A_692, %max3A_694 : vector<16xf32>
        %mul3A_696 = arith.mulf %max3A_695, %get3A_1 : vector<16xf32>
        %add3A_697 = arith.addf %broadcast_in_dim3A_678, %mul3A_696 : vector<16xf32>
        %get3A_698 = arith.index_cast %add3A_676 : i32 to index
        %get3A_699 = arith.constant 16 : index
        %get3A_700 = tpu.vector_load %arg10[%get3A_698, %get3A_699] {strides = array<i32>} : memref<128x128xf32, #tpu.memory_space<vmem>>, vector<1x16xf32>,
        %get3A_701 = vector.shape_cast %get3A_700 : vector<1x16xf32> to vector<16xf32>
        %get3A_702 = arith.index_cast %add3A_676 : i32 to index
        %get3A_703 = arith.constant 16 : index
        %get3A_704 = tpu.vector_load %arg11[%get3A_702, %get3A_703] {strides = array<i32>} : memref<128x128xf32, #tpu.memory_space<vmem>>, vector<1x16xf32>,
        %get3A_705 = vector.shape_cast %get3A_704 : vector<1x16xf32> to vector<16xf32>
        %add3A_706 = arith.addf %get3A_701, %get3A_705 : vector<16xf32>
        %get3A_707 = arith.index_cast %add3A_676 : i32 to index
        %get3A_708 = arith.constant 16 : index
        %get3A_709 = tpu.vector_load %arg12[%get3A_707, %get3A_708] {strides = array<i32>} : memref<128x128xf32, #tpu.memory_space<vmem>>, vector<1x16xf32>,
        %get3A_710 = vector.shape_cast %get3A_709 : vector<1x16xf32> to vector<16xf32>
        %add3A_711 = arith.addf %add3A_706, %get3A_710 : vector<16xf32>
        %max3A_712 = arith.constant 0.000000e+00 : f32
        %max3A_713 = vector.broadcast %max3A_712 : f32 to vector<16xf32>
        %max3A_714 = arith.maximumf %add3A_711, %max3A_713 : vector<16xf32>
        %mul3A_715 = arith.mulf %max3A_714, %get3A_4 : vector<16xf32>
        %add3A_716 = arith.addf %add3A_697, %mul3A_715 : vector<16xf32>
        %get3A_717 = arith.index_cast %add3A_676 : i32 to index
        %get3A_718 = arith.constant 32 : index
        %get3A_719 = tpu.vector_load %arg10[%get3A_717, %get3A_718] {strides = array<i32>} : memref<128x128xf32, #tpu.memory_space<vmem>>, vector<1x16xf32>,
        %get3A_720 = vector.shape_cast %get3A_719 : vector<1x16xf32> to vector<16xf32>
        %get3A_721 = arith.index_cast %add3A_676 : i32 to index
        %get3A_722 = arith.constant 32 : index
        %get3A_723 = tpu.vector_load %arg11[%get3A_721, %get3A_722] {strides = array<i32>} : memref<128x128xf32, #tpu.memory_space<vmem>>, vector<1x16xf32>,
        %get3A_724 = vector.shape_cast %get3A_723 : vector<1x16xf32> to vector<16xf32>
        %add3A_725 = arith.addf %get3A_720, %get3A_724 : vector<16xf32>
        %get3A_726 = arith.index_cast %add3A_676 : i32 to index
        %get3A_727 = arith.constant 32 : index
        %get3A_728 = tpu.vector_load %arg12[%get3A_726, %get3A_727] {strides = array<i32>} : memref<128x128xf32, #tpu.memory_space<vmem>>, vector<1x16xf32>,
        %get3A_729 = vector.shape_cast %get3A_728 : vector<1x16xf32> to vector<16xf32>
        %add3A_730 = arith.addf %add3A_725, %get3A_729 : vector<16xf32>
        %max3A_731 = arith.constant 0.000000e+00 : f32
        %max3A_732 = vector.broadcast %max3A_731 : f32 to vector<16xf32>
        %max3A_733 = arith.maximumf %add3A_730, %max3A_732 : vector<16xf32>
        %mul3A_734 = arith.mulf %max3A_733, %get3A_7 : vector<16xf32>
        %add3A_735 = arith.addf %add3A_716, %mul3A_734 : vector<16xf32>
        %get3A_736 = arith.index_cast %add3A_676 : i32 to index
        %get3A_737 = arith.constant 48 : index
        %get3A_738 = tpu.vector_load %arg10[%get3A_736, %get3A_737] {strides = array<i32>} : memref<128x128xf32, #tpu.memory_space<vmem>>, vector<1x16xf32>,
        %get3A_739 = vector.shape_cast %get3A_738 : vector<1x16xf32> to vector<16xf32>
        %get3A_740 = arith.index_cast %add3A_676 : i32 to index
        %get3A_741 = arith.constant 48 : index
        %get3A_742 = tpu.vector_load %arg11[%get3A_740, %get3A_741] {strides = array<i32>} : memref<128x128xf32, #tpu.memory_space<vmem>>, vector<1x16xf32>,
        %get3A_743 = vector.shape_cast %get3A_742 : vector<1x16xf32> to vector<16xf32>
        %add3A_744 = arith.addf %get3A_739, %get3A_743 : vector<16xf32>
        %get3A_745 = arith.index_cast %add3A_676 : i32 to index
        %get3A_746 = arith.constant 48 : index
        %get3A_747 = tpu.vector_load %arg12[%get3A_745, %get3A_746] {strides = array<i32>} : memref<128x128xf32, #tpu.memory_space<vmem>>, vector<1x16xf32>,
        %get3A_748 = vector.shape_cast %get3A_747 : vector<1x16xf32> to vector<16xf32>
        %add3A_749 = arith.addf %add3A_744, %get3A_748 : vector<16xf32>
        %max3A_750 = arith.constant 0.000000e+00 : f32
        %max3A_751 = vector.broadcast %max3A_750 : f32 to vector<16xf32>
        %max3A_752 = arith.maximumf %add3A_749, %max3A_751 : vector<16xf32>
        %mul3A_753 = arith.mulf %max3A_752, %get3A_10 : vector<16xf32>
        %add3A_754 = arith.addf %add3A_735, %mul3A_753 : vector<16xf32>
        %get3A_755 = arith.index_cast %add3A_676 : i32 to index
        %get3A_756 = arith.constant 64 : index
        %get3A_757 = tpu.vector_load %arg10[%get3A_755, %get3A_756] {strides = array<i32>} : memref<128x128xf32, #tpu.memory_space<vmem>>, vector<1x16xf32>,
        %get3A_758 = vector.shape_cast %get3A_757 : vector<1x16xf32> to vector<16xf32>
        %get3A_759 = arith.index_cast %add3A_676 : i32 to index
        %get3A_760 = arith.constant 64 : index
        %get3A_761 = tpu.vector_load %arg11[%get3A_759, %get3A_760] {strides = array<i32>} : memref<128x128xf32, #tpu.memory_space<vmem>>, vector<1x16xf32>,
        %get3A_762 = vector.shape_cast %get3A_761 : vector<1x16xf32> to vector<16xf32>
        %add3A_763 = arith.addf %get3A_758, %get3A_762 : vector<16xf32>
        %get3A_764 = arith.index_cast %add3A_676 : i32 to index
        %get3A_765 = arith.constant 64 : index
        %get3A_766 = tpu.vector_load %arg12[%get3A_764, %get3A_765] {strides = array<i32>} : memref<128x128xf32, #tpu.memory_space<vmem>>, vector<1x16xf32>,
        %get3A_767 = vector.shape_cast %get3A_766 : vector<1x16xf32> to vector<16xf32>
        %add3A_768 = arith.addf %add3A_763, %get3A_767 : vector<16xf32>
        %max3A_769 = arith.constant 0.000000e+00 : f32
        %max3A_770 = vector.broadcast %max3A_769 : f32 to vector<16xf32>
        %max3A_771 = arith.maximumf %add3A_768, %max3A_770 : vector<16xf32>
        %mul3A_772 = arith.mulf %max3A_771, %get3A_13 : vector<16xf32>
        %add3A_773 = arith.addf %add3A_754, %mul3A_772 : vector<16xf32>
        %get3A_774 = arith.index_cast %add3A_676 : i32 to index
        %get3A_775 = arith.constant 80 : index
        %get3A_776 = tpu.vector_load %arg10[%get3A_774, %get3A_775] {strides = array<i32>} : memref<128x128xf32, #tpu.memory_space<vmem>>, vector<1x16xf32>,
        %get3A_777 = vector.shape_cast %get3A_776 : vector<1x16xf32> to vector<16xf32>
        %get3A_778 = arith.index_cast %add3A_676 : i32 to index
        %get3A_779 = arith.constant 80 : index
        %get3A_780 = tpu.vector_load %arg11[%get3A_778, %get3A_779] {strides = array<i32>} : memref<128x128xf32, #tpu.memory_space<vmem>>, vector<1x16xf32>,
        %get3A_781 = vector.shape_cast %get3A_780 : vector<1x16xf32> to vector<16xf32>
        %add3A_782 = arith.addf %get3A_777, %get3A_781 : vector<16xf32>
        %get3A_783 = arith.index_cast %add3A_676 : i32 to index
        %get3A_784 = arith.constant 80 : index
        %get3A_785 = tpu.vector_load %arg12[%get3A_783, %get3A_784] {strides = array<i32>} : memref<128x128xf32, #tpu.memory_space<vmem>>, vector<1x16xf32>,
        %get3A_786 = vector.shape_cast %get3A_785 : vector<1x16xf32> to vector<16xf32>
        %add3A_787 = arith.addf %add3A_782, %get3A_786 : vector<16xf32>
        %max3A_788 = arith.constant 0.000000e+00 : f32
        %max3A_789 = vector.broadcast %max3A_788 : f32 to vector<16xf32>
        %max3A_790 = arith.maximumf %add3A_787, %max3A_789 : vector<16xf32>
        %mul3A_791 = arith.mulf %max3A_790, %get3A_16 : vector<16xf32>
        %add3A_792 = arith.addf %add3A_773, %mul3A_791 : vector<16xf32>
        %get3A_793 = arith.index_cast %add3A_676 : i32 to index
        %get3A_794 = arith.constant 96 : index
        %get3A_795 = tpu.vector_load %arg10[%get3A_793, %get3A_794] {strides = array<i32>} : memref<128x128xf32, #tpu.memory_space<vmem>>, vector<1x16xf32>,
        %get3A_796 = vector.shape_cast %get3A_795 : vector<1x16xf32> to vector<16xf32>
        %get3A_797 = arith.index_cast %add3A_676 : i32 to index
        %get3A_798 = arith.constant 96 : index
        %get3A_799 = tpu.vector_load %arg11[%get3A_797, %get3A_798] {strides = array<i32>} : memref<128x128xf32, #tpu.memory_space<vmem>>, vector<1x16xf32>,
        %get3A_800 = vector.shape_cast %get3A_799 : vector<1x16xf32> to vector<16xf32>
        %add3A_801 = arith.addf %get3A_796, %get3A_800 : vector<16xf32>
        %get3A_802 = arith.index_cast %add3A_676 : i32 to index
        %get3A_803 = arith.constant 96 : index
        %get3A_804 = tpu.vector_load %arg12[%get3A_802, %get3A_803] {strides = array<i32>} : memref<128x128xf32, #tpu.memory_space<vmem>>, vector<1x16xf32>,
        %get3A_805 = vector.shape_cast %get3A_804 : vector<1x16xf32> to vector<16xf32>
        %add3A_806 = arith.addf %add3A_801, %get3A_805 : vector<16xf32>
        %max3A_807 = arith.constant 0.000000e+00 : f32
        %max3A_808 = vector.broadcast %max3A_807 : f32 to vector<16xf32>
        %max3A_809 = arith.maximumf %add3A_806, %max3A_808 : vector<16xf32>
        %mul3A_810 = arith.mulf %max3A_809, %get3A_19 : vector<16xf32>
        %add3A_811 = arith.addf %add3A_792, %mul3A_810 : vector<16xf32>
        %get3A_812 = arith.index_cast %add3A_676 : i32 to index
        %get3A_813 = arith.constant 112 : index
        %get3A_814 = tpu.vector_load %arg10[%get3A_812, %get3A_813] {strides = array<i32>} : memref<128x128xf32, #tpu.memory_space<vmem>>, vector<1x16xf32>,
        %get3A_815 = vector.shape_cast %get3A_814 : vector<1x16xf32> to vector<16xf32>
        %get3A_816 = arith.index_cast %add3A_676 : i32 to index
        %get3A_817 = arith.constant 112 : index
        %get3A_818 = tpu.vector_load %arg11[%get3A_816, %get3A_817] {strides = array<i32>} : memref<128x128xf32, #tpu.memory_space<vmem>>, vector<1x16xf32>,
        %get3A_819 = vector.shape_cast %get3A_818 : vector<1x16xf32> to vector<16xf32>
        %add3A_820 = arith.addf %get3A_815, %get3A_819 : vector<16xf32>
        %get3A_821 = arith.index_cast %add3A_676 : i32 to index
        %get3A_822 = arith.constant 112 : index
        %get3A_823 = tpu.vector_load %arg12[%get3A_821, %get3A_822] {strides = array<i32>} : memref<128x128xf32, #tpu.memory_space<vmem>>, vector<1x16xf32>,
        %get3A_824 = vector.shape_cast %get3A_823 : vector<1x16xf32> to vector<16xf32>
        %add3A_825 = arith.addf %add3A_820, %get3A_824 : vector<16xf32>
        %max3A_826 = arith.constant 0.000000e+00 : f32
        %max3A_827 = vector.broadcast %max3A_826 : f32 to vector<16xf32>
        %max3A_828 = arith.maximumf %add3A_825, %max3A_827 : vector<16xf32>
        %mul3A_829 = arith.mulf %max3A_828, %get3A_22 : vector<16xf32>
        %add3A_830 = arith.addf %add3A_811, %mul3A_829 : vector<16xf32>
        %swap3A_831 = arith.index_cast %scan3A_185 : i32 to index
        %swap3A_832 = arith.constant 48 : index
        %swap3A_833 = tpu.vector_load %arg13[%swap3A_831, %swap3A_832] {strides = array<i32>} : memref<16x128xf32, #tpu.memory_space<vmem>>, vector<1x16xf32>,
        %swap3A_834 = vector.shape_cast %swap3A_833 : vector<1x16xf32> to vector<16xf32>
        %swap3A_835 = vector.shape_cast %add3A_830 : vector<16xf32> to vector<1x16xf32>
        tpu.vector_store %arg13[%swap3A_831, %swap3A_832], %swap3A_835 {strides = array<i32>} : memref<16x128xf32, #tpu.memory_space<vmem>>, vector<1x16xf32>,
        %mul3A_836 = arith.constant 8 : i32
        %mul3A_837 = arith.muli %scan3A_185, %mul3A_836 : i32
        %add3A_838 = arith.constant 4 : i32
        %add3A_839 = arith.addi %mul3A_837, %add3A_838 : i32
        %broadcast_in_dim3A_840 = arith.constant 0.000000e+00 : f32
        %broadcast_in_dim3A_841 = vector.broadcast %broadcast_in_dim3A_840 : f32 to vector<16xf32>
        %get3A_842 = arith.index_cast %add3A_839 : i32 to index
        %get3A_843 = arith.constant 0 : index
        %get3A_844 = tpu.vector_load %arg10[%get3A_842, %get3A_843] {strides = array<i32>} : memref<128x128xf32, #tpu.memory_space<vmem>>, vector<1x16xf32>,
        %get3A_845 = vector.shape_cast %get3A_844 : vector<1x16xf32> to vector<16xf32>
        %get3A_846 = arith.index_cast %add3A_839 : i32 to index
        %get3A_847 = arith.constant 0 : index
        %get3A_848 = tpu.vector_load %arg11[%get3A_846, %get3A_847] {strides = array<i32>} : memref<128x128xf32, #tpu.memory_space<vmem>>, vector<1x16xf32>,
        %get3A_849 = vector.shape_cast %get3A_848 : vector<1x16xf32> to vector<16xf32>
        %add3A_850 = arith.addf %get3A_845, %get3A_849 : vector<16xf32>
        %get3A_851 = arith.index_cast %add3A_839 : i32 to index
        %get3A_852 = arith.constant 0 : index
        %get3A_853 = tpu.vector_load %arg12[%get3A_851, %get3A_852] {strides = array<i32>} : memref<128x128xf32, #tpu.memory_space<vmem>>, vector<1x16xf32>,
        %get3A_854 = vector.shape_cast %get3A_853 : vector<1x16xf32> to vector<16xf32>
        %add3A_855 = arith.addf %add3A_850, %get3A_854 : vector<16xf32>
        %max3A_856 = arith.constant 0.000000e+00 : f32
        %max3A_857 = vector.broadcast %max3A_856 : f32 to vector<16xf32>
        %max3A_858 = arith.maximumf %add3A_855, %max3A_857 : vector<16xf32>
        %mul3A_859 = arith.mulf %max3A_858, %get3A_1 : vector<16xf32>
        %add3A_860 = arith.addf %broadcast_in_dim3A_841, %mul3A_859 : vector<16xf32>
        %get3A_861 = arith.index_cast %add3A_839 : i32 to index
        %get3A_862 = arith.constant 16 : index
        %get3A_863 = tpu.vector_load %arg10[%get3A_861, %get3A_862] {strides = array<i32>} : memref<128x128xf32, #tpu.memory_space<vmem>>, vector<1x16xf32>,
        %get3A_864 = vector.shape_cast %get3A_863 : vector<1x16xf32> to vector<16xf32>
        %get3A_865 = arith.index_cast %add3A_839 : i32 to index
        %get3A_866 = arith.constant 16 : index
        %get3A_867 = tpu.vector_load %arg11[%get3A_865, %get3A_866] {strides = array<i32>} : memref<128x128xf32, #tpu.memory_space<vmem>>, vector<1x16xf32>,
        %get3A_868 = vector.shape_cast %get3A_867 : vector<1x16xf32> to vector<16xf32>
        %add3A_869 = arith.addf %get3A_864, %get3A_868 : vector<16xf32>
        %get3A_870 = arith.index_cast %add3A_839 : i32 to index
        %get3A_871 = arith.constant 16 : index
        %get3A_872 = tpu.vector_load %arg12[%get3A_870, %get3A_871] {strides = array<i32>} : memref<128x128xf32, #tpu.memory_space<vmem>>, vector<1x16xf32>,
        %get3A_873 = vector.shape_cast %get3A_872 : vector<1x16xf32> to vector<16xf32>
        %add3A_874 = arith.addf %add3A_869, %get3A_873 : vector<16xf32>
        %max3A_875 = arith.constant 0.000000e+00 : f32
        %max3A_876 = vector.broadcast %max3A_875 : f32 to vector<16xf32>
        %max3A_877 = arith.maximumf %add3A_874, %max3A_876 : vector<16xf32>
        %mul3A_878 = arith.mulf %max3A_877, %get3A_4 : vector<16xf32>
        %add3A_879 = arith.addf %add3A_860, %mul3A_878 : vector<16xf32>
        %get3A_880 = arith.index_cast %add3A_839 : i32 to index
        %get3A_881 = arith.constant 32 : index
        %get3A_882 = tpu.vector_load %arg10[%get3A_880, %get3A_881] {strides = array<i32>} : memref<128x128xf32, #tpu.memory_space<vmem>>, vector<1x16xf32>,
        %get3A_883 = vector.shape_cast %get3A_882 : vector<1x16xf32> to vector<16xf32>
        %get3A_884 = arith.index_cast %add3A_839 : i32 to index
        %get3A_885 = arith.constant 32 : index
        %get3A_886 = tpu.vector_load %arg11[%get3A_884, %get3A_885] {strides = array<i32>} : memref<128x128xf32, #tpu.memory_space<vmem>>, vector<1x16xf32>,
        %get3A_887 = vector.shape_cast %get3A_886 : vector<1x16xf32> to vector<16xf32>
        %add3A_888 = arith.addf %get3A_883, %get3A_887 : vector<16xf32>
        %get3A_889 = arith.index_cast %add3A_839 : i32 to index
        %get3A_890 = arith.constant 32 : index
        %get3A_891 = tpu.vector_load %arg12[%get3A_889, %get3A_890] {strides = array<i32>} : memref<128x128xf32, #tpu.memory_space<vmem>>, vector<1x16xf32>,
        %get3A_892 = vector.shape_cast %get3A_891 : vector<1x16xf32> to vector<16xf32>
        %add3A_893 = arith.addf %add3A_888, %get3A_892 : vector<16xf32>
        %max3A_894 = arith.constant 0.000000e+00 : f32
        %max3A_895 = vector.broadcast %max3A_894 : f32 to vector<16xf32>
        %max3A_896 = arith.maximumf %add3A_893, %max3A_895 : vector<16xf32>
        %mul3A_897 = arith.mulf %max3A_896, %get3A_7 : vector<16xf32>
        %add3A_898 = arith.addf %add3A_879, %mul3A_897 : vector<16xf32>
        %get3A_899 = arith.index_cast %add3A_839 : i32 to index
        %get3A_900 = arith.constant 48 : index
        %get3A_901 = tpu.vector_load %arg10[%get3A_899, %get3A_900] {strides = array<i32>} : memref<128x128xf32, #tpu.memory_space<vmem>>, vector<1x16xf32>,
        %get3A_902 = vector.shape_cast %get3A_901 : vector<1x16xf32> to vector<16xf32>
        %get3A_903 = arith.index_cast %add3A_839 : i32 to index
        %get3A_904 = arith.constant 48 : index
        %get3A_905 = tpu.vector_load %arg11[%get3A_903, %get3A_904] {strides = array<i32>} : memref<128x128xf32, #tpu.memory_space<vmem>>, vector<1x16xf32>,
        %get3A_906 = vector.shape_cast %get3A_905 : vector<1x16xf32> to vector<16xf32>
        %add3A_907 = arith.addf %get3A_902, %get3A_906 : vector<16xf32>
        %get3A_908 = arith.index_cast %add3A_839 : i32 to index
        %get3A_909 = arith.constant 48 : index
        %get3A_910 = tpu.vector_load %arg12[%get3A_908, %get3A_909] {strides = array<i32>} : memref<128x128xf32, #tpu.memory_space<vmem>>, vector<1x16xf32>,
        %get3A_911 = vector.shape_cast %get3A_910 : vector<1x16xf32> to vector<16xf32>
        %add3A_912 = arith.addf %add3A_907, %get3A_911 : vector<16xf32>
        %max3A_913 = arith.constant 0.000000e+00 : f32
        %max3A_914 = vector.broadcast %max3A_913 : f32 to vector<16xf32>
        %max3A_915 = arith.maximumf %add3A_912, %max3A_914 : vector<16xf32>
        %mul3A_916 = arith.mulf %max3A_915, %get3A_10 : vector<16xf32>
        %add3A_917 = arith.addf %add3A_898, %mul3A_916 : vector<16xf32>
        %get3A_918 = arith.index_cast %add3A_839 : i32 to index
        %get3A_919 = arith.constant 64 : index
        %get3A_920 = tpu.vector_load %arg10[%get3A_918, %get3A_919] {strides = array<i32>} : memref<128x128xf32, #tpu.memory_space<vmem>>, vector<1x16xf32>,
        %get3A_921 = vector.shape_cast %get3A_920 : vector<1x16xf32> to vector<16xf32>
        %get3A_922 = arith.index_cast %add3A_839 : i32 to index
        %get3A_923 = arith.constant 64 : index
        %get3A_924 = tpu.vector_load %arg11[%get3A_922, %get3A_923] {strides = array<i32>} : memref<128x128xf32, #tpu.memory_space<vmem>>, vector<1x16xf32>,
        %get3A_925 = vector.shape_cast %get3A_924 : vector<1x16xf32> to vector<16xf32>
        %add3A_926 = arith.addf %get3A_921, %get3A_925 : vector<16xf32>
        %get3A_927 = arith.index_cast %add3A_839 : i32 to index
        %get3A_928 = arith.constant 64 : index
        %get3A_929 = tpu.vector_load %arg12[%get3A_927, %get3A_928] {strides = array<i32>} : memref<128x128xf32, #tpu.memory_space<vmem>>, vector<1x16xf32>,
        %get3A_930 = vector.shape_cast %get3A_929 : vector<1x16xf32> to vector<16xf32>
        %add3A_931 = arith.addf %add3A_926, %get3A_930 : vector<16xf32>
        %max3A_932 = arith.constant 0.000000e+00 : f32
        %max3A_933 = vector.broadcast %max3A_932 : f32 to vector<16xf32>
        %max3A_934 = arith.maximumf %add3A_931, %max3A_933 : vector<16xf32>
        %mul3A_935 = arith.mulf %max3A_934, %get3A_13 : vector<16xf32>
        %add3A_936 = arith.addf %add3A_917, %mul3A_935 : vector<16xf32>
        %get3A_937 = arith.index_cast %add3A_839 : i32 to index
        %get3A_938 = arith.constant 80 : index
        %get3A_939 = tpu.vector_load %arg10[%get3A_937, %get3A_938] {strides = array<i32>} : memref<128x128xf32, #tpu.memory_space<vmem>>, vector<1x16xf32>,
        %get3A_940 = vector.shape_cast %get3A_939 : vector<1x16xf32> to vector<16xf32>
        %get3A_941 = arith.index_cast %add3A_839 : i32 to index
        %get3A_942 = arith.constant 80 : index
        %get3A_943 = tpu.vector_load %arg11[%get3A_941, %get3A_942] {strides = array<i32>} : memref<128x128xf32, #tpu.memory_space<vmem>>, vector<1x16xf32>,
        %get3A_944 = vector.shape_cast %get3A_943 : vector<1x16xf32> to vector<16xf32>
        %add3A_945 = arith.addf %get3A_940, %get3A_944 : vector<16xf32>
        %get3A_946 = arith.index_cast %add3A_839 : i32 to index
        %get3A_947 = arith.constant 80 : index
        %get3A_948 = tpu.vector_load %arg12[%get3A_946, %get3A_947] {strides = array<i32>} : memref<128x128xf32, #tpu.memory_space<vmem>>, vector<1x16xf32>,
        %get3A_949 = vector.shape_cast %get3A_948 : vector<1x16xf32> to vector<16xf32>
        %add3A_950 = arith.addf %add3A_945, %get3A_949 : vector<16xf32>
        %max3A_951 = arith.constant 0.000000e+00 : f32
        %max3A_952 = vector.broadcast %max3A_951 : f32 to vector<16xf32>
        %max3A_953 = arith.maximumf %add3A_950, %max3A_952 : vector<16xf32>
        %mul3A_954 = arith.mulf %max3A_953, %get3A_16 : vector<16xf32>
        %add3A_955 = arith.addf %add3A_936, %mul3A_954 : vector<16xf32>
        %get3A_956 = arith.index_cast %add3A_839 : i32 to index
        %get3A_957 = arith.constant 96 : index
        %get3A_958 = tpu.vector_load %arg10[%get3A_956, %get3A_957] {strides = array<i32>} : memref<128x128xf32, #tpu.memory_space<vmem>>, vector<1x16xf32>,
        %get3A_959 = vector.shape_cast %get3A_958 : vector<1x16xf32> to vector<16xf32>
        %get3A_960 = arith.index_cast %add3A_839 : i32 to index
        %get3A_961 = arith.constant 96 : index
        %get3A_962 = tpu.vector_load %arg11[%get3A_960, %get3A_961] {strides = array<i32>} : memref<128x128xf32, #tpu.memory_space<vmem>>, vector<1x16xf32>,
        %get3A_963 = vector.shape_cast %get3A_962 : vector<1x16xf32> to vector<16xf32>
        %add3A_964 = arith.addf %get3A_959, %get3A_963 : vector<16xf32>
        %get3A_965 = arith.index_cast %add3A_839 : i32 to index
        %get3A_966 = arith.constant 96 : index
        %get3A_967 = tpu.vector_load %arg12[%get3A_965, %get3A_966] {strides = array<i32>} : memref<128x128xf32, #tpu.memory_space<vmem>>, vector<1x16xf32>,
        %get3A_968 = vector.shape_cast %get3A_967 : vector<1x16xf32> to vector<16xf32>
        %add3A_969 = arith.addf %add3A_964, %get3A_968 : vector<16xf32>
        %max3A_970 = arith.constant 0.000000e+00 : f32
        %max3A_971 = vector.broadcast %max3A_970 : f32 to vector<16xf32>
        %max3A_972 = arith.maximumf %add3A_969, %max3A_971 : vector<16xf32>
        %mul3A_973 = arith.mulf %max3A_972, %get3A_19 : vector<16xf32>
        %add3A_974 = arith.addf %add3A_955, %mul3A_973 : vector<16xf32>
        %get3A_975 = arith.index_cast %add3A_839 : i32 to index
        %get3A_976 = arith.constant 112 : index
        %get3A_977 = tpu.vector_load %arg10[%get3A_975, %get3A_976] {strides = array<i32>} : memref<128x128xf32, #tpu.memory_space<vmem>>, vector<1x16xf32>,
        %get3A_978 = vector.shape_cast %get3A_977 : vector<1x16xf32> to vector<16xf32>
        %get3A_979 = arith.index_cast %add3A_839 : i32 to index
        %get3A_980 = arith.constant 112 : index
        %get3A_981 = tpu.vector_load %arg11[%get3A_979, %get3A_980] {strides = array<i32>} : memref<128x128xf32, #tpu.memory_space<vmem>>, vector<1x16xf32>,
        %get3A_982 = vector.shape_cast %get3A_981 : vector<1x16xf32> to vector<16xf32>
        %add3A_983 = arith.addf %get3A_978, %get3A_982 : vector<16xf32>
        %get3A_984 = arith.index_cast %add3A_839 : i32 to index
        %get3A_985 = arith.constant 112 : index
        %get3A_986 = tpu.vector_load %arg12[%get3A_984, %get3A_985] {strides = array<i32>} : memref<128x128xf32, #tpu.memory_space<vmem>>, vector<1x16xf32>,
        %get3A_987 = vector.shape_cast %get3A_986 : vector<1x16xf32> to vector<16xf32>
        %add3A_988 = arith.addf %add3A_983, %get3A_987 : vector<16xf32>
        %max3A_989 = arith.constant 0.000000e+00 : f32
        %max3A_990 = vector.broadcast %max3A_989 : f32 to vector<16xf32>
        %max3A_991 = arith.maximumf %add3A_988, %max3A_990 : vector<16xf32>
        %mul3A_992 = arith.mulf %max3A_991, %get3A_22 : vector<16xf32>
        %add3A_993 = arith.addf %add3A_974, %mul3A_992 : vector<16xf32>
        %swap3A_994 = arith.index_cast %scan3A_185 : i32 to index
        %swap3A_995 = arith.constant 64 : index
        %swap3A_996 = tpu.vector_load %arg13[%swap3A_994, %swap3A_995] {strides = array<i32>} : memref<16x128xf32, #tpu.memory_space<vmem>>, vector<1x16xf32>,
        %swap3A_997 = vector.shape_cast %swap3A_996 : vector<1x16xf32> to vector<16xf32>
        %swap3A_998 = vector.shape_cast %add3A_993 : vector<16xf32> to vector<1x16xf32>
        tpu.vector_store %arg13[%swap3A_994, %swap3A_995], %swap3A_998 {strides = array<i32>} : memref<16x128xf32, #tpu.memory_space<vmem>>, vector<1x16xf32>,
        %mul3A_999 = arith.constant 8 : i32
        %mul3A_1000 = arith.muli %scan3A_185, %mul3A_999 : i32
        %add3A_1001 = arith.constant 5 : i32
        %add3A_1002 = arith.addi %mul3A_1000, %add3A_1001 : i32
        %broadcast_in_dim3A_1003 = arith.constant 0.000000e+00 : f32
        %broadcast_in_dim3A_1004 = vector.broadcast %broadcast_in_dim3A_1003 : f32 to vector<16xf32>
        %get3A_1005 = arith.index_cast %add3A_1002 : i32 to index
        %get3A_1006 = arith.constant 0 : index
        %get3A_1007 = tpu.vector_load %arg10[%get3A_1005, %get3A_1006] {strides = array<i32>} : memref<128x128xf32, #tpu.memory_space<vmem>>, vector<1x16xf32>,
        %get3A_1008 = vector.shape_cast %get3A_1007 : vector<1x16xf32> to vector<16xf32>
        %get3A_1009 = arith.index_cast %add3A_1002 : i32 to index
        %get3A_1010 = arith.constant 0 : index
        %get3A_1011 = tpu.vector_load %arg11[%get3A_1009, %get3A_1010] {strides = array<i32>} : memref<128x128xf32, #tpu.memory_space<vmem>>, vector<1x16xf32>,
        %get3A_1012 = vector.shape_cast %get3A_1011 : vector<1x16xf32> to vector<16xf32>
        %add3A_1013 = arith.addf %get3A_1008, %get3A_1012 : vector<16xf32>
        %get3A_1014 = arith.index_cast %add3A_1002 : i32 to index
        %get3A_1015 = arith.constant 0 : index
        %get3A_1016 = tpu.vector_load %arg12[%get3A_1014, %get3A_1015] {strides = array<i32>} : memref<128x128xf32, #tpu.memory_space<vmem>>, vector<1x16xf32>,
        %get3A_1017 = vector.shape_cast %get3A_1016 : vector<1x16xf32> to vector<16xf32>
        %add3A_1018 = arith.addf %add3A_1013, %get3A_1017 : vector<16xf32>
        %max3A_1019 = arith.constant 0.000000e+00 : f32
        %max3A_1020 = vector.broadcast %max3A_1019 : f32 to vector<16xf32>
        %max3A_1021 = arith.maximumf %add3A_1018, %max3A_1020 : vector<16xf32>
        %mul3A_1022 = arith.mulf %max3A_1021, %get3A_1 : vector<16xf32>
        %add3A_1023 = arith.addf %broadcast_in_dim3A_1004, %mul3A_1022 : vector<16xf32>
        %get3A_1024 = arith.index_cast %add3A_1002 : i32 to index
        %get3A_1025 = arith.constant 16 : index
        %get3A_1026 = tpu.vector_load %arg10[%get3A_1024, %get3A_1025] {strides = array<i32>} : memref<128x128xf32, #tpu.memory_space<vmem>>, vector<1x16xf32>,
        %get3A_1027 = vector.shape_cast %get3A_1026 : vector<1x16xf32> to vector<16xf32>
        %get3A_1028 = arith.index_cast %add3A_1002 : i32 to index
        %get3A_1029 = arith.constant 16 : index
        %get3A_1030 = tpu.vector_load %arg11[%get3A_1028, %get3A_1029] {strides = array<i32>} : memref<128x128xf32, #tpu.memory_space<vmem>>, vector<1x16xf32>,
        %get3A_1031 = vector.shape_cast %get3A_1030 : vector<1x16xf32> to vector<16xf32>
        %add3A_1032 = arith.addf %get3A_1027, %get3A_1031 : vector<16xf32>
        %get3A_1033 = arith.index_cast %add3A_1002 : i32 to index
        %get3A_1034 = arith.constant 16 : index
        %get3A_1035 = tpu.vector_load %arg12[%get3A_1033, %get3A_1034] {strides = array<i32>} : memref<128x128xf32, #tpu.memory_space<vmem>>, vector<1x16xf32>,
        %get3A_1036 = vector.shape_cast %get3A_1035 : vector<1x16xf32> to vector<16xf32>
        %add3A_1037 = arith.addf %add3A_1032, %get3A_1036 : vector<16xf32>
        %max3A_1038 = arith.constant 0.000000e+00 : f32
        %max3A_1039 = vector.broadcast %max3A_1038 : f32 to vector<16xf32>
        %max3A_1040 = arith.maximumf %add3A_1037, %max3A_1039 : vector<16xf32>
        %mul3A_1041 = arith.mulf %max3A_1040, %get3A_4 : vector<16xf32>
        %add3A_1042 = arith.addf %add3A_1023, %mul3A_1041 : vector<16xf32>
        %get3A_1043 = arith.index_cast %add3A_1002 : i32 to index
        %get3A_1044 = arith.constant 32 : index
        %get3A_1045 = tpu.vector_load %arg10[%get3A_1043, %get3A_1044] {strides = array<i32>} : memref<128x128xf32, #tpu.memory_space<vmem>>, vector<1x16xf32>,
        %get3A_1046 = vector.shape_cast %get3A_1045 : vector<1x16xf32> to vector<16xf32>
        %get3A_1047 = arith.index_cast %add3A_1002 : i32 to index
        %get3A_1048 = arith.constant 32 : index
        %get3A_1049 = tpu.vector_load %arg11[%get3A_1047, %get3A_1048] {strides = array<i32>} : memref<128x128xf32, #tpu.memory_space<vmem>>, vector<1x16xf32>,
        %get3A_1050 = vector.shape_cast %get3A_1049 : vector<1x16xf32> to vector<16xf32>
        %add3A_1051 = arith.addf %get3A_1046, %get3A_1050 : vector<16xf32>
        %get3A_1052 = arith.index_cast %add3A_1002 : i32 to index
        %get3A_1053 = arith.constant 32 : index
        %get3A_1054 = tpu.vector_load %arg12[%get3A_1052, %get3A_1053] {strides = array<i32>} : memref<128x128xf32, #tpu.memory_space<vmem>>, vector<1x16xf32>,
        %get3A_1055 = vector.shape_cast %get3A_1054 : vector<1x16xf32> to vector<16xf32>
        %add3A_1056 = arith.addf %add3A_1051, %get3A_1055 : vector<16xf32>
        %max3A_1057 = arith.constant 0.000000e+00 : f32
        %max3A_1058 = vector.broadcast %max3A_1057 : f32 to vector<16xf32>
        %max3A_1059 = arith.maximumf %add3A_1056, %max3A_1058 : vector<16xf32>
        %mul3A_1060 = arith.mulf %max3A_1059, %get3A_7 : vector<16xf32>
        %add3A_1061 = arith.addf %add3A_1042, %mul3A_1060 : vector<16xf32>
        %get3A_1062 = arith.index_cast %add3A_1002 : i32 to index
        %get3A_1063 = arith.constant 48 : index
        %get3A_1064 = tpu.vector_load %arg10[%get3A_1062, %get3A_1063] {strides = array<i32>} : memref<128x128xf32, #tpu.memory_space<vmem>>, vector<1x16xf32>,
        %get3A_1065 = vector.shape_cast %get3A_1064 : vector<1x16xf32> to vector<16xf32>
        %get3A_1066 = arith.index_cast %add3A_1002 : i32 to index
        %get3A_1067 = arith.constant 48 : index
        %get3A_1068 = tpu.vector_load %arg11[%get3A_1066, %get3A_1067] {strides = array<i32>} : memref<128x128xf32, #tpu.memory_space<vmem>>, vector<1x16xf32>,
        %get3A_1069 = vector.shape_cast %get3A_1068 : vector<1x16xf32> to vector<16xf32>
        %add3A_1070 = arith.addf %get3A_1065, %get3A_1069 : vector<16xf32>
        %get3A_1071 = arith.index_cast %add3A_1002 : i32 to index
        %get3A_1072 = arith.constant 48 : index
        %get3A_1073 = tpu.vector_load %arg12[%get3A_1071, %get3A_1072] {strides = array<i32>} : memref<128x128xf32, #tpu.memory_space<vmem>>, vector<1x16xf32>,
        %get3A_1074 = vector.shape_cast %get3A_1073 : vector<1x16xf32> to vector<16xf32>
        %add3A_1075 = arith.addf %add3A_1070, %get3A_1074 : vector<16xf32>
        %max3A_1076 = arith.constant 0.000000e+00 : f32
        %max3A_1077 = vector.broadcast %max3A_1076 : f32 to vector<16xf32>
        %max3A_1078 = arith.maximumf %add3A_1075, %max3A_1077 : vector<16xf32>
        %mul3A_1079 = arith.mulf %max3A_1078, %get3A_10 : vector<16xf32>
        %add3A_1080 = arith.addf %add3A_1061, %mul3A_1079 : vector<16xf32>
        %get3A_1081 = arith.index_cast %add3A_1002 : i32 to index
        %get3A_1082 = arith.constant 64 : index
        %get3A_1083 = tpu.vector_load %arg10[%get3A_1081, %get3A_1082] {strides = array<i32>} : memref<128x128xf32, #tpu.memory_space<vmem>>, vector<1x16xf32>,
        %get3A_1084 = vector.shape_cast %get3A_1083 : vector<1x16xf32> to vector<16xf32>
        %get3A_1085 = arith.index_cast %add3A_1002 : i32 to index
        %get3A_1086 = arith.constant 64 : index
        %get3A_1087 = tpu.vector_load %arg11[%get3A_1085, %get3A_1086] {strides = array<i32>} : memref<128x128xf32, #tpu.memory_space<vmem>>, vector<1x16xf32>,
        %get3A_1088 = vector.shape_cast %get3A_1087 : vector<1x16xf32> to vector<16xf32>
        %add3A_1089 = arith.addf %get3A_1084, %get3A_1088 : vector<16xf32>
        %get3A_1090 = arith.index_cast %add3A_1002 : i32 to index
        %get3A_1091 = arith.constant 64 : index
        %get3A_1092 = tpu.vector_load %arg12[%get3A_1090, %get3A_1091] {strides = array<i32>} : memref<128x128xf32, #tpu.memory_space<vmem>>, vector<1x16xf32>,
        %get3A_1093 = vector.shape_cast %get3A_1092 : vector<1x16xf32> to vector<16xf32>
        %add3A_1094 = arith.addf %add3A_1089, %get3A_1093 : vector<16xf32>
        %max3A_1095 = arith.constant 0.000000e+00 : f32
        %max3A_1096 = vector.broadcast %max3A_1095 : f32 to vector<16xf32>
        %max3A_1097 = arith.maximumf %add3A_1094, %max3A_1096 : vector<16xf32>
        %mul3A_1098 = arith.mulf %max3A_1097, %get3A_13 : vector<16xf32>
        %add3A_1099 = arith.addf %add3A_1080, %mul3A_1098 : vector<16xf32>
        %get3A_1100 = arith.index_cast %add3A_1002 : i32 to index
        %get3A_1101 = arith.constant 80 : index
        %get3A_1102 = tpu.vector_load %arg10[%get3A_1100, %get3A_1101] {strides = array<i32>} : memref<128x128xf32, #tpu.memory_space<vmem>>, vector<1x16xf32>,
        %get3A_1103 = vector.shape_cast %get3A_1102 : vector<1x16xf32> to vector<16xf32>
        %get3A_1104 = arith.index_cast %add3A_1002 : i32 to index
        %get3A_1105 = arith.constant 80 : index
        %get3A_1106 = tpu.vector_load %arg11[%get3A_1104, %get3A_1105] {strides = array<i32>} : memref<128x128xf32, #tpu.memory_space<vmem>>, vector<1x16xf32>,
        %get3A_1107 = vector.shape_cast %get3A_1106 : vector<1x16xf32> to vector<16xf32>
        %add3A_1108 = arith.addf %get3A_1103, %get3A_1107 : vector<16xf32>
        %get3A_1109 = arith.index_cast %add3A_1002 : i32 to index
        %get3A_1110 = arith.constant 80 : index
        %get3A_1111 = tpu.vector_load %arg12[%get3A_1109, %get3A_1110] {strides = array<i32>} : memref<128x128xf32, #tpu.memory_space<vmem>>, vector<1x16xf32>,
        %get3A_1112 = vector.shape_cast %get3A_1111 : vector<1x16xf32> to vector<16xf32>
        %add3A_1113 = arith.addf %add3A_1108, %get3A_1112 : vector<16xf32>
        %max3A_1114 = arith.constant 0.000000e+00 : f32
        %max3A_1115 = vector.broadcast %max3A_1114 : f32 to vector<16xf32>
        %max3A_1116 = arith.maximumf %add3A_1113, %max3A_1115 : vector<16xf32>
        %mul3A_1117 = arith.mulf %max3A_1116, %get3A_16 : vector<16xf32>
        %add3A_1118 = arith.addf %add3A_1099, %mul3A_1117 : vector<16xf32>
        %get3A_1119 = arith.index_cast %add3A_1002 : i32 to index
        %get3A_1120 = arith.constant 96 : index
        %get3A_1121 = tpu.vector_load %arg10[%get3A_1119, %get3A_1120] {strides = array<i32>} : memref<128x128xf32, #tpu.memory_space<vmem>>, vector<1x16xf32>,
        %get3A_1122 = vector.shape_cast %get3A_1121 : vector<1x16xf32> to vector<16xf32>
        %get3A_1123 = arith.index_cast %add3A_1002 : i32 to index
        %get3A_1124 = arith.constant 96 : index
        %get3A_1125 = tpu.vector_load %arg11[%get3A_1123, %get3A_1124] {strides = array<i32>} : memref<128x128xf32, #tpu.memory_space<vmem>>, vector<1x16xf32>,
        %get3A_1126 = vector.shape_cast %get3A_1125 : vector<1x16xf32> to vector<16xf32>
        %add3A_1127 = arith.addf %get3A_1122, %get3A_1126 : vector<16xf32>
        %get3A_1128 = arith.index_cast %add3A_1002 : i32 to index
        %get3A_1129 = arith.constant 96 : index
        %get3A_1130 = tpu.vector_load %arg12[%get3A_1128, %get3A_1129] {strides = array<i32>} : memref<128x128xf32, #tpu.memory_space<vmem>>, vector<1x16xf32>,
        %get3A_1131 = vector.shape_cast %get3A_1130 : vector<1x16xf32> to vector<16xf32>
        %add3A_1132 = arith.addf %add3A_1127, %get3A_1131 : vector<16xf32>
        %max3A_1133 = arith.constant 0.000000e+00 : f32
        %max3A_1134 = vector.broadcast %max3A_1133 : f32 to vector<16xf32>
        %max3A_1135 = arith.maximumf %add3A_1132, %max3A_1134 : vector<16xf32>
        %mul3A_1136 = arith.mulf %max3A_1135, %get3A_19 : vector<16xf32>
        %add3A_1137 = arith.addf %add3A_1118, %mul3A_1136 : vector<16xf32>
        %get3A_1138 = arith.index_cast %add3A_1002 : i32 to index
        %get3A_1139 = arith.constant 112 : index
        %get3A_1140 = tpu.vector_load %arg10[%get3A_1138, %get3A_1139] {strides = array<i32>} : memref<128x128xf32, #tpu.memory_space<vmem>>, vector<1x16xf32>,
        %get3A_1141 = vector.shape_cast %get3A_1140 : vector<1x16xf32> to vector<16xf32>
        %get3A_1142 = arith.index_cast %add3A_1002 : i32 to index
        %get3A_1143 = arith.constant 112 : index
        %get3A_1144 = tpu.vector_load %arg11[%get3A_1142, %get3A_1143] {strides = array<i32>} : memref<128x128xf32, #tpu.memory_space<vmem>>, vector<1x16xf32>,
        %get3A_1145 = vector.shape_cast %get3A_1144 : vector<1x16xf32> to vector<16xf32>
        %add3A_1146 = arith.addf %get3A_1141, %get3A_1145 : vector<16xf32>
        %get3A_1147 = arith.index_cast %add3A_1002 : i32 to index
        %get3A_1148 = arith.constant 112 : index
        %get3A_1149 = tpu.vector_load %arg12[%get3A_1147, %get3A_1148] {strides = array<i32>} : memref<128x128xf32, #tpu.memory_space<vmem>>, vector<1x16xf32>,
        %get3A_1150 = vector.shape_cast %get3A_1149 : vector<1x16xf32> to vector<16xf32>
        %add3A_1151 = arith.addf %add3A_1146, %get3A_1150 : vector<16xf32>
        %max3A_1152 = arith.constant 0.000000e+00 : f32
        %max3A_1153 = vector.broadcast %max3A_1152 : f32 to vector<16xf32>
        %max3A_1154 = arith.maximumf %add3A_1151, %max3A_1153 : vector<16xf32>
        %mul3A_1155 = arith.mulf %max3A_1154, %get3A_22 : vector<16xf32>
        %add3A_1156 = arith.addf %add3A_1137, %mul3A_1155 : vector<16xf32>
        %swap3A_1157 = arith.index_cast %scan3A_185 : i32 to index
        %swap3A_1158 = arith.constant 80 : index
        %swap3A_1159 = tpu.vector_load %arg13[%swap3A_1157, %swap3A_1158] {strides = array<i32>} : memref<16x128xf32, #tpu.memory_space<vmem>>, vector<1x16xf32>,
        %swap3A_1160 = vector.shape_cast %swap3A_1159 : vector<1x16xf32> to vector<16xf32>
        %swap3A_1161 = vector.shape_cast %add3A_1156 : vector<16xf32> to vector<1x16xf32>
        tpu.vector_store %arg13[%swap3A_1157, %swap3A_1158], %swap3A_1161 {strides = array<i32>} : memref<16x128xf32, #tpu.memory_space<vmem>>, vector<1x16xf32>,
        %mul3A_1162 = arith.constant 8 : i32
        %mul3A_1163 = arith.muli %scan3A_185, %mul3A_1162 : i32
        %add3A_1164 = arith.constant 6 : i32
        %add3A_1165 = arith.addi %mul3A_1163, %add3A_1164 : i32
        %broadcast_in_dim3A_1166 = arith.constant 0.000000e+00 : f32
        %broadcast_in_dim3A_1167 = vector.broadcast %broadcast_in_dim3A_1166 : f32 to vector<16xf32>
        %get3A_1168 = arith.index_cast %add3A_1165 : i32 to index
        %get3A_1169 = arith.constant 0 : index
        %get3A_1170 = tpu.vector_load %arg10[%get3A_1168, %get3A_1169] {strides = array<i32>} : memref<128x128xf32, #tpu.memory_space<vmem>>, vector<1x16xf32>,
        %get3A_1171 = vector.shape_cast %get3A_1170 : vector<1x16xf32> to vector<16xf32>
        %get3A_1172 = arith.index_cast %add3A_1165 : i32 to index
        %get3A_1173 = arith.constant 0 : index
        %get3A_1174 = tpu.vector_load %arg11[%get3A_1172, %get3A_1173] {strides = array<i32>} : memref<128x128xf32, #tpu.memory_space<vmem>>, vector<1x16xf32>,
        %get3A_1175 = vector.shape_cast %get3A_1174 : vector<1x16xf32> to vector<16xf32>
        %add3A_1176 = arith.addf %get3A_1171, %get3A_1175 : vector<16xf32>
        %get3A_1177 = arith.index_cast %add3A_1165 : i32 to index
        %get3A_1178 = arith.constant 0 : index
        %get3A_1179 = tpu.vector_load %arg12[%get3A_1177, %get3A_1178] {strides = array<i32>} : memref<128x128xf32, #tpu.memory_space<vmem>>, vector<1x16xf32>,
        %get3A_1180 = vector.shape_cast %get3A_1179 : vector<1x16xf32> to vector<16xf32>
        %add3A_1181 = arith.addf %add3A_1176, %get3A_1180 : vector<16xf32>
        %max3A_1182 = arith.constant 0.000000e+00 : f32
        %max3A_1183 = vector.broadcast %max3A_1182 : f32 to vector<16xf32>
        %max3A_1184 = arith.maximumf %add3A_1181, %max3A_1183 : vector<16xf32>
        %mul3A_1185 = arith.mulf %max3A_1184, %get3A_1 : vector<16xf32>
        %add3A_1186 = arith.addf %broadcast_in_dim3A_1167, %mul3A_1185 : vector<16xf32>
        %get3A_1187 = arith.index_cast %add3A_1165 : i32 to index
        %get3A_1188 = arith.constant 16 : index
        %get3A_1189 = tpu.vector_load %arg10[%get3A_1187, %get3A_1188] {strides = array<i32>} : memref<128x128xf32, #tpu.memory_space<vmem>>, vector<1x16xf32>,
        %get3A_1190 = vector.shape_cast %get3A_1189 : vector<1x16xf32> to vector<16xf32>
        %get3A_1191 = arith.index_cast %add3A_1165 : i32 to index
        %get3A_1192 = arith.constant 16 : index
        %get3A_1193 = tpu.vector_load %arg11[%get3A_1191, %get3A_1192] {strides = array<i32>} : memref<128x128xf32, #tpu.memory_space<vmem>>, vector<1x16xf32>,
        %get3A_1194 = vector.shape_cast %get3A_1193 : vector<1x16xf32> to vector<16xf32>
        %add3A_1195 = arith.addf %get3A_1190, %get3A_1194 : vector<16xf32>
        %get3A_1196 = arith.index_cast %add3A_1165 : i32 to index
        %get3A_1197 = arith.constant 16 : index
        %get3A_1198 = tpu.vector_load %arg12[%get3A_1196, %get3A_1197] {strides = array<i32>} : memref<128x128xf32, #tpu.memory_space<vmem>>, vector<1x16xf32>,
        %get3A_1199 = vector.shape_cast %get3A_1198 : vector<1x16xf32> to vector<16xf32>
        %add3A_1200 = arith.addf %add3A_1195, %get3A_1199 : vector<16xf32>
        %max3A_1201 = arith.constant 0.000000e+00 : f32
        %max3A_1202 = vector.broadcast %max3A_1201 : f32 to vector<16xf32>
        %max3A_1203 = arith.maximumf %add3A_1200, %max3A_1202 : vector<16xf32>
        %mul3A_1204 = arith.mulf %max3A_1203, %get3A_4 : vector<16xf32>
        %add3A_1205 = arith.addf %add3A_1186, %mul3A_1204 : vector<16xf32>
        %get3A_1206 = arith.index_cast %add3A_1165 : i32 to index
        %get3A_1207 = arith.constant 32 : index
        %get3A_1208 = tpu.vector_load %arg10[%get3A_1206, %get3A_1207] {strides = array<i32>} : memref<128x128xf32, #tpu.memory_space<vmem>>, vector<1x16xf32>,
        %get3A_1209 = vector.shape_cast %get3A_1208 : vector<1x16xf32> to vector<16xf32>
        %get3A_1210 = arith.index_cast %add3A_1165 : i32 to index
        %get3A_1211 = arith.constant 32 : index
        %get3A_1212 = tpu.vector_load %arg11[%get3A_1210, %get3A_1211] {strides = array<i32>} : memref<128x128xf32, #tpu.memory_space<vmem>>, vector<1x16xf32>,
        %get3A_1213 = vector.shape_cast %get3A_1212 : vector<1x16xf32> to vector<16xf32>
        %add3A_1214 = arith.addf %get3A_1209, %get3A_1213 : vector<16xf32>
        %get3A_1215 = arith.index_cast %add3A_1165 : i32 to index
        %get3A_1216 = arith.constant 32 : index
        %get3A_1217 = tpu.vector_load %arg12[%get3A_1215, %get3A_1216] {strides = array<i32>} : memref<128x128xf32, #tpu.memory_space<vmem>>, vector<1x16xf32>,
        %get3A_1218 = vector.shape_cast %get3A_1217 : vector<1x16xf32> to vector<16xf32>
        %add3A_1219 = arith.addf %add3A_1214, %get3A_1218 : vector<16xf32>
        %max3A_1220 = arith.constant 0.000000e+00 : f32
        %max3A_1221 = vector.broadcast %max3A_1220 : f32 to vector<16xf32>
        %max3A_1222 = arith.maximumf %add3A_1219, %max3A_1221 : vector<16xf32>
        %mul3A_1223 = arith.mulf %max3A_1222, %get3A_7 : vector<16xf32>
        %add3A_1224 = arith.addf %add3A_1205, %mul3A_1223 : vector<16xf32>
        %get3A_1225 = arith.index_cast %add3A_1165 : i32 to index
        %get3A_1226 = arith.constant 48 : index
        %get3A_1227 = tpu.vector_load %arg10[%get3A_1225, %get3A_1226] {strides = array<i32>} : memref<128x128xf32, #tpu.memory_space<vmem>>, vector<1x16xf32>,
        %get3A_1228 = vector.shape_cast %get3A_1227 : vector<1x16xf32> to vector<16xf32>
        %get3A_1229 = arith.index_cast %add3A_1165 : i32 to index
        %get3A_1230 = arith.constant 48 : index
        %get3A_1231 = tpu.vector_load %arg11[%get3A_1229, %get3A_1230] {strides = array<i32>} : memref<128x128xf32, #tpu.memory_space<vmem>>, vector<1x16xf32>,
        %get3A_1232 = vector.shape_cast %get3A_1231 : vector<1x16xf32> to vector<16xf32>
        %add3A_1233 = arith.addf %get3A_1228, %get3A_1232 : vector<16xf32>
        %get3A_1234 = arith.index_cast %add3A_1165 : i32 to index
        %get3A_1235 = arith.constant 48 : index
        %get3A_1236 = tpu.vector_load %arg12[%get3A_1234, %get3A_1235] {strides = array<i32>} : memref<128x128xf32, #tpu.memory_space<vmem>>, vector<1x16xf32>,
        %get3A_1237 = vector.shape_cast %get3A_1236 : vector<1x16xf32> to vector<16xf32>
        %add3A_1238 = arith.addf %add3A_1233, %get3A_1237 : vector<16xf32>
        %max3A_1239 = arith.constant 0.000000e+00 : f32
        %max3A_1240 = vector.broadcast %max3A_1239 : f32 to vector<16xf32>
        %max3A_1241 = arith.maximumf %add3A_1238, %max3A_1240 : vector<16xf32>
        %mul3A_1242 = arith.mulf %max3A_1241, %get3A_10 : vector<16xf32>
        %add3A_1243 = arith.addf %add3A_1224, %mul3A_1242 : vector<16xf32>
        %get3A_1244 = arith.index_cast %add3A_1165 : i32 to index
        %get3A_1245 = arith.constant 64 : index
        %get3A_1246 = tpu.vector_load %arg10[%get3A_1244, %get3A_1245] {strides = array<i32>} : memref<128x128xf32, #tpu.memory_space<vmem>>, vector<1x16xf32>,
        %get3A_1247 = vector.shape_cast %get3A_1246 : vector<1x16xf32> to vector<16xf32>
        %get3A_1248 = arith.index_cast %add3A_1165 : i32 to index
        %get3A_1249 = arith.constant 64 : index
        %get3A_1250 = tpu.vector_load %arg11[%get3A_1248, %get3A_1249] {strides = array<i32>} : memref<128x128xf32, #tpu.memory_space<vmem>>, vector<1x16xf32>,
        %get3A_1251 = vector.shape_cast %get3A_1250 : vector<1x16xf32> to vector<16xf32>
        %add3A_1252 = arith.addf %get3A_1247, %get3A_1251 : vector<16xf32>
        %get3A_1253 = arith.index_cast %add3A_1165 : i32 to index
        %get3A_1254 = arith.constant 64 : index
        %get3A_1255 = tpu.vector_load %arg12[%get3A_1253, %get3A_1254] {strides = array<i32>} : memref<128x128xf32, #tpu.memory_space<vmem>>, vector<1x16xf32>,
        %get3A_1256 = vector.shape_cast %get3A_1255 : vector<1x16xf32> to vector<16xf32>
        %add3A_1257 = arith.addf %add3A_1252, %get3A_1256 : vector<16xf32>
        %max3A_1258 = arith.constant 0.000000e+00 : f32
        %max3A_1259 = vector.broadcast %max3A_1258 : f32 to vector<16xf32>
        %max3A_1260 = arith.maximumf %add3A_1257, %max3A_1259 : vector<16xf32>
        %mul3A_1261 = arith.mulf %max3A_1260, %get3A_13 : vector<16xf32>
        %add3A_1262 = arith.addf %add3A_1243, %mul3A_1261 : vector<16xf32>
        %get3A_1263 = arith.index_cast %add3A_1165 : i32 to index
        %get3A_1264 = arith.constant 80 : index
        %get3A_1265 = tpu.vector_load %arg10[%get3A_1263, %get3A_1264] {strides = array<i32>} : memref<128x128xf32, #tpu.memory_space<vmem>>, vector<1x16xf32>,
        %get3A_1266 = vector.shape_cast %get3A_1265 : vector<1x16xf32> to vector<16xf32>
        %get3A_1267 = arith.index_cast %add3A_1165 : i32 to index
        %get3A_1268 = arith.constant 80 : index
        %get3A_1269 = tpu.vector_load %arg11[%get3A_1267, %get3A_1268] {strides = array<i32>} : memref<128x128xf32, #tpu.memory_space<vmem>>, vector<1x16xf32>,
        %get3A_1270 = vector.shape_cast %get3A_1269 : vector<1x16xf32> to vector<16xf32>
        %add3A_1271 = arith.addf %get3A_1266, %get3A_1270 : vector<16xf32>
        %get3A_1272 = arith.index_cast %add3A_1165 : i32 to index
        %get3A_1273 = arith.constant 80 : index
        %get3A_1274 = tpu.vector_load %arg12[%get3A_1272, %get3A_1273] {strides = array<i32>} : memref<128x128xf32, #tpu.memory_space<vmem>>, vector<1x16xf32>,
        %get3A_1275 = vector.shape_cast %get3A_1274 : vector<1x16xf32> to vector<16xf32>
        %add3A_1276 = arith.addf %add3A_1271, %get3A_1275 : vector<16xf32>
        %max3A_1277 = arith.constant 0.000000e+00 : f32
        %max3A_1278 = vector.broadcast %max3A_1277 : f32 to vector<16xf32>
        %max3A_1279 = arith.maximumf %add3A_1276, %max3A_1278 : vector<16xf32>
        %mul3A_1280 = arith.mulf %max3A_1279, %get3A_16 : vector<16xf32>
        %add3A_1281 = arith.addf %add3A_1262, %mul3A_1280 : vector<16xf32>
        %get3A_1282 = arith.index_cast %add3A_1165 : i32 to index
        %get3A_1283 = arith.constant 96 : index
        %get3A_1284 = tpu.vector_load %arg10[%get3A_1282, %get3A_1283] {strides = array<i32>} : memref<128x128xf32, #tpu.memory_space<vmem>>, vector<1x16xf32>,
        %get3A_1285 = vector.shape_cast %get3A_1284 : vector<1x16xf32> to vector<16xf32>
        %get3A_1286 = arith.index_cast %add3A_1165 : i32 to index
        %get3A_1287 = arith.constant 96 : index
        %get3A_1288 = tpu.vector_load %arg11[%get3A_1286, %get3A_1287] {strides = array<i32>} : memref<128x128xf32, #tpu.memory_space<vmem>>, vector<1x16xf32>,
        %get3A_1289 = vector.shape_cast %get3A_1288 : vector<1x16xf32> to vector<16xf32>
        %add3A_1290 = arith.addf %get3A_1285, %get3A_1289 : vector<16xf32>
        %get3A_1291 = arith.index_cast %add3A_1165 : i32 to index
        %get3A_1292 = arith.constant 96 : index
        %get3A_1293 = tpu.vector_load %arg12[%get3A_1291, %get3A_1292] {strides = array<i32>} : memref<128x128xf32, #tpu.memory_space<vmem>>, vector<1x16xf32>,
        %get3A_1294 = vector.shape_cast %get3A_1293 : vector<1x16xf32> to vector<16xf32>
        %add3A_1295 = arith.addf %add3A_1290, %get3A_1294 : vector<16xf32>
        %max3A_1296 = arith.constant 0.000000e+00 : f32
        %max3A_1297 = vector.broadcast %max3A_1296 : f32 to vector<16xf32>
        %max3A_1298 = arith.maximumf %add3A_1295, %max3A_1297 : vector<16xf32>
        %mul3A_1299 = arith.mulf %max3A_1298, %get3A_19 : vector<16xf32>
        %add3A_1300 = arith.addf %add3A_1281, %mul3A_1299 : vector<16xf32>
        %get3A_1301 = arith.index_cast %add3A_1165 : i32 to index
        %get3A_1302 = arith.constant 112 : index
        %get3A_1303 = tpu.vector_load %arg10[%get3A_1301, %get3A_1302] {strides = array<i32>} : memref<128x128xf32, #tpu.memory_space<vmem>>, vector<1x16xf32>,
        %get3A_1304 = vector.shape_cast %get3A_1303 : vector<1x16xf32> to vector<16xf32>
        %get3A_1305 = arith.index_cast %add3A_1165 : i32 to index
        %get3A_1306 = arith.constant 112 : index
        %get3A_1307 = tpu.vector_load %arg11[%get3A_1305, %get3A_1306] {strides = array<i32>} : memref<128x128xf32, #tpu.memory_space<vmem>>, vector<1x16xf32>,
        %get3A_1308 = vector.shape_cast %get3A_1307 : vector<1x16xf32> to vector<16xf32>
        %add3A_1309 = arith.addf %get3A_1304, %get3A_1308 : vector<16xf32>
        %get3A_1310 = arith.index_cast %add3A_1165 : i32 to index
        %get3A_1311 = arith.constant 112 : index
        %get3A_1312 = tpu.vector_load %arg12[%get3A_1310, %get3A_1311] {strides = array<i32>} : memref<128x128xf32, #tpu.memory_space<vmem>>, vector<1x16xf32>,
        %get3A_1313 = vector.shape_cast %get3A_1312 : vector<1x16xf32> to vector<16xf32>
        %add3A_1314 = arith.addf %add3A_1309, %get3A_1313 : vector<16xf32>
        %max3A_1315 = arith.constant 0.000000e+00 : f32
        %max3A_1316 = vector.broadcast %max3A_1315 : f32 to vector<16xf32>
        %max3A_1317 = arith.maximumf %add3A_1314, %max3A_1316 : vector<16xf32>
        %mul3A_1318 = arith.mulf %max3A_1317, %get3A_22 : vector<16xf32>
        %add3A_1319 = arith.addf %add3A_1300, %mul3A_1318 : vector<16xf32>
        %swap3A_1320 = arith.index_cast %scan3A_185 : i32 to index
        %swap3A_1321 = arith.constant 96 : index
        %swap3A_1322 = tpu.vector_load %arg13[%swap3A_1320, %swap3A_1321] {strides = array<i32>} : memref<16x128xf32, #tpu.memory_space<vmem>>, vector<1x16xf32>,
        %swap3A_1323 = vector.shape_cast %swap3A_1322 : vector<1x16xf32> to vector<16xf32>
        %swap3A_1324 = vector.shape_cast %add3A_1319 : vector<16xf32> to vector<1x16xf32>
        tpu.vector_store %arg13[%swap3A_1320, %swap3A_1321], %swap3A_1324 {strides = array<i32>} : memref<16x128xf32, #tpu.memory_space<vmem>>, vector<1x16xf32>,
        %mul3A_1325 = arith.constant 8 : i32
        %mul3A_1326 = arith.muli %scan3A_185, %mul3A_1325 : i32
        %add3A_1327 = arith.constant 7 : i32
        %add3A_1328 = arith.addi %mul3A_1326, %add3A_1327 : i32
        %broadcast_in_dim3A_1329 = arith.constant 0.000000e+00 : f32
        %broadcast_in_dim3A_1330 = vector.broadcast %broadcast_in_dim3A_1329 : f32 to vector<16xf32>
        %get3A_1331 = arith.index_cast %add3A_1328 : i32 to index
        %get3A_1332 = arith.constant 0 : index
        %get3A_1333 = tpu.vector_load %arg10[%get3A_1331, %get3A_1332] {strides = array<i32>} : memref<128x128xf32, #tpu.memory_space<vmem>>, vector<1x16xf32>,
        %get3A_1334 = vector.shape_cast %get3A_1333 : vector<1x16xf32> to vector<16xf32>
        %get3A_1335 = arith.index_cast %add3A_1328 : i32 to index
        %get3A_1336 = arith.constant 0 : index
        %get3A_1337 = tpu.vector_load %arg11[%get3A_1335, %get3A_1336] {strides = array<i32>} : memref<128x128xf32, #tpu.memory_space<vmem>>, vector<1x16xf32>,
        %get3A_1338 = vector.shape_cast %get3A_1337 : vector<1x16xf32> to vector<16xf32>
        %add3A_1339 = arith.addf %get3A_1334, %get3A_1338 : vector<16xf32>
        %get3A_1340 = arith.index_cast %add3A_1328 : i32 to index
        %get3A_1341 = arith.constant 0 : index
        %get3A_1342 = tpu.vector_load %arg12[%get3A_1340, %get3A_1341] {strides = array<i32>} : memref<128x128xf32, #tpu.memory_space<vmem>>, vector<1x16xf32>,
        %get3A_1343 = vector.shape_cast %get3A_1342 : vector<1x16xf32> to vector<16xf32>
        %add3A_1344 = arith.addf %add3A_1339, %get3A_1343 : vector<16xf32>
        %max3A_1345 = arith.constant 0.000000e+00 : f32
        %max3A_1346 = vector.broadcast %max3A_1345 : f32 to vector<16xf32>
        %max3A_1347 = arith.maximumf %add3A_1344, %max3A_1346 : vector<16xf32>
        %mul3A_1348 = arith.mulf %max3A_1347, %get3A_1 : vector<16xf32>
        %add3A_1349 = arith.addf %broadcast_in_dim3A_1330, %mul3A_1348 : vector<16xf32>
        %get3A_1350 = arith.index_cast %add3A_1328 : i32 to index
        %get3A_1351 = arith.constant 16 : index
        %get3A_1352 = tpu.vector_load %arg10[%get3A_1350, %get3A_1351] {strides = array<i32>} : memref<128x128xf32, #tpu.memory_space<vmem>>, vector<1x16xf32>,
        %get3A_1353 = vector.shape_cast %get3A_1352 : vector<1x16xf32> to vector<16xf32>
        %get3A_1354 = arith.index_cast %add3A_1328 : i32 to index
        %get3A_1355 = arith.constant 16 : index
        %get3A_1356 = tpu.vector_load %arg11[%get3A_1354, %get3A_1355] {strides = array<i32>} : memref<128x128xf32, #tpu.memory_space<vmem>>, vector<1x16xf32>,
        %get3A_1357 = vector.shape_cast %get3A_1356 : vector<1x16xf32> to vector<16xf32>
        %add3A_1358 = arith.addf %get3A_1353, %get3A_1357 : vector<16xf32>
        %get3A_1359 = arith.index_cast %add3A_1328 : i32 to index
        %get3A_1360 = arith.constant 16 : index
        %get3A_1361 = tpu.vector_load %arg12[%get3A_1359, %get3A_1360] {strides = array<i32>} : memref<128x128xf32, #tpu.memory_space<vmem>>, vector<1x16xf32>,
        %get3A_1362 = vector.shape_cast %get3A_1361 : vector<1x16xf32> to vector<16xf32>
        %add3A_1363 = arith.addf %add3A_1358, %get3A_1362 : vector<16xf32>
        %max3A_1364 = arith.constant 0.000000e+00 : f32
        %max3A_1365 = vector.broadcast %max3A_1364 : f32 to vector<16xf32>
        %max3A_1366 = arith.maximumf %add3A_1363, %max3A_1365 : vector<16xf32>
        %mul3A_1367 = arith.mulf %max3A_1366, %get3A_4 : vector<16xf32>
        %add3A_1368 = arith.addf %add3A_1349, %mul3A_1367 : vector<16xf32>
        %get3A_1369 = arith.index_cast %add3A_1328 : i32 to index
        %get3A_1370 = arith.constant 32 : index
        %get3A_1371 = tpu.vector_load %arg10[%get3A_1369, %get3A_1370] {strides = array<i32>} : memref<128x128xf32, #tpu.memory_space<vmem>>, vector<1x16xf32>,
        %get3A_1372 = vector.shape_cast %get3A_1371 : vector<1x16xf32> to vector<16xf32>
        %get3A_1373 = arith.index_cast %add3A_1328 : i32 to index
        %get3A_1374 = arith.constant 32 : index
        %get3A_1375 = tpu.vector_load %arg11[%get3A_1373, %get3A_1374] {strides = array<i32>} : memref<128x128xf32, #tpu.memory_space<vmem>>, vector<1x16xf32>,
        %get3A_1376 = vector.shape_cast %get3A_1375 : vector<1x16xf32> to vector<16xf32>
        %add3A_1377 = arith.addf %get3A_1372, %get3A_1376 : vector<16xf32>
        %get3A_1378 = arith.index_cast %add3A_1328 : i32 to index
        %get3A_1379 = arith.constant 32 : index
        %get3A_1380 = tpu.vector_load %arg12[%get3A_1378, %get3A_1379] {strides = array<i32>} : memref<128x128xf32, #tpu.memory_space<vmem>>, vector<1x16xf32>,
        %get3A_1381 = vector.shape_cast %get3A_1380 : vector<1x16xf32> to vector<16xf32>
        %add3A_1382 = arith.addf %add3A_1377, %get3A_1381 : vector<16xf32>
        %max3A_1383 = arith.constant 0.000000e+00 : f32
        %max3A_1384 = vector.broadcast %max3A_1383 : f32 to vector<16xf32>
        %max3A_1385 = arith.maximumf %add3A_1382, %max3A_1384 : vector<16xf32>
        %mul3A_1386 = arith.mulf %max3A_1385, %get3A_7 : vector<16xf32>
        %add3A_1387 = arith.addf %add3A_1368, %mul3A_1386 : vector<16xf32>
        %get3A_1388 = arith.index_cast %add3A_1328 : i32 to index
        %get3A_1389 = arith.constant 48 : index
        %get3A_1390 = tpu.vector_load %arg10[%get3A_1388, %get3A_1389] {strides = array<i32>} : memref<128x128xf32, #tpu.memory_space<vmem>>, vector<1x16xf32>,
        %get3A_1391 = vector.shape_cast %get3A_1390 : vector<1x16xf32> to vector<16xf32>
        %get3A_1392 = arith.index_cast %add3A_1328 : i32 to index
        %get3A_1393 = arith.constant 48 : index
        %get3A_1394 = tpu.vector_load %arg11[%get3A_1392, %get3A_1393] {strides = array<i32>} : memref<128x128xf32, #tpu.memory_space<vmem>>, vector<1x16xf32>,
        %get3A_1395 = vector.shape_cast %get3A_1394 : vector<1x16xf32> to vector<16xf32>
        %add3A_1396 = arith.addf %get3A_1391, %get3A_1395 : vector<16xf32>
        %get3A_1397 = arith.index_cast %add3A_1328 : i32 to index
        %get3A_1398 = arith.constant 48 : index
        %get3A_1399 = tpu.vector_load %arg12[%get3A_1397, %get3A_1398] {strides = array<i32>} : memref<128x128xf32, #tpu.memory_space<vmem>>, vector<1x16xf32>,
        %get3A_1400 = vector.shape_cast %get3A_1399 : vector<1x16xf32> to vector<16xf32>
        %add3A_1401 = arith.addf %add3A_1396, %get3A_1400 : vector<16xf32>
        %max3A_1402 = arith.constant 0.000000e+00 : f32
        %max3A_1403 = vector.broadcast %max3A_1402 : f32 to vector<16xf32>
        %max3A_1404 = arith.maximumf %add3A_1401, %max3A_1403 : vector<16xf32>
        %mul3A_1405 = arith.mulf %max3A_1404, %get3A_10 : vector<16xf32>
        %add3A_1406 = arith.addf %add3A_1387, %mul3A_1405 : vector<16xf32>
        %get3A_1407 = arith.index_cast %add3A_1328 : i32 to index
        %get3A_1408 = arith.constant 64 : index
        %get3A_1409 = tpu.vector_load %arg10[%get3A_1407, %get3A_1408] {strides = array<i32>} : memref<128x128xf32, #tpu.memory_space<vmem>>, vector<1x16xf32>,
        %get3A_1410 = vector.shape_cast %get3A_1409 : vector<1x16xf32> to vector<16xf32>
        %get3A_1411 = arith.index_cast %add3A_1328 : i32 to index
        %get3A_1412 = arith.constant 64 : index
        %get3A_1413 = tpu.vector_load %arg11[%get3A_1411, %get3A_1412] {strides = array<i32>} : memref<128x128xf32, #tpu.memory_space<vmem>>, vector<1x16xf32>,
        %get3A_1414 = vector.shape_cast %get3A_1413 : vector<1x16xf32> to vector<16xf32>
        %add3A_1415 = arith.addf %get3A_1410, %get3A_1414 : vector<16xf32>
        %get3A_1416 = arith.index_cast %add3A_1328 : i32 to index
        %get3A_1417 = arith.constant 64 : index
        %get3A_1418 = tpu.vector_load %arg12[%get3A_1416, %get3A_1417] {strides = array<i32>} : memref<128x128xf32, #tpu.memory_space<vmem>>, vector<1x16xf32>,
        %get3A_1419 = vector.shape_cast %get3A_1418 : vector<1x16xf32> to vector<16xf32>
        %add3A_1420 = arith.addf %add3A_1415, %get3A_1419 : vector<16xf32>
        %max3A_1421 = arith.constant 0.000000e+00 : f32
        %max3A_1422 = vector.broadcast %max3A_1421 : f32 to vector<16xf32>
        %max3A_1423 = arith.maximumf %add3A_1420, %max3A_1422 : vector<16xf32>
        %mul3A_1424 = arith.mulf %max3A_1423, %get3A_13 : vector<16xf32>
        %add3A_1425 = arith.addf %add3A_1406, %mul3A_1424 : vector<16xf32>
        %get3A_1426 = arith.index_cast %add3A_1328 : i32 to index
        %get3A_1427 = arith.constant 80 : index
        %get3A_1428 = tpu.vector_load %arg10[%get3A_1426, %get3A_1427] {strides = array<i32>} : memref<128x128xf32, #tpu.memory_space<vmem>>, vector<1x16xf32>,
        %get3A_1429 = vector.shape_cast %get3A_1428 : vector<1x16xf32> to vector<16xf32>
        %get3A_1430 = arith.index_cast %add3A_1328 : i32 to index
        %get3A_1431 = arith.constant 80 : index
        %get3A_1432 = tpu.vector_load %arg11[%get3A_1430, %get3A_1431] {strides = array<i32>} : memref<128x128xf32, #tpu.memory_space<vmem>>, vector<1x16xf32>,
        %get3A_1433 = vector.shape_cast %get3A_1432 : vector<1x16xf32> to vector<16xf32>
        %add3A_1434 = arith.addf %get3A_1429, %get3A_1433 : vector<16xf32>
        %get3A_1435 = arith.index_cast %add3A_1328 : i32 to index
        %get3A_1436 = arith.constant 80 : index
        %get3A_1437 = tpu.vector_load %arg12[%get3A_1435, %get3A_1436] {strides = array<i32>} : memref<128x128xf32, #tpu.memory_space<vmem>>, vector<1x16xf32>,
        %get3A_1438 = vector.shape_cast %get3A_1437 : vector<1x16xf32> to vector<16xf32>
        %add3A_1439 = arith.addf %add3A_1434, %get3A_1438 : vector<16xf32>
        %max3A_1440 = arith.constant 0.000000e+00 : f32
        %max3A_1441 = vector.broadcast %max3A_1440 : f32 to vector<16xf32>
        %max3A_1442 = arith.maximumf %add3A_1439, %max3A_1441 : vector<16xf32>
        %mul3A_1443 = arith.mulf %max3A_1442, %get3A_16 : vector<16xf32>
        %add3A_1444 = arith.addf %add3A_1425, %mul3A_1443 : vector<16xf32>
        %get3A_1445 = arith.index_cast %add3A_1328 : i32 to index
        %get3A_1446 = arith.constant 96 : index
        %get3A_1447 = tpu.vector_load %arg10[%get3A_1445, %get3A_1446] {strides = array<i32>} : memref<128x128xf32, #tpu.memory_space<vmem>>, vector<1x16xf32>,
        %get3A_1448 = vector.shape_cast %get3A_1447 : vector<1x16xf32> to vector<16xf32>
        %get3A_1449 = arith.index_cast %add3A_1328 : i32 to index
        %get3A_1450 = arith.constant 96 : index
        %get3A_1451 = tpu.vector_load %arg11[%get3A_1449, %get3A_1450] {strides = array<i32>} : memref<128x128xf32, #tpu.memory_space<vmem>>, vector<1x16xf32>,
        %get3A_1452 = vector.shape_cast %get3A_1451 : vector<1x16xf32> to vector<16xf32>
        %add3A_1453 = arith.addf %get3A_1448, %get3A_1452 : vector<16xf32>
        %get3A_1454 = arith.index_cast %add3A_1328 : i32 to index
        %get3A_1455 = arith.constant 96 : index
        %get3A_1456 = tpu.vector_load %arg12[%get3A_1454, %get3A_1455] {strides = array<i32>} : memref<128x128xf32, #tpu.memory_space<vmem>>, vector<1x16xf32>,
        %get3A_1457 = vector.shape_cast %get3A_1456 : vector<1x16xf32> to vector<16xf32>
        %add3A_1458 = arith.addf %add3A_1453, %get3A_1457 : vector<16xf32>
        %max3A_1459 = arith.constant 0.000000e+00 : f32
        %max3A_1460 = vector.broadcast %max3A_1459 : f32 to vector<16xf32>
        %max3A_1461 = arith.maximumf %add3A_1458, %max3A_1460 : vector<16xf32>
        %mul3A_1462 = arith.mulf %max3A_1461, %get3A_19 : vector<16xf32>
        %add3A_1463 = arith.addf %add3A_1444, %mul3A_1462 : vector<16xf32>
        %get3A_1464 = arith.index_cast %add3A_1328 : i32 to index
        %get3A_1465 = arith.constant 112 : index
        %get3A_1466 = tpu.vector_load %arg10[%get3A_1464, %get3A_1465] {strides = array<i32>} : memref<128x128xf32, #tpu.memory_space<vmem>>, vector<1x16xf32>,
        %get3A_1467 = vector.shape_cast %get3A_1466 : vector<1x16xf32> to vector<16xf32>
        %get3A_1468 = arith.index_cast %add3A_1328 : i32 to index
        %get3A_1469 = arith.constant 112 : index
        %get3A_1470 = tpu.vector_load %arg11[%get3A_1468, %get3A_1469] {strides = array<i32>} : memref<128x128xf32, #tpu.memory_space<vmem>>, vector<1x16xf32>,
        %get3A_1471 = vector.shape_cast %get3A_1470 : vector<1x16xf32> to vector<16xf32>
        %add3A_1472 = arith.addf %get3A_1467, %get3A_1471 : vector<16xf32>
        %get3A_1473 = arith.index_cast %add3A_1328 : i32 to index
        %get3A_1474 = arith.constant 112 : index
        %get3A_1475 = tpu.vector_load %arg12[%get3A_1473, %get3A_1474] {strides = array<i32>} : memref<128x128xf32, #tpu.memory_space<vmem>>, vector<1x16xf32>,
        %get3A_1476 = vector.shape_cast %get3A_1475 : vector<1x16xf32> to vector<16xf32>
        %add3A_1477 = arith.addf %add3A_1472, %get3A_1476 : vector<16xf32>
        %max3A_1478 = arith.constant 0.000000e+00 : f32
        %max3A_1479 = vector.broadcast %max3A_1478 : f32 to vector<16xf32>
        %max3A_1480 = arith.maximumf %add3A_1477, %max3A_1479 : vector<16xf32>
        %mul3A_1481 = arith.mulf %max3A_1480, %get3A_22 : vector<16xf32>
        %add3A_1482 = arith.addf %add3A_1463, %mul3A_1481 : vector<16xf32>
        %swap3A_1483 = arith.index_cast %scan3A_185 : i32 to index
        %swap3A_1484 = arith.constant 112 : index
        %swap3A_1485 = tpu.vector_load %arg13[%swap3A_1483, %swap3A_1484] {strides = array<i32>} : memref<16x128xf32, #tpu.memory_space<vmem>>, vector<1x16xf32>,
        %swap3A_1486 = vector.shape_cast %swap3A_1485 : vector<1x16xf32> to vector<16xf32>
        %swap3A_1487 = vector.shape_cast %add3A_1482 : vector<16xf32> to vector<1x16xf32>
        tpu.vector_store %arg13[%swap3A_1483, %swap3A_1484], %swap3A_1487 {strides = array<i32>} : memref<16x128xf32, #tpu.memory_space<vmem>>, vector<1x16xf32>,
        %scan3A_1488 = arith.constant 0 : i32
        scf.yield %scan3A_1488 : i32
      }
      %scan3A_100 = arith.constant 16 : i32
      %mul3A_101 = arith.constant 10240 : i32
      %mul3A_102 = arith.muli %arg1, %mul3A_101 : i32
      %mul3A_103 = arith.constant 128 : i32
      %mul3A_104 = arith.muli %mul3A_50, %mul3A_103 : i32
      %add3A_105 = arith.addi %mul3A_102, %mul3A_104 : i32
      %jit3A = arith.constant 8 : i32
      %div3A = arith.divsi %add3A_105, %jit3A : i32
      %sign3A = arith.constant 0 : i32
      %sign3A_106 = arith.cmpi sgt, %add3A_105, %sign3A : i32
      %sign3A_107 = arith.extui %sign3A_106 : i1 to i32
      %sign3A_108 = arith.constant 0 : i32
      %sign3A_109 = arith.cmpi slt, %add3A_105, %sign3A_108 : i32
      %sign3A_110 = arith.extui %sign3A_109 : i1 to i32
      %sign3A_111 = arith.subi %sign3A_107, %sign3A_110 : i32
      %sign3A_112 = arith.constant 0 : i32
      %sign3A_113 = arith.cmpi sgt, %jit3A, %sign3A_112 : i32
      %sign3A_114 = arith.extui %sign3A_113 : i1 to i32
      %sign3A_115 = arith.constant 0 : i32
      %sign3A_116 = arith.cmpi slt, %jit3A, %sign3A_115 : i32
      %sign3A_117 = arith.extui %sign3A_116 : i1 to i32
      %sign3A_118 = arith.subi %sign3A_114, %sign3A_117 : i32
      %ne3A = arith.cmpi ne, %sign3A_111, %sign3A_118 : i32
      %rem3A = arith.remsi %add3A_105, %jit3A : i32
      %ne3A_119 = arith.constant 0 : i32
      %ne3A_120 = arith.cmpi ne, %rem3A, %ne3A_119 : i32
      %and3A = arith.andi %ne3A, %ne3A_120 : i1
      %sub3A = arith.constant 1 : i32
      %sub3A_121 = arith.subi %div3A, %sub3A : i32
      %select_n3A = arith.select %and3A, %sub3A_121, %div3A : i32
      %multiple_of3A_122 = tpu.assume_multiple %select_n3A, 8 : i32
      "tpu.region"() ({
        %run_scoped3A = tpu.sem_alloc : memref<!tpu.dma_semaphore, #tpu.memory_space<semaphore_mem>>
        %dma_start3A_185 = arith.constant 0 : i32
        %dma_start3A_186 = tpu.memref_slice %arg7[%arg0, %multiple_of3A_122, %dma_start3A_185] : memref<2x20480x128xf32, #tpu.memory_space<hbm>> -> memref<1x16x128xf32, #tpu.memory_space<hbm>>
        %dma_start3A_187 = tpu.memref_squeeze %dma_start3A_186 : memref<1x16x128xf32, #tpu.memory_space<hbm>> -> memref<16x128xf32, #tpu.memory_space<hbm>>
        %dma_start3A_188 = arith.constant 0 : i32
        %dma_start3A_189 = tpu.memref_slice %arg7[%arg0, %multiple_of3A_122, %dma_start3A_188] : memref<2x20480x128xf32, #tpu.memory_space<hbm>> -> memref<1x16x128xf32, #tpu.memory_space<hbm>>
        %dma_start3A_190 = tpu.memref_squeeze %dma_start3A_189 : memref<1x16x128xf32, #tpu.memory_space<hbm>> -> memref<16x128xf32, #tpu.memory_space<hbm>>
        tpu.enqueue_dma source(%arg13 : memref<16x128xf32, #tpu.memory_space<vmem>>) target(%dma_start3A_190 : memref<16x128xf32, #tpu.memory_space<hbm>>) target_semaphore(%run_scoped3A : memref<!tpu.dma_semaphore, #tpu.memory_space<semaphore_mem>>)
        %dma_wait3A_191 = arith.constant 0 : i32
        %dma_wait3A_192 = tpu.memref_slice %arg7[%arg0, %multiple_of3A_122, %dma_wait3A_191] : memref<2x20480x128xf32, #tpu.memory_space<hbm>> -> memref<1x16x128xf32, #tpu.memory_space<hbm>>
        %dma_wait3A_193 = tpu.memref_squeeze %dma_wait3A_192 : memref<1x16x128xf32, #tpu.memory_space<hbm>> -> memref<16x128xf32, #tpu.memory_space<hbm>>
        %dma_wait3A_194 = arith.constant 0 : i32
        %dma_wait3A_195 = tpu.memref_slice %arg7[%arg0, %multiple_of3A_122, %dma_wait3A_194] : memref<2x20480x128xf32, #tpu.memory_space<hbm>> -> memref<1x16x128xf32, #tpu.memory_space<hbm>>
        %dma_wait3A_196 = tpu.memref_squeeze %dma_wait3A_195 : memref<1x16x128xf32, #tpu.memory_space<hbm>> -> memref<16x128xf32, #tpu.memory_space<hbm>>
        tpu.wait_dma2 semaphore(%run_scoped3A : memref<!tpu.dma_semaphore, #tpu.memory_space<semaphore_mem>>) src(%arg13 : memref<16x128xf32, #tpu.memory_space<vmem>>) dst(%dma_wait3A_196 : memref<16x128xf32, #tpu.memory_space<hbm>>)
        tpu.yield
      }) : () -> ()
      %add3A_123 = arith.constant 2 : i32
      %add3A_124 = arith.addi %mul3A_50, %add3A_123 : i32
      %lt3A = arith.constant 80 : i32
      %lt3A_125 = arith.cmpi slt, %add3A_124, %lt3A : i32
      %convert_element_type3A = arith.extui %lt3A_125 : i1 to i32
      %cond3A = arith.constant 0 : i32
      %cond3A_126 = arith.cmpi ne, %convert_element_type3A, %cond3A : i32
      scf.if %cond3A_126 {
        %add3A_185 = arith.constant 2 : i32
        %add3A_186 = arith.addi %mul3A_50, %add3A_185 : i32
        %mul3A_187 = arith.constant 10240 : i32
        %mul3A_188 = arith.muli %arg1, %mul3A_187 : i32
        %mul3A_189 = arith.constant 128 : i32
        %mul3A_190 = arith.muli %add3A_186, %mul3A_189 : i32
        %add3A_191 = arith.addi %mul3A_188, %mul3A_190 : i32
        %multiple_of3A_192 = tpu.assume_multiple %add3A_191, 8 : i32
        "tpu.region"() ({
          %run_scoped3A = tpu.sem_alloc : memref<!tpu.dma_semaphore, #tpu.memory_space<semaphore_mem>>
          %dma_start3A_211 = tpu.memref_slice %arg3[%arg0, %multiple_of3A_192] : memref<2x163840xi32, #tpu.memory_space<hbm>> -> memref<1x128xi32, #tpu.memory_space<hbm>>
          %dma_start3A_212 = tpu.memref_squeeze %dma_start3A_211 : memref<1x128xi32, #tpu.memory_space<hbm>> -> memref<128xi32, #tpu.memory_space<hbm>>
          %dma_start3A_213 = tpu.memref_slice %arg3[%arg0, %multiple_of3A_192] : memref<2x163840xi32, #tpu.memory_space<hbm>> -> memref<1x128xi32, #tpu.memory_space<hbm>>
          %dma_start3A_214 = tpu.memref_squeeze %dma_start3A_213 : memref<1x128xi32, #tpu.memory_space<hbm>> -> memref<128xi32, #tpu.memory_space<hbm>>
          tpu.enqueue_dma source(%dma_start3A_214 : memref<128xi32, #tpu.memory_space<hbm>>) target(%arg8 : memref<128xi32, #tpu.memory_space<vmem>>) target_semaphore(%run_scoped3A : memref<!tpu.dma_semaphore, #tpu.memory_space<semaphore_mem>>)
          %dma_wait3A_215 = tpu.memref_slice %arg3[%arg0, %multiple_of3A_192] : memref<2x163840xi32, #tpu.memory_space<hbm>> -> memref<1x128xi32, #tpu.memory_space<hbm>>
          %dma_wait3A_216 = tpu.memref_squeeze %dma_wait3A_215 : memref<1x128xi32, #tpu.memory_space<hbm>> -> memref<128xi32, #tpu.memory_space<hbm>>
          %dma_wait3A_217 = tpu.memref_slice %arg3[%arg0, %multiple_of3A_192] : memref<2x163840xi32, #tpu.memory_space<hbm>> -> memref<1x128xi32, #tpu.memory_space<hbm>>
          %dma_wait3A_218 = tpu.memref_squeeze %dma_wait3A_217 : memref<1x128xi32, #tpu.memory_space<hbm>> -> memref<128xi32, #tpu.memory_space<hbm>>
          tpu.wait_dma2 semaphore(%run_scoped3A : memref<!tpu.dma_semaphore, #tpu.memory_space<semaphore_mem>>) src(%dma_wait3A_218 : memref<128xi32, #tpu.memory_space<hbm>>) dst(%arg8 : memref<128xi32, #tpu.memory_space<vmem>>)
          tpu.yield
        }) : () -> ()
        "tpu.region"() ({
          %run_scoped3A = tpu.sem_alloc : memref<!tpu.dma_semaphore, #tpu.memory_space<semaphore_mem>>
          %dma_start3A_211 = tpu.memref_slice %arg4[%arg0, %multiple_of3A_192] : memref<2x163840xi32, #tpu.memory_space<hbm>> -> memref<1x128xi32, #tpu.memory_space<hbm>>
          %dma_start3A_212 = tpu.memref_squeeze %dma_start3A_211 : memref<1x128xi32, #tpu.memory_space<hbm>> -> memref<128xi32, #tpu.memory_space<hbm>>
          %dma_start3A_213 = tpu.memref_slice %arg4[%arg0, %multiple_of3A_192] : memref<2x163840xi32, #tpu.memory_space<hbm>> -> memref<1x128xi32, #tpu.memory_space<hbm>>
          %dma_start3A_214 = tpu.memref_squeeze %dma_start3A_213 : memref<1x128xi32, #tpu.memory_space<hbm>> -> memref<128xi32, #tpu.memory_space<hbm>>
          tpu.enqueue_dma source(%dma_start3A_214 : memref<128xi32, #tpu.memory_space<hbm>>) target(%arg9 : memref<128xi32, #tpu.memory_space<vmem>>) target_semaphore(%run_scoped3A : memref<!tpu.dma_semaphore, #tpu.memory_space<semaphore_mem>>)
          %dma_wait3A_215 = tpu.memref_slice %arg4[%arg0, %multiple_of3A_192] : memref<2x163840xi32, #tpu.memory_space<hbm>> -> memref<1x128xi32, #tpu.memory_space<hbm>>
          %dma_wait3A_216 = tpu.memref_squeeze %dma_wait3A_215 : memref<1x128xi32, #tpu.memory_space<hbm>> -> memref<128xi32, #tpu.memory_space<hbm>>
          %dma_wait3A_217 = tpu.memref_slice %arg4[%arg0, %multiple_of3A_192] : memref<2x163840xi32, #tpu.memory_space<hbm>> -> memref<1x128xi32, #tpu.memory_space<hbm>>
          %dma_wait3A_218 = tpu.memref_squeeze %dma_wait3A_217 : memref<1x128xi32, #tpu.memory_space<hbm>> -> memref<128xi32, #tpu.memory_space<hbm>>
          tpu.wait_dma2 semaphore(%run_scoped3A : memref<!tpu.dma_semaphore, #tpu.memory_space<semaphore_mem>>) src(%dma_wait3A_218 : memref<128xi32, #tpu.memory_space<hbm>>) dst(%arg9 : memref<128xi32, #tpu.memory_space<vmem>>)
          tpu.yield
        }) : () -> ()
        %dma_start3A_193 = arith.constant 0 : i32
        %dma_start3A_194 = arith.constant 0 : i32
        %dma_start3A_195 = tpu.memref_slice %arg2[%dma_start3A_193, %dma_start3A_194] : memref<40960x128xf32, #tpu.memory_space<hbm>> -> memref<40960x128xf32, #tpu.memory_space<hbm>>
        tpu.enqueue_indirect_dma source(%dma_start3A_195 : memref<40960x128xf32, #tpu.memory_space<hbm>>) target(%arg10 : memref<128x128xf32, #tpu.memory_space<vmem>>) offsets(%arg8 : memref<128xi32, #tpu.memory_space<vmem>>) semaphore(%arg14 : memref<!tpu.dma_semaphore, #tpu.memory_space<semaphore_mem>>)
        %dma_start3A_196 = arith.constant 0 : i32
        %dma_start3A_197 = arith.constant 0 : i32
        %dma_start3A_198 = tpu.memref_slice %arg2[%dma_start3A_196, %dma_start3A_197] : memref<40960x128xf32, #tpu.memory_space<hbm>> -> memref<40960x128xf32, #tpu.memory_space<hbm>>
        tpu.enqueue_indirect_dma source(%dma_start3A_198 : memref<40960x128xf32, #tpu.memory_space<hbm>>) target(%arg11 : memref<128x128xf32, #tpu.memory_space<vmem>>) offsets(%arg9 : memref<128xi32, #tpu.memory_space<vmem>>) semaphore(%arg14 : memref<!tpu.dma_semaphore, #tpu.memory_space<semaphore_mem>>)
        %mul3A_199 = arith.constant 10240 : i32
        %mul3A_200 = arith.muli %arg1, %mul3A_199 : i32
        %mul3A_201 = arith.constant 128 : i32
        %mul3A_202 = arith.muli %add3A_186, %mul3A_201 : i32
        %add3A_203 = arith.addi %mul3A_200, %mul3A_202 : i32
        %multiple_of3A_204 = tpu.assume_multiple %add3A_203, 8 : i32
        %dma_start3A_205 = arith.constant 0 : i32
        %dma_start3A_206 = tpu.memref_slice %arg5[%arg0, %multiple_of3A_204, %dma_start3A_205] : memref<2x163840x128xf32, #tpu.memory_space<hbm>> -> memref<1x128x128xf32, #tpu.memory_space<hbm>>
        %dma_start3A_207 = tpu.memref_squeeze %dma_start3A_206 : memref<1x128x128xf32, #tpu.memory_space<hbm>> -> memref<128x128xf32, #tpu.memory_space<hbm>>
        %dma_start3A_208 = arith.constant 0 : i32
        %dma_start3A_209 = tpu.memref_slice %arg5[%arg0, %multiple_of3A_204, %dma_start3A_208] : memref<2x163840x128xf32, #tpu.memory_space<hbm>> -> memref<1x128x128xf32, #tpu.memory_space<hbm>>
        %dma_start3A_210 = tpu.memref_squeeze %dma_start3A_209 : memref<1x128x128xf32, #tpu.memory_space<hbm>> -> memref<128x128xf32, #tpu.memory_space<hbm>>
        tpu.enqueue_dma source(%dma_start3A_210 : memref<128x128xf32, #tpu.memory_space<hbm>>) target(%arg12 : memref<128x128xf32, #tpu.memory_space<vmem>>) target_semaphore(%arg14 : memref<!tpu.dma_semaphore, #tpu.memory_space<semaphore_mem>>)
      } else {
      }
      %add3A_127 = arith.constant 1 : i32
      %add3A_128 = arith.addi %mul3A_50, %add3A_127 : i32
      %dma_wait3A_129 = arith.constant 0 : i32
      %dma_wait3A_130 = arith.constant 0 : i32
      %dma_wait3A_131 = tpu.memref_slice %arg2[%dma_wait3A_129, %dma_wait3A_130] : memref<40960x128xf32, #tpu.memory_space<hbm>> -> memref<40960x128xf32, #tpu.memory_space<hbm>>
      tpu.wait_indirect_dma semaphore(%arg21 : memref<!tpu.dma_semaphore, #tpu.memory_space<semaphore_mem>>) src(%dma_wait3A_131 : memref<40960x128xf32, #tpu.memory_space<hbm>>) dst(%arg17 : memref<128x128xf32, #tpu.memory_space<vmem>>)
      %dma_wait3A_132 = arith.constant 0 : i32
      %dma_wait3A_133 = arith.constant 0 : i32
      %dma_wait3A_134 = tpu.memref_slice %arg2[%dma_wait3A_132, %dma_wait3A_133] : memref<40960x128xf32, #tpu.memory_space<hbm>> -> memref<40960x128xf32, #tpu.memory_space<hbm>>
      tpu.wait_indirect_dma semaphore(%arg21 : memref<!tpu.dma_semaphore, #tpu.memory_space<semaphore_mem>>) src(%dma_wait3A_134 : memref<40960x128xf32, #tpu.memory_space<hbm>>) dst(%arg18 : memref<128x128xf32, #tpu.memory_space<vmem>>)
      %mul3A_135 = arith.constant 10240 : i32
      %mul3A_136 = arith.muli %arg1, %mul3A_135 : i32
      %mul3A_137 = arith.constant 128 : i32
      %mul3A_138 = arith.muli %add3A_128, %mul3A_137 : i32
      %add3A_139 = arith.addi %mul3A_136, %mul3A_138 : i32
      %multiple_of3A_140 = tpu.assume_multiple %add3A_139, 8 : i32
      %dma_wait3A_141 = arith.constant 0 : i32
      %dma_wait3A_142 = tpu.memref_slice %arg5[%arg0, %multiple_of3A_140, %dma_wait3A_141] : memref<2x163840x128xf32, #tpu.memory_space<hbm>> -> memref<1x128x128xf32, #tpu.memory_space<hbm>>
      %dma_wait3A_143 = tpu.memref_squeeze %dma_wait3A_142 : memref<1x128x128xf32, #tpu.memory_space<hbm>> -> memref<128x128xf32, #tpu.memory_space<hbm>>
      %dma_wait3A_144 = arith.constant 0 : i32
      %dma_wait3A_145 = tpu.memref_slice %arg5[%arg0, %multiple_of3A_140, %dma_wait3A_144] : memref<2x163840x128xf32, #tpu.memory_space<hbm>> -> memref<1x128x128xf32, #tpu.memory_space<hbm>>
      %dma_wait3A_146 = tpu.memref_squeeze %dma_wait3A_145 : memref<1x128x128xf32, #tpu.memory_space<hbm>> -> memref<128x128xf32, #tpu.memory_space<hbm>>
      tpu.wait_dma2 semaphore(%arg21 : memref<!tpu.dma_semaphore, #tpu.memory_space<semaphore_mem>>) src(%dma_wait3A_146 : memref<128x128xf32, #tpu.memory_space<hbm>>) dst(%arg19 : memref<128x128xf32, #tpu.memory_space<vmem>>)
      %scan3A_147 = arith.constant 0 : i32
      %scan3A_148 = arith.constant 0 : i32
      %scan3A_149 = arith.constant 16 : i32
      %scan3A_150 = arith.addi %scan3A_148, %scan3A_149 : i32
      %scan3A_151 = arith.constant 1 : i32
      %scan3A_152 = scf.for %scan3A_185 = %scan3A_148 to %scan3A_150 step %scan3A_151 iter_args(%scan3A_186 = %scan3A_147) -> (i32)  : i32 {
        %mul3A_187 = arith.constant 8 : i32
        %mul3A_188 = arith.muli %scan3A_185, %mul3A_187 : i32
        %add3A_189 = arith.constant 0 : i32
        %add3A_190 = arith.addi %mul3A_188, %add3A_189 : i32
        %broadcast_in_dim3A = arith.constant 0.000000e+00 : f32
        %broadcast_in_dim3A_191 = vector.broadcast %broadcast_in_dim3A : f32 to vector<16xf32>
        %get3A_192 = arith.index_cast %add3A_190 : i32 to index
        %get3A_193 = arith.constant 0 : index
        %get3A_194 = tpu.vector_load %arg17[%get3A_192, %get3A_193] {strides = array<i32>} : memref<128x128xf32, #tpu.memory_space<vmem>>, vector<1x16xf32>,
        %get3A_195 = vector.shape_cast %get3A_194 : vector<1x16xf32> to vector<16xf32>
        %get3A_196 = arith.index_cast %add3A_190 : i32 to index
        %get3A_197 = arith.constant 0 : index
        %get3A_198 = tpu.vector_load %arg18[%get3A_196, %get3A_197] {strides = array<i32>} : memref<128x128xf32, #tpu.memory_space<vmem>>, vector<1x16xf32>,
        %get3A_199 = vector.shape_cast %get3A_198 : vector<1x16xf32> to vector<16xf32>
        %add3A_200 = arith.addf %get3A_195, %get3A_199 : vector<16xf32>
        %get3A_201 = arith.index_cast %add3A_190 : i32 to index
        %get3A_202 = arith.constant 0 : index
        %get3A_203 = tpu.vector_load %arg19[%get3A_201, %get3A_202] {strides = array<i32>} : memref<128x128xf32, #tpu.memory_space<vmem>>, vector<1x16xf32>,
        %get3A_204 = vector.shape_cast %get3A_203 : vector<1x16xf32> to vector<16xf32>
        %add3A_205 = arith.addf %add3A_200, %get3A_204 : vector<16xf32>
        %max3A = arith.constant 0.000000e+00 : f32
        %max3A_206 = vector.broadcast %max3A : f32 to vector<16xf32>
        %max3A_207 = arith.maximumf %add3A_205, %max3A_206 : vector<16xf32>
        %mul3A_208 = arith.mulf %max3A_207, %get3A_1 : vector<16xf32>
        %add3A_209 = arith.addf %broadcast_in_dim3A_191, %mul3A_208 : vector<16xf32>
        %get3A_210 = arith.index_cast %add3A_190 : i32 to index
        %get3A_211 = arith.constant 16 : index
        %get3A_212 = tpu.vector_load %arg17[%get3A_210, %get3A_211] {strides = array<i32>} : memref<128x128xf32, #tpu.memory_space<vmem>>, vector<1x16xf32>,
        %get3A_213 = vector.shape_cast %get3A_212 : vector<1x16xf32> to vector<16xf32>
        %get3A_214 = arith.index_cast %add3A_190 : i32 to index
        %get3A_215 = arith.constant 16 : index
        %get3A_216 = tpu.vector_load %arg18[%get3A_214, %get3A_215] {strides = array<i32>} : memref<128x128xf32, #tpu.memory_space<vmem>>, vector<1x16xf32>,
        %get3A_217 = vector.shape_cast %get3A_216 : vector<1x16xf32> to vector<16xf32>
        %add3A_218 = arith.addf %get3A_213, %get3A_217 : vector<16xf32>
        %get3A_219 = arith.index_cast %add3A_190 : i32 to index
        %get3A_220 = arith.constant 16 : index
        %get3A_221 = tpu.vector_load %arg19[%get3A_219, %get3A_220] {strides = array<i32>} : memref<128x128xf32, #tpu.memory_space<vmem>>, vector<1x16xf32>,
        %get3A_222 = vector.shape_cast %get3A_221 : vector<1x16xf32> to vector<16xf32>
        %add3A_223 = arith.addf %add3A_218, %get3A_222 : vector<16xf32>
        %max3A_224 = arith.constant 0.000000e+00 : f32
        %max3A_225 = vector.broadcast %max3A_224 : f32 to vector<16xf32>
        %max3A_226 = arith.maximumf %add3A_223, %max3A_225 : vector<16xf32>
        %mul3A_227 = arith.mulf %max3A_226, %get3A_4 : vector<16xf32>
        %add3A_228 = arith.addf %add3A_209, %mul3A_227 : vector<16xf32>
        %get3A_229 = arith.index_cast %add3A_190 : i32 to index
        %get3A_230 = arith.constant 32 : index
        %get3A_231 = tpu.vector_load %arg17[%get3A_229, %get3A_230] {strides = array<i32>} : memref<128x128xf32, #tpu.memory_space<vmem>>, vector<1x16xf32>,
        %get3A_232 = vector.shape_cast %get3A_231 : vector<1x16xf32> to vector<16xf32>
        %get3A_233 = arith.index_cast %add3A_190 : i32 to index
        %get3A_234 = arith.constant 32 : index
        %get3A_235 = tpu.vector_load %arg18[%get3A_233, %get3A_234] {strides = array<i32>} : memref<128x128xf32, #tpu.memory_space<vmem>>, vector<1x16xf32>,
        %get3A_236 = vector.shape_cast %get3A_235 : vector<1x16xf32> to vector<16xf32>
        %add3A_237 = arith.addf %get3A_232, %get3A_236 : vector<16xf32>
        %get3A_238 = arith.index_cast %add3A_190 : i32 to index
        %get3A_239 = arith.constant 32 : index
        %get3A_240 = tpu.vector_load %arg19[%get3A_238, %get3A_239] {strides = array<i32>} : memref<128x128xf32, #tpu.memory_space<vmem>>, vector<1x16xf32>,
        %get3A_241 = vector.shape_cast %get3A_240 : vector<1x16xf32> to vector<16xf32>
        %add3A_242 = arith.addf %add3A_237, %get3A_241 : vector<16xf32>
        %max3A_243 = arith.constant 0.000000e+00 : f32
        %max3A_244 = vector.broadcast %max3A_243 : f32 to vector<16xf32>
        %max3A_245 = arith.maximumf %add3A_242, %max3A_244 : vector<16xf32>
        %mul3A_246 = arith.mulf %max3A_245, %get3A_7 : vector<16xf32>
        %add3A_247 = arith.addf %add3A_228, %mul3A_246 : vector<16xf32>
        %get3A_248 = arith.index_cast %add3A_190 : i32 to index
        %get3A_249 = arith.constant 48 : index
        %get3A_250 = tpu.vector_load %arg17[%get3A_248, %get3A_249] {strides = array<i32>} : memref<128x128xf32, #tpu.memory_space<vmem>>, vector<1x16xf32>,
        %get3A_251 = vector.shape_cast %get3A_250 : vector<1x16xf32> to vector<16xf32>
        %get3A_252 = arith.index_cast %add3A_190 : i32 to index
        %get3A_253 = arith.constant 48 : index
        %get3A_254 = tpu.vector_load %arg18[%get3A_252, %get3A_253] {strides = array<i32>} : memref<128x128xf32, #tpu.memory_space<vmem>>, vector<1x16xf32>,
        %get3A_255 = vector.shape_cast %get3A_254 : vector<1x16xf32> to vector<16xf32>
        %add3A_256 = arith.addf %get3A_251, %get3A_255 : vector<16xf32>
        %get3A_257 = arith.index_cast %add3A_190 : i32 to index
        %get3A_258 = arith.constant 48 : index
        %get3A_259 = tpu.vector_load %arg19[%get3A_257, %get3A_258] {strides = array<i32>} : memref<128x128xf32, #tpu.memory_space<vmem>>, vector<1x16xf32>,
        %get3A_260 = vector.shape_cast %get3A_259 : vector<1x16xf32> to vector<16xf32>
        %add3A_261 = arith.addf %add3A_256, %get3A_260 : vector<16xf32>
        %max3A_262 = arith.constant 0.000000e+00 : f32
        %max3A_263 = vector.broadcast %max3A_262 : f32 to vector<16xf32>
        %max3A_264 = arith.maximumf %add3A_261, %max3A_263 : vector<16xf32>
        %mul3A_265 = arith.mulf %max3A_264, %get3A_10 : vector<16xf32>
        %add3A_266 = arith.addf %add3A_247, %mul3A_265 : vector<16xf32>
        %get3A_267 = arith.index_cast %add3A_190 : i32 to index
        %get3A_268 = arith.constant 64 : index
        %get3A_269 = tpu.vector_load %arg17[%get3A_267, %get3A_268] {strides = array<i32>} : memref<128x128xf32, #tpu.memory_space<vmem>>, vector<1x16xf32>,
        %get3A_270 = vector.shape_cast %get3A_269 : vector<1x16xf32> to vector<16xf32>
        %get3A_271 = arith.index_cast %add3A_190 : i32 to index
        %get3A_272 = arith.constant 64 : index
        %get3A_273 = tpu.vector_load %arg18[%get3A_271, %get3A_272] {strides = array<i32>} : memref<128x128xf32, #tpu.memory_space<vmem>>, vector<1x16xf32>,
        %get3A_274 = vector.shape_cast %get3A_273 : vector<1x16xf32> to vector<16xf32>
        %add3A_275 = arith.addf %get3A_270, %get3A_274 : vector<16xf32>
        %get3A_276 = arith.index_cast %add3A_190 : i32 to index
        %get3A_277 = arith.constant 64 : index
        %get3A_278 = tpu.vector_load %arg19[%get3A_276, %get3A_277] {strides = array<i32>} : memref<128x128xf32, #tpu.memory_space<vmem>>, vector<1x16xf32>,
        %get3A_279 = vector.shape_cast %get3A_278 : vector<1x16xf32> to vector<16xf32>
        %add3A_280 = arith.addf %add3A_275, %get3A_279 : vector<16xf32>
        %max3A_281 = arith.constant 0.000000e+00 : f32
        %max3A_282 = vector.broadcast %max3A_281 : f32 to vector<16xf32>
        %max3A_283 = arith.maximumf %add3A_280, %max3A_282 : vector<16xf32>
        %mul3A_284 = arith.mulf %max3A_283, %get3A_13 : vector<16xf32>
        %add3A_285 = arith.addf %add3A_266, %mul3A_284 : vector<16xf32>
        %get3A_286 = arith.index_cast %add3A_190 : i32 to index
        %get3A_287 = arith.constant 80 : index
        %get3A_288 = tpu.vector_load %arg17[%get3A_286, %get3A_287] {strides = array<i32>} : memref<128x128xf32, #tpu.memory_space<vmem>>, vector<1x16xf32>,
        %get3A_289 = vector.shape_cast %get3A_288 : vector<1x16xf32> to vector<16xf32>
        %get3A_290 = arith.index_cast %add3A_190 : i32 to index
        %get3A_291 = arith.constant 80 : index
        %get3A_292 = tpu.vector_load %arg18[%get3A_290, %get3A_291] {strides = array<i32>} : memref<128x128xf32, #tpu.memory_space<vmem>>, vector<1x16xf32>,
        %get3A_293 = vector.shape_cast %get3A_292 : vector<1x16xf32> to vector<16xf32>
        %add3A_294 = arith.addf %get3A_289, %get3A_293 : vector<16xf32>
        %get3A_295 = arith.index_cast %add3A_190 : i32 to index
        %get3A_296 = arith.constant 80 : index
        %get3A_297 = tpu.vector_load %arg19[%get3A_295, %get3A_296] {strides = array<i32>} : memref<128x128xf32, #tpu.memory_space<vmem>>, vector<1x16xf32>,
        %get3A_298 = vector.shape_cast %get3A_297 : vector<1x16xf32> to vector<16xf32>
        %add3A_299 = arith.addf %add3A_294, %get3A_298 : vector<16xf32>
        %max3A_300 = arith.constant 0.000000e+00 : f32
        %max3A_301 = vector.broadcast %max3A_300 : f32 to vector<16xf32>
        %max3A_302 = arith.maximumf %add3A_299, %max3A_301 : vector<16xf32>
        %mul3A_303 = arith.mulf %max3A_302, %get3A_16 : vector<16xf32>
        %add3A_304 = arith.addf %add3A_285, %mul3A_303 : vector<16xf32>
        %get3A_305 = arith.index_cast %add3A_190 : i32 to index
        %get3A_306 = arith.constant 96 : index
        %get3A_307 = tpu.vector_load %arg17[%get3A_305, %get3A_306] {strides = array<i32>} : memref<128x128xf32, #tpu.memory_space<vmem>>, vector<1x16xf32>,
        %get3A_308 = vector.shape_cast %get3A_307 : vector<1x16xf32> to vector<16xf32>
        %get3A_309 = arith.index_cast %add3A_190 : i32 to index
        %get3A_310 = arith.constant 96 : index
        %get3A_311 = tpu.vector_load %arg18[%get3A_309, %get3A_310] {strides = array<i32>} : memref<128x128xf32, #tpu.memory_space<vmem>>, vector<1x16xf32>,
        %get3A_312 = vector.shape_cast %get3A_311 : vector<1x16xf32> to vector<16xf32>
        %add3A_313 = arith.addf %get3A_308, %get3A_312 : vector<16xf32>
        %get3A_314 = arith.index_cast %add3A_190 : i32 to index
        %get3A_315 = arith.constant 96 : index
        %get3A_316 = tpu.vector_load %arg19[%get3A_314, %get3A_315] {strides = array<i32>} : memref<128x128xf32, #tpu.memory_space<vmem>>, vector<1x16xf32>,
        %get3A_317 = vector.shape_cast %get3A_316 : vector<1x16xf32> to vector<16xf32>
        %add3A_318 = arith.addf %add3A_313, %get3A_317 : vector<16xf32>
        %max3A_319 = arith.constant 0.000000e+00 : f32
        %max3A_320 = vector.broadcast %max3A_319 : f32 to vector<16xf32>
        %max3A_321 = arith.maximumf %add3A_318, %max3A_320 : vector<16xf32>
        %mul3A_322 = arith.mulf %max3A_321, %get3A_19 : vector<16xf32>
        %add3A_323 = arith.addf %add3A_304, %mul3A_322 : vector<16xf32>
        %get3A_324 = arith.index_cast %add3A_190 : i32 to index
        %get3A_325 = arith.constant 112 : index
        %get3A_326 = tpu.vector_load %arg17[%get3A_324, %get3A_325] {strides = array<i32>} : memref<128x128xf32, #tpu.memory_space<vmem>>, vector<1x16xf32>,
        %get3A_327 = vector.shape_cast %get3A_326 : vector<1x16xf32> to vector<16xf32>
        %get3A_328 = arith.index_cast %add3A_190 : i32 to index
        %get3A_329 = arith.constant 112 : index
        %get3A_330 = tpu.vector_load %arg18[%get3A_328, %get3A_329] {strides = array<i32>} : memref<128x128xf32, #tpu.memory_space<vmem>>, vector<1x16xf32>,
        %get3A_331 = vector.shape_cast %get3A_330 : vector<1x16xf32> to vector<16xf32>
        %add3A_332 = arith.addf %get3A_327, %get3A_331 : vector<16xf32>
        %get3A_333 = arith.index_cast %add3A_190 : i32 to index
        %get3A_334 = arith.constant 112 : index
        %get3A_335 = tpu.vector_load %arg19[%get3A_333, %get3A_334] {strides = array<i32>} : memref<128x128xf32, #tpu.memory_space<vmem>>, vector<1x16xf32>,
        %get3A_336 = vector.shape_cast %get3A_335 : vector<1x16xf32> to vector<16xf32>
        %add3A_337 = arith.addf %add3A_332, %get3A_336 : vector<16xf32>
        %max3A_338 = arith.constant 0.000000e+00 : f32
        %max3A_339 = vector.broadcast %max3A_338 : f32 to vector<16xf32>
        %max3A_340 = arith.maximumf %add3A_337, %max3A_339 : vector<16xf32>
        %mul3A_341 = arith.mulf %max3A_340, %get3A_22 : vector<16xf32>
        %add3A_342 = arith.addf %add3A_323, %mul3A_341 : vector<16xf32>
        %swap3A = arith.index_cast %scan3A_185 : i32 to index
        %swap3A_343 = arith.constant 0 : index
        %swap3A_344 = tpu.vector_load %arg20[%swap3A, %swap3A_343] {strides = array<i32>} : memref<16x128xf32, #tpu.memory_space<vmem>>, vector<1x16xf32>,
        %swap3A_345 = vector.shape_cast %swap3A_344 : vector<1x16xf32> to vector<16xf32>
        %swap3A_346 = vector.shape_cast %add3A_342 : vector<16xf32> to vector<1x16xf32>
        tpu.vector_store %arg20[%swap3A, %swap3A_343], %swap3A_346 {strides = array<i32>} : memref<16x128xf32, #tpu.memory_space<vmem>>, vector<1x16xf32>,
        %mul3A_347 = arith.constant 8 : i32
        %mul3A_348 = arith.muli %scan3A_185, %mul3A_347 : i32
        %add3A_349 = arith.constant 1 : i32
        %add3A_350 = arith.addi %mul3A_348, %add3A_349 : i32
        %broadcast_in_dim3A_351 = arith.constant 0.000000e+00 : f32
        %broadcast_in_dim3A_352 = vector.broadcast %broadcast_in_dim3A_351 : f32 to vector<16xf32>
        %get3A_353 = arith.index_cast %add3A_350 : i32 to index
        %get3A_354 = arith.constant 0 : index
        %get3A_355 = tpu.vector_load %arg17[%get3A_353, %get3A_354] {strides = array<i32>} : memref<128x128xf32, #tpu.memory_space<vmem>>, vector<1x16xf32>,
        %get3A_356 = vector.shape_cast %get3A_355 : vector<1x16xf32> to vector<16xf32>
        %get3A_357 = arith.index_cast %add3A_350 : i32 to index
        %get3A_358 = arith.constant 0 : index
        %get3A_359 = tpu.vector_load %arg18[%get3A_357, %get3A_358] {strides = array<i32>} : memref<128x128xf32, #tpu.memory_space<vmem>>, vector<1x16xf32>,
        %get3A_360 = vector.shape_cast %get3A_359 : vector<1x16xf32> to vector<16xf32>
        %add3A_361 = arith.addf %get3A_356, %get3A_360 : vector<16xf32>
        %get3A_362 = arith.index_cast %add3A_350 : i32 to index
        %get3A_363 = arith.constant 0 : index
        %get3A_364 = tpu.vector_load %arg19[%get3A_362, %get3A_363] {strides = array<i32>} : memref<128x128xf32, #tpu.memory_space<vmem>>, vector<1x16xf32>,
        %get3A_365 = vector.shape_cast %get3A_364 : vector<1x16xf32> to vector<16xf32>
        %add3A_366 = arith.addf %add3A_361, %get3A_365 : vector<16xf32>
        %max3A_367 = arith.constant 0.000000e+00 : f32
        %max3A_368 = vector.broadcast %max3A_367 : f32 to vector<16xf32>
        %max3A_369 = arith.maximumf %add3A_366, %max3A_368 : vector<16xf32>
        %mul3A_370 = arith.mulf %max3A_369, %get3A_1 : vector<16xf32>
        %add3A_371 = arith.addf %broadcast_in_dim3A_352, %mul3A_370 : vector<16xf32>
        %get3A_372 = arith.index_cast %add3A_350 : i32 to index
        %get3A_373 = arith.constant 16 : index
        %get3A_374 = tpu.vector_load %arg17[%get3A_372, %get3A_373] {strides = array<i32>} : memref<128x128xf32, #tpu.memory_space<vmem>>, vector<1x16xf32>,
        %get3A_375 = vector.shape_cast %get3A_374 : vector<1x16xf32> to vector<16xf32>
        %get3A_376 = arith.index_cast %add3A_350 : i32 to index
        %get3A_377 = arith.constant 16 : index
        %get3A_378 = tpu.vector_load %arg18[%get3A_376, %get3A_377] {strides = array<i32>} : memref<128x128xf32, #tpu.memory_space<vmem>>, vector<1x16xf32>,
        %get3A_379 = vector.shape_cast %get3A_378 : vector<1x16xf32> to vector<16xf32>
        %add3A_380 = arith.addf %get3A_375, %get3A_379 : vector<16xf32>
        %get3A_381 = arith.index_cast %add3A_350 : i32 to index
        %get3A_382 = arith.constant 16 : index
        %get3A_383 = tpu.vector_load %arg19[%get3A_381, %get3A_382] {strides = array<i32>} : memref<128x128xf32, #tpu.memory_space<vmem>>, vector<1x16xf32>,
        %get3A_384 = vector.shape_cast %get3A_383 : vector<1x16xf32> to vector<16xf32>
        %add3A_385 = arith.addf %add3A_380, %get3A_384 : vector<16xf32>
        %max3A_386 = arith.constant 0.000000e+00 : f32
        %max3A_387 = vector.broadcast %max3A_386 : f32 to vector<16xf32>
        %max3A_388 = arith.maximumf %add3A_385, %max3A_387 : vector<16xf32>
        %mul3A_389 = arith.mulf %max3A_388, %get3A_4 : vector<16xf32>
        %add3A_390 = arith.addf %add3A_371, %mul3A_389 : vector<16xf32>
        %get3A_391 = arith.index_cast %add3A_350 : i32 to index
        %get3A_392 = arith.constant 32 : index
        %get3A_393 = tpu.vector_load %arg17[%get3A_391, %get3A_392] {strides = array<i32>} : memref<128x128xf32, #tpu.memory_space<vmem>>, vector<1x16xf32>,
        %get3A_394 = vector.shape_cast %get3A_393 : vector<1x16xf32> to vector<16xf32>
        %get3A_395 = arith.index_cast %add3A_350 : i32 to index
        %get3A_396 = arith.constant 32 : index
        %get3A_397 = tpu.vector_load %arg18[%get3A_395, %get3A_396] {strides = array<i32>} : memref<128x128xf32, #tpu.memory_space<vmem>>, vector<1x16xf32>,
        %get3A_398 = vector.shape_cast %get3A_397 : vector<1x16xf32> to vector<16xf32>
        %add3A_399 = arith.addf %get3A_394, %get3A_398 : vector<16xf32>
        %get3A_400 = arith.index_cast %add3A_350 : i32 to index
        %get3A_401 = arith.constant 32 : index
        %get3A_402 = tpu.vector_load %arg19[%get3A_400, %get3A_401] {strides = array<i32>} : memref<128x128xf32, #tpu.memory_space<vmem>>, vector<1x16xf32>,
        %get3A_403 = vector.shape_cast %get3A_402 : vector<1x16xf32> to vector<16xf32>
        %add3A_404 = arith.addf %add3A_399, %get3A_403 : vector<16xf32>
        %max3A_405 = arith.constant 0.000000e+00 : f32
        %max3A_406 = vector.broadcast %max3A_405 : f32 to vector<16xf32>
        %max3A_407 = arith.maximumf %add3A_404, %max3A_406 : vector<16xf32>
        %mul3A_408 = arith.mulf %max3A_407, %get3A_7 : vector<16xf32>
        %add3A_409 = arith.addf %add3A_390, %mul3A_408 : vector<16xf32>
        %get3A_410 = arith.index_cast %add3A_350 : i32 to index
        %get3A_411 = arith.constant 48 : index
        %get3A_412 = tpu.vector_load %arg17[%get3A_410, %get3A_411] {strides = array<i32>} : memref<128x128xf32, #tpu.memory_space<vmem>>, vector<1x16xf32>,
        %get3A_413 = vector.shape_cast %get3A_412 : vector<1x16xf32> to vector<16xf32>
        %get3A_414 = arith.index_cast %add3A_350 : i32 to index
        %get3A_415 = arith.constant 48 : index
        %get3A_416 = tpu.vector_load %arg18[%get3A_414, %get3A_415] {strides = array<i32>} : memref<128x128xf32, #tpu.memory_space<vmem>>, vector<1x16xf32>,
        %get3A_417 = vector.shape_cast %get3A_416 : vector<1x16xf32> to vector<16xf32>
        %add3A_418 = arith.addf %get3A_413, %get3A_417 : vector<16xf32>
        %get3A_419 = arith.index_cast %add3A_350 : i32 to index
        %get3A_420 = arith.constant 48 : index
        %get3A_421 = tpu.vector_load %arg19[%get3A_419, %get3A_420] {strides = array<i32>} : memref<128x128xf32, #tpu.memory_space<vmem>>, vector<1x16xf32>,
        %get3A_422 = vector.shape_cast %get3A_421 : vector<1x16xf32> to vector<16xf32>
        %add3A_423 = arith.addf %add3A_418, %get3A_422 : vector<16xf32>
        %max3A_424 = arith.constant 0.000000e+00 : f32
        %max3A_425 = vector.broadcast %max3A_424 : f32 to vector<16xf32>
        %max3A_426 = arith.maximumf %add3A_423, %max3A_425 : vector<16xf32>
        %mul3A_427 = arith.mulf %max3A_426, %get3A_10 : vector<16xf32>
        %add3A_428 = arith.addf %add3A_409, %mul3A_427 : vector<16xf32>
        %get3A_429 = arith.index_cast %add3A_350 : i32 to index
        %get3A_430 = arith.constant 64 : index
        %get3A_431 = tpu.vector_load %arg17[%get3A_429, %get3A_430] {strides = array<i32>} : memref<128x128xf32, #tpu.memory_space<vmem>>, vector<1x16xf32>,
        %get3A_432 = vector.shape_cast %get3A_431 : vector<1x16xf32> to vector<16xf32>
        %get3A_433 = arith.index_cast %add3A_350 : i32 to index
        %get3A_434 = arith.constant 64 : index
        %get3A_435 = tpu.vector_load %arg18[%get3A_433, %get3A_434] {strides = array<i32>} : memref<128x128xf32, #tpu.memory_space<vmem>>, vector<1x16xf32>,
        %get3A_436 = vector.shape_cast %get3A_435 : vector<1x16xf32> to vector<16xf32>
        %add3A_437 = arith.addf %get3A_432, %get3A_436 : vector<16xf32>
        %get3A_438 = arith.index_cast %add3A_350 : i32 to index
        %get3A_439 = arith.constant 64 : index
        %get3A_440 = tpu.vector_load %arg19[%get3A_438, %get3A_439] {strides = array<i32>} : memref<128x128xf32, #tpu.memory_space<vmem>>, vector<1x16xf32>,
        %get3A_441 = vector.shape_cast %get3A_440 : vector<1x16xf32> to vector<16xf32>
        %add3A_442 = arith.addf %add3A_437, %get3A_441 : vector<16xf32>
        %max3A_443 = arith.constant 0.000000e+00 : f32
        %max3A_444 = vector.broadcast %max3A_443 : f32 to vector<16xf32>
        %max3A_445 = arith.maximumf %add3A_442, %max3A_444 : vector<16xf32>
        %mul3A_446 = arith.mulf %max3A_445, %get3A_13 : vector<16xf32>
        %add3A_447 = arith.addf %add3A_428, %mul3A_446 : vector<16xf32>
        %get3A_448 = arith.index_cast %add3A_350 : i32 to index
        %get3A_449 = arith.constant 80 : index
        %get3A_450 = tpu.vector_load %arg17[%get3A_448, %get3A_449] {strides = array<i32>} : memref<128x128xf32, #tpu.memory_space<vmem>>, vector<1x16xf32>,
        %get3A_451 = vector.shape_cast %get3A_450 : vector<1x16xf32> to vector<16xf32>
        %get3A_452 = arith.index_cast %add3A_350 : i32 to index
        %get3A_453 = arith.constant 80 : index
        %get3A_454 = tpu.vector_load %arg18[%get3A_452, %get3A_453] {strides = array<i32>} : memref<128x128xf32, #tpu.memory_space<vmem>>, vector<1x16xf32>,
        %get3A_455 = vector.shape_cast %get3A_454 : vector<1x16xf32> to vector<16xf32>
        %add3A_456 = arith.addf %get3A_451, %get3A_455 : vector<16xf32>
        %get3A_457 = arith.index_cast %add3A_350 : i32 to index
        %get3A_458 = arith.constant 80 : index
        %get3A_459 = tpu.vector_load %arg19[%get3A_457, %get3A_458] {strides = array<i32>} : memref<128x128xf32, #tpu.memory_space<vmem>>, vector<1x16xf32>,
        %get3A_460 = vector.shape_cast %get3A_459 : vector<1x16xf32> to vector<16xf32>
        %add3A_461 = arith.addf %add3A_456, %get3A_460 : vector<16xf32>
        %max3A_462 = arith.constant 0.000000e+00 : f32
        %max3A_463 = vector.broadcast %max3A_462 : f32 to vector<16xf32>
        %max3A_464 = arith.maximumf %add3A_461, %max3A_463 : vector<16xf32>
        %mul3A_465 = arith.mulf %max3A_464, %get3A_16 : vector<16xf32>
        %add3A_466 = arith.addf %add3A_447, %mul3A_465 : vector<16xf32>
        %get3A_467 = arith.index_cast %add3A_350 : i32 to index
        %get3A_468 = arith.constant 96 : index
        %get3A_469 = tpu.vector_load %arg17[%get3A_467, %get3A_468] {strides = array<i32>} : memref<128x128xf32, #tpu.memory_space<vmem>>, vector<1x16xf32>,
        %get3A_470 = vector.shape_cast %get3A_469 : vector<1x16xf32> to vector<16xf32>
        %get3A_471 = arith.index_cast %add3A_350 : i32 to index
        %get3A_472 = arith.constant 96 : index
        %get3A_473 = tpu.vector_load %arg18[%get3A_471, %get3A_472] {strides = array<i32>} : memref<128x128xf32, #tpu.memory_space<vmem>>, vector<1x16xf32>,
        %get3A_474 = vector.shape_cast %get3A_473 : vector<1x16xf32> to vector<16xf32>
        %add3A_475 = arith.addf %get3A_470, %get3A_474 : vector<16xf32>
        %get3A_476 = arith.index_cast %add3A_350 : i32 to index
        %get3A_477 = arith.constant 96 : index
        %get3A_478 = tpu.vector_load %arg19[%get3A_476, %get3A_477] {strides = array<i32>} : memref<128x128xf32, #tpu.memory_space<vmem>>, vector<1x16xf32>,
        %get3A_479 = vector.shape_cast %get3A_478 : vector<1x16xf32> to vector<16xf32>
        %add3A_480 = arith.addf %add3A_475, %get3A_479 : vector<16xf32>
        %max3A_481 = arith.constant 0.000000e+00 : f32
        %max3A_482 = vector.broadcast %max3A_481 : f32 to vector<16xf32>
        %max3A_483 = arith.maximumf %add3A_480, %max3A_482 : vector<16xf32>
        %mul3A_484 = arith.mulf %max3A_483, %get3A_19 : vector<16xf32>
        %add3A_485 = arith.addf %add3A_466, %mul3A_484 : vector<16xf32>
        %get3A_486 = arith.index_cast %add3A_350 : i32 to index
        %get3A_487 = arith.constant 112 : index
        %get3A_488 = tpu.vector_load %arg17[%get3A_486, %get3A_487] {strides = array<i32>} : memref<128x128xf32, #tpu.memory_space<vmem>>, vector<1x16xf32>,
        %get3A_489 = vector.shape_cast %get3A_488 : vector<1x16xf32> to vector<16xf32>
        %get3A_490 = arith.index_cast %add3A_350 : i32 to index
        %get3A_491 = arith.constant 112 : index
        %get3A_492 = tpu.vector_load %arg18[%get3A_490, %get3A_491] {strides = array<i32>} : memref<128x128xf32, #tpu.memory_space<vmem>>, vector<1x16xf32>,
        %get3A_493 = vector.shape_cast %get3A_492 : vector<1x16xf32> to vector<16xf32>
        %add3A_494 = arith.addf %get3A_489, %get3A_493 : vector<16xf32>
        %get3A_495 = arith.index_cast %add3A_350 : i32 to index
        %get3A_496 = arith.constant 112 : index
        %get3A_497 = tpu.vector_load %arg19[%get3A_495, %get3A_496] {strides = array<i32>} : memref<128x128xf32, #tpu.memory_space<vmem>>, vector<1x16xf32>,
        %get3A_498 = vector.shape_cast %get3A_497 : vector<1x16xf32> to vector<16xf32>
        %add3A_499 = arith.addf %add3A_494, %get3A_498 : vector<16xf32>
        %max3A_500 = arith.constant 0.000000e+00 : f32
        %max3A_501 = vector.broadcast %max3A_500 : f32 to vector<16xf32>
        %max3A_502 = arith.maximumf %add3A_499, %max3A_501 : vector<16xf32>
        %mul3A_503 = arith.mulf %max3A_502, %get3A_22 : vector<16xf32>
        %add3A_504 = arith.addf %add3A_485, %mul3A_503 : vector<16xf32>
        %swap3A_505 = arith.index_cast %scan3A_185 : i32 to index
        %swap3A_506 = arith.constant 16 : index
        %swap3A_507 = tpu.vector_load %arg20[%swap3A_505, %swap3A_506] {strides = array<i32>} : memref<16x128xf32, #tpu.memory_space<vmem>>, vector<1x16xf32>,
        %swap3A_508 = vector.shape_cast %swap3A_507 : vector<1x16xf32> to vector<16xf32>
        %swap3A_509 = vector.shape_cast %add3A_504 : vector<16xf32> to vector<1x16xf32>
        tpu.vector_store %arg20[%swap3A_505, %swap3A_506], %swap3A_509 {strides = array<i32>} : memref<16x128xf32, #tpu.memory_space<vmem>>, vector<1x16xf32>,
        %mul3A_510 = arith.constant 8 : i32
        %mul3A_511 = arith.muli %scan3A_185, %mul3A_510 : i32
        %add3A_512 = arith.constant 2 : i32
        %add3A_513 = arith.addi %mul3A_511, %add3A_512 : i32
        %broadcast_in_dim3A_514 = arith.constant 0.000000e+00 : f32
        %broadcast_in_dim3A_515 = vector.broadcast %broadcast_in_dim3A_514 : f32 to vector<16xf32>
        %get3A_516 = arith.index_cast %add3A_513 : i32 to index
        %get3A_517 = arith.constant 0 : index
        %get3A_518 = tpu.vector_load %arg17[%get3A_516, %get3A_517] {strides = array<i32>} : memref<128x128xf32, #tpu.memory_space<vmem>>, vector<1x16xf32>,
        %get3A_519 = vector.shape_cast %get3A_518 : vector<1x16xf32> to vector<16xf32>
        %get3A_520 = arith.index_cast %add3A_513 : i32 to index
        %get3A_521 = arith.constant 0 : index
        %get3A_522 = tpu.vector_load %arg18[%get3A_520, %get3A_521] {strides = array<i32>} : memref<128x128xf32, #tpu.memory_space<vmem>>, vector<1x16xf32>,
        %get3A_523 = vector.shape_cast %get3A_522 : vector<1x16xf32> to vector<16xf32>
        %add3A_524 = arith.addf %get3A_519, %get3A_523 : vector<16xf32>
        %get3A_525 = arith.index_cast %add3A_513 : i32 to index
        %get3A_526 = arith.constant 0 : index
        %get3A_527 = tpu.vector_load %arg19[%get3A_525, %get3A_526] {strides = array<i32>} : memref<128x128xf32, #tpu.memory_space<vmem>>, vector<1x16xf32>,
        %get3A_528 = vector.shape_cast %get3A_527 : vector<1x16xf32> to vector<16xf32>
        %add3A_529 = arith.addf %add3A_524, %get3A_528 : vector<16xf32>
        %max3A_530 = arith.constant 0.000000e+00 : f32
        %max3A_531 = vector.broadcast %max3A_530 : f32 to vector<16xf32>
        %max3A_532 = arith.maximumf %add3A_529, %max3A_531 : vector<16xf32>
        %mul3A_533 = arith.mulf %max3A_532, %get3A_1 : vector<16xf32>
        %add3A_534 = arith.addf %broadcast_in_dim3A_515, %mul3A_533 : vector<16xf32>
        %get3A_535 = arith.index_cast %add3A_513 : i32 to index
        %get3A_536 = arith.constant 16 : index
        %get3A_537 = tpu.vector_load %arg17[%get3A_535, %get3A_536] {strides = array<i32>} : memref<128x128xf32, #tpu.memory_space<vmem>>, vector<1x16xf32>,
        %get3A_538 = vector.shape_cast %get3A_537 : vector<1x16xf32> to vector<16xf32>
        %get3A_539 = arith.index_cast %add3A_513 : i32 to index
        %get3A_540 = arith.constant 16 : index
        %get3A_541 = tpu.vector_load %arg18[%get3A_539, %get3A_540] {strides = array<i32>} : memref<128x128xf32, #tpu.memory_space<vmem>>, vector<1x16xf32>,
        %get3A_542 = vector.shape_cast %get3A_541 : vector<1x16xf32> to vector<16xf32>
        %add3A_543 = arith.addf %get3A_538, %get3A_542 : vector<16xf32>
        %get3A_544 = arith.index_cast %add3A_513 : i32 to index
        %get3A_545 = arith.constant 16 : index
        %get3A_546 = tpu.vector_load %arg19[%get3A_544, %get3A_545] {strides = array<i32>} : memref<128x128xf32, #tpu.memory_space<vmem>>, vector<1x16xf32>,
        %get3A_547 = vector.shape_cast %get3A_546 : vector<1x16xf32> to vector<16xf32>
        %add3A_548 = arith.addf %add3A_543, %get3A_547 : vector<16xf32>
        %max3A_549 = arith.constant 0.000000e+00 : f32
        %max3A_550 = vector.broadcast %max3A_549 : f32 to vector<16xf32>
        %max3A_551 = arith.maximumf %add3A_548, %max3A_550 : vector<16xf32>
        %mul3A_552 = arith.mulf %max3A_551, %get3A_4 : vector<16xf32>
        %add3A_553 = arith.addf %add3A_534, %mul3A_552 : vector<16xf32>
        %get3A_554 = arith.index_cast %add3A_513 : i32 to index
        %get3A_555 = arith.constant 32 : index
        %get3A_556 = tpu.vector_load %arg17[%get3A_554, %get3A_555] {strides = array<i32>} : memref<128x128xf32, #tpu.memory_space<vmem>>, vector<1x16xf32>,
        %get3A_557 = vector.shape_cast %get3A_556 : vector<1x16xf32> to vector<16xf32>
        %get3A_558 = arith.index_cast %add3A_513 : i32 to index
        %get3A_559 = arith.constant 32 : index
        %get3A_560 = tpu.vector_load %arg18[%get3A_558, %get3A_559] {strides = array<i32>} : memref<128x128xf32, #tpu.memory_space<vmem>>, vector<1x16xf32>,
        %get3A_561 = vector.shape_cast %get3A_560 : vector<1x16xf32> to vector<16xf32>
        %add3A_562 = arith.addf %get3A_557, %get3A_561 : vector<16xf32>
        %get3A_563 = arith.index_cast %add3A_513 : i32 to index
        %get3A_564 = arith.constant 32 : index
        %get3A_565 = tpu.vector_load %arg19[%get3A_563, %get3A_564] {strides = array<i32>} : memref<128x128xf32, #tpu.memory_space<vmem>>, vector<1x16xf32>,
        %get3A_566 = vector.shape_cast %get3A_565 : vector<1x16xf32> to vector<16xf32>
        %add3A_567 = arith.addf %add3A_562, %get3A_566 : vector<16xf32>
        %max3A_568 = arith.constant 0.000000e+00 : f32
        %max3A_569 = vector.broadcast %max3A_568 : f32 to vector<16xf32>
        %max3A_570 = arith.maximumf %add3A_567, %max3A_569 : vector<16xf32>
        %mul3A_571 = arith.mulf %max3A_570, %get3A_7 : vector<16xf32>
        %add3A_572 = arith.addf %add3A_553, %mul3A_571 : vector<16xf32>
        %get3A_573 = arith.index_cast %add3A_513 : i32 to index
        %get3A_574 = arith.constant 48 : index
        %get3A_575 = tpu.vector_load %arg17[%get3A_573, %get3A_574] {strides = array<i32>} : memref<128x128xf32, #tpu.memory_space<vmem>>, vector<1x16xf32>,
        %get3A_576 = vector.shape_cast %get3A_575 : vector<1x16xf32> to vector<16xf32>
        %get3A_577 = arith.index_cast %add3A_513 : i32 to index
        %get3A_578 = arith.constant 48 : index
        %get3A_579 = tpu.vector_load %arg18[%get3A_577, %get3A_578] {strides = array<i32>} : memref<128x128xf32, #tpu.memory_space<vmem>>, vector<1x16xf32>,
        %get3A_580 = vector.shape_cast %get3A_579 : vector<1x16xf32> to vector<16xf32>
        %add3A_581 = arith.addf %get3A_576, %get3A_580 : vector<16xf32>
        %get3A_582 = arith.index_cast %add3A_513 : i32 to index
        %get3A_583 = arith.constant 48 : index
        %get3A_584 = tpu.vector_load %arg19[%get3A_582, %get3A_583] {strides = array<i32>} : memref<128x128xf32, #tpu.memory_space<vmem>>, vector<1x16xf32>,
        %get3A_585 = vector.shape_cast %get3A_584 : vector<1x16xf32> to vector<16xf32>
        %add3A_586 = arith.addf %add3A_581, %get3A_585 : vector<16xf32>
        %max3A_587 = arith.constant 0.000000e+00 : f32
        %max3A_588 = vector.broadcast %max3A_587 : f32 to vector<16xf32>
        %max3A_589 = arith.maximumf %add3A_586, %max3A_588 : vector<16xf32>
        %mul3A_590 = arith.mulf %max3A_589, %get3A_10 : vector<16xf32>
        %add3A_591 = arith.addf %add3A_572, %mul3A_590 : vector<16xf32>
        %get3A_592 = arith.index_cast %add3A_513 : i32 to index
        %get3A_593 = arith.constant 64 : index
        %get3A_594 = tpu.vector_load %arg17[%get3A_592, %get3A_593] {strides = array<i32>} : memref<128x128xf32, #tpu.memory_space<vmem>>, vector<1x16xf32>,
        %get3A_595 = vector.shape_cast %get3A_594 : vector<1x16xf32> to vector<16xf32>
        %get3A_596 = arith.index_cast %add3A_513 : i32 to index
        %get3A_597 = arith.constant 64 : index
        %get3A_598 = tpu.vector_load %arg18[%get3A_596, %get3A_597] {strides = array<i32>} : memref<128x128xf32, #tpu.memory_space<vmem>>, vector<1x16xf32>,
        %get3A_599 = vector.shape_cast %get3A_598 : vector<1x16xf32> to vector<16xf32>
        %add3A_600 = arith.addf %get3A_595, %get3A_599 : vector<16xf32>
        %get3A_601 = arith.index_cast %add3A_513 : i32 to index
        %get3A_602 = arith.constant 64 : index
        %get3A_603 = tpu.vector_load %arg19[%get3A_601, %get3A_602] {strides = array<i32>} : memref<128x128xf32, #tpu.memory_space<vmem>>, vector<1x16xf32>,
        %get3A_604 = vector.shape_cast %get3A_603 : vector<1x16xf32> to vector<16xf32>
        %add3A_605 = arith.addf %add3A_600, %get3A_604 : vector<16xf32>
        %max3A_606 = arith.constant 0.000000e+00 : f32
        %max3A_607 = vector.broadcast %max3A_606 : f32 to vector<16xf32>
        %max3A_608 = arith.maximumf %add3A_605, %max3A_607 : vector<16xf32>
        %mul3A_609 = arith.mulf %max3A_608, %get3A_13 : vector<16xf32>
        %add3A_610 = arith.addf %add3A_591, %mul3A_609 : vector<16xf32>
        %get3A_611 = arith.index_cast %add3A_513 : i32 to index
        %get3A_612 = arith.constant 80 : index
        %get3A_613 = tpu.vector_load %arg17[%get3A_611, %get3A_612] {strides = array<i32>} : memref<128x128xf32, #tpu.memory_space<vmem>>, vector<1x16xf32>,
        %get3A_614 = vector.shape_cast %get3A_613 : vector<1x16xf32> to vector<16xf32>
        %get3A_615 = arith.index_cast %add3A_513 : i32 to index
        %get3A_616 = arith.constant 80 : index
        %get3A_617 = tpu.vector_load %arg18[%get3A_615, %get3A_616] {strides = array<i32>} : memref<128x128xf32, #tpu.memory_space<vmem>>, vector<1x16xf32>,
        %get3A_618 = vector.shape_cast %get3A_617 : vector<1x16xf32> to vector<16xf32>
        %add3A_619 = arith.addf %get3A_614, %get3A_618 : vector<16xf32>
        %get3A_620 = arith.index_cast %add3A_513 : i32 to index
        %get3A_621 = arith.constant 80 : index
        %get3A_622 = tpu.vector_load %arg19[%get3A_620, %get3A_621] {strides = array<i32>} : memref<128x128xf32, #tpu.memory_space<vmem>>, vector<1x16xf32>,
        %get3A_623 = vector.shape_cast %get3A_622 : vector<1x16xf32> to vector<16xf32>
        %add3A_624 = arith.addf %add3A_619, %get3A_623 : vector<16xf32>
        %max3A_625 = arith.constant 0.000000e+00 : f32
        %max3A_626 = vector.broadcast %max3A_625 : f32 to vector<16xf32>
        %max3A_627 = arith.maximumf %add3A_624, %max3A_626 : vector<16xf32>
        %mul3A_628 = arith.mulf %max3A_627, %get3A_16 : vector<16xf32>
        %add3A_629 = arith.addf %add3A_610, %mul3A_628 : vector<16xf32>
        %get3A_630 = arith.index_cast %add3A_513 : i32 to index
        %get3A_631 = arith.constant 96 : index
        %get3A_632 = tpu.vector_load %arg17[%get3A_630, %get3A_631] {strides = array<i32>} : memref<128x128xf32, #tpu.memory_space<vmem>>, vector<1x16xf32>,
        %get3A_633 = vector.shape_cast %get3A_632 : vector<1x16xf32> to vector<16xf32>
        %get3A_634 = arith.index_cast %add3A_513 : i32 to index
        %get3A_635 = arith.constant 96 : index
        %get3A_636 = tpu.vector_load %arg18[%get3A_634, %get3A_635] {strides = array<i32>} : memref<128x128xf32, #tpu.memory_space<vmem>>, vector<1x16xf32>,
        %get3A_637 = vector.shape_cast %get3A_636 : vector<1x16xf32> to vector<16xf32>
        %add3A_638 = arith.addf %get3A_633, %get3A_637 : vector<16xf32>
        %get3A_639 = arith.index_cast %add3A_513 : i32 to index
        %get3A_640 = arith.constant 96 : index
        %get3A_641 = tpu.vector_load %arg19[%get3A_639, %get3A_640] {strides = array<i32>} : memref<128x128xf32, #tpu.memory_space<vmem>>, vector<1x16xf32>,
        %get3A_642 = vector.shape_cast %get3A_641 : vector<1x16xf32> to vector<16xf32>
        %add3A_643 = arith.addf %add3A_638, %get3A_642 : vector<16xf32>
        %max3A_644 = arith.constant 0.000000e+00 : f32
        %max3A_645 = vector.broadcast %max3A_644 : f32 to vector<16xf32>
        %max3A_646 = arith.maximumf %add3A_643, %max3A_645 : vector<16xf32>
        %mul3A_647 = arith.mulf %max3A_646, %get3A_19 : vector<16xf32>
        %add3A_648 = arith.addf %add3A_629, %mul3A_647 : vector<16xf32>
        %get3A_649 = arith.index_cast %add3A_513 : i32 to index
        %get3A_650 = arith.constant 112 : index
        %get3A_651 = tpu.vector_load %arg17[%get3A_649, %get3A_650] {strides = array<i32>} : memref<128x128xf32, #tpu.memory_space<vmem>>, vector<1x16xf32>,
        %get3A_652 = vector.shape_cast %get3A_651 : vector<1x16xf32> to vector<16xf32>
        %get3A_653 = arith.index_cast %add3A_513 : i32 to index
        %get3A_654 = arith.constant 112 : index
        %get3A_655 = tpu.vector_load %arg18[%get3A_653, %get3A_654] {strides = array<i32>} : memref<128x128xf32, #tpu.memory_space<vmem>>, vector<1x16xf32>,
        %get3A_656 = vector.shape_cast %get3A_655 : vector<1x16xf32> to vector<16xf32>
        %add3A_657 = arith.addf %get3A_652, %get3A_656 : vector<16xf32>
        %get3A_658 = arith.index_cast %add3A_513 : i32 to index
        %get3A_659 = arith.constant 112 : index
        %get3A_660 = tpu.vector_load %arg19[%get3A_658, %get3A_659] {strides = array<i32>} : memref<128x128xf32, #tpu.memory_space<vmem>>, vector<1x16xf32>,
        %get3A_661 = vector.shape_cast %get3A_660 : vector<1x16xf32> to vector<16xf32>
        %add3A_662 = arith.addf %add3A_657, %get3A_661 : vector<16xf32>
        %max3A_663 = arith.constant 0.000000e+00 : f32
        %max3A_664 = vector.broadcast %max3A_663 : f32 to vector<16xf32>
        %max3A_665 = arith.maximumf %add3A_662, %max3A_664 : vector<16xf32>
        %mul3A_666 = arith.mulf %max3A_665, %get3A_22 : vector<16xf32>
        %add3A_667 = arith.addf %add3A_648, %mul3A_666 : vector<16xf32>
        %swap3A_668 = arith.index_cast %scan3A_185 : i32 to index
        %swap3A_669 = arith.constant 32 : index
        %swap3A_670 = tpu.vector_load %arg20[%swap3A_668, %swap3A_669] {strides = array<i32>} : memref<16x128xf32, #tpu.memory_space<vmem>>, vector<1x16xf32>,
        %swap3A_671 = vector.shape_cast %swap3A_670 : vector<1x16xf32> to vector<16xf32>
        %swap3A_672 = vector.shape_cast %add3A_667 : vector<16xf32> to vector<1x16xf32>
        tpu.vector_store %arg20[%swap3A_668, %swap3A_669], %swap3A_672 {strides = array<i32>} : memref<16x128xf32, #tpu.memory_space<vmem>>, vector<1x16xf32>,
        %mul3A_673 = arith.constant 8 : i32
        %mul3A_674 = arith.muli %scan3A_185, %mul3A_673 : i32
        %add3A_675 = arith.constant 3 : i32
        %add3A_676 = arith.addi %mul3A_674, %add3A_675 : i32
        %broadcast_in_dim3A_677 = arith.constant 0.000000e+00 : f32
        %broadcast_in_dim3A_678 = vector.broadcast %broadcast_in_dim3A_677 : f32 to vector<16xf32>
        %get3A_679 = arith.index_cast %add3A_676 : i32 to index
        %get3A_680 = arith.constant 0 : index
        %get3A_681 = tpu.vector_load %arg17[%get3A_679, %get3A_680] {strides = array<i32>} : memref<128x128xf32, #tpu.memory_space<vmem>>, vector<1x16xf32>,
        %get3A_682 = vector.shape_cast %get3A_681 : vector<1x16xf32> to vector<16xf32>
        %get3A_683 = arith.index_cast %add3A_676 : i32 to index
        %get3A_684 = arith.constant 0 : index
        %get3A_685 = tpu.vector_load %arg18[%get3A_683, %get3A_684] {strides = array<i32>} : memref<128x128xf32, #tpu.memory_space<vmem>>, vector<1x16xf32>,
        %get3A_686 = vector.shape_cast %get3A_685 : vector<1x16xf32> to vector<16xf32>
        %add3A_687 = arith.addf %get3A_682, %get3A_686 : vector<16xf32>
        %get3A_688 = arith.index_cast %add3A_676 : i32 to index
        %get3A_689 = arith.constant 0 : index
        %get3A_690 = tpu.vector_load %arg19[%get3A_688, %get3A_689] {strides = array<i32>} : memref<128x128xf32, #tpu.memory_space<vmem>>, vector<1x16xf32>,
        %get3A_691 = vector.shape_cast %get3A_690 : vector<1x16xf32> to vector<16xf32>
        %add3A_692 = arith.addf %add3A_687, %get3A_691 : vector<16xf32>
        %max3A_693 = arith.constant 0.000000e+00 : f32
        %max3A_694 = vector.broadcast %max3A_693 : f32 to vector<16xf32>
        %max3A_695 = arith.maximumf %add3A_692, %max3A_694 : vector<16xf32>
        %mul3A_696 = arith.mulf %max3A_695, %get3A_1 : vector<16xf32>
        %add3A_697 = arith.addf %broadcast_in_dim3A_678, %mul3A_696 : vector<16xf32>
        %get3A_698 = arith.index_cast %add3A_676 : i32 to index
        %get3A_699 = arith.constant 16 : index
        %get3A_700 = tpu.vector_load %arg17[%get3A_698, %get3A_699] {strides = array<i32>} : memref<128x128xf32, #tpu.memory_space<vmem>>, vector<1x16xf32>,
        %get3A_701 = vector.shape_cast %get3A_700 : vector<1x16xf32> to vector<16xf32>
        %get3A_702 = arith.index_cast %add3A_676 : i32 to index
        %get3A_703 = arith.constant 16 : index
        %get3A_704 = tpu.vector_load %arg18[%get3A_702, %get3A_703] {strides = array<i32>} : memref<128x128xf32, #tpu.memory_space<vmem>>, vector<1x16xf32>,
        %get3A_705 = vector.shape_cast %get3A_704 : vector<1x16xf32> to vector<16xf32>
        %add3A_706 = arith.addf %get3A_701, %get3A_705 : vector<16xf32>
        %get3A_707 = arith.index_cast %add3A_676 : i32 to index
        %get3A_708 = arith.constant 16 : index
        %get3A_709 = tpu.vector_load %arg19[%get3A_707, %get3A_708] {strides = array<i32>} : memref<128x128xf32, #tpu.memory_space<vmem>>, vector<1x16xf32>,
        %get3A_710 = vector.shape_cast %get3A_709 : vector<1x16xf32> to vector<16xf32>
        %add3A_711 = arith.addf %add3A_706, %get3A_710 : vector<16xf32>
        %max3A_712 = arith.constant 0.000000e+00 : f32
        %max3A_713 = vector.broadcast %max3A_712 : f32 to vector<16xf32>
        %max3A_714 = arith.maximumf %add3A_711, %max3A_713 : vector<16xf32>
        %mul3A_715 = arith.mulf %max3A_714, %get3A_4 : vector<16xf32>
        %add3A_716 = arith.addf %add3A_697, %mul3A_715 : vector<16xf32>
        %get3A_717 = arith.index_cast %add3A_676 : i32 to index
        %get3A_718 = arith.constant 32 : index
        %get3A_719 = tpu.vector_load %arg17[%get3A_717, %get3A_718] {strides = array<i32>} : memref<128x128xf32, #tpu.memory_space<vmem>>, vector<1x16xf32>,
        %get3A_720 = vector.shape_cast %get3A_719 : vector<1x16xf32> to vector<16xf32>
        %get3A_721 = arith.index_cast %add3A_676 : i32 to index
        %get3A_722 = arith.constant 32 : index
        %get3A_723 = tpu.vector_load %arg18[%get3A_721, %get3A_722] {strides = array<i32>} : memref<128x128xf32, #tpu.memory_space<vmem>>, vector<1x16xf32>,
        %get3A_724 = vector.shape_cast %get3A_723 : vector<1x16xf32> to vector<16xf32>
        %add3A_725 = arith.addf %get3A_720, %get3A_724 : vector<16xf32>
        %get3A_726 = arith.index_cast %add3A_676 : i32 to index
        %get3A_727 = arith.constant 32 : index
        %get3A_728 = tpu.vector_load %arg19[%get3A_726, %get3A_727] {strides = array<i32>} : memref<128x128xf32, #tpu.memory_space<vmem>>, vector<1x16xf32>,
        %get3A_729 = vector.shape_cast %get3A_728 : vector<1x16xf32> to vector<16xf32>
        %add3A_730 = arith.addf %add3A_725, %get3A_729 : vector<16xf32>
        %max3A_731 = arith.constant 0.000000e+00 : f32
        %max3A_732 = vector.broadcast %max3A_731 : f32 to vector<16xf32>
        %max3A_733 = arith.maximumf %add3A_730, %max3A_732 : vector<16xf32>
        %mul3A_734 = arith.mulf %max3A_733, %get3A_7 : vector<16xf32>
        %add3A_735 = arith.addf %add3A_716, %mul3A_734 : vector<16xf32>
        %get3A_736 = arith.index_cast %add3A_676 : i32 to index
        %get3A_737 = arith.constant 48 : index
        %get3A_738 = tpu.vector_load %arg17[%get3A_736, %get3A_737] {strides = array<i32>} : memref<128x128xf32, #tpu.memory_space<vmem>>, vector<1x16xf32>,
        %get3A_739 = vector.shape_cast %get3A_738 : vector<1x16xf32> to vector<16xf32>
        %get3A_740 = arith.index_cast %add3A_676 : i32 to index
        %get3A_741 = arith.constant 48 : index
        %get3A_742 = tpu.vector_load %arg18[%get3A_740, %get3A_741] {strides = array<i32>} : memref<128x128xf32, #tpu.memory_space<vmem>>, vector<1x16xf32>,
        %get3A_743 = vector.shape_cast %get3A_742 : vector<1x16xf32> to vector<16xf32>
        %add3A_744 = arith.addf %get3A_739, %get3A_743 : vector<16xf32>
        %get3A_745 = arith.index_cast %add3A_676 : i32 to index
        %get3A_746 = arith.constant 48 : index
        %get3A_747 = tpu.vector_load %arg19[%get3A_745, %get3A_746] {strides = array<i32>} : memref<128x128xf32, #tpu.memory_space<vmem>>, vector<1x16xf32>,
        %get3A_748 = vector.shape_cast %get3A_747 : vector<1x16xf32> to vector<16xf32>
        %add3A_749 = arith.addf %add3A_744, %get3A_748 : vector<16xf32>
        %max3A_750 = arith.constant 0.000000e+00 : f32
        %max3A_751 = vector.broadcast %max3A_750 : f32 to vector<16xf32>
        %max3A_752 = arith.maximumf %add3A_749, %max3A_751 : vector<16xf32>
        %mul3A_753 = arith.mulf %max3A_752, %get3A_10 : vector<16xf32>
        %add3A_754 = arith.addf %add3A_735, %mul3A_753 : vector<16xf32>
        %get3A_755 = arith.index_cast %add3A_676 : i32 to index
        %get3A_756 = arith.constant 64 : index
        %get3A_757 = tpu.vector_load %arg17[%get3A_755, %get3A_756] {strides = array<i32>} : memref<128x128xf32, #tpu.memory_space<vmem>>, vector<1x16xf32>,
        %get3A_758 = vector.shape_cast %get3A_757 : vector<1x16xf32> to vector<16xf32>
        %get3A_759 = arith.index_cast %add3A_676 : i32 to index
        %get3A_760 = arith.constant 64 : index
        %get3A_761 = tpu.vector_load %arg18[%get3A_759, %get3A_760] {strides = array<i32>} : memref<128x128xf32, #tpu.memory_space<vmem>>, vector<1x16xf32>,
        %get3A_762 = vector.shape_cast %get3A_761 : vector<1x16xf32> to vector<16xf32>
        %add3A_763 = arith.addf %get3A_758, %get3A_762 : vector<16xf32>
        %get3A_764 = arith.index_cast %add3A_676 : i32 to index
        %get3A_765 = arith.constant 64 : index
        %get3A_766 = tpu.vector_load %arg19[%get3A_764, %get3A_765] {strides = array<i32>} : memref<128x128xf32, #tpu.memory_space<vmem>>, vector<1x16xf32>,
        %get3A_767 = vector.shape_cast %get3A_766 : vector<1x16xf32> to vector<16xf32>
        %add3A_768 = arith.addf %add3A_763, %get3A_767 : vector<16xf32>
        %max3A_769 = arith.constant 0.000000e+00 : f32
        %max3A_770 = vector.broadcast %max3A_769 : f32 to vector<16xf32>
        %max3A_771 = arith.maximumf %add3A_768, %max3A_770 : vector<16xf32>
        %mul3A_772 = arith.mulf %max3A_771, %get3A_13 : vector<16xf32>
        %add3A_773 = arith.addf %add3A_754, %mul3A_772 : vector<16xf32>
        %get3A_774 = arith.index_cast %add3A_676 : i32 to index
        %get3A_775 = arith.constant 80 : index
        %get3A_776 = tpu.vector_load %arg17[%get3A_774, %get3A_775] {strides = array<i32>} : memref<128x128xf32, #tpu.memory_space<vmem>>, vector<1x16xf32>,
        %get3A_777 = vector.shape_cast %get3A_776 : vector<1x16xf32> to vector<16xf32>
        %get3A_778 = arith.index_cast %add3A_676 : i32 to index
        %get3A_779 = arith.constant 80 : index
        %get3A_780 = tpu.vector_load %arg18[%get3A_778, %get3A_779] {strides = array<i32>} : memref<128x128xf32, #tpu.memory_space<vmem>>, vector<1x16xf32>,
        %get3A_781 = vector.shape_cast %get3A_780 : vector<1x16xf32> to vector<16xf32>
        %add3A_782 = arith.addf %get3A_777, %get3A_781 : vector<16xf32>
        %get3A_783 = arith.index_cast %add3A_676 : i32 to index
        %get3A_784 = arith.constant 80 : index
        %get3A_785 = tpu.vector_load %arg19[%get3A_783, %get3A_784] {strides = array<i32>} : memref<128x128xf32, #tpu.memory_space<vmem>>, vector<1x16xf32>,
        %get3A_786 = vector.shape_cast %get3A_785 : vector<1x16xf32> to vector<16xf32>
        %add3A_787 = arith.addf %add3A_782, %get3A_786 : vector<16xf32>
        %max3A_788 = arith.constant 0.000000e+00 : f32
        %max3A_789 = vector.broadcast %max3A_788 : f32 to vector<16xf32>
        %max3A_790 = arith.maximumf %add3A_787, %max3A_789 : vector<16xf32>
        %mul3A_791 = arith.mulf %max3A_790, %get3A_16 : vector<16xf32>
        %add3A_792 = arith.addf %add3A_773, %mul3A_791 : vector<16xf32>
        %get3A_793 = arith.index_cast %add3A_676 : i32 to index
        %get3A_794 = arith.constant 96 : index
        %get3A_795 = tpu.vector_load %arg17[%get3A_793, %get3A_794] {strides = array<i32>} : memref<128x128xf32, #tpu.memory_space<vmem>>, vector<1x16xf32>,
        %get3A_796 = vector.shape_cast %get3A_795 : vector<1x16xf32> to vector<16xf32>
        %get3A_797 = arith.index_cast %add3A_676 : i32 to index
        %get3A_798 = arith.constant 96 : index
        %get3A_799 = tpu.vector_load %arg18[%get3A_797, %get3A_798] {strides = array<i32>} : memref<128x128xf32, #tpu.memory_space<vmem>>, vector<1x16xf32>,
        %get3A_800 = vector.shape_cast %get3A_799 : vector<1x16xf32> to vector<16xf32>
        %add3A_801 = arith.addf %get3A_796, %get3A_800 : vector<16xf32>
        %get3A_802 = arith.index_cast %add3A_676 : i32 to index
        %get3A_803 = arith.constant 96 : index
        %get3A_804 = tpu.vector_load %arg19[%get3A_802, %get3A_803] {strides = array<i32>} : memref<128x128xf32, #tpu.memory_space<vmem>>, vector<1x16xf32>,
        %get3A_805 = vector.shape_cast %get3A_804 : vector<1x16xf32> to vector<16xf32>
        %add3A_806 = arith.addf %add3A_801, %get3A_805 : vector<16xf32>
        %max3A_807 = arith.constant 0.000000e+00 : f32
        %max3A_808 = vector.broadcast %max3A_807 : f32 to vector<16xf32>
        %max3A_809 = arith.maximumf %add3A_806, %max3A_808 : vector<16xf32>
        %mul3A_810 = arith.mulf %max3A_809, %get3A_19 : vector<16xf32>
        %add3A_811 = arith.addf %add3A_792, %mul3A_810 : vector<16xf32>
        %get3A_812 = arith.index_cast %add3A_676 : i32 to index
        %get3A_813 = arith.constant 112 : index
        %get3A_814 = tpu.vector_load %arg17[%get3A_812, %get3A_813] {strides = array<i32>} : memref<128x128xf32, #tpu.memory_space<vmem>>, vector<1x16xf32>,
        %get3A_815 = vector.shape_cast %get3A_814 : vector<1x16xf32> to vector<16xf32>
        %get3A_816 = arith.index_cast %add3A_676 : i32 to index
        %get3A_817 = arith.constant 112 : index
        %get3A_818 = tpu.vector_load %arg18[%get3A_816, %get3A_817] {strides = array<i32>} : memref<128x128xf32, #tpu.memory_space<vmem>>, vector<1x16xf32>,
        %get3A_819 = vector.shape_cast %get3A_818 : vector<1x16xf32> to vector<16xf32>
        %add3A_820 = arith.addf %get3A_815, %get3A_819 : vector<16xf32>
        %get3A_821 = arith.index_cast %add3A_676 : i32 to index
        %get3A_822 = arith.constant 112 : index
        %get3A_823 = tpu.vector_load %arg19[%get3A_821, %get3A_822] {strides = array<i32>} : memref<128x128xf32, #tpu.memory_space<vmem>>, vector<1x16xf32>,
        %get3A_824 = vector.shape_cast %get3A_823 : vector<1x16xf32> to vector<16xf32>
        %add3A_825 = arith.addf %add3A_820, %get3A_824 : vector<16xf32>
        %max3A_826 = arith.constant 0.000000e+00 : f32
        %max3A_827 = vector.broadcast %max3A_826 : f32 to vector<16xf32>
        %max3A_828 = arith.maximumf %add3A_825, %max3A_827 : vector<16xf32>
        %mul3A_829 = arith.mulf %max3A_828, %get3A_22 : vector<16xf32>
        %add3A_830 = arith.addf %add3A_811, %mul3A_829 : vector<16xf32>
        %swap3A_831 = arith.index_cast %scan3A_185 : i32 to index
        %swap3A_832 = arith.constant 48 : index
        %swap3A_833 = tpu.vector_load %arg20[%swap3A_831, %swap3A_832] {strides = array<i32>} : memref<16x128xf32, #tpu.memory_space<vmem>>, vector<1x16xf32>,
        %swap3A_834 = vector.shape_cast %swap3A_833 : vector<1x16xf32> to vector<16xf32>
        %swap3A_835 = vector.shape_cast %add3A_830 : vector<16xf32> to vector<1x16xf32>
        tpu.vector_store %arg20[%swap3A_831, %swap3A_832], %swap3A_835 {strides = array<i32>} : memref<16x128xf32, #tpu.memory_space<vmem>>, vector<1x16xf32>,
        %mul3A_836 = arith.constant 8 : i32
        %mul3A_837 = arith.muli %scan3A_185, %mul3A_836 : i32
        %add3A_838 = arith.constant 4 : i32
        %add3A_839 = arith.addi %mul3A_837, %add3A_838 : i32
        %broadcast_in_dim3A_840 = arith.constant 0.000000e+00 : f32
        %broadcast_in_dim3A_841 = vector.broadcast %broadcast_in_dim3A_840 : f32 to vector<16xf32>
        %get3A_842 = arith.index_cast %add3A_839 : i32 to index
        %get3A_843 = arith.constant 0 : index
        %get3A_844 = tpu.vector_load %arg17[%get3A_842, %get3A_843] {strides = array<i32>} : memref<128x128xf32, #tpu.memory_space<vmem>>, vector<1x16xf32>,
        %get3A_845 = vector.shape_cast %get3A_844 : vector<1x16xf32> to vector<16xf32>
        %get3A_846 = arith.index_cast %add3A_839 : i32 to index
        %get3A_847 = arith.constant 0 : index
        %get3A_848 = tpu.vector_load %arg18[%get3A_846, %get3A_847] {strides = array<i32>} : memref<128x128xf32, #tpu.memory_space<vmem>>, vector<1x16xf32>,
        %get3A_849 = vector.shape_cast %get3A_848 : vector<1x16xf32> to vector<16xf32>
        %add3A_850 = arith.addf %get3A_845, %get3A_849 : vector<16xf32>
        %get3A_851 = arith.index_cast %add3A_839 : i32 to index
        %get3A_852 = arith.constant 0 : index
        %get3A_853 = tpu.vector_load %arg19[%get3A_851, %get3A_852] {strides = array<i32>} : memref<128x128xf32, #tpu.memory_space<vmem>>, vector<1x16xf32>,
        %get3A_854 = vector.shape_cast %get3A_853 : vector<1x16xf32> to vector<16xf32>
        %add3A_855 = arith.addf %add3A_850, %get3A_854 : vector<16xf32>
        %max3A_856 = arith.constant 0.000000e+00 : f32
        %max3A_857 = vector.broadcast %max3A_856 : f32 to vector<16xf32>
        %max3A_858 = arith.maximumf %add3A_855, %max3A_857 : vector<16xf32>
        %mul3A_859 = arith.mulf %max3A_858, %get3A_1 : vector<16xf32>
        %add3A_860 = arith.addf %broadcast_in_dim3A_841, %mul3A_859 : vector<16xf32>
        %get3A_861 = arith.index_cast %add3A_839 : i32 to index
        %get3A_862 = arith.constant 16 : index
        %get3A_863 = tpu.vector_load %arg17[%get3A_861, %get3A_862] {strides = array<i32>} : memref<128x128xf32, #tpu.memory_space<vmem>>, vector<1x16xf32>,
        %get3A_864 = vector.shape_cast %get3A_863 : vector<1x16xf32> to vector<16xf32>
        %get3A_865 = arith.index_cast %add3A_839 : i32 to index
        %get3A_866 = arith.constant 16 : index
        %get3A_867 = tpu.vector_load %arg18[%get3A_865, %get3A_866] {strides = array<i32>} : memref<128x128xf32, #tpu.memory_space<vmem>>, vector<1x16xf32>,
        %get3A_868 = vector.shape_cast %get3A_867 : vector<1x16xf32> to vector<16xf32>
        %add3A_869 = arith.addf %get3A_864, %get3A_868 : vector<16xf32>
        %get3A_870 = arith.index_cast %add3A_839 : i32 to index
        %get3A_871 = arith.constant 16 : index
        %get3A_872 = tpu.vector_load %arg19[%get3A_870, %get3A_871] {strides = array<i32>} : memref<128x128xf32, #tpu.memory_space<vmem>>, vector<1x16xf32>,
        %get3A_873 = vector.shape_cast %get3A_872 : vector<1x16xf32> to vector<16xf32>
        %add3A_874 = arith.addf %add3A_869, %get3A_873 : vector<16xf32>
        %max3A_875 = arith.constant 0.000000e+00 : f32
        %max3A_876 = vector.broadcast %max3A_875 : f32 to vector<16xf32>
        %max3A_877 = arith.maximumf %add3A_874, %max3A_876 : vector<16xf32>
        %mul3A_878 = arith.mulf %max3A_877, %get3A_4 : vector<16xf32>
        %add3A_879 = arith.addf %add3A_860, %mul3A_878 : vector<16xf32>
        %get3A_880 = arith.index_cast %add3A_839 : i32 to index
        %get3A_881 = arith.constant 32 : index
        %get3A_882 = tpu.vector_load %arg17[%get3A_880, %get3A_881] {strides = array<i32>} : memref<128x128xf32, #tpu.memory_space<vmem>>, vector<1x16xf32>,
        %get3A_883 = vector.shape_cast %get3A_882 : vector<1x16xf32> to vector<16xf32>
        %get3A_884 = arith.index_cast %add3A_839 : i32 to index
        %get3A_885 = arith.constant 32 : index
        %get3A_886 = tpu.vector_load %arg18[%get3A_884, %get3A_885] {strides = array<i32>} : memref<128x128xf32, #tpu.memory_space<vmem>>, vector<1x16xf32>,
        %get3A_887 = vector.shape_cast %get3A_886 : vector<1x16xf32> to vector<16xf32>
        %add3A_888 = arith.addf %get3A_883, %get3A_887 : vector<16xf32>
        %get3A_889 = arith.index_cast %add3A_839 : i32 to index
        %get3A_890 = arith.constant 32 : index
        %get3A_891 = tpu.vector_load %arg19[%get3A_889, %get3A_890] {strides = array<i32>} : memref<128x128xf32, #tpu.memory_space<vmem>>, vector<1x16xf32>,
        %get3A_892 = vector.shape_cast %get3A_891 : vector<1x16xf32> to vector<16xf32>
        %add3A_893 = arith.addf %add3A_888, %get3A_892 : vector<16xf32>
        %max3A_894 = arith.constant 0.000000e+00 : f32
        %max3A_895 = vector.broadcast %max3A_894 : f32 to vector<16xf32>
        %max3A_896 = arith.maximumf %add3A_893, %max3A_895 : vector<16xf32>
        %mul3A_897 = arith.mulf %max3A_896, %get3A_7 : vector<16xf32>
        %add3A_898 = arith.addf %add3A_879, %mul3A_897 : vector<16xf32>
        %get3A_899 = arith.index_cast %add3A_839 : i32 to index
        %get3A_900 = arith.constant 48 : index
        %get3A_901 = tpu.vector_load %arg17[%get3A_899, %get3A_900] {strides = array<i32>} : memref<128x128xf32, #tpu.memory_space<vmem>>, vector<1x16xf32>,
        %get3A_902 = vector.shape_cast %get3A_901 : vector<1x16xf32> to vector<16xf32>
        %get3A_903 = arith.index_cast %add3A_839 : i32 to index
        %get3A_904 = arith.constant 48 : index
        %get3A_905 = tpu.vector_load %arg18[%get3A_903, %get3A_904] {strides = array<i32>} : memref<128x128xf32, #tpu.memory_space<vmem>>, vector<1x16xf32>,
        %get3A_906 = vector.shape_cast %get3A_905 : vector<1x16xf32> to vector<16xf32>
        %add3A_907 = arith.addf %get3A_902, %get3A_906 : vector<16xf32>
        %get3A_908 = arith.index_cast %add3A_839 : i32 to index
        %get3A_909 = arith.constant 48 : index
        %get3A_910 = tpu.vector_load %arg19[%get3A_908, %get3A_909] {strides = array<i32>} : memref<128x128xf32, #tpu.memory_space<vmem>>, vector<1x16xf32>,
        %get3A_911 = vector.shape_cast %get3A_910 : vector<1x16xf32> to vector<16xf32>
        %add3A_912 = arith.addf %add3A_907, %get3A_911 : vector<16xf32>
        %max3A_913 = arith.constant 0.000000e+00 : f32
        %max3A_914 = vector.broadcast %max3A_913 : f32 to vector<16xf32>
        %max3A_915 = arith.maximumf %add3A_912, %max3A_914 : vector<16xf32>
        %mul3A_916 = arith.mulf %max3A_915, %get3A_10 : vector<16xf32>
        %add3A_917 = arith.addf %add3A_898, %mul3A_916 : vector<16xf32>
        %get3A_918 = arith.index_cast %add3A_839 : i32 to index
        %get3A_919 = arith.constant 64 : index
        %get3A_920 = tpu.vector_load %arg17[%get3A_918, %get3A_919] {strides = array<i32>} : memref<128x128xf32, #tpu.memory_space<vmem>>, vector<1x16xf32>,
        %get3A_921 = vector.shape_cast %get3A_920 : vector<1x16xf32> to vector<16xf32>
        %get3A_922 = arith.index_cast %add3A_839 : i32 to index
        %get3A_923 = arith.constant 64 : index
        %get3A_924 = tpu.vector_load %arg18[%get3A_922, %get3A_923] {strides = array<i32>} : memref<128x128xf32, #tpu.memory_space<vmem>>, vector<1x16xf32>,
        %get3A_925 = vector.shape_cast %get3A_924 : vector<1x16xf32> to vector<16xf32>
        %add3A_926 = arith.addf %get3A_921, %get3A_925 : vector<16xf32>
        %get3A_927 = arith.index_cast %add3A_839 : i32 to index
        %get3A_928 = arith.constant 64 : index
        %get3A_929 = tpu.vector_load %arg19[%get3A_927, %get3A_928] {strides = array<i32>} : memref<128x128xf32, #tpu.memory_space<vmem>>, vector<1x16xf32>,
        %get3A_930 = vector.shape_cast %get3A_929 : vector<1x16xf32> to vector<16xf32>
        %add3A_931 = arith.addf %add3A_926, %get3A_930 : vector<16xf32>
        %max3A_932 = arith.constant 0.000000e+00 : f32
        %max3A_933 = vector.broadcast %max3A_932 : f32 to vector<16xf32>
        %max3A_934 = arith.maximumf %add3A_931, %max3A_933 : vector<16xf32>
        %mul3A_935 = arith.mulf %max3A_934, %get3A_13 : vector<16xf32>
        %add3A_936 = arith.addf %add3A_917, %mul3A_935 : vector<16xf32>
        %get3A_937 = arith.index_cast %add3A_839 : i32 to index
        %get3A_938 = arith.constant 80 : index
        %get3A_939 = tpu.vector_load %arg17[%get3A_937, %get3A_938] {strides = array<i32>} : memref<128x128xf32, #tpu.memory_space<vmem>>, vector<1x16xf32>,
        %get3A_940 = vector.shape_cast %get3A_939 : vector<1x16xf32> to vector<16xf32>
        %get3A_941 = arith.index_cast %add3A_839 : i32 to index
        %get3A_942 = arith.constant 80 : index
        %get3A_943 = tpu.vector_load %arg18[%get3A_941, %get3A_942] {strides = array<i32>} : memref<128x128xf32, #tpu.memory_space<vmem>>, vector<1x16xf32>,
        %get3A_944 = vector.shape_cast %get3A_943 : vector<1x16xf32> to vector<16xf32>
        %add3A_945 = arith.addf %get3A_940, %get3A_944 : vector<16xf32>
        %get3A_946 = arith.index_cast %add3A_839 : i32 to index
        %get3A_947 = arith.constant 80 : index
        %get3A_948 = tpu.vector_load %arg19[%get3A_946, %get3A_947] {strides = array<i32>} : memref<128x128xf32, #tpu.memory_space<vmem>>, vector<1x16xf32>,
        %get3A_949 = vector.shape_cast %get3A_948 : vector<1x16xf32> to vector<16xf32>
        %add3A_950 = arith.addf %add3A_945, %get3A_949 : vector<16xf32>
        %max3A_951 = arith.constant 0.000000e+00 : f32
        %max3A_952 = vector.broadcast %max3A_951 : f32 to vector<16xf32>
        %max3A_953 = arith.maximumf %add3A_950, %max3A_952 : vector<16xf32>
        %mul3A_954 = arith.mulf %max3A_953, %get3A_16 : vector<16xf32>
        %add3A_955 = arith.addf %add3A_936, %mul3A_954 : vector<16xf32>
        %get3A_956 = arith.index_cast %add3A_839 : i32 to index
        %get3A_957 = arith.constant 96 : index
        %get3A_958 = tpu.vector_load %arg17[%get3A_956, %get3A_957] {strides = array<i32>} : memref<128x128xf32, #tpu.memory_space<vmem>>, vector<1x16xf32>,
        %get3A_959 = vector.shape_cast %get3A_958 : vector<1x16xf32> to vector<16xf32>
        %get3A_960 = arith.index_cast %add3A_839 : i32 to index
        %get3A_961 = arith.constant 96 : index
        %get3A_962 = tpu.vector_load %arg18[%get3A_960, %get3A_961] {strides = array<i32>} : memref<128x128xf32, #tpu.memory_space<vmem>>, vector<1x16xf32>,
        %get3A_963 = vector.shape_cast %get3A_962 : vector<1x16xf32> to vector<16xf32>
        %add3A_964 = arith.addf %get3A_959, %get3A_963 : vector<16xf32>
        %get3A_965 = arith.index_cast %add3A_839 : i32 to index
        %get3A_966 = arith.constant 96 : index
        %get3A_967 = tpu.vector_load %arg19[%get3A_965, %get3A_966] {strides = array<i32>} : memref<128x128xf32, #tpu.memory_space<vmem>>, vector<1x16xf32>,
        %get3A_968 = vector.shape_cast %get3A_967 : vector<1x16xf32> to vector<16xf32>
        %add3A_969 = arith.addf %add3A_964, %get3A_968 : vector<16xf32>
        %max3A_970 = arith.constant 0.000000e+00 : f32
        %max3A_971 = vector.broadcast %max3A_970 : f32 to vector<16xf32>
        %max3A_972 = arith.maximumf %add3A_969, %max3A_971 : vector<16xf32>
        %mul3A_973 = arith.mulf %max3A_972, %get3A_19 : vector<16xf32>
        %add3A_974 = arith.addf %add3A_955, %mul3A_973 : vector<16xf32>
        %get3A_975 = arith.index_cast %add3A_839 : i32 to index
        %get3A_976 = arith.constant 112 : index
        %get3A_977 = tpu.vector_load %arg17[%get3A_975, %get3A_976] {strides = array<i32>} : memref<128x128xf32, #tpu.memory_space<vmem>>, vector<1x16xf32>,
        %get3A_978 = vector.shape_cast %get3A_977 : vector<1x16xf32> to vector<16xf32>
        %get3A_979 = arith.index_cast %add3A_839 : i32 to index
        %get3A_980 = arith.constant 112 : index
        %get3A_981 = tpu.vector_load %arg18[%get3A_979, %get3A_980] {strides = array<i32>} : memref<128x128xf32, #tpu.memory_space<vmem>>, vector<1x16xf32>,
        %get3A_982 = vector.shape_cast %get3A_981 : vector<1x16xf32> to vector<16xf32>
        %add3A_983 = arith.addf %get3A_978, %get3A_982 : vector<16xf32>
        %get3A_984 = arith.index_cast %add3A_839 : i32 to index
        %get3A_985 = arith.constant 112 : index
        %get3A_986 = tpu.vector_load %arg19[%get3A_984, %get3A_985] {strides = array<i32>} : memref<128x128xf32, #tpu.memory_space<vmem>>, vector<1x16xf32>,
        %get3A_987 = vector.shape_cast %get3A_986 : vector<1x16xf32> to vector<16xf32>
        %add3A_988 = arith.addf %add3A_983, %get3A_987 : vector<16xf32>
        %max3A_989 = arith.constant 0.000000e+00 : f32
        %max3A_990 = vector.broadcast %max3A_989 : f32 to vector<16xf32>
        %max3A_991 = arith.maximumf %add3A_988, %max3A_990 : vector<16xf32>
        %mul3A_992 = arith.mulf %max3A_991, %get3A_22 : vector<16xf32>
        %add3A_993 = arith.addf %add3A_974, %mul3A_992 : vector<16xf32>
        %swap3A_994 = arith.index_cast %scan3A_185 : i32 to index
        %swap3A_995 = arith.constant 64 : index
        %swap3A_996 = tpu.vector_load %arg20[%swap3A_994, %swap3A_995] {strides = array<i32>} : memref<16x128xf32, #tpu.memory_space<vmem>>, vector<1x16xf32>,
        %swap3A_997 = vector.shape_cast %swap3A_996 : vector<1x16xf32> to vector<16xf32>
        %swap3A_998 = vector.shape_cast %add3A_993 : vector<16xf32> to vector<1x16xf32>
        tpu.vector_store %arg20[%swap3A_994, %swap3A_995], %swap3A_998 {strides = array<i32>} : memref<16x128xf32, #tpu.memory_space<vmem>>, vector<1x16xf32>,
        %mul3A_999 = arith.constant 8 : i32
        %mul3A_1000 = arith.muli %scan3A_185, %mul3A_999 : i32
        %add3A_1001 = arith.constant 5 : i32
        %add3A_1002 = arith.addi %mul3A_1000, %add3A_1001 : i32
        %broadcast_in_dim3A_1003 = arith.constant 0.000000e+00 : f32
        %broadcast_in_dim3A_1004 = vector.broadcast %broadcast_in_dim3A_1003 : f32 to vector<16xf32>
        %get3A_1005 = arith.index_cast %add3A_1002 : i32 to index
        %get3A_1006 = arith.constant 0 : index
        %get3A_1007 = tpu.vector_load %arg17[%get3A_1005, %get3A_1006] {strides = array<i32>} : memref<128x128xf32, #tpu.memory_space<vmem>>, vector<1x16xf32>,
        %get3A_1008 = vector.shape_cast %get3A_1007 : vector<1x16xf32> to vector<16xf32>
        %get3A_1009 = arith.index_cast %add3A_1002 : i32 to index
        %get3A_1010 = arith.constant 0 : index
        %get3A_1011 = tpu.vector_load %arg18[%get3A_1009, %get3A_1010] {strides = array<i32>} : memref<128x128xf32, #tpu.memory_space<vmem>>, vector<1x16xf32>,
        %get3A_1012 = vector.shape_cast %get3A_1011 : vector<1x16xf32> to vector<16xf32>
        %add3A_1013 = arith.addf %get3A_1008, %get3A_1012 : vector<16xf32>
        %get3A_1014 = arith.index_cast %add3A_1002 : i32 to index
        %get3A_1015 = arith.constant 0 : index
        %get3A_1016 = tpu.vector_load %arg19[%get3A_1014, %get3A_1015] {strides = array<i32>} : memref<128x128xf32, #tpu.memory_space<vmem>>, vector<1x16xf32>,
        %get3A_1017 = vector.shape_cast %get3A_1016 : vector<1x16xf32> to vector<16xf32>
        %add3A_1018 = arith.addf %add3A_1013, %get3A_1017 : vector<16xf32>
        %max3A_1019 = arith.constant 0.000000e+00 : f32
        %max3A_1020 = vector.broadcast %max3A_1019 : f32 to vector<16xf32>
        %max3A_1021 = arith.maximumf %add3A_1018, %max3A_1020 : vector<16xf32>
        %mul3A_1022 = arith.mulf %max3A_1021, %get3A_1 : vector<16xf32>
        %add3A_1023 = arith.addf %broadcast_in_dim3A_1004, %mul3A_1022 : vector<16xf32>
        %get3A_1024 = arith.index_cast %add3A_1002 : i32 to index
        %get3A_1025 = arith.constant 16 : index
        %get3A_1026 = tpu.vector_load %arg17[%get3A_1024, %get3A_1025] {strides = array<i32>} : memref<128x128xf32, #tpu.memory_space<vmem>>, vector<1x16xf32>,
        %get3A_1027 = vector.shape_cast %get3A_1026 : vector<1x16xf32> to vector<16xf32>
        %get3A_1028 = arith.index_cast %add3A_1002 : i32 to index
        %get3A_1029 = arith.constant 16 : index
        %get3A_1030 = tpu.vector_load %arg18[%get3A_1028, %get3A_1029] {strides = array<i32>} : memref<128x128xf32, #tpu.memory_space<vmem>>, vector<1x16xf32>,
        %get3A_1031 = vector.shape_cast %get3A_1030 : vector<1x16xf32> to vector<16xf32>
        %add3A_1032 = arith.addf %get3A_1027, %get3A_1031 : vector<16xf32>
        %get3A_1033 = arith.index_cast %add3A_1002 : i32 to index
        %get3A_1034 = arith.constant 16 : index
        %get3A_1035 = tpu.vector_load %arg19[%get3A_1033, %get3A_1034] {strides = array<i32>} : memref<128x128xf32, #tpu.memory_space<vmem>>, vector<1x16xf32>,
        %get3A_1036 = vector.shape_cast %get3A_1035 : vector<1x16xf32> to vector<16xf32>
        %add3A_1037 = arith.addf %add3A_1032, %get3A_1036 : vector<16xf32>
        %max3A_1038 = arith.constant 0.000000e+00 : f32
        %max3A_1039 = vector.broadcast %max3A_1038 : f32 to vector<16xf32>
        %max3A_1040 = arith.maximumf %add3A_1037, %max3A_1039 : vector<16xf32>
        %mul3A_1041 = arith.mulf %max3A_1040, %get3A_4 : vector<16xf32>
        %add3A_1042 = arith.addf %add3A_1023, %mul3A_1041 : vector<16xf32>
        %get3A_1043 = arith.index_cast %add3A_1002 : i32 to index
        %get3A_1044 = arith.constant 32 : index
        %get3A_1045 = tpu.vector_load %arg17[%get3A_1043, %get3A_1044] {strides = array<i32>} : memref<128x128xf32, #tpu.memory_space<vmem>>, vector<1x16xf32>,
        %get3A_1046 = vector.shape_cast %get3A_1045 : vector<1x16xf32> to vector<16xf32>
        %get3A_1047 = arith.index_cast %add3A_1002 : i32 to index
        %get3A_1048 = arith.constant 32 : index
        %get3A_1049 = tpu.vector_load %arg18[%get3A_1047, %get3A_1048] {strides = array<i32>} : memref<128x128xf32, #tpu.memory_space<vmem>>, vector<1x16xf32>,
        %get3A_1050 = vector.shape_cast %get3A_1049 : vector<1x16xf32> to vector<16xf32>
        %add3A_1051 = arith.addf %get3A_1046, %get3A_1050 : vector<16xf32>
        %get3A_1052 = arith.index_cast %add3A_1002 : i32 to index
        %get3A_1053 = arith.constant 32 : index
        %get3A_1054 = tpu.vector_load %arg19[%get3A_1052, %get3A_1053] {strides = array<i32>} : memref<128x128xf32, #tpu.memory_space<vmem>>, vector<1x16xf32>,
        %get3A_1055 = vector.shape_cast %get3A_1054 : vector<1x16xf32> to vector<16xf32>
        %add3A_1056 = arith.addf %add3A_1051, %get3A_1055 : vector<16xf32>
        %max3A_1057 = arith.constant 0.000000e+00 : f32
        %max3A_1058 = vector.broadcast %max3A_1057 : f32 to vector<16xf32>
        %max3A_1059 = arith.maximumf %add3A_1056, %max3A_1058 : vector<16xf32>
        %mul3A_1060 = arith.mulf %max3A_1059, %get3A_7 : vector<16xf32>
        %add3A_1061 = arith.addf %add3A_1042, %mul3A_1060 : vector<16xf32>
        %get3A_1062 = arith.index_cast %add3A_1002 : i32 to index
        %get3A_1063 = arith.constant 48 : index
        %get3A_1064 = tpu.vector_load %arg17[%get3A_1062, %get3A_1063] {strides = array<i32>} : memref<128x128xf32, #tpu.memory_space<vmem>>, vector<1x16xf32>,
        %get3A_1065 = vector.shape_cast %get3A_1064 : vector<1x16xf32> to vector<16xf32>
        %get3A_1066 = arith.index_cast %add3A_1002 : i32 to index
        %get3A_1067 = arith.constant 48 : index
        %get3A_1068 = tpu.vector_load %arg18[%get3A_1066, %get3A_1067] {strides = array<i32>} : memref<128x128xf32, #tpu.memory_space<vmem>>, vector<1x16xf32>,
        %get3A_1069 = vector.shape_cast %get3A_1068 : vector<1x16xf32> to vector<16xf32>
        %add3A_1070 = arith.addf %get3A_1065, %get3A_1069 : vector<16xf32>
        %get3A_1071 = arith.index_cast %add3A_1002 : i32 to index
        %get3A_1072 = arith.constant 48 : index
        %get3A_1073 = tpu.vector_load %arg19[%get3A_1071, %get3A_1072] {strides = array<i32>} : memref<128x128xf32, #tpu.memory_space<vmem>>, vector<1x16xf32>,
        %get3A_1074 = vector.shape_cast %get3A_1073 : vector<1x16xf32> to vector<16xf32>
        %add3A_1075 = arith.addf %add3A_1070, %get3A_1074 : vector<16xf32>
        %max3A_1076 = arith.constant 0.000000e+00 : f32
        %max3A_1077 = vector.broadcast %max3A_1076 : f32 to vector<16xf32>
        %max3A_1078 = arith.maximumf %add3A_1075, %max3A_1077 : vector<16xf32>
        %mul3A_1079 = arith.mulf %max3A_1078, %get3A_10 : vector<16xf32>
        %add3A_1080 = arith.addf %add3A_1061, %mul3A_1079 : vector<16xf32>
        %get3A_1081 = arith.index_cast %add3A_1002 : i32 to index
        %get3A_1082 = arith.constant 64 : index
        %get3A_1083 = tpu.vector_load %arg17[%get3A_1081, %get3A_1082] {strides = array<i32>} : memref<128x128xf32, #tpu.memory_space<vmem>>, vector<1x16xf32>,
        %get3A_1084 = vector.shape_cast %get3A_1083 : vector<1x16xf32> to vector<16xf32>
        %get3A_1085 = arith.index_cast %add3A_1002 : i32 to index
        %get3A_1086 = arith.constant 64 : index
        %get3A_1087 = tpu.vector_load %arg18[%get3A_1085, %get3A_1086] {strides = array<i32>} : memref<128x128xf32, #tpu.memory_space<vmem>>, vector<1x16xf32>,
        %get3A_1088 = vector.shape_cast %get3A_1087 : vector<1x16xf32> to vector<16xf32>
        %add3A_1089 = arith.addf %get3A_1084, %get3A_1088 : vector<16xf32>
        %get3A_1090 = arith.index_cast %add3A_1002 : i32 to index
        %get3A_1091 = arith.constant 64 : index
        %get3A_1092 = tpu.vector_load %arg19[%get3A_1090, %get3A_1091] {strides = array<i32>} : memref<128x128xf32, #tpu.memory_space<vmem>>, vector<1x16xf32>,
        %get3A_1093 = vector.shape_cast %get3A_1092 : vector<1x16xf32> to vector<16xf32>
        %add3A_1094 = arith.addf %add3A_1089, %get3A_1093 : vector<16xf32>
        %max3A_1095 = arith.constant 0.000000e+00 : f32
        %max3A_1096 = vector.broadcast %max3A_1095 : f32 to vector<16xf32>
        %max3A_1097 = arith.maximumf %add3A_1094, %max3A_1096 : vector<16xf32>
        %mul3A_1098 = arith.mulf %max3A_1097, %get3A_13 : vector<16xf32>
        %add3A_1099 = arith.addf %add3A_1080, %mul3A_1098 : vector<16xf32>
        %get3A_1100 = arith.index_cast %add3A_1002 : i32 to index
        %get3A_1101 = arith.constant 80 : index
        %get3A_1102 = tpu.vector_load %arg17[%get3A_1100, %get3A_1101] {strides = array<i32>} : memref<128x128xf32, #tpu.memory_space<vmem>>, vector<1x16xf32>,
        %get3A_1103 = vector.shape_cast %get3A_1102 : vector<1x16xf32> to vector<16xf32>
        %get3A_1104 = arith.index_cast %add3A_1002 : i32 to index
        %get3A_1105 = arith.constant 80 : index
        %get3A_1106 = tpu.vector_load %arg18[%get3A_1104, %get3A_1105] {strides = array<i32>} : memref<128x128xf32, #tpu.memory_space<vmem>>, vector<1x16xf32>,
        %get3A_1107 = vector.shape_cast %get3A_1106 : vector<1x16xf32> to vector<16xf32>
        %add3A_1108 = arith.addf %get3A_1103, %get3A_1107 : vector<16xf32>
        %get3A_1109 = arith.index_cast %add3A_1002 : i32 to index
        %get3A_1110 = arith.constant 80 : index
        %get3A_1111 = tpu.vector_load %arg19[%get3A_1109, %get3A_1110] {strides = array<i32>} : memref<128x128xf32, #tpu.memory_space<vmem>>, vector<1x16xf32>,
        %get3A_1112 = vector.shape_cast %get3A_1111 : vector<1x16xf32> to vector<16xf32>
        %add3A_1113 = arith.addf %add3A_1108, %get3A_1112 : vector<16xf32>
        %max3A_1114 = arith.constant 0.000000e+00 : f32
        %max3A_1115 = vector.broadcast %max3A_1114 : f32 to vector<16xf32>
        %max3A_1116 = arith.maximumf %add3A_1113, %max3A_1115 : vector<16xf32>
        %mul3A_1117 = arith.mulf %max3A_1116, %get3A_16 : vector<16xf32>
        %add3A_1118 = arith.addf %add3A_1099, %mul3A_1117 : vector<16xf32>
        %get3A_1119 = arith.index_cast %add3A_1002 : i32 to index
        %get3A_1120 = arith.constant 96 : index
        %get3A_1121 = tpu.vector_load %arg17[%get3A_1119, %get3A_1120] {strides = array<i32>} : memref<128x128xf32, #tpu.memory_space<vmem>>, vector<1x16xf32>,
        %get3A_1122 = vector.shape_cast %get3A_1121 : vector<1x16xf32> to vector<16xf32>
        %get3A_1123 = arith.index_cast %add3A_1002 : i32 to index
        %get3A_1124 = arith.constant 96 : index
        %get3A_1125 = tpu.vector_load %arg18[%get3A_1123, %get3A_1124] {strides = array<i32>} : memref<128x128xf32, #tpu.memory_space<vmem>>, vector<1x16xf32>,
        %get3A_1126 = vector.shape_cast %get3A_1125 : vector<1x16xf32> to vector<16xf32>
        %add3A_1127 = arith.addf %get3A_1122, %get3A_1126 : vector<16xf32>
        %get3A_1128 = arith.index_cast %add3A_1002 : i32 to index
        %get3A_1129 = arith.constant 96 : index
        %get3A_1130 = tpu.vector_load %arg19[%get3A_1128, %get3A_1129] {strides = array<i32>} : memref<128x128xf32, #tpu.memory_space<vmem>>, vector<1x16xf32>,
        %get3A_1131 = vector.shape_cast %get3A_1130 : vector<1x16xf32> to vector<16xf32>
        %add3A_1132 = arith.addf %add3A_1127, %get3A_1131 : vector<16xf32>
        %max3A_1133 = arith.constant 0.000000e+00 : f32
        %max3A_1134 = vector.broadcast %max3A_1133 : f32 to vector<16xf32>
        %max3A_1135 = arith.maximumf %add3A_1132, %max3A_1134 : vector<16xf32>
        %mul3A_1136 = arith.mulf %max3A_1135, %get3A_19 : vector<16xf32>
        %add3A_1137 = arith.addf %add3A_1118, %mul3A_1136 : vector<16xf32>
        %get3A_1138 = arith.index_cast %add3A_1002 : i32 to index
        %get3A_1139 = arith.constant 112 : index
        %get3A_1140 = tpu.vector_load %arg17[%get3A_1138, %get3A_1139] {strides = array<i32>} : memref<128x128xf32, #tpu.memory_space<vmem>>, vector<1x16xf32>,
        %get3A_1141 = vector.shape_cast %get3A_1140 : vector<1x16xf32> to vector<16xf32>
        %get3A_1142 = arith.index_cast %add3A_1002 : i32 to index
        %get3A_1143 = arith.constant 112 : index
        %get3A_1144 = tpu.vector_load %arg18[%get3A_1142, %get3A_1143] {strides = array<i32>} : memref<128x128xf32, #tpu.memory_space<vmem>>, vector<1x16xf32>,
        %get3A_1145 = vector.shape_cast %get3A_1144 : vector<1x16xf32> to vector<16xf32>
        %add3A_1146 = arith.addf %get3A_1141, %get3A_1145 : vector<16xf32>
        %get3A_1147 = arith.index_cast %add3A_1002 : i32 to index
        %get3A_1148 = arith.constant 112 : index
        %get3A_1149 = tpu.vector_load %arg19[%get3A_1147, %get3A_1148] {strides = array<i32>} : memref<128x128xf32, #tpu.memory_space<vmem>>, vector<1x16xf32>,
        %get3A_1150 = vector.shape_cast %get3A_1149 : vector<1x16xf32> to vector<16xf32>
        %add3A_1151 = arith.addf %add3A_1146, %get3A_1150 : vector<16xf32>
        %max3A_1152 = arith.constant 0.000000e+00 : f32
        %max3A_1153 = vector.broadcast %max3A_1152 : f32 to vector<16xf32>
        %max3A_1154 = arith.maximumf %add3A_1151, %max3A_1153 : vector<16xf32>
        %mul3A_1155 = arith.mulf %max3A_1154, %get3A_22 : vector<16xf32>
        %add3A_1156 = arith.addf %add3A_1137, %mul3A_1155 : vector<16xf32>
        %swap3A_1157 = arith.index_cast %scan3A_185 : i32 to index
        %swap3A_1158 = arith.constant 80 : index
        %swap3A_1159 = tpu.vector_load %arg20[%swap3A_1157, %swap3A_1158] {strides = array<i32>} : memref<16x128xf32, #tpu.memory_space<vmem>>, vector<1x16xf32>,
        %swap3A_1160 = vector.shape_cast %swap3A_1159 : vector<1x16xf32> to vector<16xf32>
        %swap3A_1161 = vector.shape_cast %add3A_1156 : vector<16xf32> to vector<1x16xf32>
        tpu.vector_store %arg20[%swap3A_1157, %swap3A_1158], %swap3A_1161 {strides = array<i32>} : memref<16x128xf32, #tpu.memory_space<vmem>>, vector<1x16xf32>,
        %mul3A_1162 = arith.constant 8 : i32
        %mul3A_1163 = arith.muli %scan3A_185, %mul3A_1162 : i32
        %add3A_1164 = arith.constant 6 : i32
        %add3A_1165 = arith.addi %mul3A_1163, %add3A_1164 : i32
        %broadcast_in_dim3A_1166 = arith.constant 0.000000e+00 : f32
        %broadcast_in_dim3A_1167 = vector.broadcast %broadcast_in_dim3A_1166 : f32 to vector<16xf32>
        %get3A_1168 = arith.index_cast %add3A_1165 : i32 to index
        %get3A_1169 = arith.constant 0 : index
        %get3A_1170 = tpu.vector_load %arg17[%get3A_1168, %get3A_1169] {strides = array<i32>} : memref<128x128xf32, #tpu.memory_space<vmem>>, vector<1x16xf32>,
        %get3A_1171 = vector.shape_cast %get3A_1170 : vector<1x16xf32> to vector<16xf32>
        %get3A_1172 = arith.index_cast %add3A_1165 : i32 to index
        %get3A_1173 = arith.constant 0 : index
        %get3A_1174 = tpu.vector_load %arg18[%get3A_1172, %get3A_1173] {strides = array<i32>} : memref<128x128xf32, #tpu.memory_space<vmem>>, vector<1x16xf32>,
        %get3A_1175 = vector.shape_cast %get3A_1174 : vector<1x16xf32> to vector<16xf32>
        %add3A_1176 = arith.addf %get3A_1171, %get3A_1175 : vector<16xf32>
        %get3A_1177 = arith.index_cast %add3A_1165 : i32 to index
        %get3A_1178 = arith.constant 0 : index
        %get3A_1179 = tpu.vector_load %arg19[%get3A_1177, %get3A_1178] {strides = array<i32>} : memref<128x128xf32, #tpu.memory_space<vmem>>, vector<1x16xf32>,
        %get3A_1180 = vector.shape_cast %get3A_1179 : vector<1x16xf32> to vector<16xf32>
        %add3A_1181 = arith.addf %add3A_1176, %get3A_1180 : vector<16xf32>
        %max3A_1182 = arith.constant 0.000000e+00 : f32
        %max3A_1183 = vector.broadcast %max3A_1182 : f32 to vector<16xf32>
        %max3A_1184 = arith.maximumf %add3A_1181, %max3A_1183 : vector<16xf32>
        %mul3A_1185 = arith.mulf %max3A_1184, %get3A_1 : vector<16xf32>
        %add3A_1186 = arith.addf %broadcast_in_dim3A_1167, %mul3A_1185 : vector<16xf32>
        %get3A_1187 = arith.index_cast %add3A_1165 : i32 to index
        %get3A_1188 = arith.constant 16 : index
        %get3A_1189 = tpu.vector_load %arg17[%get3A_1187, %get3A_1188] {strides = array<i32>} : memref<128x128xf32, #tpu.memory_space<vmem>>, vector<1x16xf32>,
        %get3A_1190 = vector.shape_cast %get3A_1189 : vector<1x16xf32> to vector<16xf32>
        %get3A_1191 = arith.index_cast %add3A_1165 : i32 to index
        %get3A_1192 = arith.constant 16 : index
        %get3A_1193 = tpu.vector_load %arg18[%get3A_1191, %get3A_1192] {strides = array<i32>} : memref<128x128xf32, #tpu.memory_space<vmem>>, vector<1x16xf32>,
        %get3A_1194 = vector.shape_cast %get3A_1193 : vector<1x16xf32> to vector<16xf32>
        %add3A_1195 = arith.addf %get3A_1190, %get3A_1194 : vector<16xf32>
        %get3A_1196 = arith.index_cast %add3A_1165 : i32 to index
        %get3A_1197 = arith.constant 16 : index
        %get3A_1198 = tpu.vector_load %arg19[%get3A_1196, %get3A_1197] {strides = array<i32>} : memref<128x128xf32, #tpu.memory_space<vmem>>, vector<1x16xf32>,
        %get3A_1199 = vector.shape_cast %get3A_1198 : vector<1x16xf32> to vector<16xf32>
        %add3A_1200 = arith.addf %add3A_1195, %get3A_1199 : vector<16xf32>
        %max3A_1201 = arith.constant 0.000000e+00 : f32
        %max3A_1202 = vector.broadcast %max3A_1201 : f32 to vector<16xf32>
        %max3A_1203 = arith.maximumf %add3A_1200, %max3A_1202 : vector<16xf32>
        %mul3A_1204 = arith.mulf %max3A_1203, %get3A_4 : vector<16xf32>
        %add3A_1205 = arith.addf %add3A_1186, %mul3A_1204 : vector<16xf32>
        %get3A_1206 = arith.index_cast %add3A_1165 : i32 to index
        %get3A_1207 = arith.constant 32 : index
        %get3A_1208 = tpu.vector_load %arg17[%get3A_1206, %get3A_1207] {strides = array<i32>} : memref<128x128xf32, #tpu.memory_space<vmem>>, vector<1x16xf32>,
        %get3A_1209 = vector.shape_cast %get3A_1208 : vector<1x16xf32> to vector<16xf32>
        %get3A_1210 = arith.index_cast %add3A_1165 : i32 to index
        %get3A_1211 = arith.constant 32 : index
        %get3A_1212 = tpu.vector_load %arg18[%get3A_1210, %get3A_1211] {strides = array<i32>} : memref<128x128xf32, #tpu.memory_space<vmem>>, vector<1x16xf32>,
        %get3A_1213 = vector.shape_cast %get3A_1212 : vector<1x16xf32> to vector<16xf32>
        %add3A_1214 = arith.addf %get3A_1209, %get3A_1213 : vector<16xf32>
        %get3A_1215 = arith.index_cast %add3A_1165 : i32 to index
        %get3A_1216 = arith.constant 32 : index
        %get3A_1217 = tpu.vector_load %arg19[%get3A_1215, %get3A_1216] {strides = array<i32>} : memref<128x128xf32, #tpu.memory_space<vmem>>, vector<1x16xf32>,
        %get3A_1218 = vector.shape_cast %get3A_1217 : vector<1x16xf32> to vector<16xf32>
        %add3A_1219 = arith.addf %add3A_1214, %get3A_1218 : vector<16xf32>
        %max3A_1220 = arith.constant 0.000000e+00 : f32
        %max3A_1221 = vector.broadcast %max3A_1220 : f32 to vector<16xf32>
        %max3A_1222 = arith.maximumf %add3A_1219, %max3A_1221 : vector<16xf32>
        %mul3A_1223 = arith.mulf %max3A_1222, %get3A_7 : vector<16xf32>
        %add3A_1224 = arith.addf %add3A_1205, %mul3A_1223 : vector<16xf32>
        %get3A_1225 = arith.index_cast %add3A_1165 : i32 to index
        %get3A_1226 = arith.constant 48 : index
        %get3A_1227 = tpu.vector_load %arg17[%get3A_1225, %get3A_1226] {strides = array<i32>} : memref<128x128xf32, #tpu.memory_space<vmem>>, vector<1x16xf32>,
        %get3A_1228 = vector.shape_cast %get3A_1227 : vector<1x16xf32> to vector<16xf32>
        %get3A_1229 = arith.index_cast %add3A_1165 : i32 to index
        %get3A_1230 = arith.constant 48 : index
        %get3A_1231 = tpu.vector_load %arg18[%get3A_1229, %get3A_1230] {strides = array<i32>} : memref<128x128xf32, #tpu.memory_space<vmem>>, vector<1x16xf32>,
        %get3A_1232 = vector.shape_cast %get3A_1231 : vector<1x16xf32> to vector<16xf32>
        %add3A_1233 = arith.addf %get3A_1228, %get3A_1232 : vector<16xf32>
        %get3A_1234 = arith.index_cast %add3A_1165 : i32 to index
        %get3A_1235 = arith.constant 48 : index
        %get3A_1236 = tpu.vector_load %arg19[%get3A_1234, %get3A_1235] {strides = array<i32>} : memref<128x128xf32, #tpu.memory_space<vmem>>, vector<1x16xf32>,
        %get3A_1237 = vector.shape_cast %get3A_1236 : vector<1x16xf32> to vector<16xf32>
        %add3A_1238 = arith.addf %add3A_1233, %get3A_1237 : vector<16xf32>
        %max3A_1239 = arith.constant 0.000000e+00 : f32
        %max3A_1240 = vector.broadcast %max3A_1239 : f32 to vector<16xf32>
        %max3A_1241 = arith.maximumf %add3A_1238, %max3A_1240 : vector<16xf32>
        %mul3A_1242 = arith.mulf %max3A_1241, %get3A_10 : vector<16xf32>
        %add3A_1243 = arith.addf %add3A_1224, %mul3A_1242 : vector<16xf32>
        %get3A_1244 = arith.index_cast %add3A_1165 : i32 to index
        %get3A_1245 = arith.constant 64 : index
        %get3A_1246 = tpu.vector_load %arg17[%get3A_1244, %get3A_1245] {strides = array<i32>} : memref<128x128xf32, #tpu.memory_space<vmem>>, vector<1x16xf32>,
        %get3A_1247 = vector.shape_cast %get3A_1246 : vector<1x16xf32> to vector<16xf32>
        %get3A_1248 = arith.index_cast %add3A_1165 : i32 to index
        %get3A_1249 = arith.constant 64 : index
        %get3A_1250 = tpu.vector_load %arg18[%get3A_1248, %get3A_1249] {strides = array<i32>} : memref<128x128xf32, #tpu.memory_space<vmem>>, vector<1x16xf32>,
        %get3A_1251 = vector.shape_cast %get3A_1250 : vector<1x16xf32> to vector<16xf32>
        %add3A_1252 = arith.addf %get3A_1247, %get3A_1251 : vector<16xf32>
        %get3A_1253 = arith.index_cast %add3A_1165 : i32 to index
        %get3A_1254 = arith.constant 64 : index
        %get3A_1255 = tpu.vector_load %arg19[%get3A_1253, %get3A_1254] {strides = array<i32>} : memref<128x128xf32, #tpu.memory_space<vmem>>, vector<1x16xf32>,
        %get3A_1256 = vector.shape_cast %get3A_1255 : vector<1x16xf32> to vector<16xf32>
        %add3A_1257 = arith.addf %add3A_1252, %get3A_1256 : vector<16xf32>
        %max3A_1258 = arith.constant 0.000000e+00 : f32
        %max3A_1259 = vector.broadcast %max3A_1258 : f32 to vector<16xf32>
        %max3A_1260 = arith.maximumf %add3A_1257, %max3A_1259 : vector<16xf32>
        %mul3A_1261 = arith.mulf %max3A_1260, %get3A_13 : vector<16xf32>
        %add3A_1262 = arith.addf %add3A_1243, %mul3A_1261 : vector<16xf32>
        %get3A_1263 = arith.index_cast %add3A_1165 : i32 to index
        %get3A_1264 = arith.constant 80 : index
        %get3A_1265 = tpu.vector_load %arg17[%get3A_1263, %get3A_1264] {strides = array<i32>} : memref<128x128xf32, #tpu.memory_space<vmem>>, vector<1x16xf32>,
        %get3A_1266 = vector.shape_cast %get3A_1265 : vector<1x16xf32> to vector<16xf32>
        %get3A_1267 = arith.index_cast %add3A_1165 : i32 to index
        %get3A_1268 = arith.constant 80 : index
        %get3A_1269 = tpu.vector_load %arg18[%get3A_1267, %get3A_1268] {strides = array<i32>} : memref<128x128xf32, #tpu.memory_space<vmem>>, vector<1x16xf32>,
        %get3A_1270 = vector.shape_cast %get3A_1269 : vector<1x16xf32> to vector<16xf32>
        %add3A_1271 = arith.addf %get3A_1266, %get3A_1270 : vector<16xf32>
        %get3A_1272 = arith.index_cast %add3A_1165 : i32 to index
        %get3A_1273 = arith.constant 80 : index
        %get3A_1274 = tpu.vector_load %arg19[%get3A_1272, %get3A_1273] {strides = array<i32>} : memref<128x128xf32, #tpu.memory_space<vmem>>, vector<1x16xf32>,
        %get3A_1275 = vector.shape_cast %get3A_1274 : vector<1x16xf32> to vector<16xf32>
        %add3A_1276 = arith.addf %add3A_1271, %get3A_1275 : vector<16xf32>
        %max3A_1277 = arith.constant 0.000000e+00 : f32
        %max3A_1278 = vector.broadcast %max3A_1277 : f32 to vector<16xf32>
        %max3A_1279 = arith.maximumf %add3A_1276, %max3A_1278 : vector<16xf32>
        %mul3A_1280 = arith.mulf %max3A_1279, %get3A_16 : vector<16xf32>
        %add3A_1281 = arith.addf %add3A_1262, %mul3A_1280 : vector<16xf32>
        %get3A_1282 = arith.index_cast %add3A_1165 : i32 to index
        %get3A_1283 = arith.constant 96 : index
        %get3A_1284 = tpu.vector_load %arg17[%get3A_1282, %get3A_1283] {strides = array<i32>} : memref<128x128xf32, #tpu.memory_space<vmem>>, vector<1x16xf32>,
        %get3A_1285 = vector.shape_cast %get3A_1284 : vector<1x16xf32> to vector<16xf32>
        %get3A_1286 = arith.index_cast %add3A_1165 : i32 to index
        %get3A_1287 = arith.constant 96 : index
        %get3A_1288 = tpu.vector_load %arg18[%get3A_1286, %get3A_1287] {strides = array<i32>} : memref<128x128xf32, #tpu.memory_space<vmem>>, vector<1x16xf32>,
        %get3A_1289 = vector.shape_cast %get3A_1288 : vector<1x16xf32> to vector<16xf32>
        %add3A_1290 = arith.addf %get3A_1285, %get3A_1289 : vector<16xf32>
        %get3A_1291 = arith.index_cast %add3A_1165 : i32 to index
        %get3A_1292 = arith.constant 96 : index
        %get3A_1293 = tpu.vector_load %arg19[%get3A_1291, %get3A_1292] {strides = array<i32>} : memref<128x128xf32, #tpu.memory_space<vmem>>, vector<1x16xf32>,
        %get3A_1294 = vector.shape_cast %get3A_1293 : vector<1x16xf32> to vector<16xf32>
        %add3A_1295 = arith.addf %add3A_1290, %get3A_1294 : vector<16xf32>
        %max3A_1296 = arith.constant 0.000000e+00 : f32
        %max3A_1297 = vector.broadcast %max3A_1296 : f32 to vector<16xf32>
        %max3A_1298 = arith.maximumf %add3A_1295, %max3A_1297 : vector<16xf32>
        %mul3A_1299 = arith.mulf %max3A_1298, %get3A_19 : vector<16xf32>
        %add3A_1300 = arith.addf %add3A_1281, %mul3A_1299 : vector<16xf32>
        %get3A_1301 = arith.index_cast %add3A_1165 : i32 to index
        %get3A_1302 = arith.constant 112 : index
        %get3A_1303 = tpu.vector_load %arg17[%get3A_1301, %get3A_1302] {strides = array<i32>} : memref<128x128xf32, #tpu.memory_space<vmem>>, vector<1x16xf32>,
        %get3A_1304 = vector.shape_cast %get3A_1303 : vector<1x16xf32> to vector<16xf32>
        %get3A_1305 = arith.index_cast %add3A_1165 : i32 to index
        %get3A_1306 = arith.constant 112 : index
        %get3A_1307 = tpu.vector_load %arg18[%get3A_1305, %get3A_1306] {strides = array<i32>} : memref<128x128xf32, #tpu.memory_space<vmem>>, vector<1x16xf32>,
        %get3A_1308 = vector.shape_cast %get3A_1307 : vector<1x16xf32> to vector<16xf32>
        %add3A_1309 = arith.addf %get3A_1304, %get3A_1308 : vector<16xf32>
        %get3A_1310 = arith.index_cast %add3A_1165 : i32 to index
        %get3A_1311 = arith.constant 112 : index
        %get3A_1312 = tpu.vector_load %arg19[%get3A_1310, %get3A_1311] {strides = array<i32>} : memref<128x128xf32, #tpu.memory_space<vmem>>, vector<1x16xf32>,
        %get3A_1313 = vector.shape_cast %get3A_1312 : vector<1x16xf32> to vector<16xf32>
        %add3A_1314 = arith.addf %add3A_1309, %get3A_1313 : vector<16xf32>
        %max3A_1315 = arith.constant 0.000000e+00 : f32
        %max3A_1316 = vector.broadcast %max3A_1315 : f32 to vector<16xf32>
        %max3A_1317 = arith.maximumf %add3A_1314, %max3A_1316 : vector<16xf32>
        %mul3A_1318 = arith.mulf %max3A_1317, %get3A_22 : vector<16xf32>
        %add3A_1319 = arith.addf %add3A_1300, %mul3A_1318 : vector<16xf32>
        %swap3A_1320 = arith.index_cast %scan3A_185 : i32 to index
        %swap3A_1321 = arith.constant 96 : index
        %swap3A_1322 = tpu.vector_load %arg20[%swap3A_1320, %swap3A_1321] {strides = array<i32>} : memref<16x128xf32, #tpu.memory_space<vmem>>, vector<1x16xf32>,
        %swap3A_1323 = vector.shape_cast %swap3A_1322 : vector<1x16xf32> to vector<16xf32>
        %swap3A_1324 = vector.shape_cast %add3A_1319 : vector<16xf32> to vector<1x16xf32>
        tpu.vector_store %arg20[%swap3A_1320, %swap3A_1321], %swap3A_1324 {strides = array<i32>} : memref<16x128xf32, #tpu.memory_space<vmem>>, vector<1x16xf32>,
        %mul3A_1325 = arith.constant 8 : i32
        %mul3A_1326 = arith.muli %scan3A_185, %mul3A_1325 : i32
        %add3A_1327 = arith.constant 7 : i32
        %add3A_1328 = arith.addi %mul3A_1326, %add3A_1327 : i32
        %broadcast_in_dim3A_1329 = arith.constant 0.000000e+00 : f32
        %broadcast_in_dim3A_1330 = vector.broadcast %broadcast_in_dim3A_1329 : f32 to vector<16xf32>
        %get3A_1331 = arith.index_cast %add3A_1328 : i32 to index
        %get3A_1332 = arith.constant 0 : index
        %get3A_1333 = tpu.vector_load %arg17[%get3A_1331, %get3A_1332] {strides = array<i32>} : memref<128x128xf32, #tpu.memory_space<vmem>>, vector<1x16xf32>,
        %get3A_1334 = vector.shape_cast %get3A_1333 : vector<1x16xf32> to vector<16xf32>
        %get3A_1335 = arith.index_cast %add3A_1328 : i32 to index
        %get3A_1336 = arith.constant 0 : index
        %get3A_1337 = tpu.vector_load %arg18[%get3A_1335, %get3A_1336] {strides = array<i32>} : memref<128x128xf32, #tpu.memory_space<vmem>>, vector<1x16xf32>,
        %get3A_1338 = vector.shape_cast %get3A_1337 : vector<1x16xf32> to vector<16xf32>
        %add3A_1339 = arith.addf %get3A_1334, %get3A_1338 : vector<16xf32>
        %get3A_1340 = arith.index_cast %add3A_1328 : i32 to index
        %get3A_1341 = arith.constant 0 : index
        %get3A_1342 = tpu.vector_load %arg19[%get3A_1340, %get3A_1341] {strides = array<i32>} : memref<128x128xf32, #tpu.memory_space<vmem>>, vector<1x16xf32>,
        %get3A_1343 = vector.shape_cast %get3A_1342 : vector<1x16xf32> to vector<16xf32>
        %add3A_1344 = arith.addf %add3A_1339, %get3A_1343 : vector<16xf32>
        %max3A_1345 = arith.constant 0.000000e+00 : f32
        %max3A_1346 = vector.broadcast %max3A_1345 : f32 to vector<16xf32>
        %max3A_1347 = arith.maximumf %add3A_1344, %max3A_1346 : vector<16xf32>
        %mul3A_1348 = arith.mulf %max3A_1347, %get3A_1 : vector<16xf32>
        %add3A_1349 = arith.addf %broadcast_in_dim3A_1330, %mul3A_1348 : vector<16xf32>
        %get3A_1350 = arith.index_cast %add3A_1328 : i32 to index
        %get3A_1351 = arith.constant 16 : index
        %get3A_1352 = tpu.vector_load %arg17[%get3A_1350, %get3A_1351] {strides = array<i32>} : memref<128x128xf32, #tpu.memory_space<vmem>>, vector<1x16xf32>,
        %get3A_1353 = vector.shape_cast %get3A_1352 : vector<1x16xf32> to vector<16xf32>
        %get3A_1354 = arith.index_cast %add3A_1328 : i32 to index
        %get3A_1355 = arith.constant 16 : index
        %get3A_1356 = tpu.vector_load %arg18[%get3A_1354, %get3A_1355] {strides = array<i32>} : memref<128x128xf32, #tpu.memory_space<vmem>>, vector<1x16xf32>,
        %get3A_1357 = vector.shape_cast %get3A_1356 : vector<1x16xf32> to vector<16xf32>
        %add3A_1358 = arith.addf %get3A_1353, %get3A_1357 : vector<16xf32>
        %get3A_1359 = arith.index_cast %add3A_1328 : i32 to index
        %get3A_1360 = arith.constant 16 : index
        %get3A_1361 = tpu.vector_load %arg19[%get3A_1359, %get3A_1360] {strides = array<i32>} : memref<128x128xf32, #tpu.memory_space<vmem>>, vector<1x16xf32>,
        %get3A_1362 = vector.shape_cast %get3A_1361 : vector<1x16xf32> to vector<16xf32>
        %add3A_1363 = arith.addf %add3A_1358, %get3A_1362 : vector<16xf32>
        %max3A_1364 = arith.constant 0.000000e+00 : f32
        %max3A_1365 = vector.broadcast %max3A_1364 : f32 to vector<16xf32>
        %max3A_1366 = arith.maximumf %add3A_1363, %max3A_1365 : vector<16xf32>
        %mul3A_1367 = arith.mulf %max3A_1366, %get3A_4 : vector<16xf32>
        %add3A_1368 = arith.addf %add3A_1349, %mul3A_1367 : vector<16xf32>
        %get3A_1369 = arith.index_cast %add3A_1328 : i32 to index
        %get3A_1370 = arith.constant 32 : index
        %get3A_1371 = tpu.vector_load %arg17[%get3A_1369, %get3A_1370] {strides = array<i32>} : memref<128x128xf32, #tpu.memory_space<vmem>>, vector<1x16xf32>,
        %get3A_1372 = vector.shape_cast %get3A_1371 : vector<1x16xf32> to vector<16xf32>
        %get3A_1373 = arith.index_cast %add3A_1328 : i32 to index
        %get3A_1374 = arith.constant 32 : index
        %get3A_1375 = tpu.vector_load %arg18[%get3A_1373, %get3A_1374] {strides = array<i32>} : memref<128x128xf32, #tpu.memory_space<vmem>>, vector<1x16xf32>,
        %get3A_1376 = vector.shape_cast %get3A_1375 : vector<1x16xf32> to vector<16xf32>
        %add3A_1377 = arith.addf %get3A_1372, %get3A_1376 : vector<16xf32>
        %get3A_1378 = arith.index_cast %add3A_1328 : i32 to index
        %get3A_1379 = arith.constant 32 : index
        %get3A_1380 = tpu.vector_load %arg19[%get3A_1378, %get3A_1379] {strides = array<i32>} : memref<128x128xf32, #tpu.memory_space<vmem>>, vector<1x16xf32>,
        %get3A_1381 = vector.shape_cast %get3A_1380 : vector<1x16xf32> to vector<16xf32>
        %add3A_1382 = arith.addf %add3A_1377, %get3A_1381 : vector<16xf32>
        %max3A_1383 = arith.constant 0.000000e+00 : f32
        %max3A_1384 = vector.broadcast %max3A_1383 : f32 to vector<16xf32>
        %max3A_1385 = arith.maximumf %add3A_1382, %max3A_1384 : vector<16xf32>
        %mul3A_1386 = arith.mulf %max3A_1385, %get3A_7 : vector<16xf32>
        %add3A_1387 = arith.addf %add3A_1368, %mul3A_1386 : vector<16xf32>
        %get3A_1388 = arith.index_cast %add3A_1328 : i32 to index
        %get3A_1389 = arith.constant 48 : index
        %get3A_1390 = tpu.vector_load %arg17[%get3A_1388, %get3A_1389] {strides = array<i32>} : memref<128x128xf32, #tpu.memory_space<vmem>>, vector<1x16xf32>,
        %get3A_1391 = vector.shape_cast %get3A_1390 : vector<1x16xf32> to vector<16xf32>
        %get3A_1392 = arith.index_cast %add3A_1328 : i32 to index
        %get3A_1393 = arith.constant 48 : index
        %get3A_1394 = tpu.vector_load %arg18[%get3A_1392, %get3A_1393] {strides = array<i32>} : memref<128x128xf32, #tpu.memory_space<vmem>>, vector<1x16xf32>,
        %get3A_1395 = vector.shape_cast %get3A_1394 : vector<1x16xf32> to vector<16xf32>
        %add3A_1396 = arith.addf %get3A_1391, %get3A_1395 : vector<16xf32>
        %get3A_1397 = arith.index_cast %add3A_1328 : i32 to index
        %get3A_1398 = arith.constant 48 : index
        %get3A_1399 = tpu.vector_load %arg19[%get3A_1397, %get3A_1398] {strides = array<i32>} : memref<128x128xf32, #tpu.memory_space<vmem>>, vector<1x16xf32>,
        %get3A_1400 = vector.shape_cast %get3A_1399 : vector<1x16xf32> to vector<16xf32>
        %add3A_1401 = arith.addf %add3A_1396, %get3A_1400 : vector<16xf32>
        %max3A_1402 = arith.constant 0.000000e+00 : f32
        %max3A_1403 = vector.broadcast %max3A_1402 : f32 to vector<16xf32>
        %max3A_1404 = arith.maximumf %add3A_1401, %max3A_1403 : vector<16xf32>
        %mul3A_1405 = arith.mulf %max3A_1404, %get3A_10 : vector<16xf32>
        %add3A_1406 = arith.addf %add3A_1387, %mul3A_1405 : vector<16xf32>
        %get3A_1407 = arith.index_cast %add3A_1328 : i32 to index
        %get3A_1408 = arith.constant 64 : index
        %get3A_1409 = tpu.vector_load %arg17[%get3A_1407, %get3A_1408] {strides = array<i32>} : memref<128x128xf32, #tpu.memory_space<vmem>>, vector<1x16xf32>,
        %get3A_1410 = vector.shape_cast %get3A_1409 : vector<1x16xf32> to vector<16xf32>
        %get3A_1411 = arith.index_cast %add3A_1328 : i32 to index
        %get3A_1412 = arith.constant 64 : index
        %get3A_1413 = tpu.vector_load %arg18[%get3A_1411, %get3A_1412] {strides = array<i32>} : memref<128x128xf32, #tpu.memory_space<vmem>>, vector<1x16xf32>,
        %get3A_1414 = vector.shape_cast %get3A_1413 : vector<1x16xf32> to vector<16xf32>
        %add3A_1415 = arith.addf %get3A_1410, %get3A_1414 : vector<16xf32>
        %get3A_1416 = arith.index_cast %add3A_1328 : i32 to index
        %get3A_1417 = arith.constant 64 : index
        %get3A_1418 = tpu.vector_load %arg19[%get3A_1416, %get3A_1417] {strides = array<i32>} : memref<128x128xf32, #tpu.memory_space<vmem>>, vector<1x16xf32>,
        %get3A_1419 = vector.shape_cast %get3A_1418 : vector<1x16xf32> to vector<16xf32>
        %add3A_1420 = arith.addf %add3A_1415, %get3A_1419 : vector<16xf32>
        %max3A_1421 = arith.constant 0.000000e+00 : f32
        %max3A_1422 = vector.broadcast %max3A_1421 : f32 to vector<16xf32>
        %max3A_1423 = arith.maximumf %add3A_1420, %max3A_1422 : vector<16xf32>
        %mul3A_1424 = arith.mulf %max3A_1423, %get3A_13 : vector<16xf32>
        %add3A_1425 = arith.addf %add3A_1406, %mul3A_1424 : vector<16xf32>
        %get3A_1426 = arith.index_cast %add3A_1328 : i32 to index
        %get3A_1427 = arith.constant 80 : index
        %get3A_1428 = tpu.vector_load %arg17[%get3A_1426, %get3A_1427] {strides = array<i32>} : memref<128x128xf32, #tpu.memory_space<vmem>>, vector<1x16xf32>,
        %get3A_1429 = vector.shape_cast %get3A_1428 : vector<1x16xf32> to vector<16xf32>
        %get3A_1430 = arith.index_cast %add3A_1328 : i32 to index
        %get3A_1431 = arith.constant 80 : index
        %get3A_1432 = tpu.vector_load %arg18[%get3A_1430, %get3A_1431] {strides = array<i32>} : memref<128x128xf32, #tpu.memory_space<vmem>>, vector<1x16xf32>,
        %get3A_1433 = vector.shape_cast %get3A_1432 : vector<1x16xf32> to vector<16xf32>
        %add3A_1434 = arith.addf %get3A_1429, %get3A_1433 : vector<16xf32>
        %get3A_1435 = arith.index_cast %add3A_1328 : i32 to index
        %get3A_1436 = arith.constant 80 : index
        %get3A_1437 = tpu.vector_load %arg19[%get3A_1435, %get3A_1436] {strides = array<i32>} : memref<128x128xf32, #tpu.memory_space<vmem>>, vector<1x16xf32>,
        %get3A_1438 = vector.shape_cast %get3A_1437 : vector<1x16xf32> to vector<16xf32>
        %add3A_1439 = arith.addf %add3A_1434, %get3A_1438 : vector<16xf32>
        %max3A_1440 = arith.constant 0.000000e+00 : f32
        %max3A_1441 = vector.broadcast %max3A_1440 : f32 to vector<16xf32>
        %max3A_1442 = arith.maximumf %add3A_1439, %max3A_1441 : vector<16xf32>
        %mul3A_1443 = arith.mulf %max3A_1442, %get3A_16 : vector<16xf32>
        %add3A_1444 = arith.addf %add3A_1425, %mul3A_1443 : vector<16xf32>
        %get3A_1445 = arith.index_cast %add3A_1328 : i32 to index
        %get3A_1446 = arith.constant 96 : index
        %get3A_1447 = tpu.vector_load %arg17[%get3A_1445, %get3A_1446] {strides = array<i32>} : memref<128x128xf32, #tpu.memory_space<vmem>>, vector<1x16xf32>,
        %get3A_1448 = vector.shape_cast %get3A_1447 : vector<1x16xf32> to vector<16xf32>
        %get3A_1449 = arith.index_cast %add3A_1328 : i32 to index
        %get3A_1450 = arith.constant 96 : index
        %get3A_1451 = tpu.vector_load %arg18[%get3A_1449, %get3A_1450] {strides = array<i32>} : memref<128x128xf32, #tpu.memory_space<vmem>>, vector<1x16xf32>,
        %get3A_1452 = vector.shape_cast %get3A_1451 : vector<1x16xf32> to vector<16xf32>
        %add3A_1453 = arith.addf %get3A_1448, %get3A_1452 : vector<16xf32>
        %get3A_1454 = arith.index_cast %add3A_1328 : i32 to index
        %get3A_1455 = arith.constant 96 : index
        %get3A_1456 = tpu.vector_load %arg19[%get3A_1454, %get3A_1455] {strides = array<i32>} : memref<128x128xf32, #tpu.memory_space<vmem>>, vector<1x16xf32>,
        %get3A_1457 = vector.shape_cast %get3A_1456 : vector<1x16xf32> to vector<16xf32>
        %add3A_1458 = arith.addf %add3A_1453, %get3A_1457 : vector<16xf32>
        %max3A_1459 = arith.constant 0.000000e+00 : f32
        %max3A_1460 = vector.broadcast %max3A_1459 : f32 to vector<16xf32>
        %max3A_1461 = arith.maximumf %add3A_1458, %max3A_1460 : vector<16xf32>
        %mul3A_1462 = arith.mulf %max3A_1461, %get3A_19 : vector<16xf32>
        %add3A_1463 = arith.addf %add3A_1444, %mul3A_1462 : vector<16xf32>
        %get3A_1464 = arith.index_cast %add3A_1328 : i32 to index
        %get3A_1465 = arith.constant 112 : index
        %get3A_1466 = tpu.vector_load %arg17[%get3A_1464, %get3A_1465] {strides = array<i32>} : memref<128x128xf32, #tpu.memory_space<vmem>>, vector<1x16xf32>,
        %get3A_1467 = vector.shape_cast %get3A_1466 : vector<1x16xf32> to vector<16xf32>
        %get3A_1468 = arith.index_cast %add3A_1328 : i32 to index
        %get3A_1469 = arith.constant 112 : index
        %get3A_1470 = tpu.vector_load %arg18[%get3A_1468, %get3A_1469] {strides = array<i32>} : memref<128x128xf32, #tpu.memory_space<vmem>>, vector<1x16xf32>,
        %get3A_1471 = vector.shape_cast %get3A_1470 : vector<1x16xf32> to vector<16xf32>
        %add3A_1472 = arith.addf %get3A_1467, %get3A_1471 : vector<16xf32>
        %get3A_1473 = arith.index_cast %add3A_1328 : i32 to index
        %get3A_1474 = arith.constant 112 : index
        %get3A_1475 = tpu.vector_load %arg19[%get3A_1473, %get3A_1474] {strides = array<i32>} : memref<128x128xf32, #tpu.memory_space<vmem>>, vector<1x16xf32>,
        %get3A_1476 = vector.shape_cast %get3A_1475 : vector<1x16xf32> to vector<16xf32>
        %add3A_1477 = arith.addf %add3A_1472, %get3A_1476 : vector<16xf32>
        %max3A_1478 = arith.constant 0.000000e+00 : f32
        %max3A_1479 = vector.broadcast %max3A_1478 : f32 to vector<16xf32>
        %max3A_1480 = arith.maximumf %add3A_1477, %max3A_1479 : vector<16xf32>
        %mul3A_1481 = arith.mulf %max3A_1480, %get3A_22 : vector<16xf32>
        %add3A_1482 = arith.addf %add3A_1463, %mul3A_1481 : vector<16xf32>
        %swap3A_1483 = arith.index_cast %scan3A_185 : i32 to index
        %swap3A_1484 = arith.constant 112 : index
        %swap3A_1485 = tpu.vector_load %arg20[%swap3A_1483, %swap3A_1484] {strides = array<i32>} : memref<16x128xf32, #tpu.memory_space<vmem>>, vector<1x16xf32>,
        %swap3A_1486 = vector.shape_cast %swap3A_1485 : vector<1x16xf32> to vector<16xf32>
        %swap3A_1487 = vector.shape_cast %add3A_1482 : vector<16xf32> to vector<1x16xf32>
        tpu.vector_store %arg20[%swap3A_1483, %swap3A_1484], %swap3A_1487 {strides = array<i32>} : memref<16x128xf32, #tpu.memory_space<vmem>>, vector<1x16xf32>,
        %scan3A_1488 = arith.constant 0 : i32
        scf.yield %scan3A_1488 : i32
      }
      %scan3A_153 = arith.constant 16 : i32
      %mul3A_154 = arith.constant 10240 : i32
      %mul3A_155 = arith.muli %arg1, %mul3A_154 : i32
      %mul3A_156 = arith.constant 128 : i32
      %mul3A_157 = arith.muli %add3A_128, %mul3A_156 : i32
      %add3A_158 = arith.addi %mul3A_155, %mul3A_157 : i32
      %jit3A_159 = arith.constant 8 : i32
      %div3A_160 = arith.divsi %add3A_158, %jit3A_159 : i32
      %sign3A_161 = arith.constant 0 : i32
      %sign3A_162 = arith.cmpi sgt, %add3A_158, %sign3A_161 : i32
      %sign3A_163 = arith.extui %sign3A_162 : i1 to i32
      %sign3A_164 = arith.constant 0 : i32
      %sign3A_165 = arith.cmpi slt, %add3A_158, %sign3A_164 : i32
      %sign3A_166 = arith.extui %sign3A_165 : i1 to i32
      %sign3A_167 = arith.subi %sign3A_163, %sign3A_166 : i32
      %sign3A_168 = arith.constant 0 : i32
      %sign3A_169 = arith.cmpi sgt, %jit3A_159, %sign3A_168 : i32
      %sign3A_170 = arith.extui %sign3A_169 : i1 to i32
      %sign3A_171 = arith.constant 0 : i32
      %sign3A_172 = arith.cmpi slt, %jit3A_159, %sign3A_171 : i32
      %sign3A_173 = arith.extui %sign3A_172 : i1 to i32
      %sign3A_174 = arith.subi %sign3A_170, %sign3A_173 : i32
      %ne3A_175 = arith.cmpi ne, %sign3A_167, %sign3A_174 : i32
      %rem3A_176 = arith.remsi %add3A_158, %jit3A_159 : i32
      %ne3A_177 = arith.constant 0 : i32
      %ne3A_178 = arith.cmpi ne, %rem3A_176, %ne3A_177 : i32
      %and3A_179 = arith.andi %ne3A_175, %ne3A_178 : i1
      %sub3A_180 = arith.constant 1 : i32
      %sub3A_181 = arith.subi %div3A_160, %sub3A_180 : i32
      %select_n3A_182 = arith.select %and3A_179, %sub3A_181, %div3A_160 : i32
      %multiple_of3A_183 = tpu.assume_multiple %select_n3A_182, 8 : i32
      "tpu.region"() ({
        %run_scoped3A = tpu.sem_alloc : memref<!tpu.dma_semaphore, #tpu.memory_space<semaphore_mem>>
        %dma_start3A_185 = arith.constant 0 : i32
        %dma_start3A_186 = tpu.memref_slice %arg7[%arg0, %multiple_of3A_183, %dma_start3A_185] : memref<2x20480x128xf32, #tpu.memory_space<hbm>> -> memref<1x16x128xf32, #tpu.memory_space<hbm>>
        %dma_start3A_187 = tpu.memref_squeeze %dma_start3A_186 : memref<1x16x128xf32, #tpu.memory_space<hbm>> -> memref<16x128xf32, #tpu.memory_space<hbm>>
        %dma_start3A_188 = arith.constant 0 : i32
        %dma_start3A_189 = tpu.memref_slice %arg7[%arg0, %multiple_of3A_183, %dma_start3A_188] : memref<2x20480x128xf32, #tpu.memory_space<hbm>> -> memref<1x16x128xf32, #tpu.memory_space<hbm>>
        %dma_start3A_190 = tpu.memref_squeeze %dma_start3A_189 : memref<1x16x128xf32, #tpu.memory_space<hbm>> -> memref<16x128xf32, #tpu.memory_space<hbm>>
        tpu.enqueue_dma source(%arg20 : memref<16x128xf32, #tpu.memory_space<vmem>>) target(%dma_start3A_190 : memref<16x128xf32, #tpu.memory_space<hbm>>) target_semaphore(%run_scoped3A : memref<!tpu.dma_semaphore, #tpu.memory_space<semaphore_mem>>)
        %dma_wait3A_191 = arith.constant 0 : i32
        %dma_wait3A_192 = tpu.memref_slice %arg7[%arg0, %multiple_of3A_183, %dma_wait3A_191] : memref<2x20480x128xf32, #tpu.memory_space<hbm>> -> memref<1x16x128xf32, #tpu.memory_space<hbm>>
        %dma_wait3A_193 = tpu.memref_squeeze %dma_wait3A_192 : memref<1x16x128xf32, #tpu.memory_space<hbm>> -> memref<16x128xf32, #tpu.memory_space<hbm>>
        %dma_wait3A_194 = arith.constant 0 : i32
        %dma_wait3A_195 = tpu.memref_slice %arg7[%arg0, %multiple_of3A_183, %dma_wait3A_194] : memref<2x20480x128xf32, #tpu.memory_space<hbm>> -> memref<1x16x128xf32, #tpu.memory_space<hbm>>
        %dma_wait3A_196 = tpu.memref_squeeze %dma_wait3A_195 : memref<1x16x128xf32, #tpu.memory_space<hbm>> -> memref<16x128xf32, #tpu.memory_space<hbm>>
        tpu.wait_dma2 semaphore(%run_scoped3A : memref<!tpu.dma_semaphore, #tpu.memory_space<semaphore_mem>>) src(%arg20 : memref<16x128xf32, #tpu.memory_space<vmem>>) dst(%dma_wait3A_196 : memref<16x128xf32, #tpu.memory_space<hbm>>)
        tpu.yield
      }) : () -> ()
      %scan3A_184 = arith.constant 0 : i32
      scf.yield %scan3A_184 : i32
    }
    %scan3A_46 = arith.constant 40 : i32
    return
  }
}

#map = affine_map<(d0, d1) -> (0, 0)>
#map1 = affine_map<(d0, d1) -> (0)>
module attributes {stable_mosaic.version = 14 : i64} {
  func.func @_sc_layer_body(%arg0: i32, %arg1: i32, %arg2: memref<20480x128xf32, #tpu.memory_space<hbm>>, %arg3: memref<2x163840xi32, #tpu.memory_space<hbm>>, %arg4: memref<163840xi32, #tpu.memory_space<hbm>>, %arg5: memref<20480x128xf32, #tpu.memory_space<hbm>>, %arg6: memref<128xi32, #tpu.memory_space<vmem>>, %arg7: memref<128xi32, #tpu.memory_space<vmem>>, %arg8: memref<128x128xf32, #tpu.memory_space<vmem>>, %arg9: memref<!tpu.dma_semaphore, #tpu.memory_space<semaphore_mem>>, %arg10: memref<128xi32, #tpu.memory_space<vmem>>, %arg11: memref<128xi32, #tpu.memory_space<vmem>>, %arg12: memref<128x128xf32, #tpu.memory_space<vmem>>, %arg13: memref<!tpu.dma_semaphore, #tpu.memory_space<semaphore_mem>>, %arg14: memref<10240x128xf32, #tpu.memory_space<vmem_shared>>) attributes {dimension_semantics = [#tpu.dimension_semantics<core_parallel>, #tpu.dimension_semantics<subcore_parallel>], iteration_bounds = array<i64: 2, 16>, scalar_prefetch = 0 : i64, scratch_operands = 9 : i64, tpu.core_type = #tpu.core_type<sc_vector_subcore>, window_params = [{transform_indices = #map}, {transform_indices = #map}, {transform_indices = #map1}, {transform_indices = #map}]} {
    %mul3A = arith.constant 640 : i32
    %mul3A_0 = arith.muli %arg1, %mul3A : i32
    %multiple_of3A = tpu.assume_multiple %mul3A_0, 8 : i32
    %mul3A_1 = arith.constant 10240 : i32
    %mul3A_2 = arith.muli %arg0, %mul3A_1 : i32
    %mul3A_3 = arith.constant 640 : i32
    %mul3A_4 = arith.muli %arg1, %mul3A_3 : i32
    %add3A = arith.addi %mul3A_2, %mul3A_4 : i32
    %multiple_of3A_5 = tpu.assume_multiple %add3A, 8 : i32
    "tpu.region"() ({
      %run_scoped3A = tpu.sem_alloc : memref<!tpu.dma_semaphore, #tpu.memory_space<semaphore_mem>>
      %dma_start3A_20 = arith.constant 0 : i32
      %dma_start3A_21 = tpu.memref_slice %arg14[%multiple_of3A, %dma_start3A_20] : memref<10240x128xf32, #tpu.memory_space<vmem_shared>> -> memref<640x128xf32, #tpu.memory_space<vmem_shared>>
      %dma_start3A_22 = arith.constant 0 : i32
      %dma_start3A_23 = tpu.memref_slice %arg2[%multiple_of3A_5, %dma_start3A_22] : memref<20480x128xf32, #tpu.memory_space<hbm>> -> memref<640x128xf32, #tpu.memory_space<hbm>>
      tpu.enqueue_dma source(%dma_start3A_23 : memref<640x128xf32, #tpu.memory_space<hbm>>) target(%dma_start3A_21 : memref<640x128xf32, #tpu.memory_space<vmem_shared>>) target_semaphore(%run_scoped3A : memref<!tpu.dma_semaphore, #tpu.memory_space<semaphore_mem>>)
      %dma_wait3A = arith.constant 0 : i32
      %dma_wait3A_24 = tpu.memref_slice %arg14[%multiple_of3A, %dma_wait3A] : memref<10240x128xf32, #tpu.memory_space<vmem_shared>> -> memref<640x128xf32, #tpu.memory_space<vmem_shared>>
      %dma_wait3A_25 = arith.constant 0 : i32
      %dma_wait3A_26 = tpu.memref_slice %arg2[%multiple_of3A_5, %dma_wait3A_25] : memref<20480x128xf32, #tpu.memory_space<hbm>> -> memref<640x128xf32, #tpu.memory_space<hbm>>
      tpu.wait_dma2 semaphore(%run_scoped3A : memref<!tpu.dma_semaphore, #tpu.memory_space<semaphore_mem>>) src(%dma_wait3A_26 : memref<640x128xf32, #tpu.memory_space<hbm>>) dst(%dma_wait3A_24 : memref<640x128xf32, #tpu.memory_space<vmem_shared>>)
      tpu.yield
    }) : () -> ()
    %barrier3A = arith.constant 0 : index
    tpu.barrier barrier_id(%barrier3A)
    %mul3A_6 = arith.constant 10240 : i32
    %mul3A_7 = arith.muli %arg1, %mul3A_6 : i32
    %add3A_8 = arith.constant 0 : i32
    %add3A_9 = arith.addi %mul3A_7, %add3A_8 : i32
    %multiple_of3A_10 = tpu.assume_multiple %add3A_9, 8 : i32
    "tpu.region"() ({
      %run_scoped3A = tpu.sem_alloc : memref<!tpu.dma_semaphore, #tpu.memory_space<semaphore_mem>>
      %dma_start3A_20 = tpu.memref_slice %arg3[%arg0, %multiple_of3A_10] : memref<2x163840xi32, #tpu.memory_space<hbm>> -> memref<1x128xi32, #tpu.memory_space<hbm>>
      %dma_start3A_21 = tpu.memref_squeeze %dma_start3A_20 : memref<1x128xi32, #tpu.memory_space<hbm>> -> memref<128xi32, #tpu.memory_space<hbm>>
      %dma_start3A_22 = tpu.memref_slice %arg3[%arg0, %multiple_of3A_10] : memref<2x163840xi32, #tpu.memory_space<hbm>> -> memref<1x128xi32, #tpu.memory_space<hbm>>
      %dma_start3A_23 = tpu.memref_squeeze %dma_start3A_22 : memref<1x128xi32, #tpu.memory_space<hbm>> -> memref<128xi32, #tpu.memory_space<hbm>>
      tpu.enqueue_dma source(%dma_start3A_23 : memref<128xi32, #tpu.memory_space<hbm>>) target(%arg6 : memref<128xi32, #tpu.memory_space<vmem>>) target_semaphore(%run_scoped3A : memref<!tpu.dma_semaphore, #tpu.memory_space<semaphore_mem>>)
      %dma_wait3A = tpu.memref_slice %arg3[%arg0, %multiple_of3A_10] : memref<2x163840xi32, #tpu.memory_space<hbm>> -> memref<1x128xi32, #tpu.memory_space<hbm>>
      %dma_wait3A_24 = tpu.memref_squeeze %dma_wait3A : memref<1x128xi32, #tpu.memory_space<hbm>> -> memref<128xi32, #tpu.memory_space<hbm>>
      %dma_wait3A_25 = tpu.memref_slice %arg3[%arg0, %multiple_of3A_10] : memref<2x163840xi32, #tpu.memory_space<hbm>> -> memref<1x128xi32, #tpu.memory_space<hbm>>
      %dma_wait3A_26 = tpu.memref_squeeze %dma_wait3A_25 : memref<1x128xi32, #tpu.memory_space<hbm>> -> memref<128xi32, #tpu.memory_space<hbm>>
      tpu.wait_dma2 semaphore(%run_scoped3A : memref<!tpu.dma_semaphore, #tpu.memory_space<semaphore_mem>>) src(%dma_wait3A_26 : memref<128xi32, #tpu.memory_space<hbm>>) dst(%arg6 : memref<128xi32, #tpu.memory_space<vmem>>)
      tpu.yield
    }) : () -> ()
    %dma_start3A = arith.constant 0 : i32
    %dma_start3A_11 = arith.constant 0 : i32
    %dma_start3A_12 = tpu.memref_slice %arg2[%dma_start3A, %dma_start3A_11] : memref<20480x128xf32, #tpu.memory_space<hbm>> -> memref<20480x128xf32, #tpu.memory_space<hbm>>
    tpu.enqueue_indirect_dma source(%dma_start3A_12 : memref<20480x128xf32, #tpu.memory_space<hbm>>) target(%arg8 : memref<128x128xf32, #tpu.memory_space<vmem>>) offsets(%arg6 : memref<128xi32, #tpu.memory_space<vmem>>) semaphore(%arg9 : memref<!tpu.dma_semaphore, #tpu.memory_space<semaphore_mem>>)
    %scan3A = arith.constant 0 : i32
    %scan3A_13 = arith.constant 0 : i32
    %scan3A_14 = arith.constant 40 : i32
    %scan3A_15 = arith.addi %scan3A_13, %scan3A_14 : i32
    %scan3A_16 = arith.constant 1 : i32
    %scan3A_17 = scf.for %scan3A_20 = %scan3A_13 to %scan3A_15 step %scan3A_16 iter_args(%scan3A_21 = %scan3A) -> (i32)  : i32 {
      %mul3A_22 = arith.constant 2 : i32
      %mul3A_23 = arith.muli %scan3A_20, %mul3A_22 : i32
      %add3A_24 = arith.constant 1 : i32
      %add3A_25 = arith.addi %mul3A_23, %add3A_24 : i32
      %mul3A_26 = arith.constant 10240 : i32
      %mul3A_27 = arith.muli %arg1, %mul3A_26 : i32
      %mul3A_28 = arith.constant 128 : i32
      %mul3A_29 = arith.muli %add3A_25, %mul3A_28 : i32
      %add3A_30 = arith.addi %mul3A_27, %mul3A_29 : i32
      %multiple_of3A_31 = tpu.assume_multiple %add3A_30, 8 : i32
      "tpu.region"() ({
        %run_scoped3A = tpu.sem_alloc : memref<!tpu.dma_semaphore, #tpu.memory_space<semaphore_mem>>
        %dma_start3A_59 = tpu.memref_slice %arg3[%arg0, %multiple_of3A_31] : memref<2x163840xi32, #tpu.memory_space<hbm>> -> memref<1x128xi32, #tpu.memory_space<hbm>>
        %dma_start3A_60 = tpu.memref_squeeze %dma_start3A_59 : memref<1x128xi32, #tpu.memory_space<hbm>> -> memref<128xi32, #tpu.memory_space<hbm>>
        %dma_start3A_61 = tpu.memref_slice %arg3[%arg0, %multiple_of3A_31] : memref<2x163840xi32, #tpu.memory_space<hbm>> -> memref<1x128xi32, #tpu.memory_space<hbm>>
        %dma_start3A_62 = tpu.memref_squeeze %dma_start3A_61 : memref<1x128xi32, #tpu.memory_space<hbm>> -> memref<128xi32, #tpu.memory_space<hbm>>
        tpu.enqueue_dma source(%dma_start3A_62 : memref<128xi32, #tpu.memory_space<hbm>>) target(%arg10 : memref<128xi32, #tpu.memory_space<vmem>>) target_semaphore(%run_scoped3A : memref<!tpu.dma_semaphore, #tpu.memory_space<semaphore_mem>>)
        %dma_wait3A_63 = tpu.memref_slice %arg3[%arg0, %multiple_of3A_31] : memref<2x163840xi32, #tpu.memory_space<hbm>> -> memref<1x128xi32, #tpu.memory_space<hbm>>
        %dma_wait3A_64 = tpu.memref_squeeze %dma_wait3A_63 : memref<1x128xi32, #tpu.memory_space<hbm>> -> memref<128xi32, #tpu.memory_space<hbm>>
        %dma_wait3A_65 = tpu.memref_slice %arg3[%arg0, %multiple_of3A_31] : memref<2x163840xi32, #tpu.memory_space<hbm>> -> memref<1x128xi32, #tpu.memory_space<hbm>>
        %dma_wait3A_66 = tpu.memref_squeeze %dma_wait3A_65 : memref<1x128xi32, #tpu.memory_space<hbm>> -> memref<128xi32, #tpu.memory_space<hbm>>
        tpu.wait_dma2 semaphore(%run_scoped3A : memref<!tpu.dma_semaphore, #tpu.memory_space<semaphore_mem>>) src(%dma_wait3A_66 : memref<128xi32, #tpu.memory_space<hbm>>) dst(%arg10 : memref<128xi32, #tpu.memory_space<vmem>>)
        tpu.yield
      }) : () -> ()
      %dma_start3A_32 = arith.constant 0 : i32
      %dma_start3A_33 = arith.constant 0 : i32
      %dma_start3A_34 = tpu.memref_slice %arg2[%dma_start3A_32, %dma_start3A_33] : memref<20480x128xf32, #tpu.memory_space<hbm>> -> memref<20480x128xf32, #tpu.memory_space<hbm>>
      tpu.enqueue_indirect_dma source(%dma_start3A_34 : memref<20480x128xf32, #tpu.memory_space<hbm>>) target(%arg12 : memref<128x128xf32, #tpu.memory_space<vmem>>) offsets(%arg10 : memref<128xi32, #tpu.memory_space<vmem>>) semaphore(%arg13 : memref<!tpu.dma_semaphore, #tpu.memory_space<semaphore_mem>>)
      %mul3A_35 = arith.constant 10240 : i32
      %mul3A_36 = arith.muli %arg1, %mul3A_35 : i32
      %mul3A_37 = arith.constant 128 : i32
      %mul3A_38 = arith.muli %mul3A_23, %mul3A_37 : i32
      %add3A_39 = arith.addi %mul3A_36, %mul3A_38 : i32
      %multiple_of3A_40 = tpu.assume_multiple %add3A_39, 8 : i32
      "tpu.region"() ({
        %run_scoped3A = tpu.sem_alloc : memref<!tpu.dma_semaphore, #tpu.memory_space<semaphore_mem>>
        %dma_start3A_59 = tpu.memref_slice %arg4[%multiple_of3A_40] : memref<163840xi32, #tpu.memory_space<hbm>> -> memref<128xi32, #tpu.memory_space<hbm>>
        %dma_start3A_60 = tpu.memref_slice %arg4[%multiple_of3A_40] : memref<163840xi32, #tpu.memory_space<hbm>> -> memref<128xi32, #tpu.memory_space<hbm>>
        tpu.enqueue_dma source(%dma_start3A_60 : memref<128xi32, #tpu.memory_space<hbm>>) target(%arg7 : memref<128xi32, #tpu.memory_space<vmem>>) target_semaphore(%run_scoped3A : memref<!tpu.dma_semaphore, #tpu.memory_space<semaphore_mem>>)
        %dma_wait3A_61 = tpu.memref_slice %arg4[%multiple_of3A_40] : memref<163840xi32, #tpu.memory_space<hbm>> -> memref<128xi32, #tpu.memory_space<hbm>>
        %dma_wait3A_62 = tpu.memref_slice %arg4[%multiple_of3A_40] : memref<163840xi32, #tpu.memory_space<hbm>> -> memref<128xi32, #tpu.memory_space<hbm>>
        tpu.wait_dma2 semaphore(%run_scoped3A : memref<!tpu.dma_semaphore, #tpu.memory_space<semaphore_mem>>) src(%dma_wait3A_62 : memref<128xi32, #tpu.memory_space<hbm>>) dst(%arg7 : memref<128xi32, #tpu.memory_space<vmem>>)
        tpu.yield
      }) : () -> ()
      %dma_wait3A = arith.constant 0 : i32
      %dma_wait3A_41 = arith.constant 0 : i32
      %dma_wait3A_42 = tpu.memref_slice %arg2[%dma_wait3A, %dma_wait3A_41] : memref<20480x128xf32, #tpu.memory_space<hbm>> -> memref<20480x128xf32, #tpu.memory_space<hbm>>
      tpu.wait_indirect_dma semaphore(%arg9 : memref<!tpu.dma_semaphore, #tpu.memory_space<semaphore_mem>>) src(%dma_wait3A_42 : memref<20480x128xf32, #tpu.memory_space<hbm>>) dst(%arg8 : memref<128x128xf32, #tpu.memory_space<vmem>>)
      "tpu.region"() ({
        %run_scoped3A = tpu.sem_alloc : memref<!tpu.dma_semaphore, #tpu.memory_space<semaphore_mem>>
        %dma_start3A_59 = arith.constant 0 : i32
        %dma_start3A_60 = arith.constant 0 : i32
        %dma_start3A_61 = tpu.memref_slice %arg14[%dma_start3A_59, %dma_start3A_60] : memref<10240x128xf32, #tpu.memory_space<vmem_shared>> -> memref<10240x128xf32, #tpu.memory_space<vmem_shared>>
        tpu.enqueue_indirect_dma source(%arg8 : memref<128x128xf32, #tpu.memory_space<vmem>>) target(%dma_start3A_61 : memref<10240x128xf32, #tpu.memory_space<vmem_shared>>) offsets(%arg7 : memref<128xi32, #tpu.memory_space<vmem>>) semaphore(%run_scoped3A : memref<!tpu.dma_semaphore, #tpu.memory_space<semaphore_mem>>) {add = true}
        %dma_wait3A_62 = arith.constant 0 : i32
        %dma_wait3A_63 = arith.constant 0 : i32
        %dma_wait3A_64 = tpu.memref_slice %arg14[%dma_wait3A_62, %dma_wait3A_63] : memref<10240x128xf32, #tpu.memory_space<vmem_shared>> -> memref<10240x128xf32, #tpu.memory_space<vmem_shared>>
        tpu.wait_indirect_dma semaphore(%run_scoped3A : memref<!tpu.dma_semaphore, #tpu.memory_space<semaphore_mem>>) src(%arg8 : memref<128x128xf32, #tpu.memory_space<vmem>>) dst(%dma_wait3A_64 : memref<10240x128xf32, #tpu.memory_space<vmem_shared>>)
        tpu.yield
      }) : () -> ()
      %add3A_43 = arith.constant 2 : i32
      %add3A_44 = arith.addi %mul3A_23, %add3A_43 : i32
      %lt3A = arith.constant 80 : i32
      %lt3A_45 = arith.cmpi slt, %add3A_44, %lt3A : i32
      %convert_element_type3A = arith.extui %lt3A_45 : i1 to i32
      %cond3A = arith.constant 0 : i32
      %cond3A_46 = arith.cmpi ne, %convert_element_type3A, %cond3A : i32
      scf.if %cond3A_46 {
        %add3A_59 = arith.constant 2 : i32
        %add3A_60 = arith.addi %mul3A_23, %add3A_59 : i32
        %mul3A_61 = arith.constant 10240 : i32
        %mul3A_62 = arith.muli %arg1, %mul3A_61 : i32
        %mul3A_63 = arith.constant 128 : i32
        %mul3A_64 = arith.muli %add3A_60, %mul3A_63 : i32
        %add3A_65 = arith.addi %mul3A_62, %mul3A_64 : i32
        %multiple_of3A_66 = tpu.assume_multiple %add3A_65, 8 : i32
        "tpu.region"() ({
          %run_scoped3A = tpu.sem_alloc : memref<!tpu.dma_semaphore, #tpu.memory_space<semaphore_mem>>
          %dma_start3A_70 = tpu.memref_slice %arg3[%arg0, %multiple_of3A_66] : memref<2x163840xi32, #tpu.memory_space<hbm>> -> memref<1x128xi32, #tpu.memory_space<hbm>>
          %dma_start3A_71 = tpu.memref_squeeze %dma_start3A_70 : memref<1x128xi32, #tpu.memory_space<hbm>> -> memref<128xi32, #tpu.memory_space<hbm>>
          %dma_start3A_72 = tpu.memref_slice %arg3[%arg0, %multiple_of3A_66] : memref<2x163840xi32, #tpu.memory_space<hbm>> -> memref<1x128xi32, #tpu.memory_space<hbm>>
          %dma_start3A_73 = tpu.memref_squeeze %dma_start3A_72 : memref<1x128xi32, #tpu.memory_space<hbm>> -> memref<128xi32, #tpu.memory_space<hbm>>
          tpu.enqueue_dma source(%dma_start3A_73 : memref<128xi32, #tpu.memory_space<hbm>>) target(%arg6 : memref<128xi32, #tpu.memory_space<vmem>>) target_semaphore(%run_scoped3A : memref<!tpu.dma_semaphore, #tpu.memory_space<semaphore_mem>>)
          %dma_wait3A_74 = tpu.memref_slice %arg3[%arg0, %multiple_of3A_66] : memref<2x163840xi32, #tpu.memory_space<hbm>> -> memref<1x128xi32, #tpu.memory_space<hbm>>
          %dma_wait3A_75 = tpu.memref_squeeze %dma_wait3A_74 : memref<1x128xi32, #tpu.memory_space<hbm>> -> memref<128xi32, #tpu.memory_space<hbm>>
          %dma_wait3A_76 = tpu.memref_slice %arg3[%arg0, %multiple_of3A_66] : memref<2x163840xi32, #tpu.memory_space<hbm>> -> memref<1x128xi32, #tpu.memory_space<hbm>>
          %dma_wait3A_77 = tpu.memref_squeeze %dma_wait3A_76 : memref<1x128xi32, #tpu.memory_space<hbm>> -> memref<128xi32, #tpu.memory_space<hbm>>
          tpu.wait_dma2 semaphore(%run_scoped3A : memref<!tpu.dma_semaphore, #tpu.memory_space<semaphore_mem>>) src(%dma_wait3A_77 : memref<128xi32, #tpu.memory_space<hbm>>) dst(%arg6 : memref<128xi32, #tpu.memory_space<vmem>>)
          tpu.yield
        }) : () -> ()
        %dma_start3A_67 = arith.constant 0 : i32
        %dma_start3A_68 = arith.constant 0 : i32
        %dma_start3A_69 = tpu.memref_slice %arg2[%dma_start3A_67, %dma_start3A_68] : memref<20480x128xf32, #tpu.memory_space<hbm>> -> memref<20480x128xf32, #tpu.memory_space<hbm>>
        tpu.enqueue_indirect_dma source(%dma_start3A_69 : memref<20480x128xf32, #tpu.memory_space<hbm>>) target(%arg8 : memref<128x128xf32, #tpu.memory_space<vmem>>) offsets(%arg6 : memref<128xi32, #tpu.memory_space<vmem>>) semaphore(%arg9 : memref<!tpu.dma_semaphore, #tpu.memory_space<semaphore_mem>>)
      } else {
      }
      %add3A_47 = arith.constant 1 : i32
      %add3A_48 = arith.addi %mul3A_23, %add3A_47 : i32
      %mul3A_49 = arith.constant 10240 : i32
      %mul3A_50 = arith.muli %arg1, %mul3A_49 : i32
      %mul3A_51 = arith.constant 128 : i32
      %mul3A_52 = arith.muli %add3A_48, %mul3A_51 : i32
      %add3A_53 = arith.addi %mul3A_50, %mul3A_52 : i32
      %multiple_of3A_54 = tpu.assume_multiple %add3A_53, 8 : i32
      "tpu.region"() ({
        %run_scoped3A = tpu.sem_alloc : memref<!tpu.dma_semaphore, #tpu.memory_space<semaphore_mem>>
        %dma_start3A_59 = tpu.memref_slice %arg4[%multiple_of3A_54] : memref<163840xi32, #tpu.memory_space<hbm>> -> memref<128xi32, #tpu.memory_space<hbm>>
        %dma_start3A_60 = tpu.memref_slice %arg4[%multiple_of3A_54] : memref<163840xi32, #tpu.memory_space<hbm>> -> memref<128xi32, #tpu.memory_space<hbm>>
        tpu.enqueue_dma source(%dma_start3A_60 : memref<128xi32, #tpu.memory_space<hbm>>) target(%arg11 : memref<128xi32, #tpu.memory_space<vmem>>) target_semaphore(%run_scoped3A : memref<!tpu.dma_semaphore, #tpu.memory_space<semaphore_mem>>)
        %dma_wait3A_61 = tpu.memref_slice %arg4[%multiple_of3A_54] : memref<163840xi32, #tpu.memory_space<hbm>> -> memref<128xi32, #tpu.memory_space<hbm>>
        %dma_wait3A_62 = tpu.memref_slice %arg4[%multiple_of3A_54] : memref<163840xi32, #tpu.memory_space<hbm>> -> memref<128xi32, #tpu.memory_space<hbm>>
        tpu.wait_dma2 semaphore(%run_scoped3A : memref<!tpu.dma_semaphore, #tpu.memory_space<semaphore_mem>>) src(%dma_wait3A_62 : memref<128xi32, #tpu.memory_space<hbm>>) dst(%arg11 : memref<128xi32, #tpu.memory_space<vmem>>)
        tpu.yield
      }) : () -> ()
      %dma_wait3A_55 = arith.constant 0 : i32
      %dma_wait3A_56 = arith.constant 0 : i32
      %dma_wait3A_57 = tpu.memref_slice %arg2[%dma_wait3A_55, %dma_wait3A_56] : memref<20480x128xf32, #tpu.memory_space<hbm>> -> memref<20480x128xf32, #tpu.memory_space<hbm>>
      tpu.wait_indirect_dma semaphore(%arg13 : memref<!tpu.dma_semaphore, #tpu.memory_space<semaphore_mem>>) src(%dma_wait3A_57 : memref<20480x128xf32, #tpu.memory_space<hbm>>) dst(%arg12 : memref<128x128xf32, #tpu.memory_space<vmem>>)
      "tpu.region"() ({
        %run_scoped3A = tpu.sem_alloc : memref<!tpu.dma_semaphore, #tpu.memory_space<semaphore_mem>>
        %dma_start3A_59 = arith.constant 0 : i32
        %dma_start3A_60 = arith.constant 0 : i32
        %dma_start3A_61 = tpu.memref_slice %arg14[%dma_start3A_59, %dma_start3A_60] : memref<10240x128xf32, #tpu.memory_space<vmem_shared>> -> memref<10240x128xf32, #tpu.memory_space<vmem_shared>>
        tpu.enqueue_indirect_dma source(%arg12 : memref<128x128xf32, #tpu.memory_space<vmem>>) target(%dma_start3A_61 : memref<10240x128xf32, #tpu.memory_space<vmem_shared>>) offsets(%arg11 : memref<128xi32, #tpu.memory_space<vmem>>) semaphore(%run_scoped3A : memref<!tpu.dma_semaphore, #tpu.memory_space<semaphore_mem>>) {add = true}
        %dma_wait3A_62 = arith.constant 0 : i32
        %dma_wait3A_63 = arith.constant 0 : i32
        %dma_wait3A_64 = tpu.memref_slice %arg14[%dma_wait3A_62, %dma_wait3A_63] : memref<10240x128xf32, #tpu.memory_space<vmem_shared>> -> memref<10240x128xf32, #tpu.memory_space<vmem_shared>>
        tpu.wait_indirect_dma semaphore(%run_scoped3A : memref<!tpu.dma_semaphore, #tpu.memory_space<semaphore_mem>>) src(%arg12 : memref<128x128xf32, #tpu.memory_space<vmem>>) dst(%dma_wait3A_64 : memref<10240x128xf32, #tpu.memory_space<vmem_shared>>)
        tpu.yield
      }) : () -> ()
      %scan3A_58 = arith.constant 0 : i32
      scf.yield %scan3A_58 : i32
    }
    %scan3A_18 = arith.constant 40 : i32
    %barrier3A_19 = arith.constant 0 : index
    tpu.barrier barrier_id(%barrier3A_19)
    "tpu.region"() ({
      %run_scoped3A = tpu.sem_alloc : memref<!tpu.dma_semaphore, #tpu.memory_space<semaphore_mem>>
      %dma_start3A_20 = arith.constant 0 : i32
      %dma_start3A_21 = tpu.memref_slice %arg5[%multiple_of3A_5, %dma_start3A_20] : memref<20480x128xf32, #tpu.memory_space<hbm>> -> memref<640x128xf32, #tpu.memory_space<hbm>>
      %dma_start3A_22 = arith.constant 0 : i32
      %dma_start3A_23 = tpu.memref_slice %arg14[%multiple_of3A, %dma_start3A_22] : memref<10240x128xf32, #tpu.memory_space<vmem_shared>> -> memref<640x128xf32, #tpu.memory_space<vmem_shared>>
      tpu.enqueue_dma source(%dma_start3A_23 : memref<640x128xf32, #tpu.memory_space<vmem_shared>>) target(%dma_start3A_21 : memref<640x128xf32, #tpu.memory_space<hbm>>) target_semaphore(%run_scoped3A : memref<!tpu.dma_semaphore, #tpu.memory_space<semaphore_mem>>)
      %dma_wait3A = arith.constant 0 : i32
      %dma_wait3A_24 = tpu.memref_slice %arg5[%multiple_of3A_5, %dma_wait3A] : memref<20480x128xf32, #tpu.memory_space<hbm>> -> memref<640x128xf32, #tpu.memory_space<hbm>>
      %dma_wait3A_25 = arith.constant 0 : i32
      %dma_wait3A_26 = tpu.memref_slice %arg14[%multiple_of3A, %dma_wait3A_25] : memref<10240x128xf32, #tpu.memory_space<vmem_shared>> -> memref<640x128xf32, #tpu.memory_space<vmem_shared>>
      tpu.wait_dma2 semaphore(%run_scoped3A : memref<!tpu.dma_semaphore, #tpu.memory_space<semaphore_mem>>) src(%dma_wait3A_26 : memref<640x128xf32, #tpu.memory_space<vmem_shared>>) dst(%dma_wait3A_24 : memref<640x128xf32, #tpu.memory_space<hbm>>)
      tpu.yield
    }) : () -> ()
    return
  }
}

module attributes {stable_mosaic.version = 14 : i64} {
  func.func @_tc1_body(%arg0: i32, %arg1: i32, %arg2: memref<1280x256xf32, #tpu.memory_space<vmem>>, %arg3: memref<256x128xf32, #tpu.memory_space<vmem>>, %arg4: memref<2x1280x16xf32, #tpu.memory_space<vmem>>, %arg5: memref<1280x128xf32, #tpu.memory_space<vmem>>, %arg6: memref<1280x1xf32, #tpu.memory_space<vmem>>) attributes {dimension_semantics = [#tpu.dimension_semantics<arbitrary>, #tpu.dimension_semantics<arbitrary>], iteration_bounds = array<i64: 2, 8>, scalar_prefetch = 0 : i64, scratch_operands = 0 : i64, tpu.core_type = #tpu.core_type<tc>, window_params = [{transform_indices = @transform_0, window_bounds = array<i64: 1280, 256>}, {transform_indices = @transform_1, window_bounds = array<i64: 256, 128>}, {transform_indices = @transform_2, window_bounds = array<i64: 2, 1280, 16>}, {transform_indices = @transform_3, window_bounds = array<i64: 1280, 128>}, {transform_indices = @transform_4, window_bounds = array<i64: 1280, 1>}]} {
    %get3A = arith.constant 0 : index
    %get3A_0 = arith.constant 0 : index
    %get3A_1 = arith.constant 0 : index
    %get3A_2 = vector.load %arg4[%get3A, %get3A_0, %get3A_1] : memref<2x1280x16xf32, #tpu.memory_space<vmem>>, vector<2x1280x16xf32>
    %reduce_sum3A = arith.constant dense<0.000000e+00> : vector<1280xf32>
    %reduce_sum3A_3 = vector.multi_reduction <add>, %get3A_2, %reduce_sum3A [0, 2] : vector<2x1280x16xf32> to vector<1280xf32>
    %add3A = arith.constant 1.000000e+00 : f32
    %add3A_4 = vector.broadcast %add3A : f32 to vector<1280xf32>
    %add3A_5 = arith.addf %add3A_4, %reduce_sum3A_3 : vector<1280xf32>
    %rsqrt3A = math.rsqrt %add3A_5 : vector<1280xf32>
    %reshape3A = vector.shape_cast %rsqrt3A : vector<1280xf32> to vector<1280x1xf32>
    %get3A_6 = arith.constant 0 : index
    %get3A_7 = arith.constant 0 : index
    %get3A_8 = vector.load %arg2[%get3A_6, %get3A_7] : memref<1280x256xf32, #tpu.memory_space<vmem>>, vector<1280x256xf32>
    %get3A_9 = arith.constant 0 : index
    %get3A_10 = arith.constant 0 : index
    %get3A_11 = vector.load %arg3[%get3A_9, %get3A_10] : memref<256x128xf32, #tpu.memory_space<vmem>>, vector<256x128xf32>
    %dot_general3A = arith.constant dense<0.000000e+00> : vector<1280x128xf32>
    %dot_general3A_12 = tpu.matmul %get3A_8, %get3A_11, %dot_general3A {dimension_numbers = #tpu.dot_dimension_numbers<[1], [0], [0], [1], [0, 0, 1, 1], [], []>, transpose_lhs_hint = false} : vector<1280x256xf32>, vector<256x128xf32>, vector<1280x128xf32> -> vector<1280x128xf32>
    %mul3A = vector.broadcast %reshape3A : vector<1280x1xf32> to vector<1280x128xf32>
    %mul3A_13 = arith.mulf %dot_general3A_12, %mul3A : vector<1280x128xf32>
    %swap3A = arith.constant 0 : index
    %swap3A_14 = arith.constant 0 : index
    %swap3A_15 = vector.load %arg5[%swap3A, %swap3A_14] : memref<1280x128xf32, #tpu.memory_space<vmem>>, vector<1280x128xf32>
    tpu.vector_store %arg5[%swap3A, %swap3A_14], %mul3A_13 {strides = array<i32>} : memref<1280x128xf32, #tpu.memory_space<vmem>>, vector<1280x128xf32>,
    %swap3A_16 = arith.constant 0 : index
    %swap3A_17 = arith.constant 0 : index
    %swap3A_18 = vector.load %arg6[%swap3A_16, %swap3A_17] : memref<1280x1xf32, #tpu.memory_space<vmem>>, vector<1280x1xf32>
    tpu.vector_store %arg6[%swap3A_16, %swap3A_17], %reshape3A {strides = array<i32>} : memref<1280x1xf32, #tpu.memory_space<vmem>>, vector<1280x1xf32>,
    return
  }
  func.func @transform_0(%arg0: i32, %arg1: i32) -> (i32, i32) {
    %c0_i32 = arith.constant 0 : i32
    %c0_i32_0 = arith.constant 0 : i32
    return %arg1, %c0_i32 : i32, i32
  }
  func.func @transform_1(%arg0: i32, %arg1: i32) -> (i32, i32) {
    %c0_i32 = arith.constant 0 : i32
    %c0_i32_0 = arith.constant 0 : i32
    return %c0_i32, %arg0 : i32, i32
  }
  func.func @transform_2(%arg0: i32, %arg1: i32) -> (i32, i32, i32) {
    %c0_i32 = arith.constant 0 : i32
    %c0_i32_0 = arith.constant 0 : i32
    %c0_i32_1 = arith.constant 0 : i32
    return %c0_i32, %arg1, %c0_i32_0 : i32, i32, i32
  }
  func.func @transform_3(%arg0: i32, %arg1: i32) -> (i32, i32) {
    %mul3A = arith.constant 8 : i32
    %mul3A_0 = arith.muli %arg0, %mul3A : i32
    %add3A = arith.addi %mul3A_0, %arg1 : i32
    %c0_i32 = arith.constant 0 : i32
    %c0_i32_1 = arith.constant 0 : i32
    return %add3A, %c0_i32 : i32, i32
  }
  func.func @transform_4(%arg0: i32, %arg1: i32) -> (i32, i32) {
    %c0_i32 = arith.constant 0 : i32
    %c0_i32_0 = arith.constant 0 : i32
    return %arg1, %c0_i32 : i32, i32
  }
}

module attributes {stable_mosaic.version = 14 : i64} {
  func.func @_tc2_body(%arg0: i32, %arg1: i32, %arg2: memref<1280x128xf32, #tpu.memory_space<vmem>>, %arg3: memref<1280x128xf32, #tpu.memory_space<vmem>>, %arg4: memref<1280x1xf32, #tpu.memory_space<vmem>>, %arg5: memref<1x256xf32, #tpu.memory_space<vmem>>, %arg6: memref<256x128xf32, #tpu.memory_space<vmem>>, %arg7: memref<1280x128xf32, #tpu.memory_space<vmem>>) attributes {dimension_semantics = [#tpu.dimension_semantics<arbitrary>, #tpu.dimension_semantics<arbitrary>], iteration_bounds = array<i64: 2, 8>, scalar_prefetch = 0 : i64, scratch_operands = 0 : i64, tpu.core_type = #tpu.core_type<tc>, window_params = [{transform_indices = @transform_0, window_bounds = array<i64: 1280, 128>}, {transform_indices = @transform_1, window_bounds = array<i64: 1280, 128>}, {transform_indices = @transform_2, window_bounds = array<i64: 1280, 1>}, {pipeline_mode = #tpu.pipeline_mode<synchronous>, transform_indices = @transform_3, window_bounds = array<i64: 1, 256>}, {transform_indices = @transform_4, window_bounds = array<i64: 256, 128>}, {transform_indices = @transform_5, window_bounds = array<i64: 1280, 128>}]} {
    %get3A = arith.constant 0 : index
    %get3A_0 = arith.constant 0 : index
    %get3A_1 = vector.load %arg4[%get3A, %get3A_0] : memref<1280x1xf32, #tpu.memory_space<vmem>>, vector<1280x1xf32>
    %get3A_2 = arith.constant 0 : index
    %get3A_3 = arith.constant 0 : index
    %get3A_4 = vector.load %arg2[%get3A_2, %get3A_3] : memref<1280x128xf32, #tpu.memory_space<vmem>>, vector<1280x128xf32>
    %get3A_5 = arith.constant 0 : index
    %get3A_6 = arith.constant 0 : index
    %get3A_7 = vector.load %arg3[%get3A_5, %get3A_6] : memref<1280x128xf32, #tpu.memory_space<vmem>>, vector<1280x128xf32>
    %concatenate3A = tpu.concatenate %get3A_4, %get3A_7 in 1 : vector<1280x128xf32>, vector<1280x128xf32> -> vector<1280x256xf32>
    %mul3A = vector.broadcast %get3A_1 : vector<1280x1xf32> to vector<1280x256xf32>
    %mul3A_8 = arith.mulf %mul3A, %concatenate3A : vector<1280x256xf32>
    %get3A_9 = arith.constant 0 : index
    %get3A_10 = arith.constant 0 : index
    %get3A_11 = vector.load %arg5[%get3A_9, %get3A_10] : memref<1x256xf32, #tpu.memory_space<vmem>>, vector<1x256xf32>
    %add3A = vector.broadcast %get3A_11 : vector<1x256xf32> to vector<1280x256xf32>
    %add3A_12 = arith.addf %mul3A_8, %add3A : vector<1280x256xf32>
    %max3A = arith.constant 0.000000e+00 : f32
    %max3A_13 = vector.broadcast %max3A : f32 to vector<1280x256xf32>
    %max3A_14 = arith.maximumf %add3A_12, %max3A_13 : vector<1280x256xf32>
    %get3A_15 = arith.constant 0 : index
    %get3A_16 = arith.constant 0 : index
    %get3A_17 = vector.load %arg6[%get3A_15, %get3A_16] : memref<256x128xf32, #tpu.memory_space<vmem>>, vector<256x128xf32>
    %dot_general3A = arith.constant dense<0.000000e+00> : vector<1280x128xf32>
    %dot_general3A_18 = tpu.matmul %max3A_14, %get3A_17, %dot_general3A {dimension_numbers = #tpu.dot_dimension_numbers<[1], [0], [0], [1], [0, 0, 1, 1], [], []>, transpose_lhs_hint = false} : vector<1280x256xf32>, vector<256x128xf32>, vector<1280x128xf32> -> vector<1280x128xf32>
    %mul3A_19 = vector.broadcast %get3A_1 : vector<1280x1xf32> to vector<1280x128xf32>
    %mul3A_20 = arith.mulf %dot_general3A_18, %mul3A_19 : vector<1280x128xf32>
    %swap3A = arith.constant 0 : index
    %swap3A_21 = arith.constant 0 : index
    %swap3A_22 = vector.load %arg7[%swap3A, %swap3A_21] : memref<1280x128xf32, #tpu.memory_space<vmem>>, vector<1280x128xf32>
    tpu.vector_store %arg7[%swap3A, %swap3A_21], %mul3A_20 {strides = array<i32>} : memref<1280x128xf32, #tpu.memory_space<vmem>>, vector<1280x128xf32>,
    return
  }
  func.func @transform_0(%arg0: i32, %arg1: i32) -> (i32, i32) {
    %c0_i32 = arith.constant 0 : i32
    %c0_i32_0 = arith.constant 0 : i32
    return %arg1, %c0_i32 : i32, i32
  }
  func.func @transform_1(%arg0: i32, %arg1: i32) -> (i32, i32) {
    %add3A = arith.constant 8 : i32
    %add3A_0 = arith.addi %add3A, %arg1 : i32
    %c0_i32 = arith.constant 0 : i32
    %c0_i32_1 = arith.constant 0 : i32
    return %add3A_0, %c0_i32 : i32, i32
  }
  func.func @transform_2(%arg0: i32, %arg1: i32) -> (i32, i32) {
    %c0_i32 = arith.constant 0 : i32
    %c0_i32_0 = arith.constant 0 : i32
    return %arg1, %c0_i32 : i32, i32
  }
  func.func @transform_3(%arg0: i32, %arg1: i32) -> (i32, i32) {
    %c0_i32 = arith.constant 0 : i32
    %c0_i32_0 = arith.constant 0 : i32
    %c0_i32_1 = arith.constant 0 : i32
    return %c0_i32, %c0_i32_0 : i32, i32
  }
  func.func @transform_4(%arg0: i32, %arg1: i32) -> (i32, i32) {
    %c0_i32 = arith.constant 0 : i32
    %c0_i32_0 = arith.constant 0 : i32
    return %c0_i32, %arg0 : i32, i32
  }
  func.func @transform_5(%arg0: i32, %arg1: i32) -> (i32, i32) {
    %mul3A = arith.constant 8 : i32
    %mul3A_0 = arith.muli %arg0, %mul3A : i32
    %add3A = arith.addi %mul3A_0, %arg1 : i32
    %c0_i32 = arith.constant 0 : i32
    %c0_i32_1 = arith.constant 0 : i32
    return %add3A, %c0_i32 : i32, i32
  }
}

module attributes {stable_mosaic.version = 14 : i64} {
  func.func @_tc3b_body(%arg0: i32, %arg1: i32, %arg2: memref<2000x16xf32, #tpu.memory_space<vmem>>, %arg3: memref<16x128xf32, #tpu.memory_space<vmem>>, %arg4: memref<1x128xf32, #tpu.memory_space<vmem>>, %arg5: memref<1x2000x128xf32, #tpu.memory_space<vmem>>) attributes {dimension_semantics = [#tpu.dimension_semantics<arbitrary>, #tpu.dimension_semantics<arbitrary>], iteration_bounds = array<i64: 2, 80>, scalar_prefetch = 0 : i64, scratch_operands = 0 : i64, tpu.core_type = #tpu.core_type<tc>, window_params = [{transform_indices = @transform_0, window_bounds = array<i64: 2000, 16>}, {transform_indices = @transform_1, window_bounds = array<i64: 16, 128>}, {transform_indices = @transform_2, window_bounds = array<i64: 1, 128>}, {transform_indices = @transform_3, window_bounds = array<i64: 1, 2000, 128>}]} {
    %get3A = arith.constant 0 : index
    %get3A_0 = arith.constant 0 : index
    %get3A_1 = vector.load %arg2[%get3A, %get3A_0] : memref<2000x16xf32, #tpu.memory_space<vmem>>, vector<2000x16xf32>
    %get3A_2 = arith.constant 0 : index
    %get3A_3 = arith.constant 0 : index
    %get3A_4 = vector.load %arg3[%get3A_2, %get3A_3] : memref<16x128xf32, #tpu.memory_space<vmem>>, vector<16x128xf32>
    %dot_general3A = arith.constant dense<0.000000e+00> : vector<2000x128xf32>
    %dot_general3A_5 = tpu.matmul %get3A_1, %get3A_4, %dot_general3A {dimension_numbers = #tpu.dot_dimension_numbers<[1], [0], [0], [1], [0, 0, 1, 1], [], []>, transpose_lhs_hint = false} : vector<2000x16xf32>, vector<16x128xf32>, vector<2000x128xf32> -> vector<2000x128xf32>
    %get3A_6 = arith.constant 0 : index
    %get3A_7 = arith.constant 0 : index
    %get3A_8 = vector.load %arg4[%get3A_6, %get3A_7] : memref<1x128xf32, #tpu.memory_space<vmem>>, vector<1x128xf32>
    %add3A = vector.broadcast %get3A_8 : vector<1x128xf32> to vector<2000x128xf32>
    %add3A_9 = arith.addf %dot_general3A_5, %add3A : vector<2000x128xf32>
    %swap3A = arith.constant 0 : index
    %swap3A_10 = arith.constant 0 : index
    %swap3A_11 = arith.constant 0 : index
    %swap3A_12 = vector.load %arg5[%swap3A, %swap3A_10, %swap3A_11] : memref<1x2000x128xf32, #tpu.memory_space<vmem>>, vector<1x2000x128xf32>
    %swap3A_13 = vector.shape_cast %swap3A_12 : vector<1x2000x128xf32> to vector<2000x128xf32>
    %swap3A_14 = vector.shape_cast %add3A_9 : vector<2000x128xf32> to vector<1x2000x128xf32>
    tpu.vector_store %arg5[%swap3A, %swap3A_10, %swap3A_11], %swap3A_14 {strides = array<i32>} : memref<1x2000x128xf32, #tpu.memory_space<vmem>>, vector<1x2000x128xf32>,
    return
  }
  func.func @transform_0(%arg0: i32, %arg1: i32) -> (i32, i32) {
    %c0_i32 = arith.constant 0 : i32
    %c0_i32_0 = arith.constant 0 : i32
    return %arg1, %c0_i32 : i32, i32
  }
  func.func @transform_1(%arg0: i32, %arg1: i32) -> (i32, i32) {
    %c0_i32 = arith.constant 0 : i32
    %c0_i32_0 = arith.constant 0 : i32
    return %c0_i32, %arg0 : i32, i32
  }
  func.func @transform_2(%arg0: i32, %arg1: i32) -> (i32, i32) {
    %c0_i32 = arith.constant 0 : i32
    %c0_i32_0 = arith.constant 0 : i32
    return %c0_i32, %arg0 : i32, i32
  }
  func.func @transform_3(%arg0: i32, %arg1: i32) -> (i32, i32, i32) {
    %c0_i32 = arith.constant 0 : i32
    %c0_i32_0 = arith.constant 0 : i32
    return %arg0, %arg1, %c0_i32 : i32, i32, i32
  }
}

module attributes {stable_mosaic.version = 14 : i64} {
  func.func @_tc3_body(%arg0: i32, %arg1: i32, %arg2: i32, %arg3: memref<1280x128xf32, #tpu.memory_space<vmem>>, %arg4: memref<1280x128xf32, #tpu.memory_space<vmem>>, %arg5: memref<1280x1xf32, #tpu.memory_space<vmem>>, %arg6: memref<1x256xf32, #tpu.memory_space<vmem>>, %arg7: memref<1x256x128xf32, #tpu.memory_space<vmem>>, %arg8: memref<256x128xf32, #tpu.memory_space<vmem>>, %arg9: memref<1x128xf32, #tpu.memory_space<vmem>>, %arg10: memref<128x1xf32, #tpu.memory_space<vmem>>, %arg11: memref<1x1xf32, #tpu.memory_space<vmem>>, %arg12: memref<1280x128xf32, #tpu.memory_space<vmem>>, %arg13: memref<1280x256xf32, #tpu.memory_space<vmem>>, %arg14: memref<1280x1xf32, #tpu.memory_space<vmem>>) attributes {dimension_semantics = [#tpu.dimension_semantics<arbitrary>, #tpu.dimension_semantics<arbitrary>, #tpu.dimension_semantics<arbitrary>], iteration_bounds = array<i64: 2, 2, 8>, scalar_prefetch = 0 : i64, scratch_operands = 0 : i64, tpu.core_type = #tpu.core_type<tc>, window_params = [{transform_indices = @transform_0, window_bounds = array<i64: 1280, 128>}, {transform_indices = @transform_1, window_bounds = array<i64: 1280, 128>}, {transform_indices = @transform_2, window_bounds = array<i64: 1280, 1>}, {pipeline_mode = #tpu.pipeline_mode<synchronous>, transform_indices = @transform_3, window_bounds = array<i64: 1, 256>}, {transform_indices = @transform_4, window_bounds = array<i64: 1, 256, 128>}, {pipeline_mode = #tpu.pipeline_mode<synchronous>, transform_indices = @transform_5, window_bounds = array<i64: 256, 128>}, {pipeline_mode = #tpu.pipeline_mode<synchronous>, transform_indices = @transform_6, window_bounds = array<i64: 1, 128>}, {pipeline_mode = #tpu.pipeline_mode<synchronous>, transform_indices = @transform_7, window_bounds = array<i64: 128, 1>}, {pipeline_mode = #tpu.pipeline_mode<synchronous>, transform_indices = @transform_8, window_bounds = array<i64: 1, 1>}, {transform_indices = @transform_9, window_bounds = array<i64: 1280, 128>}, {transform_indices = @transform_10, window_bounds = array<i64: 1280, 256>}, {transform_indices = @transform_11, window_bounds = array<i64: 1280, 1>}]} {
    %get3A = arith.constant 0 : index
    %get3A_0 = arith.constant 0 : index
    %get3A_1 = vector.load %arg5[%get3A, %get3A_0] : memref<1280x1xf32, #tpu.memory_space<vmem>>, vector<1280x1xf32>
    %get3A_2 = arith.constant 0 : index
    %get3A_3 = arith.constant 0 : index
    %get3A_4 = vector.load %arg3[%get3A_2, %get3A_3] : memref<1280x128xf32, #tpu.memory_space<vmem>>, vector<1280x128xf32>
    %get3A_5 = arith.constant 0 : index
    %get3A_6 = arith.constant 0 : index
    %get3A_7 = vector.load %arg4[%get3A_5, %get3A_6] : memref<1280x128xf32, #tpu.memory_space<vmem>>, vector<1280x128xf32>
    %concatenate3A = tpu.concatenate %get3A_4, %get3A_7 in 1 : vector<1280x128xf32>, vector<1280x128xf32> -> vector<1280x256xf32>
    %mul3A = vector.broadcast %get3A_1 : vector<1280x1xf32> to vector<1280x256xf32>
    %mul3A_8 = arith.mulf %mul3A, %concatenate3A : vector<1280x256xf32>
    %get3A_9 = arith.constant 0 : index
    %get3A_10 = arith.constant 0 : index
    %get3A_11 = vector.load %arg6[%get3A_9, %get3A_10] : memref<1x256xf32, #tpu.memory_space<vmem>>, vector<1x256xf32>
    %add3A = vector.broadcast %get3A_11 : vector<1x256xf32> to vector<1280x256xf32>
    %add3A_12 = arith.addf %mul3A_8, %add3A : vector<1280x256xf32>
    %max3A = arith.constant 0.000000e+00 : f32
    %max3A_13 = vector.broadcast %max3A : f32 to vector<1280x256xf32>
    %max3A_14 = arith.maximumf %add3A_12, %max3A_13 : vector<1280x256xf32>
    %swap3A = arith.constant 0 : index
    %swap3A_15 = arith.constant 0 : index
    %swap3A_16 = vector.load %arg13[%swap3A, %swap3A_15] : memref<1280x256xf32, #tpu.memory_space<vmem>>, vector<1280x256xf32>
    tpu.vector_store %arg13[%swap3A, %swap3A_15], %max3A_14 {strides = array<i32>} : memref<1280x256xf32, #tpu.memory_space<vmem>>, vector<1280x256xf32>,
    %get3A_17 = arith.constant 0 : index
    %get3A_18 = arith.constant 0 : index
    %get3A_19 = arith.constant 0 : index
    %get3A_20 = vector.load %arg7[%get3A_17, %get3A_18, %get3A_19] : memref<1x256x128xf32, #tpu.memory_space<vmem>>, vector<1x256x128xf32>
    %get3A_21 = vector.shape_cast %get3A_20 : vector<1x256x128xf32> to vector<256x128xf32>
    %dot_general3A = arith.constant dense<0.000000e+00> : vector<1280x128xf32>
    %dot_general3A_22 = tpu.matmul %max3A_14, %get3A_21, %dot_general3A {dimension_numbers = #tpu.dot_dimension_numbers<[1], [0], [0], [1], [0, 0, 1, 1], [], []>, transpose_lhs_hint = false} : vector<1280x256xf32>, vector<256x128xf32>, vector<1280x128xf32> -> vector<1280x128xf32>
    %swap3A_23 = arith.constant 0 : index
    %swap3A_24 = arith.constant 0 : index
    %swap3A_25 = vector.load %arg12[%swap3A_23, %swap3A_24] : memref<1280x128xf32, #tpu.memory_space<vmem>>, vector<1280x128xf32>
    tpu.vector_store %arg12[%swap3A_23, %swap3A_24], %dot_general3A_22 {strides = array<i32>} : memref<1280x128xf32, #tpu.memory_space<vmem>>, vector<1280x128xf32>,
    %get3A_26 = arith.constant 0 : index
    %get3A_27 = arith.constant 0 : index
    %get3A_28 = vector.load %arg8[%get3A_26, %get3A_27] : memref<256x128xf32, #tpu.memory_space<vmem>>, vector<256x128xf32>
    %dot_general3A_29 = arith.constant dense<0.000000e+00> : vector<1280x128xf32>
    %dot_general3A_30 = tpu.matmul %max3A_14, %get3A_28, %dot_general3A_29 {dimension_numbers = #tpu.dot_dimension_numbers<[1], [0], [0], [1], [0, 0, 1, 1], [], []>, transpose_lhs_hint = false} : vector<1280x256xf32>, vector<256x128xf32>, vector<1280x128xf32> -> vector<1280x128xf32>
    %get3A_31 = arith.constant 0 : index
    %get3A_32 = arith.constant 0 : index
    %get3A_33 = vector.load %arg9[%get3A_31, %get3A_32] : memref<1x128xf32, #tpu.memory_space<vmem>>, vector<1x128xf32>
    %add3A_34 = vector.broadcast %get3A_33 : vector<1x128xf32> to vector<1280x128xf32>
    %add3A_35 = arith.addf %dot_general3A_30, %add3A_34 : vector<1280x128xf32>
    %max3A_36 = arith.constant 0.000000e+00 : f32
    %max3A_37 = vector.broadcast %max3A_36 : f32 to vector<1280x128xf32>
    %max3A_38 = arith.maximumf %add3A_35, %max3A_37 : vector<1280x128xf32>
    %get3A_39 = arith.constant 0 : index
    %get3A_40 = arith.constant 0 : index
    %get3A_41 = vector.load %arg10[%get3A_39, %get3A_40] : memref<128x1xf32, #tpu.memory_space<vmem>>, vector<128x1xf32>
    %dot_general3A_42 = arith.constant dense<0.000000e+00> : vector<1280x1xf32>
    %dot_general3A_43 = tpu.matmul %max3A_38, %get3A_41, %dot_general3A_42 {dimension_numbers = #tpu.dot_dimension_numbers<[1], [0], [0], [1], [0, 0, 1, 1], [], []>, transpose_lhs_hint = false} : vector<1280x128xf32>, vector<128x1xf32>, vector<1280x1xf32> -> vector<1280x1xf32>
    %get3A_44 = arith.constant 0 : index
    %get3A_45 = arith.constant 0 : index
    %get3A_46 = vector.load %arg11[%get3A_44, %get3A_45] : memref<1x1xf32, #tpu.memory_space<vmem>>, vector<1x1xf32>
    %add3A_47 = vector.broadcast %get3A_46 : vector<1x1xf32> to vector<1280x1xf32>
    %add3A_48 = arith.addf %dot_general3A_43, %add3A_47 : vector<1280x1xf32>
    %swap3A_49 = arith.constant 0 : index
    %swap3A_50 = arith.constant 0 : index
    %swap3A_51 = vector.load %arg14[%swap3A_49, %swap3A_50] : memref<1280x1xf32, #tpu.memory_space<vmem>>, vector<1280x1xf32>
    tpu.vector_store %arg14[%swap3A_49, %swap3A_50], %add3A_48 {strides = array<i32>} : memref<1280x1xf32, #tpu.memory_space<vmem>>, vector<1280x1xf32>,
    return
  }
  func.func @transform_0(%arg0: i32, %arg1: i32, %arg2: i32) -> (i32, i32) {
    %c0_i32 = arith.constant 0 : i32
    %c0_i32_0 = arith.constant 0 : i32
    return %arg2, %c0_i32 : i32, i32
  }
  func.func @transform_1(%arg0: i32, %arg1: i32, %arg2: i32) -> (i32, i32) {
    %add3A = arith.constant 8 : i32
    %add3A_0 = arith.addi %add3A, %arg2 : i32
    %c0_i32 = arith.constant 0 : i32
    %c0_i32_1 = arith.constant 0 : i32
    return %add3A_0, %c0_i32 : i32, i32
  }
  func.func @transform_2(%arg0: i32, %arg1: i32, %arg2: i32) -> (i32, i32) {
    %c0_i32 = arith.constant 0 : i32
    %c0_i32_0 = arith.constant 0 : i32
    return %arg2, %c0_i32 : i32, i32
  }
  func.func @transform_3(%arg0: i32, %arg1: i32, %arg2: i32) -> (i32, i32) {
    %c0_i32 = arith.constant 0 : i32
    %c0_i32_0 = arith.constant 0 : i32
    %c0_i32_1 = arith.constant 0 : i32
    return %c0_i32, %c0_i32_0 : i32, i32
  }
  func.func @transform_4(%arg0: i32, %arg1: i32, %arg2: i32) -> (i32, i32, i32) {
    %c0_i32 = arith.constant 0 : i32
    %c0_i32_0 = arith.constant 0 : i32
    return %arg0, %c0_i32, %arg1 : i32, i32, i32
  }
  func.func @transform_5(%arg0: i32, %arg1: i32, %arg2: i32) -> (i32, i32) {
    %c0_i32 = arith.constant 0 : i32
    %c0_i32_0 = arith.constant 0 : i32
    %c0_i32_1 = arith.constant 0 : i32
    return %c0_i32, %c0_i32_0 : i32, i32
  }
  func.func @transform_6(%arg0: i32, %arg1: i32, %arg2: i32) -> (i32, i32) {
    %c0_i32 = arith.constant 0 : i32
    %c0_i32_0 = arith.constant 0 : i32
    %c0_i32_1 = arith.constant 0 : i32
    return %c0_i32, %c0_i32_0 : i32, i32
  }
  func.func @transform_7(%arg0: i32, %arg1: i32, %arg2: i32) -> (i32, i32) {
    %c0_i32 = arith.constant 0 : i32
    %c0_i32_0 = arith.constant 0 : i32
    %c0_i32_1 = arith.constant 0 : i32
    return %c0_i32, %c0_i32_0 : i32, i32
  }
  func.func @transform_8(%arg0: i32, %arg1: i32, %arg2: i32) -> (i32, i32) {
    %c0_i32 = arith.constant 0 : i32
    %c0_i32_0 = arith.constant 0 : i32
    %c0_i32_1 = arith.constant 0 : i32
    return %c0_i32, %c0_i32_0 : i32, i32
  }
  func.func @transform_9(%arg0: i32, %arg1: i32, %arg2: i32) -> (i32, i32) {
    %mul3A = arith.constant 2 : i32
    %mul3A_0 = arith.muli %arg1, %mul3A : i32
    %add3A = arith.addi %mul3A_0, %arg0 : i32
    %mul3A_1 = arith.constant 8 : i32
    %mul3A_2 = arith.muli %add3A, %mul3A_1 : i32
    %add3A_3 = arith.addi %mul3A_2, %arg2 : i32
    %c0_i32 = arith.constant 0 : i32
    %c0_i32_4 = arith.constant 0 : i32
    return %add3A_3, %c0_i32 : i32, i32
  }
  func.func @transform_10(%arg0: i32, %arg1: i32, %arg2: i32) -> (i32, i32) {
    %c0_i32 = arith.constant 0 : i32
    %c0_i32_0 = arith.constant 0 : i32
    return %arg2, %c0_i32 : i32, i32
  }
  func.func @transform_11(%arg0: i32, %arg1: i32, %arg2: i32) -> (i32, i32) {
    %c0_i32 = arith.constant 0 : i32
    %c0_i32_0 = arith.constant 0 : i32
    return %arg2, %c0_i32 : i32, i32
  }
}

module attributes {stable_mosaic.version = 14 : i64} {
  func.func @_tc4_body(%arg0: i32, %arg1: memref<2x512x128xf32, #tpu.memory_space<vmem>>, %arg2: memref<1x1xf32, #tpu.memory_space<vmem>>, %arg3: memref<512x8xf32, #tpu.memory_space<vmem>>) attributes {dimension_semantics = [#tpu.dimension_semantics<arbitrary>], iteration_bounds = array<i64: 40>, scalar_prefetch = 0 : i64, scratch_operands = 0 : i64, tpu.core_type = #tpu.core_type<tc>, window_params = [{transform_indices = @transform_0, window_bounds = array<i64: 2, 512, 128>}, {pipeline_mode = #tpu.pipeline_mode<synchronous>, transform_indices = @transform_1, window_bounds = array<i64: 1, 1>}, {transform_indices = @transform_2, window_bounds = array<i64: 512, 8>}]} {
    %get3A = arith.constant 0 : index
    %get3A_0 = arith.constant 0 : index
    %get3A_1 = arith.constant 0 : index
    %get3A_2 = vector.load %arg1[%get3A, %get3A_0, %get3A_1] : memref<2x512x128xf32, #tpu.memory_space<vmem>>, vector<1x512x128xf32>
    %get3A_3 = vector.shape_cast %get3A_2 : vector<1x512x128xf32> to vector<512x128xf32>
    %get3A_4 = arith.constant 1 : index
    %get3A_5 = arith.constant 0 : index
    %get3A_6 = arith.constant 0 : index
    %get3A_7 = vector.load %arg1[%get3A_4, %get3A_5, %get3A_6] : memref<2x512x128xf32, #tpu.memory_space<vmem>>, vector<1x512x128xf32>
    %get3A_8 = vector.shape_cast %get3A_7 : vector<1x512x128xf32> to vector<512x128xf32>
    %add3A = arith.addf %get3A_3, %get3A_8 : vector<512x128xf32>
    %iota3A = tpu.iota {dimensions = array<i32: 0>} : vector<128x8xi32>
    %jit3A = arith.constant 16 : i32
    %div3A = vector.broadcast %jit3A : i32 to vector<128x8xi32>
    %div3A_9 = arith.divsi %iota3A, %div3A : vector<128x8xi32>
    %sign3A = arith.constant 0 : i32
    %sign3A_10 = vector.broadcast %sign3A : i32 to vector<128x8xi32>
    %sign3A_11 = arith.cmpi sgt, %iota3A, %sign3A_10 : vector<128x8xi32>
    %sign3A_12 = arith.extui %sign3A_11 : vector<128x8xi1> to vector<128x8xi32>
    %sign3A_13 = arith.constant 0 : i32
    %sign3A_14 = vector.broadcast %sign3A_13 : i32 to vector<128x8xi32>
    %sign3A_15 = arith.cmpi slt, %iota3A, %sign3A_14 : vector<128x8xi32>
    %sign3A_16 = arith.extui %sign3A_15 : vector<128x8xi1> to vector<128x8xi32>
    %sign3A_17 = arith.subi %sign3A_12, %sign3A_16 : vector<128x8xi32>
    %sign3A_18 = arith.constant 0 : i32
    %sign3A_19 = arith.cmpi sgt, %jit3A, %sign3A_18 : i32
    %sign3A_20 = arith.extui %sign3A_19 : i1 to i32
    %sign3A_21 = arith.constant 0 : i32
    %sign3A_22 = arith.cmpi slt, %jit3A, %sign3A_21 : i32
    %sign3A_23 = arith.extui %sign3A_22 : i1 to i32
    %sign3A_24 = arith.subi %sign3A_20, %sign3A_23 : i32
    %ne3A = vector.broadcast %sign3A_24 : i32 to vector<128x8xi32>
    %ne3A_25 = arith.cmpi ne, %sign3A_17, %ne3A : vector<128x8xi32>
    %rem3A = vector.broadcast %jit3A : i32 to vector<128x8xi32>
    %rem3A_26 = arith.remsi %iota3A, %rem3A : vector<128x8xi32>
    %ne3A_27 = arith.constant 0 : i32
    %ne3A_28 = vector.broadcast %ne3A_27 : i32 to vector<128x8xi32>
    %ne3A_29 = arith.cmpi ne, %rem3A_26, %ne3A_28 : vector<128x8xi32>
    %and3A = arith.andi %ne3A_25, %ne3A_29 : vector<128x8xi1>
    %sub3A = arith.constant 1 : i32
    %sub3A_30 = vector.broadcast %sub3A : i32 to vector<128x8xi32>
    %sub3A_31 = arith.subi %div3A_9, %sub3A_30 : vector<128x8xi32>
    %select_n3A = arith.select %and3A, %sub3A_31, %div3A_9 : vector<128x8xi1>, vector<128x8xi32>
    %iota3A_32 = tpu.iota {dimensions = array<i32: 1>} : vector<128x8xi32>
    %eq3A = arith.cmpi eq, %select_n3A, %iota3A_32 : vector<128x8xi32>
    %convert_element_type3A = arith.extui %eq3A : vector<128x8xi1> to vector<128x8xi32>
    %convert_element_type3A_33 = arith.sitofp %convert_element_type3A : vector<128x8xi32> to vector<128x8xf32>
    %dot_general3A = arith.constant dense<0.000000e+00> : vector<512x8xf32>
    %dot_general3A_34 = tpu.matmul %add3A, %convert_element_type3A_33, %dot_general3A {dimension_numbers = #tpu.dot_dimension_numbers<[1], [0], [0], [1], [0, 0, 1, 1], [], []>, precision = #tpu.contract_precision<fp32>, transpose_lhs_hint = false} : vector<512x128xf32>, vector<128x8xf32>, vector<512x8xf32> -> vector<512x8xf32>
    %get3A_35 = arith.constant 0 : index
    %get3A_36 = arith.constant 0 : index
    %get3A_37 = vector.load %arg2[%get3A_35, %get3A_36] : memref<1x1xf32, #tpu.memory_space<vmem>>, vector<1x1xf32>
    %add3A_38 = vector.broadcast %get3A_37 : vector<1x1xf32> to vector<512x8xf32>
    %add3A_39 = arith.addf %dot_general3A_34, %add3A_38 : vector<512x8xf32>
    %swap3A = arith.constant 0 : index
    %swap3A_40 = arith.constant 0 : index
    %swap3A_41 = vector.load %arg3[%swap3A, %swap3A_40] : memref<512x8xf32, #tpu.memory_space<vmem>>, vector<512x8xf32>
    tpu.vector_store %arg3[%swap3A, %swap3A_40], %add3A_39 {strides = array<i32>} : memref<512x8xf32, #tpu.memory_space<vmem>>, vector<512x8xf32>,
    return
  }
  func.func @transform_0(%arg0: i32) -> (i32, i32, i32) {
    %c0_i32 = arith.constant 0 : i32
    %c0_i32_0 = arith.constant 0 : i32
    %c0_i32_1 = arith.constant 0 : i32
    return %c0_i32, %arg0, %c0_i32_0 : i32, i32, i32
  }
  func.func @transform_1(%arg0: i32) -> (i32, i32) {
    %c0_i32 = arith.constant 0 : i32
    %c0_i32_0 = arith.constant 0 : i32
    %c0_i32_1 = arith.constant 0 : i32
    return %c0_i32, %c0_i32_0 : i32, i32
  }
  func.func @transform_2(%arg0: i32) -> (i32, i32) {
    %c0_i32 = arith.constant 0 : i32
    %c0_i32_0 = arith.constant 0 : i32
    return %arg0, %c0_i32 : i32, i32
  }
}

</mosaic_0001>

<sc_bundles>
// kernel: kernel.11.cloned.1.call-start
scs
__scs_entry_jumppad:
0x0: {  	(pc) =	sbr.rel $0x88, $3  }
0x1: {  	(tag) =	ssettag $0x0;
	lr =	simm.s32 $0x1  }
0x2: {  	[smem:$0x3F92] =	sst lr;
	_ =	strace $0xD0000000  }
0x3: {  	_ = 	snop  }
0x4: {  	_ = 	snop  }
0x5: {  	_ = 	snop  }
0x6: {  	_ = 	snop  }
0x7: {  	_ = 	snop  }
__scs_overlays_trampoline_lowered:
0x8: {  	[smem:$0x3FA1] =	sst s0  }
0x9: {  	[smem:$0x3FA2] =	sst s1  }
0xa: {  	[smem:$0x3FA3] =	sst s2  }
0xb: {  	[smem:$0x3FA4] =	sst s3  }
0xc: {  	[smem:$0x3FA5] =	sst s4  }
0xd: {  	[smem:$0x3FA6] =	sst s5  }
0xe: {  	[smem:$0x3FA7] =	sst s6  }
0xf: {  	[smem:$0x3FA8] =	sst s7  }
0x10: {  	[smem:$0x3FA9] =	sst s8  }
0x11: {  	[smem:$0x3FAA] =	sst s9;
	s0 =	simm.s32 @!p0 $0x0  }
0x12: {  	s1 =	sld [smem:$0x3F90];
	s0 =	simm.s32 @p0 $0x1  }
0x13: {  	[smem:$0x3FAB] =	sst s0;
	s0 =	simm.s32 @!p1 $0x0  }
0x14: {  	s2 =	sld [smem:$0x3F8F];
	s0 =	simm.s32 @p1 $0x1  }
0x15: {  	[smem:$0x3FAC] =	sst s0;
	s0 =	simm.s32 @!p2 $0x0  }
0x16: {  	s3 =	sld [smem:$0x3FDB];
	s0 =	simm.s32 @p2 $0x1  }
0x17: {  	s4 =	simm.s32 $0x1BF5;
	[smem:$0x3FAE] =	sst s0  }
0x18: {  	s0 =	sld [smem:$0x3F91];
	_ =	swait.ge [sflag:s4], $0x0  }
0x19: {  	s7 =	sld [smem:$0x3F92]  }
0x1a: {  	s8 =	sadd.s32 $0xFFFFE003, lr  }
0x1b: {  	s9 =	sadd.s32 $0xFFFFFEF7, lr;
	s5 =	simm.s32 $0xFFFFFFFF;
	p2 =	slt.u32 s8, $0xFFFFF086  }
0x1c: {  	p1 =	slt.u32 s9, $0xF7A;
	s5 =	simm.s32 @!p2 $0x0  }
0x1d: {  	s5 =	simm.s32 @p1 $0x1;
	p0 =	seq.s32 s7, s2  }
0x1e: {  	s7 =	smul.u32 @!p0 $0xF7A, s2;
	p2 =	seq.s32 @!p0 s5, $0x0  }
0x1f: {  	s9 =	smul.u32 $0xF7A, s1;
	s8 =	simm.s32 @!p0 $0x1BF5;
	p2 =	por !p2, p0  }
0x20: {  	[sflag:s8] =	ssyncset.s32 @!p0 $0xFFFFF086;
	s6 =	sadd.s32 @!p0 s3, s7;
	s7 =	simm.s32 @!p0 $0x108  }
0x21: {  	s3 =	sadd.s32 s3, s9;
	s6 =	sadd.s32 @!p0 $0x88, s6;
	s7 =	simm.s32 @p2 $0x1082  }
0x22: {  	[simem:s7], [sflag:s8] =	dma.local @!p0 [hbm:s6], $0xF7A  }
0x23: {  	s9 =	sor.u32 $0xD0000000, s2;
	s6 =	simm.s32 $0x108;
	_ =	swait.ge @!p0 [sflag:s8], $0x0  }
0x24: {  	s3 =	sadd.s32 $0x88, s3;
	s6 =	simm.s32 @!p1 $0x1082;
	[sflag:s4] =	ssyncset.s32 $0xFFFFF086  }
0x25: {  	[simem:s6], [sflag:s4] =	dma.local [hbm:s3], $0xF7A  }
0x26: {  	[smem:$0x3F92] =	sst s1;
	(tag) =	ssettag s2;
	_ =	strace s9  }
0x27: {  	s1 =	sld [smem:$0x3FA2]  }
0x28: {  	s2 =	sld [smem:$0x3FA3]  }
0x29: {  	s4 =	sld [smem:$0x3FA5]  }
0x2a: {  	p0 =	seq.s32 s5, $0x0;
	s5 =	sld [smem:$0x3FA6]  }
0x2b: {  	s6 =	sld [smem:$0x3FA7]  }
0x2c: {  	s7 =	sld [smem:$0x3FA8]  }
0x2d: {  	s3 =	simm.s32 $0x108;
	s8 =	sld [smem:$0x3FA9]  }
0x2e: {  	s3 =	simm.s32 @!p0 $0x1082;
	s9 =	sld [smem:$0x3FAA]  }
0x2f: {  	lr =	sadd.s32 s0, s3;
	s0 =	sld [smem:$0x3FA1]  }
0x30: {  	s3 =	sld [smem:$0x3FA4]  }
0x31: {  	[smem:$0x3FAD] =	sst s10  }
0x32: {  	s10 =	sld [smem:$0x3FAB];
	_ =	sdelay $0x3  }
0x33: {  	p0 =	seq.s32 s10, $0x1;
	s10 =	sld [smem:$0x3FAD];
	_ =	sdelay $0x3  }
0x34: {  	[smem:$0x3FAD] =	sst s10  }
0x35: {  	s10 =	sld [smem:$0x3FAC];
	_ =	sdelay $0x3  }
0x36: {  	p1 =	seq.s32 s10, $0x1;
	s10 =	sld [smem:$0x3FAD];
	_ =	sdelay $0x3  }
0x37: {  	[smem:$0x3FAD] =	sst s10  }
0x38: {  	s10 =	sld [smem:$0x3FAE]  }
0x39: {  	_ = 	snop;
	(pc) =	sbr.ind lr, $3  }
0x3a: {  	_ = 	snop  }
0x3b: {  	_ = 	snop  }
0x3c: {  	p2 =	seq.s32 s10, $0x1;
	s10 =	sld [smem:$0x3FAD]  }
0x3d: {  	_ =	shalt  }
0x3e: {  	_ =	shalt  }
0x3f: {  	_ =	shalt  }
0x40: {  	_ =	shalt  }
0x41: {  	_ =	shalt  }
0x42: {  	_ =	shalt  }
0x43: {  	_ =	shalt  }
0x44: {  	_ =	shalt  }
0x45: {  	_ =	shalt  }
0x46: {  	_ =	shalt  }
0x47: {  	_ =	shalt  }
0x48: {  	_ =	shalt  }
0x49: {  	_ =	shalt  }
0x4a: {  	_ =	shalt  }
0x4b: {  	_ =	shalt  }
0x4c: {  	_ =	shalt  }
0x4d: {  	_ =	shalt  }
0x4e: {  	_ =	shalt  }
0x4f: {  	_ =	shalt  }
0x50: {  	_ =	shalt  }
0x51: {  	_ =	shalt  }
0x52: {  	_ =	shalt  }
0x53: {  	_ =	shalt  }
0x54: {  	_ =	shalt  }
0x55: {  	_ =	shalt  }
0x56: {  	_ =	shalt  }
0x57: {  	_ =	shalt  }
0x58: {  	_ =	shalt  }
0x59: {  	_ =	shalt  }
0x5a: {  	_ =	shalt  }
0x5b: {  	_ =	shalt  }
0x5c: {  	_ =	shalt  }
0x5d: {  	_ =	shalt  }
0x5e: {  	_ =	shalt  }
0x5f: {  	_ =	shalt  }
0x60: {  	_ =	shalt  }
0x61: {  	_ =	shalt  }
0x62: {  	_ =	shalt  }
0x63: {  	_ =	shalt  }
0x64: {  	_ =	shalt  }
0x65: {  	_ =	shalt  }
0x66: {  	_ =	shalt  }
0x67: {  	_ =	shalt  }
0x68: {  	_ =	shalt  }
0x69: {  	_ =	shalt  }
0x6a: {  	_ =	shalt  }
0x6b: {  	_ =	shalt  }
0x6c: {  	_ =	shalt  }
0x6d: {  	_ =	shalt  }
0x6e: {  	_ =	shalt  }
0x6f: {  	_ =	shalt  }
0x70: {  	_ =	shalt  }
0x71: {  	_ =	shalt  }
0x72: {  	_ =	shalt  }
0x73: {  	_ =	shalt  }
0x74: {  	_ =	shalt  }
0x75: {  	_ =	shalt  }
0x76: {  	_ =	shalt  }
0x77: {  	_ =	shalt  }
0x78: {  	_ =	shalt  }
0x79: {  	_ =	shalt  }
0x7a: {  	_ =	shalt  }
0x7b: {  	_ =	shalt  }
0x7c: {  	_ =	shalt  }
0x7d: {  	_ =	shalt  }
0x7e: {  	_ =	shalt  }
0x7f: {  	_ =	shalt  }
0x80: {  	_ =	shalt  }
0x81: {  	_ =	shalt  }
0x82: {  	_ =	shalt  }
0x83: {  	_ =	shalt  }
0x84: {  	_ =	shalt  }
0x85: {  	_ =	shalt  }
0x86: {  	_ =	shalt  }
0x87: {  	_ =	shalt  }
.Lfunc_end0:
.L_simem_size_0:
called_computation_lowered:
.L_overlay_start_0:
0x88: {  	s2 =	sld [smem:$0x3FD9]  }
0x89: {  	s3 =	sld [smem:$0x3FFE];
	_ =	sdelay $0x1  }
0x8a: {  	s1 =	srdreg.scid  }
0x8b: {  	s0 =	sand.u32 $0x1, s1  }
0x8c: {  	s14 =	sshll.u32 s0, $0xA;
	s2 =	sadd.s32 s3, s2  }
0x8d: {  	s2 =	sadd.s32 s2, s14  }
0x8e: {  	[smem:$0x3FB9] =	sst s2  }
0x8f: {  	_ = 	snop  }
0x90: {  	s2 =	sld [smem:$0x3FD0];
	_ =	sdelay $0x2  }
0x91: {  	s15 =	simm.s32 $0xA;
	s4 =	simm.s32 $0x10  }
0x92: {  	[smem:s4], [sflag:s15] =	dma.local [hbm:s2], $0x1  }
0x93: {  	_ =	swait.eq [sflag:s15], $0x1  }
0x94: {  	[sflag:s15] =	ssyncset.done $0x0  }
0x95: {  	[sflag:s15] =	ssyncadd.s32 $0xFFFFFFFF  }
0x96: {  	s16 =	sld [smem:$0x10];
	(tm) =	ssettm $0x1  }
0x97: {  	s17 =	sld [smem:$0x3FFB];
	_ =	sdelay $0x3  }
0x98: {  	_ =	strace s17  }
0x99: {  	s3 =	sld [smem:$0x3FFC];
	_ =	sdelay $0x3  }
0x9a: {  	_ =	strace s3  }
0x9b: {  	s3 =	sld [smem:$0x3FFD];
	_ =	sdelay $0x3  }
0x9c: {  	_ =	strace s3  }
0x9d: {  	_ =	strace $0x8FFFFFFF  }
0x9e: {  	s18 =	sld [smem:$0x3FDB];
	_ =	sdelay $0x1  }
0x9f: {  	s19 =	simm.s32 $_scs_section_size  }
0xa0: {  	s5 =	simm.s32 $_size__tile_overlayer_lowered;
	s6 =	simm.s32 $_tile_overlayer_lowered  }
0xa1: {  	s22 =	simm.s32 $0x1BFF;
	s21 =	sshll.u32 s6, $0x1;
	s3 =	sadd.s32 s19, s18  }
0xa2: {  	s7 =	simm.s32 $0x0;
	s20 =	sshll.u32 s5, $0x1;
	s5 =	sadd.s32 s21, s3  }
0xa3: {  	[timem:s7], [sflag:s22] =	dma.local [hbm:s5], s20  }
0xa4: {  	_ =	swait.ge [sflag:s22], s20  }
0xa5: {  	s4 =	ssub.s32 $0x0, s20;
	[sflag:s22] =	ssyncset.done $0x0  }
0xa6: {  	[sflag:s22] =	ssyncadd.s32 s4;
	_ =	sdelay $0x1  }
0xa7: {  	s23 =	simm.s32 $0x1B8B  }
0xa8: {  	_ =	swait.ge [sflag:s23], $0x1  }
0xa9: {  	[sflag:s23] =	ssyncset.done $0x0  }
0xaa: {  	s25 =	simm.s32 $0x1B8E;
	s24 =	sld [smem:$0x3FFE];
	[sflag:s23] =	ssyncadd.s32 $0xFFFFFFFF  }
0xab: {  	s26 =	simm.s32 $execute0_lowered;
	[smem:$0x3FD2] =	sst s25  }
0xac: {  	s5 =	sshll.u32 s26, $0x1;
	_ =	strace $0x80000046;
	[dreg:$0x1] =	wrdreg $0xFFFFFFFF  }
0xad: {  	s28 =	simm.s32 $_size_execute0_lowered;
	s3 =	sadd.s32 s3, s5;
	[dreg:$0x0] =	wrdreg $0x0  }
0xae: {  	s5 =	sshll.u32 s28, $0x1;
	[dreg:$0x2] =	wrdreg s3  }
0xaf: {  	[dreg:$0x3] =	wrdreg s5  }
0xb0: {  	[dreg:$0x4] =	wrdreg $0xC0  }
0xb1: {  	_ =	task [dreg:s7], $0x5FFFF  }
0xb2: {  	[dreg:$0x1] =	wrdreg $0xFFFFFFFF  }
0xb3: {  	[dreg:$0x0] =	wrdreg $0x60  }
0xb4: {  	[dreg:$0x2] =	wrdreg s16  }
0xb5: {  	[dreg:$0x3] =	wrdreg s24  }
0xb6: {  	[dreg:$0x4] =	wrdreg $0x14C900  }
0xb7: {  	[dreg:$0x5] =	wrdreg $0x9  }
0xb8: {  	_ =	task.clear_ibuf [dreg:s7], $0x6FFFF;
	_ =	strace $0x90000046  }
0xb9: {  	s29 =	simm.s32 $0x9;
	_ =	strace $0x80000048  }
0xba: {  	_ =	swait.ge [sflag:s29], $0x1  }
0xbb: {  	[sflag:s29] =	ssyncadd.s32 $0xFFFFFFFF  }
0xbc: {  	_ =	strace $0x90000048  }
0xbd: {  	_ =	sfence  }
0xbe: {  	s30 =	sld [smem:$0x0];
	_ =	sdelay $0x2  }
0xbf: {  	s31 =	sshll.u32 s1, $0xD;
	s1 =	sshrl.u32 s1, $0x2  }
0xc0: {  	s3 =	sand.u32 $0x4000, s31;
	s1 =	sadd.s32 s1, s30  }
0xc1: {  	s0 =	sor.u32 s3, s0;
	s1 =	sshll.u32 s1, $0x11  }
0xc2: {  	s0 =	sor.u32 s1, s0  }
0xc3: {  	s0 =	sadd.s32 $0x8F2B, s0  }
0xc4: {  	[sflag:s0] =	ssyncadd.remote.s32 $0x1  }
0xc5: {  	_ =	sfence.sel $0xFFFF  }
0xc6: {  	[dreg:$0x0] =	wrdreg $0xFFFFFFFF;
	(pc) =	sbr.abs _section_cstart, $3  }
0xc7: {  	[dreg:$0x1] =	wrdreg $0xFFFFFFFF  }
0xc8: {  	_ =	task.clear_ibuf [dreg:s7], $0x2FFFF;
	_ =	strace $0x9FFFFFFF  }
0xc9: {  	(tm) =	ssettm $0x7FFFFFFF  }
tec
execute0_lowered:
.L_overlay_start_1:
0x0: {  	(tag) =	ssettag $0x1  }
0x1: {  	s10 =	rddreg [dreg:$0x0]  }
0x2: {  	s11 =	rddreg [dreg:$0x1]  }
0x3: {  	s0 =	stileid.u32;
	s2 =	rddreg [dreg:$0x2]  }
0x4: {  	s1 =	rddreg [dreg:$0x3];
	s3 =	simm.s32 $0x0;
	s12 =	smul.u32 $0x2800, s0  }
0x5: {  	[smem:$0x7FF] =	sst s3  }
0x6: {  	s5 =	sshll.u32 s0, $0x6;
	_ =	strace $0x80000047;
	s4 =	sshrl.u32 s12, $0x3  }
0x7: {  	s5 =	sor.u32 $0x1C01, s5;
	s6 =	sadd.s32 s12, s2;
	s4 =	sadd.s32 s4, s11  }
0x8: {  	s7 =	sshrl.u32 s6, $0x3;
	s6 =	simm.s32 $0x1;
	s4 =	sadd.s32 $0x6A00, s4  }
0x9: {  	[spmem:s7], [sflag:s5] =	dma.local [hbm:s4], $0x500  }
0xa: {  	s9 =	srdreg.scid;
	s8 =	sadd.s32 $0x4200, s11;
	_ =	swait.ge [sflag:s6], $0x500  }
0xb: {  	s13 =	sand.u32 $0x1, s9;
	s28 =	sshll.u32 s0, $0x1;
	[sflag:s6] =	ssyncset.done $0x0  }
0xc: {  	s9 =	simm.s32 $0x1390;
	s14 =	sor.u32 s13, s28;
	[sflag:s6] =	ssyncadd.s32 $0xFFFFFB00  }
0xd: {  	[tilespmem:s9], [sflag:$0x1] =	stream.linear.gather [hbm4b:s8+s3], $0x13900, $0x38;
	[tilespmem:$0x17490] =	vst v63  }
0xe: {  	s14 =	smul.u32 $0x272, s14;
	_ =	swait.ge [sflag:s6], $0x13900  }
0xf: {  	[sflag:s6] =	ssyncset.done $0x0  }
0x10: {  	s10 =	sadd.s32 s10, s14;
	[sflag:s6] =	ssyncadd.s32 $0xFFFEC700  }
0x11: {  	[tilespmem:s3], [sflag:$0x1] =	stream.linear.gather [hbm4b:s10+s3], $0x1390, $0x38;
	[tilespmem:$0x17490] =	vst v63  }
0x12: {  	s29 =	smul.u32 $0x28000, s13;
	_ =	swait.ge [sflag:s6], $0x1390  }
0x13: {  	s13 =	ssub.s32 $0x2, s13;
	[sflag:s6] =	ssyncset.done $0x0  }
0x14: {  	s30 =	sshrl.u32 s13, $0x1;
	s12 =	sadd.s32 s12, s29;
	[sflag:s6] =	ssyncadd.s32 $0xFFFFEC70  }
0x15: {  	s31 =	ssub.s32 s13, s30;
	s12 =	sshrl.u32 s12, $0x3;
	[bflag:$0x0] =	sbarrier.arrive $0xFFFF  }
0x16: {  	[spmem:s2] =	stream.indirect.scatter.add.f32 [tilespmem:s9], [sflag:$0x1], $0x10, s3, s9, $0xb8;
	[tilespmem:$0x17490] =	vst v63  }
0x17: {  	s11 =	sadd.s32 s12, s11;
	s12 =	smax.u32 s31, $0x1;
	_ =	swait.ge [sflag:s6], $0x13900  }
0x18: {  	p0 =	sne.s32 s12, $0x1;
	[sflag:s6] =	ssyncset.done $0x0  }
.Ltmp0:
0x19: {  	[sflag:s6] =	ssyncadd.s32 $0xFFFEC700;
	(pc) =	sbr.rel @!p0 .LBB2_2-.Ltmp0, $4  }
0x1a: {  	s11 =	sadd.s32 $0xBA00, s11;
	[bflag:$0x0] =	sbarrier.arrive $0xFFFF  }
0x1b: {  	[hbm:s11], [sflag:s5] =	dma.local [spmem:s7], $0x500  }
0x1c: {  	_ =	swait.ge [sflag:s6], $0x500  }
0x1d: {  	s12 =	sadd.s32 $0xFFFFFFFF, s12;
	[sflag:s6] =	ssyncset.done $0x0  }
.LBB2_1:
0x1e: {  	p0 =	sne.s32 s12, $0x1;
	s12 =	sadd.s32 $0xFFFFFFFF, s12;
	[sflag:s6] =	ssyncadd.s32 $0xFFFFFB00  }
0x1f: {  	[spmem:s7], [sflag:s5] =	dma.local [hbm:s4], $0x500  }
0x20: {  	_ =	swait.ge [sflag:s6], $0x500  }
0x21: {  	[sflag:s6] =	ssyncset.done $0x0  }
0x22: {  	[sflag:s6] =	ssyncadd.s32 $0xFFFFFB00  }
0x23: {  	[tilespmem:s9], [sflag:$0x1] =	stream.linear.gather [hbm4b:s8+s3], $0x13900, $0x38;
	[tilespmem:$0x17490] =	vst v63  }
0x24: {  	_ =	swait.ge [sflag:s6], $0x13900  }
0x25: {  	[sflag:s6] =	ssyncset.done $0x0  }
0x26: {  	[sflag:s6] =	ssyncadd.s32 $0xFFFEC700  }
0x27: {  	[tilespmem:s3], [sflag:$0x1] =	stream.linear.gather [hbm4b:s10+s3], $0x1390, $0x38;
	[tilespmem:$0x17490] =	vst v63  }
0x28: {  	_ =	swait.ge [sflag:s6], $0x1390  }
0x29: {  	[sflag:s6] =	ssyncset.done $0x0  }
0x2a: {  	[sflag:s6] =	ssyncadd.s32 $0xFFFFEC70  }
0x2b: {  	[bflag:$0x0] =	sbarrier.arrive $0xFFFF  }
0x2c: {  	[spmem:s2] =	stream.indirect.scatter.add.f32 [tilespmem:s9], [sflag:$0x1], $0x10, s3, s9, $0xb8;
	[tilespmem:$0x17490] =	vst v63  }
0x2d: {  	_ =	swait.ge [sflag:s6], $0x13900  }
0x2e: {  	[sflag:s6] =	ssyncset.done $0x0  }
.Ltmp1:
0x2f: {  	[sflag:s6] =	ssyncadd.s32 $0xFFFEC700;
	(pc) =	sbr.rel @p0 .LBB2_1-.Ltmp1, $4  }
0x30: {  	[bflag:$0x0] =	sbarrier.arrive $0xFFFF  }
0x31: {  	[hbm:s11], [sflag:s5] =	dma.local [spmem:s7], $0x500  }
0x32: {  	_ =	swait.ge [sflag:s6], $0x500  }
0x33: {  	[sflag:s6] =	ssyncset.done $0x0  }
.LBB2_2:
0x34: {  	[sflag:s6] =	ssyncadd.s32 $0xFFFFFB00  }
0x35: {  	_ =	sfence.sel $0x180000  }
0x36: {  	[bflag:$0x0] =	sbarrier.arrive $0xFFFF  }
0x37: {  	p0 =	sne.s32 s0, $0x0;
	_ =	strace $0x90000047  }
0x38: {  	s0 =	sadd.s32 @!p0 $0x100000, s1;
	[bflag:$0x2] =	sbarrier.arrive $0xFFFF  }
0x39: {  	[sflag:s0] =	ssyncadd.tile.s32 @!p0 $0x1;
	_ =	shalt  }
.Lfunc_end2:
_tile_overlayer_lowered:
.L_overlay_start_2:
0x3a: {  	(tag) =	ssettag $0x2  }
0x3b: {  	s0 =	rddreg [dreg:$0x0];
	s2 =	stileid.u32  }
0x3c: {  	s1 =	rddreg [dreg:$0x1];
	p0 =	sne.s32 s2, $0x0  }
0x3d: {  	s3 =	rddreg [dreg:$0x2];
	[bflag:$0x3] =	sbarrier.arrive $0xFFFF;
	s2 =	simm.s32 @!p0 $0x1C01  }
0x3e: {  	[timem:s3], [sflag:s2] =	dma.local @!p0 [hbm:s0], s1  }
0x3f: {  	s0 =	simm.s32 @!p0 $0x1  }
0x40: {  	_ =	swait.ge @!p0 [sflag:s0], s1  }
0x41: {  	s1 =	ssub.s32 @!p0 $0x0, s1;
	[sflag:s0] =	ssyncset.done @!p0 $0x0  }
0x42: {  	[sflag:s0] =	ssyncadd.s32 @!p0 s1  }
0x43: {  	[bflag:$0x3] =	sbarrier.arrive $0xFFFF  }
0x44: {  	_ =	shalt  }

// kernel: kernel.14.cloned.1.call-start
scs
__scs_entry_jumppad:
0x0: {  	(pc) =	sbr.rel $0x88, $3  }
0x1: {  	(tag) =	ssettag $0x0;
	lr =	simm.s32 $0x1  }
0x2: {  	[smem:$0x3F92] =	sst lr;
	_ =	strace $0xD0000000  }
0x3: {  	_ = 	snop  }
0x4: {  	_ = 	snop  }
0x5: {  	_ = 	snop  }
0x6: {  	_ = 	snop  }
0x7: {  	_ = 	snop  }
__scs_overlays_trampoline_lowered:
0x8: {  	[smem:$0x3FA1] =	sst s0  }
0x9: {  	[smem:$0x3FA2] =	sst s1  }
0xa: {  	[smem:$0x3FA3] =	sst s2  }
0xb: {  	[smem:$0x3FA4] =	sst s3  }
0xc: {  	[smem:$0x3FA5] =	sst s4  }
0xd: {  	[smem:$0x3FA6] =	sst s5  }
0xe: {  	[smem:$0x3FA7] =	sst s6  }
0xf: {  	[smem:$0x3FA8] =	sst s7  }
0x10: {  	[smem:$0x3FA9] =	sst s8  }
0x11: {  	[smem:$0x3FAA] =	sst s9;
	s0 =	simm.s32 @!p0 $0x0  }
0x12: {  	s1 =	sld [smem:$0x3F90];
	s0 =	simm.s32 @p0 $0x1  }
0x13: {  	[smem:$0x3FAB] =	sst s0;
	s0 =	simm.s32 @!p1 $0x0  }
0x14: {  	s2 =	sld [smem:$0x3F8F];
	s0 =	simm.s32 @p1 $0x1  }
0x15: {  	[smem:$0x3FAC] =	sst s0;
	s0 =	simm.s32 @!p2 $0x0  }
0x16: {  	s3 =	sld [smem:$0x3FDB];
	s0 =	simm.s32 @p2 $0x1  }
0x17: {  	s4 =	simm.s32 $0x1BF5;
	[smem:$0x3FAE] =	sst s0  }
0x18: {  	s0 =	sld [smem:$0x3F91];
	_ =	swait.ge [sflag:s4], $0x0  }
0x19: {  	s7 =	sld [smem:$0x3F92]  }
0x1a: {  	s8 =	sadd.s32 $0xFFFFE003, lr  }
0x1b: {  	s9 =	sadd.s32 $0xFFFFFEF7, lr;
	s5 =	simm.s32 $0xFFFFFFFF;
	p2 =	slt.u32 s8, $0xFFFFF086  }
0x1c: {  	p1 =	slt.u32 s9, $0xF7A;
	s5 =	simm.s32 @!p2 $0x0  }
0x1d: {  	s5 =	simm.s32 @p1 $0x1;
	p0 =	seq.s32 s7, s2  }
0x1e: {  	s7 =	smul.u32 @!p0 $0xF7A, s2;
	p2 =	seq.s32 @!p0 s5, $0x0  }
0x1f: {  	s9 =	smul.u32 $0xF7A, s1;
	s8 =	simm.s32 @!p0 $0x1BF5;
	p2 =	por !p2, p0  }
0x20: {  	[sflag:s8] =	ssyncset.s32 @!p0 $0xFFFFF086;
	s6 =	sadd.s32 @!p0 s3, s7;
	s7 =	simm.s32 @!p0 $0x108  }
0x21: {  	s3 =	sadd.s32 s3, s9;
	s6 =	sadd.s32 @!p0 $0x88, s6;
	s7 =	simm.s32 @p2 $0x1082  }
0x22: {  	[simem:s7], [sflag:s8] =	dma.local @!p0 [hbm:s6], $0xF7A  }
0x23: {  	s9 =	sor.u32 $0xD0000000, s2;
	s6 =	simm.s32 $0x108;
	_ =	swait.ge @!p0 [sflag:s8], $0x0  }
0x24: {  	s3 =	sadd.s32 $0x88, s3;
	s6 =	simm.s32 @!p1 $0x1082;
	[sflag:s4] =	ssyncset.s32 $0xFFFFF086  }
0x25: {  	[simem:s6], [sflag:s4] =	dma.local [hbm:s3], $0xF7A  }
0x26: {  	[smem:$0x3F92] =	sst s1;
	(tag) =	ssettag s2;
	_ =	strace s9  }
0x27: {  	s1 =	sld [smem:$0x3FA2]  }
0x28: {  	s2 =	sld [smem:$0x3FA3]  }
0x29: {  	s4 =	sld [smem:$0x3FA5]  }
0x2a: {  	p0 =	seq.s32 s5, $0x0;
	s5 =	sld [smem:$0x3FA6]  }
0x2b: {  	s6 =	sld [smem:$0x3FA7]  }
0x2c: {  	s7 =	sld [smem:$0x3FA8]  }
0x2d: {  	s3 =	simm.s32 $0x108;
	s8 =	sld [smem:$0x3FA9]  }
0x2e: {  	s3 =	simm.s32 @!p0 $0x1082;
	s9 =	sld [smem:$0x3FAA]  }
0x2f: {  	lr =	sadd.s32 s0, s3;
	s0 =	sld [smem:$0x3FA1]  }
0x30: {  	s3 =	sld [smem:$0x3FA4]  }
0x31: {  	[smem:$0x3FAD] =	sst s10  }
0x32: {  	s10 =	sld [smem:$0x3FAB];
	_ =	sdelay $0x3  }
0x33: {  	p0 =	seq.s32 s10, $0x1;
	s10 =	sld [smem:$0x3FAD];
	_ =	sdelay $0x3  }
0x34: {  	[smem:$0x3FAD] =	sst s10  }
0x35: {  	s10 =	sld [smem:$0x3FAC];
	_ =	sdelay $0x3  }
0x36: {  	p1 =	seq.s32 s10, $0x1;
	s10 =	sld [smem:$0x3FAD];
	_ =	sdelay $0x3  }
0x37: {  	[smem:$0x3FAD] =	sst s10  }
0x38: {  	s10 =	sld [smem:$0x3FAE]  }
0x39: {  	_ = 	snop;
	(pc) =	sbr.ind lr, $3  }
0x3a: {  	_ = 	snop  }
0x3b: {  	_ = 	snop  }
0x3c: {  	p2 =	seq.s32 s10, $0x1;
	s10 =	sld [smem:$0x3FAD]  }
0x3d: {  	_ =	shalt  }
0x3e: {  	_ =	shalt  }
0x3f: {  	_ =	shalt  }
0x40: {  	_ =	shalt  }
0x41: {  	_ =	shalt  }
0x42: {  	_ =	shalt  }
0x43: {  	_ =	shalt  }
0x44: {  	_ =	shalt  }
0x45: {  	_ =	shalt  }
0x46: {  	_ =	shalt  }
0x47: {  	_ =	shalt  }
0x48: {  	_ =	shalt  }
0x49: {  	_ =	shalt  }
0x4a: {  	_ =	shalt  }
0x4b: {  	_ =	shalt  }
0x4c: {  	_ =	shalt  }
0x4d: {  	_ =	shalt  }
0x4e: {  	_ =	shalt  }
0x4f: {  	_ =	shalt  }
0x50: {  	_ =	shalt  }
0x51: {  	_ =	shalt  }
0x52: {  	_ =	shalt  }
0x53: {  	_ =	shalt  }
0x54: {  	_ =	shalt  }
0x55: {  	_ =	shalt  }
0x56: {  	_ =	shalt  }
0x57: {  	_ =	shalt  }
0x58: {  	_ =	shalt  }
0x59: {  	_ =	shalt  }
0x5a: {  	_ =	shalt  }
0x5b: {  	_ =	shalt  }
0x5c: {  	_ =	shalt  }
0x5d: {  	_ =	shalt  }
0x5e: {  	_ =	shalt  }
0x5f: {  	_ =	shalt  }
0x60: {  	_ =	shalt  }
0x61: {  	_ =	shalt  }
0x62: {  	_ =	shalt  }
0x63: {  	_ =	shalt  }
0x64: {  	_ =	shalt  }
0x65: {  	_ =	shalt  }
0x66: {  	_ =	shalt  }
0x67: {  	_ =	shalt  }
0x68: {  	_ =	shalt  }
0x69: {  	_ =	shalt  }
0x6a: {  	_ =	shalt  }
0x6b: {  	_ =	shalt  }
0x6c: {  	_ =	shalt  }
0x6d: {  	_ =	shalt  }
0x6e: {  	_ =	shalt  }
0x6f: {  	_ =	shalt  }
0x70: {  	_ =	shalt  }
0x71: {  	_ =	shalt  }
0x72: {  	_ =	shalt  }
0x73: {  	_ =	shalt  }
0x74: {  	_ =	shalt  }
0x75: {  	_ =	shalt  }
0x76: {  	_ =	shalt  }
0x77: {  	_ =	shalt  }
0x78: {  	_ =	shalt  }
0x79: {  	_ =	shalt  }
0x7a: {  	_ =	shalt  }
0x7b: {  	_ =	shalt  }
0x7c: {  	_ =	shalt  }
0x7d: {  	_ =	shalt  }
0x7e: {  	_ =	shalt  }
0x7f: {  	_ =	shalt  }
0x80: {  	_ =	shalt  }
0x81: {  	_ =	shalt  }
0x82: {  	_ =	shalt  }
0x83: {  	_ =	shalt  }
0x84: {  	_ =	shalt  }
0x85: {  	_ =	shalt  }
0x86: {  	_ =	shalt  }
0x87: {  	_ =	shalt  }
.Lfunc_end0:
.L_simem_size_0:
called_computation.1_lowered:
.L_overlay_start_0:
0x88: {  	s2 =	sld [smem:$0x3FD9]  }
0x89: {  	s3 =	sld [smem:$0x3FFE];
	_ =	sdelay $0x1  }
0x8a: {  	s1 =	srdreg.scid  }
0x8b: {  	s0 =	sand.u32 $0x1, s1  }
0x8c: {  	s14 =	sshll.u32 s0, $0xA;
	s2 =	sadd.s32 s3, s2  }
0x8d: {  	s2 =	sadd.s32 s2, s14  }
0x8e: {  	[smem:$0x3FB9] =	sst s2  }
0x8f: {  	_ = 	snop  }
0x90: {  	s2 =	sld [smem:$0x3FD0];
	_ =	sdelay $0x2  }
0x91: {  	s15 =	simm.s32 $0xA;
	s4 =	simm.s32 $0x10  }
0x92: {  	[smem:s4], [sflag:s15] =	dma.local [hbm:s2], $0x1  }
0x93: {  	_ =	swait.eq [sflag:s15], $0x1  }
0x94: {  	[sflag:s15] =	ssyncset.done $0x0  }
0x95: {  	[sflag:s15] =	ssyncadd.s32 $0xFFFFFFFF  }
0x96: {  	s16 =	sld [smem:$0x12];
	(tm) =	ssettm $0x1  }
0x97: {  	s17 =	sld [smem:$0x3FFB];
	_ =	sdelay $0x3  }
0x98: {  	_ =	strace s17  }
0x99: {  	s3 =	sld [smem:$0x3FFC];
	_ =	sdelay $0x3  }
0x9a: {  	_ =	strace s3  }
0x9b: {  	s3 =	sld [smem:$0x3FFD];
	_ =	sdelay $0x3  }
0x9c: {  	_ =	strace s3  }
0x9d: {  	_ =	strace $0x8FFFFFFF  }
0x9e: {  	s18 =	sld [smem:$0x3FDB];
	_ =	sdelay $0x1  }
0x9f: {  	s19 =	simm.s32 $_scs_section_size  }
0xa0: {  	s5 =	simm.s32 $_size__tile_overlayer_lowered;
	s6 =	simm.s32 $_tile_overlayer_lowered  }
0xa1: {  	s22 =	simm.s32 $0x1BFF;
	s21 =	sshll.u32 s6, $0x1;
	s3 =	sadd.s32 s19, s18  }
0xa2: {  	s7 =	simm.s32 $0x0;
	s20 =	sshll.u32 s5, $0x1;
	s5 =	sadd.s32 s21, s3  }
0xa3: {  	[timem:s7], [sflag:s22] =	dma.local [hbm:s5], s20  }
0xa4: {  	_ =	swait.ge [sflag:s22], s20  }
0xa5: {  	s4 =	ssub.s32 $0x0, s20;
	[sflag:s22] =	ssyncset.done $0x0  }
0xa6: {  	[sflag:s22] =	ssyncadd.s32 s4;
	_ =	sdelay $0x1  }
0xa7: {  	s23 =	simm.s32 $0x1B8B  }
0xa8: {  	_ =	swait.ge [sflag:s23], $0x1  }
0xa9: {  	[sflag:s23] =	ssyncset.done $0x0  }
0xaa: {  	s25 =	simm.s32 $0x1B8E;
	s24 =	sld [smem:$0x3FFE];
	[sflag:s23] =	ssyncadd.s32 $0xFFFFFFFF  }
0xab: {  	s26 =	simm.s32 $execute0_lowered;
	[smem:$0x3FD2] =	sst s25  }
0xac: {  	s5 =	sshll.u32 s26, $0x1;
	_ =	strace $0x80000049;
	[dreg:$0x1] =	wrdreg $0xFFFFFFFF  }
0xad: {  	s28 =	simm.s32 $_size_execute0_lowered;
	s3 =	sadd.s32 s3, s5;
	[dreg:$0x0] =	wrdreg $0x0  }
0xae: {  	s5 =	sshll.u32 s28, $0x1;
	[dreg:$0x2] =	wrdreg s3  }
0xaf: {  	[dreg:$0x3] =	wrdreg s5  }
0xb0: {  	[dreg:$0x4] =	wrdreg $0xC0  }
0xb1: {  	_ =	task [dreg:s7], $0x5FFFF  }
0xb2: {  	[dreg:$0x1] =	wrdreg $0xFFFFFFFF  }
0xb3: {  	[dreg:$0x0] =	wrdreg $0x60  }
0xb4: {  	[dreg:$0x2] =	wrdreg s24  }
0xb5: {  	[dreg:$0x3] =	wrdreg s16  }
0xb6: {  	[dreg:$0x4] =	wrdreg $0x82000  }
0xb7: {  	[dreg:$0x5] =	wrdreg $0x9  }
0xb8: {  	_ =	task.clear_ibuf [dreg:s7], $0x6FFFF;
	_ =	strace $0x90000049  }
0xb9: {  	s29 =	simm.s32 $0x9;
	_ =	strace $0x8000004B  }
0xba: {  	_ =	swait.ge [sflag:s29], $0x1  }
0xbb: {  	[sflag:s29] =	ssyncadd.s32 $0xFFFFFFFF  }
0xbc: {  	_ =	strace $0x9000004B  }
0xbd: {  	_ =	sfence  }
0xbe: {  	s30 =	sld [smem:$0x0];
	_ =	sdelay $0x2  }
0xbf: {  	s31 =	sshll.u32 s1, $0xD;
	s1 =	sshrl.u32 s1, $0x2  }
0xc0: {  	s3 =	sand.u32 $0x4000, s31;
	s1 =	sadd.s32 s1, s30  }
0xc1: {  	s0 =	sor.u32 s3, s0;
	s1 =	sshll.u32 s1, $0x11  }
0xc2: {  	s0 =	sor.u32 s1, s0  }
0xc3: {  	s0 =	sadd.s32 $0x8F2B, s0  }
0xc4: {  	[sflag:s0] =	ssyncadd.remote.s32 $0x1  }
0xc5: {  	_ =	sfence.sel $0xFFFF  }
0xc6: {  	[dreg:$0x0] =	wrdreg $0xFFFFFFFF;
	(pc) =	sbr.abs _section_cstart, $3  }
0xc7: {  	[dreg:$0x1] =	wrdreg $0xFFFFFFFF  }
0xc8: {  	_ =	task.clear_ibuf [dreg:s7], $0x2FFFF;
	_ =	strace $0x9FFFFFFF  }
0xc9: {  	(tm) =	ssettm $0x7FFFFFFF  }
tec
execute0_lowered:
.L_overlay_start_1:
0x0: {  	(tag) =	ssettag $0x1  }
0x1: {  	s5 =	rddreg [dreg:$0x0]  }
0x2: {  	s15 =	rddreg [dreg:$0x1]  }
0x3: {  	s1 =	rddreg [dreg:$0x2];
	s2 =	srdreg.scid  }
0x4: {  	s0 =	rddreg [dreg:$0x3];
	s6 =	sand.u32 $0x1, s2  }
0x5: {  	s3 =	simm.s32 $0x0;
	s2 =	stileid.u32;
	s7 =	smul.u32 $0x2800, s6  }
0x6: {  	s19 =	simm.s32 $0x100;
	s20 =	simm.s32 $0x4100;
	s8 =	smul.u32 $0x280, s2  }
0x7: {  	[smem:$0x7FF] =	sst s3;
	s4 =	sadd.s32 $0x1AA00, s5;
	s9 =	smul.u32 $0x50000, s2  }
0x8: {  	s14 =	sadd.s32 $0x15A00, s5;
	_ =	strace $0x8000004A;
	s10 =	smul.u32 $0x2800, s2  }
0x9: {  	s21 =	ssub.s32 $0x2, s6;
	s12 =	smul.u32 $0x28000, s6;
	s23 =	sshll.u32 s2, $0x6  }
0xa: {  	s31 =	smul.u32 $0x500, s2;
	s11 =	sshrl.u32 s21, $0x1;
	s6 =	sor.u32 $0x1C03, s23  }
0xb: {  	s23 =	simm.s32 $0x4180;
	s7 =	sadd.s32 s8, s7;
	s11 =	ssub.s32 s21, s11  }
0xc: {  	s22 =	sshrl.u32 s9, $0x2;
	s17 =	sadd.s32 s10, s12;
	s18 =	sadd.s32 $0x2780, s10  }
0xd: {  	s26 =	sshrl.u32 s10, $0x3;
	s21 =	simm.s32 $0x4200;
	s7 =	sshll.u32 s7, $0x4  }
0xe: {  	s16 =	sadd.s32 s22, s1;
	s24 =	sshrl.u32 s17, $0x3;
	s25 =	sadd.s32 s12, s18  }
0xf: {  	s9 =	smax.u32 s11, $0x1;
	s28 =	sadd.s32 s14, s26;
	s29 =	sshrl.u32 s18, $0x3  }
0x10: {  	s30 =	sor.u32 $0x100, s17;
	s17 =	sor.u32 $0x80, s17;
	s18 =	simm.s32 $0x80  }
0x11: {  	s22 =	simm.s32 $0x1;
	s13 =	sadd.s32 s7, s5;
	s5 =	sadd.s32 s4, s7  }
0x12: {  	s7 =	sadd.s32 s15, s24;
	s12 =	sshrl.u32 s25, $0x3;
	s11 =	sadd.s32 $0x4E0, s28  }
0x13: {  	s17 =	sshrl.u32 s17, $0x3;
	s16 =	sshrl.u32 s16, $0x3;
	s24 =	simm.s32 $0x2  }
0x14: {  	s25 =	simm.s32 $0x0;
	s8 =	sadd.s32 $0x6AA00, s13;
	s10 =	sadd.s32 s15, s12  }
0x15: {  	s13 =	sshrl.u32 s30, $0x3;
	s12 =	sadd.s32 s14, s29;
	s14 =	sadd.s32 s31, s14  }
0x16: {  	s13 =	sadd.s32 s13, s15;
	s15 =	sadd.s32 s17, s15;
	s17 =	simm.s32 $0x3  }
.LBB2_1:
0x17: {  	[spmem:s16], [sflag:s6] =	dma.local [hbm:s5], $0x2800  }
0x18: {  	_ =	swait.ge [sflag:s17], $0x2800  }
0x19: {  	[sflag:s17] =	ssyncset.done $0x0  }
0x1a: {  	[sflag:s17] =	ssyncadd.s32 $0xFFFFD800  }
0x1b: {  	[bflag:$0x0] =	sbarrier.arrive $0xFFFF  }
0x1c: {  	[tilespmem:s3], [sflag:$0x3] =	stream.linear.gather [hbm4b:s7+s3], $0x80, $0x38;
	[tilespmem:$0x1C200] =	vst v63  }
0x1d: {  	_ =	swait.ge [sflag:s17], $0x80  }
0x1e: {  	[sflag:s17] =	ssyncset.done $0x0  }
0x1f: {  	[sflag:s17] =	ssyncadd.s32 $0xFFFFFF80  }
0x20: {  	[tilespmem:s19], [sflag:$0x1] =	stream.indirect.gather [hbm4b:s4+s18], $0x80, s3, s18, $0xb8;
	[tilespmem:$0x1C200] =	vst v63  }
0x21: {  	s26 =	sadd.s32 $0x0, s15  }
0x22: {  	[tilespmem:s20], [sflag:$0x3] =	stream.linear.gather [hbm4b:s26+s3], $0x80, $0x38;
	[tilespmem:$0x1C200] =	vst v63  }
0x23: {  	_ =	swait.ge [sflag:s17], $0x80  }
0x24: {  	[sflag:s17] =	ssyncset.done $0x0  }
0x25: {  	[sflag:s17] =	ssyncadd.s32 $0xFFFFFF80  }
0x26: {  	[tilespmem:s21], [sflag:$0x2] =	stream.indirect.gather [hbm4b:s4+s18], $0x80, s20, s18, $0xb8;
	[tilespmem:$0x1C200] =	vst v63  }
0x27: {  	s31 =	sadd.s32 $0x0, s14  }
0x28: {  	[tilespmem:s18], [sflag:$0x3] =	stream.linear.gather [hbm4b:s31+s3], $0x80, $0x38;
	[tilespmem:$0x1C200] =	vst v63  }
0x29: {  	_ =	swait.ge [sflag:s17], $0x80  }
0x2a: {  	[sflag:s17] =	ssyncset.done $0x0  }
0x2b: {  	[sflag:s17] =	ssyncadd.s32 $0xFFFFFF80  }
0x2c: {  	_ =	swait.ge [sflag:s22], $0x4000  }
0x2d: {  	[sflag:s22] =	ssyncset.done $0x0  }
0x2e: {  	[sflag:s22] =	ssyncadd.s32 $0xFFFFC000  }
0x2f: {  	[spmem:s1] =	stream.indirect.scatter.add.f32 [tilespmem:s19], [sflag:$0x3], $0x80, s18, s18, $0xb8;
	[tilespmem:$0x1C200] =	vst v63  }
0x30: {  	_ =	swait.ge [sflag:s17], $0x4000  }
0x31: {  	[sflag:s17] =	ssyncset.done $0x0  }
0x32: {  	s28 =	sadd.s32 $0x0, s13;
	[sflag:s17] =	ssyncadd.s32 $0xFFFFC000  }
0x33: {  	[tilespmem:s3], [sflag:$0x3] =	stream.linear.gather [hbm4b:s28+s3], $0x80, $0x38;
	[tilespmem:$0x1C200] =	vst v63  }
0x34: {  	_ =	swait.ge [sflag:s17], $0x80  }
0x35: {  	[sflag:s17] =	ssyncset.done $0x0  }
0x36: {  	[sflag:s17] =	ssyncadd.s32 $0xFFFFFF80  }
0x37: {  	[tilespmem:s19], [sflag:$0x1] =	stream.indirect.gather [hbm4b:s4+s18], $0x80, s3, s18, $0xb8;
	[tilespmem:$0x1C200] =	vst v63  }
0x38: {  	s26 =	sadd.s32 $0x10, s31  }
0x39: {  	[tilespmem:s23], [sflag:$0x3] =	stream.linear.gather [hbm4b:s26+s3], $0x80, $0x38;
	[tilespmem:$0x1C200] =	vst v63  }
0x3a: {  	_ =	swait.ge [sflag:s17], $0x80  }
0x3b: {  	[sflag:s17] =	ssyncset.done $0x0  }
0x3c: {  	[sflag:s17] =	ssyncadd.s32 $0xFFFFFF80  }
0x3d: {  	_ =	swait.ge [sflag:s24], $0x4000  }
0x3e: {  	[sflag:s24] =	ssyncset.done $0x0  }
0x3f: {  	[sflag:s24] =	ssyncadd.s32 $0xFFFFC000  }
0x40: {  	[spmem:s1] =	stream.indirect.scatter.add.f32 [tilespmem:s21], [sflag:$0x3], $0x80, s23, s18, $0xb8;
	[tilespmem:$0x1C200] =	vst v63  }
0x41: {  	_ =	swait.ge [sflag:s17], $0x4000  }
0x42: {  	s29 =	simm.s32 $0x40;
	s26 =	simm.s32 $0x20;
	[sflag:s17] =	ssyncset.done $0x0  }
.LBB2_2:
0x43: {  	s30 =	sadd.s32 s26, s15  }
0x44: {  	[sflag:s17] =	ssyncadd.s32 $0xFFFFC000;
	s31 =	smov.u32 s29;
	s28 =	sadd.s32 $0x20, s29  }
0x45: {  	[tilespmem:s20], [sflag:$0x3] =	stream.linear.gather [hbm4b:s30+s3], $0x80, $0x38;
	[tilespmem:$0x1C200] =	vst v63  }
0x46: {  	p0 =	sne.s32 s29, $0x4C0;
	_ =	swait.ge [sflag:s17], $0x80  }
0x47: {  	[sflag:s17] =	ssyncset.done $0x0  }
0x48: {  	[sflag:s17] =	ssyncadd.s32 $0xFFFFFF80  }
0x49: {  	[tilespmem:s21], [sflag:$0x2] =	stream.indirect.gather [hbm4b:s4+s18], $0x80, s20, s18, $0xb8;
	[tilespmem:$0x1C200] =	vst v63  }
0x4a: {  	s29 =	sadd.s32 s26, s14  }
0x4b: {  	[tilespmem:s18], [sflag:$0x3] =	stream.linear.gather [hbm4b:s29+s3], $0x80, $0x38;
	[tilespmem:$0x1C200] =	vst v63  }
0x4c: {  	_ =	swait.ge [sflag:s17], $0x80  }
0x4d: {  	[sflag:s17] =	ssyncset.done $0x0  }
0x4e: {  	[sflag:s17] =	ssyncadd.s32 $0xFFFFFF80  }
0x4f: {  	_ =	swait.ge [sflag:s22], $0x4000  }
0x50: {  	[sflag:s22] =	ssyncset.done $0x0  }
0x51: {  	[sflag:s22] =	ssyncadd.s32 $0xFFFFC000  }
0x52: {  	[spmem:s1] =	stream.indirect.scatter.add.f32 [tilespmem:s19], [sflag:$0x3], $0x80, s18, s18, $0xb8;
	[tilespmem:$0x1C200] =	vst v63  }
0x53: {  	_ =	swait.ge [sflag:s17], $0x4000  }
0x54: {  	[sflag:s17] =	ssyncset.done $0x0  }
0x55: {  	s30 =	sadd.s32 s26, s13;
	s26 =	smov.u32 s31;
	[sflag:s17] =	ssyncadd.s32 $0xFFFFC000  }
0x56: {  	[tilespmem:s3], [sflag:$0x3] =	stream.linear.gather [hbm4b:s30+s3], $0x80, $0x38;
	[tilespmem:$0x1C200] =	vst v63  }
0x57: {  	_ =	swait.ge [sflag:s17], $0x80  }
0x58: {  	[sflag:s17] =	ssyncset.done $0x0  }
0x59: {  	[sflag:s17] =	ssyncadd.s32 $0xFFFFFF80  }
0x5a: {  	[tilespmem:s19], [sflag:$0x1] =	stream.indirect.gather [hbm4b:s4+s18], $0x80, s3, s18, $0xb8;
	[tilespmem:$0x1C200] =	vst v63  }
0x5b: {  	s29 =	sadd.s32 $0x10, s29  }
0x5c: {  	[tilespmem:s23], [sflag:$0x3] =	stream.linear.gather [hbm4b:s29+s3], $0x80, $0x38;
	[tilespmem:$0x1C200] =	vst v63  }
0x5d: {  	_ =	swait.ge [sflag:s17], $0x80  }
0x5e: {  	[sflag:s17] =	ssyncset.done $0x0  }
0x5f: {  	[sflag:s17] =	ssyncadd.s32 $0xFFFFFF80  }
0x60: {  	_ =	swait.ge [sflag:s24], $0x4000  }
.Ltmp0:
0x61: {  	[sflag:s24] =	ssyncset.done $0x0;
	(pc) =	sbr.rel @p0 .LBB2_2-.Ltmp0, $4  }
0x62: {  	[sflag:s24] =	ssyncadd.s32 $0xFFFFC000  }
0x63: {  	[spmem:s1] =	stream.indirect.scatter.add.f32 [tilespmem:s21], [sflag:$0x3], $0x80, s23, s18, $0xb8;
	[tilespmem:$0x1C200] =	vst v63  }
0x64: {  	_ =	swait.ge [sflag:s17], $0x4000  }
0x65: {  	s29 =	smov.u32 s28;
	[sflag:s17] =	ssyncset.done $0x0  }
0x66: {  	s28 =	sadd.s32 s26, s15;
	[sflag:s17] =	ssyncadd.s32 $0xFFFFC000  }
0x67: {  	[tilespmem:s20], [sflag:$0x3] =	stream.linear.gather [hbm4b:s28+s3], $0x80, $0x38;
	[tilespmem:$0x1C200] =	vst v63  }
0x68: {  	_ =	swait.ge [sflag:s17], $0x80  }
0x69: {  	[sflag:s17] =	ssyncset.done $0x0  }
0x6a: {  	[sflag:s17] =	ssyncadd.s32 $0xFFFFFF80  }
0x6b: {  	[tilespmem:s21], [sflag:$0x2] =	stream.indirect.gather [hbm4b:s4+s18], $0x80, s20, s18, $0xb8;
	[tilespmem:$0x1C200] =	vst v63  }
0x6c: {  	s29 =	sadd.s32 s26, s14  }
0x6d: {  	[tilespmem:s18], [sflag:$0x3] =	stream.linear.gather [hbm4b:s29+s3], $0x80, $0x38;
	[tilespmem:$0x1C200] =	vst v63  }
0x6e: {  	_ =	swait.ge [sflag:s17], $0x80  }
0x6f: {  	[sflag:s17] =	ssyncset.done $0x0  }
0x70: {  	[sflag:s17] =	ssyncadd.s32 $0xFFFFFF80  }
0x71: {  	_ =	swait.ge [sflag:s22], $0x4000  }
0x72: {  	[sflag:s22] =	ssyncset.done $0x0  }
0x73: {  	[sflag:s22] =	ssyncadd.s32 $0xFFFFC000  }
0x74: {  	[spmem:s1] =	stream.indirect.scatter.add.f32 [tilespmem:s19], [sflag:$0x3], $0x80, s18, s18, $0xb8;
	[tilespmem:$0x1C200] =	vst v63  }
0x75: {  	_ =	swait.ge [sflag:s17], $0x4000  }
0x76: {  	[sflag:s17] =	ssyncset.done $0x0  }
0x77: {  	s30 =	sadd.s32 s26, s13;
	[sflag:s17] =	ssyncadd.s32 $0xFFFFC000  }
0x78: {  	[tilespmem:s3], [sflag:$0x3] =	stream.linear.gather [hbm4b:s30+s3], $0x80, $0x38;
	[tilespmem:$0x1C200] =	vst v63  }
0x79: {  	_ =	swait.ge [sflag:s17], $0x80  }
0x7a: {  	[sflag:s17] =	ssyncset.done $0x0  }
0x7b: {  	[sflag:s17] =	ssyncadd.s32 $0xFFFFFF80  }
0x7c: {  	[tilespmem:s19], [sflag:$0x1] =	stream.indirect.gather [hbm4b:s4+s18], $0x80, s3, s18, $0xb8;
	[tilespmem:$0x1C200] =	vst v63  }
0x7d: {  	s31 =	sadd.s32 $0x10, s29  }
0x7e: {  	[tilespmem:s23], [sflag:$0x3] =	stream.linear.gather [hbm4b:s31+s3], $0x80, $0x38;
	[tilespmem:$0x1C200] =	vst v63  }
0x7f: {  	_ =	swait.ge [sflag:s17], $0x80  }
0x80: {  	[sflag:s17] =	ssyncset.done $0x0  }
0x81: {  	[sflag:s17] =	ssyncadd.s32 $0xFFFFFF80  }
0x82: {  	_ =	swait.ge [sflag:s24], $0x4000  }
0x83: {  	[sflag:s24] =	ssyncset.done $0x0  }
0x84: {  	[sflag:s24] =	ssyncadd.s32 $0xFFFFC000  }
0x85: {  	[spmem:s1] =	stream.indirect.scatter.add.f32 [tilespmem:s21], [sflag:$0x3], $0x80, s23, s18, $0xb8;
	[tilespmem:$0x1C200] =	vst v63  }
0x86: {  	_ =	swait.ge [sflag:s17], $0x4000  }
0x87: {  	[sflag:s17] =	ssyncset.done $0x0  }
0x88: {  	[sflag:s17] =	ssyncadd.s32 $0xFFFFC000  }
0x89: {  	[tilespmem:s20], [sflag:$0x3] =	stream.linear.gather [hbm4b:s10+s3], $0x80, $0x38;
	[tilespmem:$0x1C200] =	vst v63  }
0x8a: {  	_ =	swait.ge [sflag:s17], $0x80  }
0x8b: {  	[sflag:s17] =	ssyncset.done $0x0  }
0x8c: {  	[sflag:s17] =	ssyncadd.s32 $0xFFFFFF80  }
0x8d: {  	[tilespmem:s21], [sflag:$0x2] =	stream.indirect.gather [hbm4b:s4+s18], $0x80, s20, s18, $0xb8;
	[tilespmem:$0x1C200] =	vst v63  }
0x8e: {  	_ = 	snop  }
0x8f: {  	[tilespmem:s18], [sflag:$0x3] =	stream.linear.gather [hbm4b:s11+s3], $0x80, $0x38;
	[tilespmem:$0x1C200] =	vst v63  }
0x90: {  	_ =	swait.ge [sflag:s17], $0x80  }
0x91: {  	[sflag:s17] =	ssyncset.done $0x0  }
0x92: {  	[sflag:s17] =	ssyncadd.s32 $0xFFFFFF80  }
0x93: {  	_ =	swait.ge [sflag:s22], $0x4000  }
0x94: {  	[sflag:s22] =	ssyncset.done $0x0  }
0x95: {  	[sflag:s22] =	ssyncadd.s32 $0xFFFFC000  }
0x96: {  	[spmem:s1] =	stream.indirect.scatter.add.f32 [tilespmem:s19], [sflag:$0x3], $0x80, s18, s18, $0xb8;
	[tilespmem:$0x1C200] =	vst v63  }
0x97: {  	_ =	swait.ge [sflag:s17], $0x4000  }
0x98: {  	[sflag:s17] =	ssyncset.done $0x0  }
0x99: {  	[sflag:s17] =	ssyncadd.s32 $0xFFFFC000  }
0x9a: {  	[tilespmem:s23], [sflag:$0x3] =	stream.linear.gather [hbm4b:s12+s3], $0x80, $0x38;
	[tilespmem:$0x1C200] =	vst v63  }
0x9b: {  	_ =	swait.ge [sflag:s17], $0x80  }
0x9c: {  	[sflag:s17] =	ssyncset.done $0x0  }
0x9d: {  	[sflag:s17] =	ssyncadd.s32 $0xFFFFFF80  }
0x9e: {  	_ =	swait.ge [sflag:s24], $0x4000  }
0x9f: {  	[sflag:s24] =	ssyncset.done $0x0  }
0xa0: {  	[sflag:s24] =	ssyncadd.s32 $0xFFFFC000  }
0xa1: {  	[spmem:s1] =	stream.indirect.scatter.add.f32 [tilespmem:s21], [sflag:$0x3], $0x80, s23, s18, $0xb8;
	[tilespmem:$0x1C200] =	vst v63  }
0xa2: {  	_ =	swait.ge [sflag:s17], $0x4000  }
0xa3: {  	s25 =	sadd.s32 $0x1, s25;
	[sflag:s17] =	ssyncset.done $0x0  }
0xa4: {  	p0 =	sne.s32 s25, s9;
	[sflag:s17] =	ssyncadd.s32 $0xFFFFC000  }
.Ltmp1:
0xa5: {  	[bflag:$0x0] =	sbarrier.arrive $0xFFFF;
	(pc) =	sbr.rel @p0 .LBB2_1-.Ltmp1, $4  }
0xa6: {  	[hbm:s8], [sflag:s6] =	dma.local [spmem:s16], $0x2800  }
0xa7: {  	_ =	swait.ge [sflag:s17], $0x2800  }
0xa8: {  	[sflag:s17] =	ssyncset.done $0x0  }
0xa9: {  	[sflag:s17] =	ssyncadd.s32 $0xFFFFD800  }
0xaa: {  	_ =	sfence.sel $0x180000  }
0xab: {  	[bflag:$0x0] =	sbarrier.arrive $0xFFFF  }
0xac: {  	p0 =	sne.s32 s2, $0x0;
	_ =	strace $0x9000004A  }
0xad: {  	s0 =	sadd.s32 @!p0 $0x100000, s0;
	[bflag:$0x2] =	sbarrier.arrive $0xFFFF  }
0xae: {  	[sflag:s0] =	ssyncadd.tile.s32 @!p0 $0x1;
	_ =	shalt  }
.Lfunc_end2:
_tile_overlayer_lowered:
.L_overlay_start_2:
0xaf: {  	(tag) =	ssettag $0x2  }
0xb0: {  	s0 =	rddreg [dreg:$0x0];
	s2 =	stileid.u32  }
0xb1: {  	s1 =	rddreg [dreg:$0x1];
	p0 =	sne.s32 s2, $0x0  }
0xb2: {  	s3 =	rddreg [dreg:$0x2];
	[bflag:$0x3] =	sbarrier.arrive $0xFFFF;
	s2 =	simm.s32 @!p0 $0x1C03  }
0xb3: {  	[timem:s3], [sflag:s2] =	dma.local @!p0 [hbm:s0], s1  }
0xb4: {  	s0 =	simm.s32 @!p0 $0x3  }
0xb5: {  	_ =	swait.ge @!p0 [sflag:s0], s1  }
0xb6: {  	s1 =	ssub.s32 @!p0 $0x0, s1;
	[sflag:s0] =	ssyncset.done @!p0 $0x0  }
0xb7: {  	[sflag:s0] =	ssyncadd.s32 @!p0 s1  }
0xb8: {  	[bflag:$0x3] =	sbarrier.arrive $0xFFFF  }
0xb9: {  	_ =	shalt  }

// kernel: kernel.17.cloned.1.call-start
scs
__scs_entry_jumppad:
0x0: {  	(pc) =	sbr.rel $0x88, $3  }
0x1: {  	(tag) =	ssettag $0x0;
	lr =	simm.s32 $0x1  }
0x2: {  	[smem:$0x3F92] =	sst lr;
	_ =	strace $0xD0000000  }
0x3: {  	_ = 	snop  }
0x4: {  	_ = 	snop  }
0x5: {  	_ = 	snop  }
0x6: {  	_ = 	snop  }
0x7: {  	_ = 	snop  }
__scs_overlays_trampoline_lowered:
0x8: {  	[smem:$0x3FA1] =	sst s0  }
0x9: {  	[smem:$0x3FA2] =	sst s1  }
0xa: {  	[smem:$0x3FA3] =	sst s2  }
0xb: {  	[smem:$0x3FA4] =	sst s3  }
0xc: {  	[smem:$0x3FA5] =	sst s4  }
0xd: {  	[smem:$0x3FA6] =	sst s5  }
0xe: {  	[smem:$0x3FA7] =	sst s6  }
0xf: {  	[smem:$0x3FA8] =	sst s7  }
0x10: {  	[smem:$0x3FA9] =	sst s8  }
0x11: {  	[smem:$0x3FAA] =	sst s9;
	s0 =	simm.s32 @!p0 $0x0  }
0x12: {  	s1 =	sld [smem:$0x3F90];
	s0 =	simm.s32 @p0 $0x1  }
0x13: {  	[smem:$0x3FAB] =	sst s0;
	s0 =	simm.s32 @!p1 $0x0  }
0x14: {  	s2 =	sld [smem:$0x3F8F];
	s0 =	simm.s32 @p1 $0x1  }
0x15: {  	[smem:$0x3FAC] =	sst s0;
	s0 =	simm.s32 @!p2 $0x0  }
0x16: {  	s3 =	sld [smem:$0x3FDB];
	s0 =	simm.s32 @p2 $0x1  }
0x17: {  	s4 =	simm.s32 $0x1BF5;
	[smem:$0x3FAE] =	sst s0  }
0x18: {  	s0 =	sld [smem:$0x3F91];
	_ =	swait.ge [sflag:s4], $0x0  }
0x19: {  	s7 =	sld [smem:$0x3F92]  }
0x1a: {  	s8 =	sadd.s32 $0xFFFFE003, lr  }
0x1b: {  	s9 =	sadd.s32 $0xFFFFFEF7, lr;
	s5 =	simm.s32 $0xFFFFFFFF;
	p2 =	slt.u32 s8, $0xFFFFF086  }
0x1c: {  	p1 =	slt.u32 s9, $0xF7A;
	s5 =	simm.s32 @!p2 $0x0  }
0x1d: {  	s5 =	simm.s32 @p1 $0x1;
	p0 =	seq.s32 s7, s2  }
0x1e: {  	s7 =	smul.u32 @!p0 $0xF7A, s2;
	p2 =	seq.s32 @!p0 s5, $0x0  }
0x1f: {  	s9 =	smul.u32 $0xF7A, s1;
	s8 =	simm.s32 @!p0 $0x1BF5;
	p2 =	por !p2, p0  }
0x20: {  	[sflag:s8] =	ssyncset.s32 @!p0 $0xFFFFF086;
	s6 =	sadd.s32 @!p0 s3, s7;
	s7 =	simm.s32 @!p0 $0x108  }
0x21: {  	s3 =	sadd.s32 s3, s9;
	s6 =	sadd.s32 @!p0 $0x88, s6;
	s7 =	simm.s32 @p2 $0x1082  }
0x22: {  	[simem:s7], [sflag:s8] =	dma.local @!p0 [hbm:s6], $0xF7A  }
0x23: {  	s9 =	sor.u32 $0xD0000000, s2;
	s6 =	simm.s32 $0x108;
	_ =	swait.ge @!p0 [sflag:s8], $0x0  }
0x24: {  	s3 =	sadd.s32 $0x88, s3;
	s6 =	simm.s32 @!p1 $0x1082;
	[sflag:s4] =	ssyncset.s32 $0xFFFFF086  }
0x25: {  	[simem:s6], [sflag:s4] =	dma.local [hbm:s3], $0xF7A  }
0x26: {  	[smem:$0x3F92] =	sst s1;
	(tag) =	ssettag s2;
	_ =	strace s9  }
0x27: {  	s1 =	sld [smem:$0x3FA2]  }
0x28: {  	s2 =	sld [smem:$0x3FA3]  }
0x29: {  	s4 =	sld [smem:$0x3FA5]  }
0x2a: {  	p0 =	seq.s32 s5, $0x0;
	s5 =	sld [smem:$0x3FA6]  }
0x2b: {  	s6 =	sld [smem:$0x3FA7]  }
0x2c: {  	s7 =	sld [smem:$0x3FA8]  }
0x2d: {  	s3 =	simm.s32 $0x108;
	s8 =	sld [smem:$0x3FA9]  }
0x2e: {  	s3 =	simm.s32 @!p0 $0x1082;
	s9 =	sld [smem:$0x3FAA]  }
0x2f: {  	lr =	sadd.s32 s0, s3;
	s0 =	sld [smem:$0x3FA1]  }
0x30: {  	s3 =	sld [smem:$0x3FA4]  }
0x31: {  	[smem:$0x3FAD] =	sst s10  }
0x32: {  	s10 =	sld [smem:$0x3FAB];
	_ =	sdelay $0x3  }
0x33: {  	p0 =	seq.s32 s10, $0x1;
	s10 =	sld [smem:$0x3FAD];
	_ =	sdelay $0x3  }
0x34: {  	[smem:$0x3FAD] =	sst s10  }
0x35: {  	s10 =	sld [smem:$0x3FAC];
	_ =	sdelay $0x3  }
0x36: {  	p1 =	seq.s32 s10, $0x1;
	s10 =	sld [smem:$0x3FAD];
	_ =	sdelay $0x3  }
0x37: {  	[smem:$0x3FAD] =	sst s10  }
0x38: {  	s10 =	sld [smem:$0x3FAE]  }
0x39: {  	_ = 	snop;
	(pc) =	sbr.ind lr, $3  }
0x3a: {  	_ = 	snop  }
0x3b: {  	_ = 	snop  }
0x3c: {  	p2 =	seq.s32 s10, $0x1;
	s10 =	sld [smem:$0x3FAD]  }
0x3d: {  	_ =	shalt  }
0x3e: {  	_ =	shalt  }
0x3f: {  	_ =	shalt  }
0x40: {  	_ =	shalt  }
0x41: {  	_ =	shalt  }
0x42: {  	_ =	shalt  }
0x43: {  	_ =	shalt  }
0x44: {  	_ =	shalt  }
0x45: {  	_ =	shalt  }
0x46: {  	_ =	shalt  }
0x47: {  	_ =	shalt  }
0x48: {  	_ =	shalt  }
0x49: {  	_ =	shalt  }
0x4a: {  	_ =	shalt  }
0x4b: {  	_ =	shalt  }
0x4c: {  	_ =	shalt  }
0x4d: {  	_ =	shalt  }
0x4e: {  	_ =	shalt  }
0x4f: {  	_ =	shalt  }
0x50: {  	_ =	shalt  }
0x51: {  	_ =	shalt  }
0x52: {  	_ =	shalt  }
0x53: {  	_ =	shalt  }
0x54: {  	_ =	shalt  }
0x55: {  	_ =	shalt  }
0x56: {  	_ =	shalt  }
0x57: {  	_ =	shalt  }
0x58: {  	_ =	shalt  }
0x59: {  	_ =	shalt  }
0x5a: {  	_ =	shalt  }
0x5b: {  	_ =	shalt  }
0x5c: {  	_ =	shalt  }
0x5d: {  	_ =	shalt  }
0x5e: {  	_ =	shalt  }
0x5f: {  	_ =	shalt  }
0x60: {  	_ =	shalt  }
0x61: {  	_ =	shalt  }
0x62: {  	_ =	shalt  }
0x63: {  	_ =	shalt  }
0x64: {  	_ =	shalt  }
0x65: {  	_ =	shalt  }
0x66: {  	_ =	shalt  }
0x67: {  	_ =	shalt  }
0x68: {  	_ =	shalt  }
0x69: {  	_ =	shalt  }
0x6a: {  	_ =	shalt  }
0x6b: {  	_ =	shalt  }
0x6c: {  	_ =	shalt  }
0x6d: {  	_ =	shalt  }
0x6e: {  	_ =	shalt  }
0x6f: {  	_ =	shalt  }
0x70: {  	_ =	shalt  }
0x71: {  	_ =	shalt  }
0x72: {  	_ =	shalt  }
0x73: {  	_ =	shalt  }
0x74: {  	_ =	shalt  }
0x75: {  	_ =	shalt  }
0x76: {  	_ =	shalt  }
0x77: {  	_ =	shalt  }
0x78: {  	_ =	shalt  }
0x79: {  	_ =	shalt  }
0x7a: {  	_ =	shalt  }
0x7b: {  	_ =	shalt  }
0x7c: {  	_ =	shalt  }
0x7d: {  	_ =	shalt  }
0x7e: {  	_ =	shalt  }
0x7f: {  	_ =	shalt  }
0x80: {  	_ =	shalt  }
0x81: {  	_ =	shalt  }
0x82: {  	_ =	shalt  }
0x83: {  	_ =	shalt  }
0x84: {  	_ =	shalt  }
0x85: {  	_ =	shalt  }
0x86: {  	_ =	shalt  }
0x87: {  	_ =	shalt  }
.Lfunc_end0:
.L_simem_size_0:
called_computation.2_lowered:
.L_overlay_start_0:
0x88: {  	s2 =	sld [smem:$0x3FD9]  }
0x89: {  	s3 =	sld [smem:$0x3FFE];
	_ =	sdelay $0x1  }
0x8a: {  	s1 =	srdreg.scid  }
0x8b: {  	s0 =	sand.u32 $0x1, s1  }
0x8c: {  	s14 =	sshll.u32 s0, $0xA;
	s2 =	sadd.s32 s3, s2  }
0x8d: {  	s2 =	sadd.s32 s2, s14  }
0x8e: {  	[smem:$0x3FB9] =	sst s2  }
0x8f: {  	_ = 	snop  }
0x90: {  	s2 =	sld [smem:$0x3FD0];
	_ =	sdelay $0x2  }
0x91: {  	s15 =	simm.s32 $0xA;
	s4 =	simm.s32 $0x10  }
0x92: {  	[smem:s4], [sflag:s15] =	dma.local [hbm:s2], $0x1  }
0x93: {  	_ =	swait.eq [sflag:s15], $0x1  }
0x94: {  	[sflag:s15] =	ssyncset.done $0x0  }
0x95: {  	[sflag:s15] =	ssyncadd.s32 $0xFFFFFFFF  }
0x96: {  	s16 =	sld [smem:$0x12];
	(tm) =	ssettm $0x1  }
0x97: {  	s17 =	sld [smem:$0x3FFB];
	_ =	sdelay $0x3  }
0x98: {  	_ =	strace s17  }
0x99: {  	s3 =	sld [smem:$0x3FFC];
	_ =	sdelay $0x3  }
0x9a: {  	_ =	strace s3  }
0x9b: {  	s3 =	sld [smem:$0x3FFD];
	_ =	sdelay $0x3  }
0x9c: {  	_ =	strace s3  }
0x9d: {  	_ =	strace $0x8FFFFFFF  }
0x9e: {  	s18 =	sld [smem:$0x3FDB];
	_ =	sdelay $0x1  }
0x9f: {  	s19 =	simm.s32 $_scs_section_size  }
0xa0: {  	s5 =	simm.s32 $_size__tile_overlayer_lowered;
	s6 =	simm.s32 $_tile_overlayer_lowered  }
0xa1: {  	s22 =	simm.s32 $0x1BFF;
	s21 =	sshll.u32 s6, $0x1;
	s3 =	sadd.s32 s19, s18  }
0xa2: {  	s7 =	simm.s32 $0x0;
	s20 =	sshll.u32 s5, $0x1;
	s5 =	sadd.s32 s21, s3  }
0xa3: {  	[timem:s7], [sflag:s22] =	dma.local [hbm:s5], s20  }
0xa4: {  	_ =	swait.ge [sflag:s22], s20  }
0xa5: {  	s4 =	ssub.s32 $0x0, s20;
	[sflag:s22] =	ssyncset.done $0x0  }
0xa6: {  	[sflag:s22] =	ssyncadd.s32 s4;
	_ =	sdelay $0x1  }
0xa7: {  	s23 =	simm.s32 $0x1B8B  }
0xa8: {  	_ =	swait.ge [sflag:s23], $0x1  }
0xa9: {  	[sflag:s23] =	ssyncset.done $0x0  }
0xaa: {  	s25 =	simm.s32 $0x1B8E;
	s24 =	sld [smem:$0x3FFE];
	[sflag:s23] =	ssyncadd.s32 $0xFFFFFFFF  }
0xab: {  	s26 =	simm.s32 $execute0_lowered;
	[smem:$0x3FD2] =	sst s25  }
0xac: {  	s5 =	sshll.u32 s26, $0x1;
	_ =	strace $0x8000004C;
	[dreg:$0x1] =	wrdreg $0xFFFFFFFF  }
0xad: {  	s28 =	simm.s32 $_size_execute0_lowered;
	s3 =	sadd.s32 s3, s5;
	[dreg:$0x0] =	wrdreg $0x0  }
0xae: {  	s5 =	sshll.u32 s28, $0x1;
	[dreg:$0x2] =	wrdreg s3  }
0xaf: {  	[dreg:$0x3] =	wrdreg s5  }
0xb0: {  	[dreg:$0x4] =	wrdreg $0xC0  }
0xb1: {  	_ =	task [dreg:s7], $0x5FFFF  }
0xb2: {  	[dreg:$0x1] =	wrdreg $0xFFFFFFFF  }
0xb3: {  	[dreg:$0x0] =	wrdreg $0x60  }
0xb4: {  	[dreg:$0x2] =	wrdreg s24  }
0xb5: {  	[dreg:$0x3] =	wrdreg s16  }
0xb6: {  	[dreg:$0x4] =	wrdreg $0x82000  }
0xb7: {  	[dreg:$0x5] =	wrdreg $0x9  }
0xb8: {  	_ =	task.clear_ibuf [dreg:s7], $0x6FFFF;
	_ =	strace $0x9000004C  }
0xb9: {  	s29 =	simm.s32 $0x9;
	_ =	strace $0x8000004E  }
0xba: {  	_ =	swait.ge [sflag:s29], $0x1  }
0xbb: {  	[sflag:s29] =	ssyncadd.s32 $0xFFFFFFFF  }
0xbc: {  	_ =	strace $0x9000004E  }
0xbd: {  	_ =	sfence  }
0xbe: {  	s30 =	sld [smem:$0x0];
	_ =	sdelay $0x2  }
0xbf: {  	s31 =	sshll.u32 s1, $0xD;
	s1 =	sshrl.u32 s1, $0x2  }
0xc0: {  	s3 =	sand.u32 $0x4000, s31;
	s1 =	sadd.s32 s1, s30  }
0xc1: {  	s0 =	sor.u32 s3, s0;
	s1 =	sshll.u32 s1, $0x11  }
0xc2: {  	s0 =	sor.u32 s1, s0  }
0xc3: {  	s0 =	sadd.s32 $0x8F2B, s0  }
0xc4: {  	[sflag:s0] =	ssyncadd.remote.s32 $0x1  }
0xc5: {  	_ =	sfence.sel $0xFFFF  }
0xc6: {  	[dreg:$0x0] =	wrdreg $0xFFFFFFFF;
	(pc) =	sbr.abs _section_cstart, $3  }
0xc7: {  	[dreg:$0x1] =	wrdreg $0xFFFFFFFF  }
0xc8: {  	_ =	task.clear_ibuf [dreg:s7], $0x2FFFF;
	_ =	strace $0x9FFFFFFF  }
0xc9: {  	(tm) =	ssettm $0x7FFFFFFF  }
tec
execute0_lowered:
.L_overlay_start_1:
0x0: {  	(tag) =	ssettag $0x1  }
0x1: {  	s5 =	rddreg [dreg:$0x0]  }
0x2: {  	s15 =	rddreg [dreg:$0x1]  }
0x3: {  	s1 =	rddreg [dreg:$0x2];
	s2 =	srdreg.scid  }
0x4: {  	s0 =	rddreg [dreg:$0x3];
	s6 =	sand.u32 $0x1, s2  }
0x5: {  	s3 =	simm.s32 $0x0;
	s2 =	stileid.u32;
	s7 =	smul.u32 $0x2800, s6  }
0x6: {  	s19 =	simm.s32 $0x100;
	s20 =	simm.s32 $0x4100;
	s8 =	smul.u32 $0x280, s2  }
0x7: {  	[smem:$0x7FF] =	sst s3;
	s4 =	sadd.s32 $0x1AA00, s5;
	s9 =	smul.u32 $0x50000, s2  }
0x8: {  	s14 =	sadd.s32 $0x15A00, s5;
	_ =	strace $0x8000004D;
	s10 =	smul.u32 $0x2800, s2  }
0x9: {  	s21 =	ssub.s32 $0x2, s6;
	s12 =	smul.u32 $0x28000, s6;
	s23 =	sshll.u32 s2, $0x6  }
0xa: {  	s31 =	smul.u32 $0x500, s2;
	s11 =	sshrl.u32 s21, $0x1;
	s6 =	sor.u32 $0x1C03, s23  }
0xb: {  	s23 =	simm.s32 $0x4180;
	s7 =	sadd.s32 s8, s7;
	s11 =	ssub.s32 s21, s11  }
0xc: {  	s22 =	sshrl.u32 s9, $0x2;
	s17 =	sadd.s32 s10, s12;
	s18 =	sadd.s32 $0x2780, s10  }
0xd: {  	s26 =	sshrl.u32 s10, $0x3;
	s21 =	simm.s32 $0x4200;
	s7 =	sshll.u32 s7, $0x4  }
0xe: {  	s16 =	sadd.s32 s22, s1;
	s24 =	sshrl.u32 s17, $0x3;
	s25 =	sadd.s32 s12, s18  }
0xf: {  	s9 =	smax.u32 s11, $0x1;
	s28 =	sadd.s32 s14, s26;
	s29 =	sshrl.u32 s18, $0x3  }
0x10: {  	s30 =	sor.u32 $0x100, s17;
	s17 =	sor.u32 $0x80, s17;
	s18 =	simm.s32 $0x80  }
0x11: {  	s22 =	simm.s32 $0x1;
	s13 =	sadd.s32 s7, s5;
	s5 =	sadd.s32 s4, s7  }
0x12: {  	s7 =	sadd.s32 s15, s24;
	s12 =	sshrl.u32 s25, $0x3;
	s11 =	sadd.s32 $0x4E0, s28  }
0x13: {  	s17 =	sshrl.u32 s17, $0x3;
	s16 =	sshrl.u32 s16, $0x3;
	s24 =	simm.s32 $0x2  }
0x14: {  	s25 =	simm.s32 $0x0;
	s8 =	sadd.s32 $0x6AA00, s13;
	s10 =	sadd.s32 s15, s12  }
0x15: {  	s13 =	sshrl.u32 s30, $0x3;
	s12 =	sadd.s32 s14, s29;
	s14 =	sadd.s32 s31, s14  }
0x16: {  	s13 =	sadd.s32 s13, s15;
	s15 =	sadd.s32 s17, s15;
	s17 =	simm.s32 $0x3  }
.LBB2_1:
0x17: {  	[spmem:s16], [sflag:s6] =	dma.local [hbm:s5], $0x2800  }
0x18: {  	_ =	swait.ge [sflag:s17], $0x2800  }
0x19: {  	[sflag:s17] =	ssyncset.done $0x0  }
0x1a: {  	[sflag:s17] =	ssyncadd.s32 $0xFFFFD800  }
0x1b: {  	[bflag:$0x0] =	sbarrier.arrive $0xFFFF  }
0x1c: {  	[tilespmem:s3], [sflag:$0x3] =	stream.linear.gather [hbm4b:s7+s3], $0x80, $0x38;
	[tilespmem:$0x1C200] =	vst v63  }
0x1d: {  	_ =	swait.ge [sflag:s17], $0x80  }
0x1e: {  	[sflag:s17] =	ssyncset.done $0x0  }
0x1f: {  	[sflag:s17] =	ssyncadd.s32 $0xFFFFFF80  }
0x20: {  	[tilespmem:s19], [sflag:$0x1] =	stream.indirect.gather [hbm4b:s4+s18], $0x80, s3, s18, $0xb8;
	[tilespmem:$0x1C200] =	vst v63  }
0x21: {  	s26 =	sadd.s32 $0x0, s15  }
0x22: {  	[tilespmem:s20], [sflag:$0x3] =	stream.linear.gather [hbm4b:s26+s3], $0x80, $0x38;
	[tilespmem:$0x1C200] =	vst v63  }
0x23: {  	_ =	swait.ge [sflag:s17], $0x80  }
0x24: {  	[sflag:s17] =	ssyncset.done $0x0  }
0x25: {  	[sflag:s17] =	ssyncadd.s32 $0xFFFFFF80  }
0x26: {  	[tilespmem:s21], [sflag:$0x2] =	stream.indirect.gather [hbm4b:s4+s18], $0x80, s20, s18, $0xb8;
	[tilespmem:$0x1C200] =	vst v63  }
0x27: {  	s31 =	sadd.s32 $0x0, s14  }
0x28: {  	[tilespmem:s18], [sflag:$0x3] =	stream.linear.gather [hbm4b:s31+s3], $0x80, $0x38;
	[tilespmem:$0x1C200] =	vst v63  }
0x29: {  	_ =	swait.ge [sflag:s17], $0x80  }
0x2a: {  	[sflag:s17] =	ssyncset.done $0x0  }
0x2b: {  	[sflag:s17] =	ssyncadd.s32 $0xFFFFFF80  }
0x2c: {  	_ =	swait.ge [sflag:s22], $0x4000  }
0x2d: {  	[sflag:s22] =	ssyncset.done $0x0  }
0x2e: {  	[sflag:s22] =	ssyncadd.s32 $0xFFFFC000  }
0x2f: {  	[spmem:s1] =	stream.indirect.scatter.add.f32 [tilespmem:s19], [sflag:$0x3], $0x80, s18, s18, $0xb8;
	[tilespmem:$0x1C200] =	vst v63  }
0x30: {  	_ =	swait.ge [sflag:s17], $0x4000  }
0x31: {  	[sflag:s17] =	ssyncset.done $0x0  }
0x32: {  	s28 =	sadd.s32 $0x0, s13;
	[sflag:s17] =	ssyncadd.s32 $0xFFFFC000  }
0x33: {  	[tilespmem:s3], [sflag:$0x3] =	stream.linear.gather [hbm4b:s28+s3], $0x80, $0x38;
	[tilespmem:$0x1C200] =	vst v63  }
0x34: {  	_ =	swait.ge [sflag:s17], $0x80  }
0x35: {  	[sflag:s17] =	ssyncset.done $0x0  }
0x36: {  	[sflag:s17] =	ssyncadd.s32 $0xFFFFFF80  }
0x37: {  	[tilespmem:s19], [sflag:$0x1] =	stream.indirect.gather [hbm4b:s4+s18], $0x80, s3, s18, $0xb8;
	[tilespmem:$0x1C200] =	vst v63  }
0x38: {  	s26 =	sadd.s32 $0x10, s31  }
0x39: {  	[tilespmem:s23], [sflag:$0x3] =	stream.linear.gather [hbm4b:s26+s3], $0x80, $0x38;
	[tilespmem:$0x1C200] =	vst v63  }
0x3a: {  	_ =	swait.ge [sflag:s17], $0x80  }
0x3b: {  	[sflag:s17] =	ssyncset.done $0x0  }
0x3c: {  	[sflag:s17] =	ssyncadd.s32 $0xFFFFFF80  }
0x3d: {  	_ =	swait.ge [sflag:s24], $0x4000  }
0x3e: {  	[sflag:s24] =	ssyncset.done $0x0  }
0x3f: {  	[sflag:s24] =	ssyncadd.s32 $0xFFFFC000  }
0x40: {  	[spmem:s1] =	stream.indirect.scatter.add.f32 [tilespmem:s21], [sflag:$0x3], $0x80, s23, s18, $0xb8;
	[tilespmem:$0x1C200] =	vst v63  }
0x41: {  	_ =	swait.ge [sflag:s17], $0x4000  }
0x42: {  	s29 =	simm.s32 $0x40;
	s26 =	simm.s32 $0x20;
	[sflag:s17] =	ssyncset.done $0x0  }
.LBB2_2:
0x43: {  	s30 =	sadd.s32 s26, s15  }
0x44: {  	[sflag:s17] =	ssyncadd.s32 $0xFFFFC000;
	s31 =	smov.u32 s29;
	s28 =	sadd.s32 $0x20, s29  }
0x45: {  	[tilespmem:s20], [sflag:$0x3] =	stream.linear.gather [hbm4b:s30+s3], $0x80, $0x38;
	[tilespmem:$0x1C200] =	vst v63  }
0x46: {  	p0 =	sne.s32 s29, $0x4C0;
	_ =	swait.ge [sflag:s17], $0x80  }
0x47: {  	[sflag:s17] =	ssyncset.done $0x0  }
0x48: {  	[sflag:s17] =	ssyncadd.s32 $0xFFFFFF80  }
0x49: {  	[tilespmem:s21], [sflag:$0x2] =	stream.indirect.gather [hbm4b:s4+s18], $0x80, s20, s18, $0xb8;
	[tilespmem:$0x1C200] =	vst v63  }
0x4a: {  	s29 =	sadd.s32 s26, s14  }
0x4b: {  	[tilespmem:s18], [sflag:$0x3] =	stream.linear.gather [hbm4b:s29+s3], $0x80, $0x38;
	[tilespmem:$0x1C200] =	vst v63  }
0x4c: {  	_ =	swait.ge [sflag:s17], $0x80  }
0x4d: {  	[sflag:s17] =	ssyncset.done $0x0  }
0x4e: {  	[sflag:s17] =	ssyncadd.s32 $0xFFFFFF80  }
0x4f: {  	_ =	swait.ge [sflag:s22], $0x4000  }
0x50: {  	[sflag:s22] =	ssyncset.done $0x0  }
0x51: {  	[sflag:s22] =	ssyncadd.s32 $0xFFFFC000  }
0x52: {  	[spmem:s1] =	stream.indirect.scatter.add.f32 [tilespmem:s19], [sflag:$0x3], $0x80, s18, s18, $0xb8;
	[tilespmem:$0x1C200] =	vst v63  }
0x53: {  	_ =	swait.ge [sflag:s17], $0x4000  }
0x54: {  	[sflag:s17] =	ssyncset.done $0x0  }
0x55: {  	s30 =	sadd.s32 s26, s13;
	s26 =	smov.u32 s31;
	[sflag:s17] =	ssyncadd.s32 $0xFFFFC000  }
0x56: {  	[tilespmem:s3], [sflag:$0x3] =	stream.linear.gather [hbm4b:s30+s3], $0x80, $0x38;
	[tilespmem:$0x1C200] =	vst v63  }
0x57: {  	_ =	swait.ge [sflag:s17], $0x80  }
0x58: {  	[sflag:s17] =	ssyncset.done $0x0  }
0x59: {  	[sflag:s17] =	ssyncadd.s32 $0xFFFFFF80  }
0x5a: {  	[tilespmem:s19], [sflag:$0x1] =	stream.indirect.gather [hbm4b:s4+s18], $0x80, s3, s18, $0xb8;
	[tilespmem:$0x1C200] =	vst v63  }
0x5b: {  	s29 =	sadd.s32 $0x10, s29  }
0x5c: {  	[tilespmem:s23], [sflag:$0x3] =	stream.linear.gather [hbm4b:s29+s3], $0x80, $0x38;
	[tilespmem:$0x1C200] =	vst v63  }
0x5d: {  	_ =	swait.ge [sflag:s17], $0x80  }
0x5e: {  	[sflag:s17] =	ssyncset.done $0x0  }
0x5f: {  	[sflag:s17] =	ssyncadd.s32 $0xFFFFFF80  }
0x60: {  	_ =	swait.ge [sflag:s24], $0x4000  }
.Ltmp0:
0x61: {  	[sflag:s24] =	ssyncset.done $0x0;
	(pc) =	sbr.rel @p0 .LBB2_2-.Ltmp0, $4  }
0x62: {  	[sflag:s24] =	ssyncadd.s32 $0xFFFFC000  }
0x63: {  	[spmem:s1] =	stream.indirect.scatter.add.f32 [tilespmem:s21], [sflag:$0x3], $0x80, s23, s18, $0xb8;
	[tilespmem:$0x1C200] =	vst v63  }
0x64: {  	_ =	swait.ge [sflag:s17], $0x4000  }
0x65: {  	s29 =	smov.u32 s28;
	[sflag:s17] =	ssyncset.done $0x0  }
0x66: {  	s28 =	sadd.s32 s26, s15;
	[sflag:s17] =	ssyncadd.s32 $0xFFFFC000  }
0x67: {  	[tilespmem:s20], [sflag:$0x3] =	stream.linear.gather [hbm4b:s28+s3], $0x80, $0x38;
	[tilespmem:$0x1C200] =	vst v63  }
0x68: {  	_ =	swait.ge [sflag:s17], $0x80  }
0x69: {  	[sflag:s17] =	ssyncset.done $0x0  }
0x6a: {  	[sflag:s17] =	ssyncadd.s32 $0xFFFFFF80  }
0x6b: {  	[tilespmem:s21], [sflag:$0x2] =	stream.indirect.gather [hbm4b:s4+s18], $0x80, s20, s18, $0xb8;
	[tilespmem:$0x1C200] =	vst v63  }
0x6c: {  	s29 =	sadd.s32 s26, s14  }
0x6d: {  	[tilespmem:s18], [sflag:$0x3] =	stream.linear.gather [hbm4b:s29+s3], $0x80, $0x38;
	[tilespmem:$0x1C200] =	vst v63  }
0x6e: {  	_ =	swait.ge [sflag:s17], $0x80  }
0x6f: {  	[sflag:s17] =	ssyncset.done $0x0  }
0x70: {  	[sflag:s17] =	ssyncadd.s32 $0xFFFFFF80  }
0x71: {  	_ =	swait.ge [sflag:s22], $0x4000  }
0x72: {  	[sflag:s22] =	ssyncset.done $0x0  }
0x73: {  	[sflag:s22] =	ssyncadd.s32 $0xFFFFC000  }
0x74: {  	[spmem:s1] =	stream.indirect.scatter.add.f32 [tilespmem:s19], [sflag:$0x3], $0x80, s18, s18, $0xb8;
	[tilespmem:$0x1C200] =	vst v63  }
0x75: {  	_ =	swait.ge [sflag:s17], $0x4000  }
0x76: {  	[sflag:s17] =	ssyncset.done $0x0  }
0x77: {  	s30 =	sadd.s32 s26, s13;
	[sflag:s17] =	ssyncadd.s32 $0xFFFFC000  }
0x78: {  	[tilespmem:s3], [sflag:$0x3] =	stream.linear.gather [hbm4b:s30+s3], $0x80, $0x38;
	[tilespmem:$0x1C200] =	vst v63  }
0x79: {  	_ =	swait.ge [sflag:s17], $0x80  }
0x7a: {  	[sflag:s17] =	ssyncset.done $0x0  }
0x7b: {  	[sflag:s17] =	ssyncadd.s32 $0xFFFFFF80  }
0x7c: {  	[tilespmem:s19], [sflag:$0x1] =	stream.indirect.gather [hbm4b:s4+s18], $0x80, s3, s18, $0xb8;
	[tilespmem:$0x1C200] =	vst v63  }
0x7d: {  	s31 =	sadd.s32 $0x10, s29  }
0x7e: {  	[tilespmem:s23], [sflag:$0x3] =	stream.linear.gather [hbm4b:s31+s3], $0x80, $0x38;
	[tilespmem:$0x1C200] =	vst v63  }
0x7f: {  	_ =	swait.ge [sflag:s17], $0x80  }
0x80: {  	[sflag:s17] =	ssyncset.done $0x0  }
0x81: {  	[sflag:s17] =	ssyncadd.s32 $0xFFFFFF80  }
0x82: {  	_ =	swait.ge [sflag:s24], $0x4000  }
0x83: {  	[sflag:s24] =	ssyncset.done $0x0  }
0x84: {  	[sflag:s24] =	ssyncadd.s32 $0xFFFFC000  }
0x85: {  	[spmem:s1] =	stream.indirect.scatter.add.f32 [tilespmem:s21], [sflag:$0x3], $0x80, s23, s18, $0xb8;
	[tilespmem:$0x1C200] =	vst v63  }
0x86: {  	_ =	swait.ge [sflag:s17], $0x4000  }
0x87: {  	[sflag:s17] =	ssyncset.done $0x0  }
0x88: {  	[sflag:s17] =	ssyncadd.s32 $0xFFFFC000  }
0x89: {  	[tilespmem:s20], [sflag:$0x3] =	stream.linear.gather [hbm4b:s10+s3], $0x80, $0x38;
	[tilespmem:$0x1C200] =	vst v63  }
0x8a: {  	_ =	swait.ge [sflag:s17], $0x80  }
0x8b: {  	[sflag:s17] =	ssyncset.done $0x0  }
0x8c: {  	[sflag:s17] =	ssyncadd.s32 $0xFFFFFF80  }
0x8d: {  	[tilespmem:s21], [sflag:$0x2] =	stream.indirect.gather [hbm4b:s4+s18], $0x80, s20, s18, $0xb8;
	[tilespmem:$0x1C200] =	vst v63  }
0x8e: {  	_ = 	snop  }
0x8f: {  	[tilespmem:s18], [sflag:$0x3] =	stream.linear.gather [hbm4b:s11+s3], $0x80, $0x38;
	[tilespmem:$0x1C200] =	vst v63  }
0x90: {  	_ =	swait.ge [sflag:s17], $0x80  }
0x91: {  	[sflag:s17] =	ssyncset.done $0x0  }
0x92: {  	[sflag:s17] =	ssyncadd.s32 $0xFFFFFF80  }
0x93: {  	_ =	swait.ge [sflag:s22], $0x4000  }
0x94: {  	[sflag:s22] =	ssyncset.done $0x0  }
0x95: {  	[sflag:s22] =	ssyncadd.s32 $0xFFFFC000  }
0x96: {  	[spmem:s1] =	stream.indirect.scatter.add.f32 [tilespmem:s19], [sflag:$0x3], $0x80, s18, s18, $0xb8;
	[tilespmem:$0x1C200] =	vst v63  }
0x97: {  	_ =	swait.ge [sflag:s17], $0x4000  }
0x98: {  	[sflag:s17] =	ssyncset.done $0x0  }
0x99: {  	[sflag:s17] =	ssyncadd.s32 $0xFFFFC000  }
0x9a: {  	[tilespmem:s23], [sflag:$0x3] =	stream.linear.gather [hbm4b:s12+s3], $0x80, $0x38;
	[tilespmem:$0x1C200] =	vst v63  }
0x9b: {  	_ =	swait.ge [sflag:s17], $0x80  }
0x9c: {  	[sflag:s17] =	ssyncset.done $0x0  }
0x9d: {  	[sflag:s17] =	ssyncadd.s32 $0xFFFFFF80  }
0x9e: {  	_ =	swait.ge [sflag:s24], $0x4000  }
0x9f: {  	[sflag:s24] =	ssyncset.done $0x0  }
0xa0: {  	[sflag:s24] =	ssyncadd.s32 $0xFFFFC000  }
0xa1: {  	[spmem:s1] =	stream.indirect.scatter.add.f32 [tilespmem:s21], [sflag:$0x3], $0x80, s23, s18, $0xb8;
	[tilespmem:$0x1C200] =	vst v63  }
0xa2: {  	_ =	swait.ge [sflag:s17], $0x4000  }
0xa3: {  	s25 =	sadd.s32 $0x1, s25;
	[sflag:s17] =	ssyncset.done $0x0  }
0xa4: {  	p0 =	sne.s32 s25, s9;
	[sflag:s17] =	ssyncadd.s32 $0xFFFFC000  }
.Ltmp1:
0xa5: {  	[bflag:$0x0] =	sbarrier.arrive $0xFFFF;
	(pc) =	sbr.rel @p0 .LBB2_1-.Ltmp1, $4  }
0xa6: {  	[hbm:s8], [sflag:s6] =	dma.local [spmem:s16], $0x2800  }
0xa7: {  	_ =	swait.ge [sflag:s17], $0x2800  }
0xa8: {  	[sflag:s17] =	ssyncset.done $0x0  }
0xa9: {  	[sflag:s17] =	ssyncadd.s32 $0xFFFFD800  }
0xaa: {  	_ =	sfence.sel $0x180000  }
0xab: {  	[bflag:$0x0] =	sbarrier.arrive $0xFFFF  }
0xac: {  	p0 =	sne.s32 s2, $0x0;
	_ =	strace $0x9000004D  }
0xad: {  	s0 =	sadd.s32 @!p0 $0x100000, s0;
	[bflag:$0x2] =	sbarrier.arrive $0xFFFF  }
0xae: {  	[sflag:s0] =	ssyncadd.tile.s32 @!p0 $0x1;
	_ =	shalt  }
.Lfunc_end2:
_tile_overlayer_lowered:
.L_overlay_start_2:
0xaf: {  	(tag) =	ssettag $0x2  }
0xb0: {  	s0 =	rddreg [dreg:$0x0];
	s2 =	stileid.u32  }
0xb1: {  	s1 =	rddreg [dreg:$0x1];
	p0 =	sne.s32 s2, $0x0  }
0xb2: {  	s3 =	rddreg [dreg:$0x2];
	[bflag:$0x3] =	sbarrier.arrive $0xFFFF;
	s2 =	simm.s32 @!p0 $0x1C03  }
0xb3: {  	[timem:s3], [sflag:s2] =	dma.local @!p0 [hbm:s0], s1  }
0xb4: {  	s0 =	simm.s32 @!p0 $0x3  }
0xb5: {  	_ =	swait.ge @!p0 [sflag:s0], s1  }
0xb6: {  	s1 =	ssub.s32 @!p0 $0x0, s1;
	[sflag:s0] =	ssyncset.done @!p0 $0x0  }
0xb7: {  	[sflag:s0] =	ssyncadd.s32 @!p0 s1  }
0xb8: {  	[bflag:$0x3] =	sbarrier.arrive $0xFFFF  }
0xb9: {  	_ =	shalt  }

// kernel: kernel.20.cloned.1.call-start
scs
__scs_entry_jumppad:
0x0: {  	(pc) =	sbr.rel $0x88, $3  }
0x1: {  	(tag) =	ssettag $0x0;
	lr =	simm.s32 $0x1  }
0x2: {  	[smem:$0x3F92] =	sst lr;
	_ =	strace $0xD0000000  }
0x3: {  	_ = 	snop  }
0x4: {  	_ = 	snop  }
0x5: {  	_ = 	snop  }
0x6: {  	_ = 	snop  }
0x7: {  	_ = 	snop  }
__scs_overlays_trampoline_lowered:
0x8: {  	[smem:$0x3FA1] =	sst s0  }
0x9: {  	[smem:$0x3FA2] =	sst s1  }
0xa: {  	[smem:$0x3FA3] =	sst s2  }
0xb: {  	[smem:$0x3FA4] =	sst s3  }
0xc: {  	[smem:$0x3FA5] =	sst s4  }
0xd: {  	[smem:$0x3FA6] =	sst s5  }
0xe: {  	[smem:$0x3FA7] =	sst s6  }
0xf: {  	[smem:$0x3FA8] =	sst s7  }
0x10: {  	[smem:$0x3FA9] =	sst s8  }
0x11: {  	[smem:$0x3FAA] =	sst s9;
	s0 =	simm.s32 @!p0 $0x0  }
0x12: {  	s1 =	sld [smem:$0x3F90];
	s0 =	simm.s32 @p0 $0x1  }
0x13: {  	[smem:$0x3FAB] =	sst s0;
	s0 =	simm.s32 @!p1 $0x0  }
0x14: {  	s2 =	sld [smem:$0x3F8F];
	s0 =	simm.s32 @p1 $0x1  }
0x15: {  	[smem:$0x3FAC] =	sst s0;
	s0 =	simm.s32 @!p2 $0x0  }
0x16: {  	s3 =	sld [smem:$0x3FDB];
	s0 =	simm.s32 @p2 $0x1  }
0x17: {  	s4 =	simm.s32 $0x1BF5;
	[smem:$0x3FAE] =	sst s0  }
0x18: {  	s0 =	sld [smem:$0x3F91];
	_ =	swait.ge [sflag:s4], $0x0  }
0x19: {  	s7 =	sld [smem:$0x3F92]  }
0x1a: {  	s8 =	sadd.s32 $0xFFFFE003, lr  }
0x1b: {  	s9 =	sadd.s32 $0xFFFFFEF7, lr;
	s5 =	simm.s32 $0xFFFFFFFF;
	p2 =	slt.u32 s8, $0xFFFFF086  }
0x1c: {  	p1 =	slt.u32 s9, $0xF7A;
	s5 =	simm.s32 @!p2 $0x0  }
0x1d: {  	s5 =	simm.s32 @p1 $0x1;
	p0 =	seq.s32 s7, s2  }
0x1e: {  	s7 =	smul.u32 @!p0 $0xF7A, s2;
	p2 =	seq.s32 @!p0 s5, $0x0  }
0x1f: {  	s9 =	smul.u32 $0xF7A, s1;
	s8 =	simm.s32 @!p0 $0x1BF5;
	p2 =	por !p2, p0  }
0x20: {  	[sflag:s8] =	ssyncset.s32 @!p0 $0xFFFFF086;
	s6 =	sadd.s32 @!p0 s3, s7;
	s7 =	simm.s32 @!p0 $0x108  }
0x21: {  	s3 =	sadd.s32 s3, s9;
	s6 =	sadd.s32 @!p0 $0x88, s6;
	s7 =	simm.s32 @p2 $0x1082  }
0x22: {  	[simem:s7], [sflag:s8] =	dma.local @!p0 [hbm:s6], $0xF7A  }
0x23: {  	s9 =	sor.u32 $0xD0000000, s2;
	s6 =	simm.s32 $0x108;
	_ =	swait.ge @!p0 [sflag:s8], $0x0  }
0x24: {  	s3 =	sadd.s32 $0x88, s3;
	s6 =	simm.s32 @!p1 $0x1082;
	[sflag:s4] =	ssyncset.s32 $0xFFFFF086  }
0x25: {  	[simem:s6], [sflag:s4] =	dma.local [hbm:s3], $0xF7A  }
0x26: {  	[smem:$0x3F92] =	sst s1;
	(tag) =	ssettag s2;
	_ =	strace s9  }
0x27: {  	s1 =	sld [smem:$0x3FA2]  }
0x28: {  	s2 =	sld [smem:$0x3FA3]  }
0x29: {  	s4 =	sld [smem:$0x3FA5]  }
0x2a: {  	p0 =	seq.s32 s5, $0x0;
	s5 =	sld [smem:$0x3FA6]  }
0x2b: {  	s6 =	sld [smem:$0x3FA7]  }
0x2c: {  	s7 =	sld [smem:$0x3FA8]  }
0x2d: {  	s3 =	simm.s32 $0x108;
	s8 =	sld [smem:$0x3FA9]  }
0x2e: {  	s3 =	simm.s32 @!p0 $0x1082;
	s9 =	sld [smem:$0x3FAA]  }
0x2f: {  	lr =	sadd.s32 s0, s3;
	s0 =	sld [smem:$0x3FA1]  }
0x30: {  	s3 =	sld [smem:$0x3FA4]  }
0x31: {  	[smem:$0x3FAD] =	sst s10  }
0x32: {  	s10 =	sld [smem:$0x3FAB];
	_ =	sdelay $0x3  }
0x33: {  	p0 =	seq.s32 s10, $0x1;
	s10 =	sld [smem:$0x3FAD];
	_ =	sdelay $0x3  }
0x34: {  	[smem:$0x3FAD] =	sst s10  }
0x35: {  	s10 =	sld [smem:$0x3FAC];
	_ =	sdelay $0x3  }
0x36: {  	p1 =	seq.s32 s10, $0x1;
	s10 =	sld [smem:$0x3FAD];
	_ =	sdelay $0x3  }
0x37: {  	[smem:$0x3FAD] =	sst s10  }
0x38: {  	s10 =	sld [smem:$0x3FAE]  }
0x39: {  	_ = 	snop;
	(pc) =	sbr.ind lr, $3  }
0x3a: {  	_ = 	snop  }
0x3b: {  	_ = 	snop  }
0x3c: {  	p2 =	seq.s32 s10, $0x1;
	s10 =	sld [smem:$0x3FAD]  }
0x3d: {  	_ =	shalt  }
0x3e: {  	_ =	shalt  }
0x3f: {  	_ =	shalt  }
0x40: {  	_ =	shalt  }
0x41: {  	_ =	shalt  }
0x42: {  	_ =	shalt  }
0x43: {  	_ =	shalt  }
0x44: {  	_ =	shalt  }
0x45: {  	_ =	shalt  }
0x46: {  	_ =	shalt  }
0x47: {  	_ =	shalt  }
0x48: {  	_ =	shalt  }
0x49: {  	_ =	shalt  }
0x4a: {  	_ =	shalt  }
0x4b: {  	_ =	shalt  }
0x4c: {  	_ =	shalt  }
0x4d: {  	_ =	shalt  }
0x4e: {  	_ =	shalt  }
0x4f: {  	_ =	shalt  }
0x50: {  	_ =	shalt  }
0x51: {  	_ =	shalt  }
0x52: {  	_ =	shalt  }
0x53: {  	_ =	shalt  }
0x54: {  	_ =	shalt  }
0x55: {  	_ =	shalt  }
0x56: {  	_ =	shalt  }
0x57: {  	_ =	shalt  }
0x58: {  	_ =	shalt  }
0x59: {  	_ =	shalt  }
0x5a: {  	_ =	shalt  }
0x5b: {  	_ =	shalt  }
0x5c: {  	_ =	shalt  }
0x5d: {  	_ =	shalt  }
0x5e: {  	_ =	shalt  }
0x5f: {  	_ =	shalt  }
0x60: {  	_ =	shalt  }
0x61: {  	_ =	shalt  }
0x62: {  	_ =	shalt  }
0x63: {  	_ =	shalt  }
0x64: {  	_ =	shalt  }
0x65: {  	_ =	shalt  }
0x66: {  	_ =	shalt  }
0x67: {  	_ =	shalt  }
0x68: {  	_ =	shalt  }
0x69: {  	_ =	shalt  }
0x6a: {  	_ =	shalt  }
0x6b: {  	_ =	shalt  }
0x6c: {  	_ =	shalt  }
0x6d: {  	_ =	shalt  }
0x6e: {  	_ =	shalt  }
0x6f: {  	_ =	shalt  }
0x70: {  	_ =	shalt  }
0x71: {  	_ =	shalt  }
0x72: {  	_ =	shalt  }
0x73: {  	_ =	shalt  }
0x74: {  	_ =	shalt  }
0x75: {  	_ =	shalt  }
0x76: {  	_ =	shalt  }
0x77: {  	_ =	shalt  }
0x78: {  	_ =	shalt  }
0x79: {  	_ =	shalt  }
0x7a: {  	_ =	shalt  }
0x7b: {  	_ =	shalt  }
0x7c: {  	_ =	shalt  }
0x7d: {  	_ =	shalt  }
0x7e: {  	_ =	shalt  }
0x7f: {  	_ =	shalt  }
0x80: {  	_ =	shalt  }
0x81: {  	_ =	shalt  }
0x82: {  	_ =	shalt  }
0x83: {  	_ =	shalt  }
0x84: {  	_ =	shalt  }
0x85: {  	_ =	shalt  }
0x86: {  	_ =	shalt  }
0x87: {  	_ =	shalt  }
.Lfunc_end0:
.L_simem_size_0:
called_computation.3_lowered:
.L_overlay_start_0:
0x88: {  	s2 =	sld [smem:$0x3FD9]  }
0x89: {  	s3 =	sld [smem:$0x3FFE];
	_ =	sdelay $0x1  }
0x8a: {  	s1 =	srdreg.scid  }
0x8b: {  	s0 =	sand.u32 $0x1, s1  }
0x8c: {  	s17 =	sshll.u32 s0, $0xA;
	s2 =	sadd.s32 s3, s2  }
0x8d: {  	s2 =	sadd.s32 s2, s17  }
0x8e: {  	[smem:$0x3FB9] =	sst s2  }
0x8f: {  	_ = 	snop  }
0x90: {  	s2 =	sld [smem:$0x3FC0];
	(tm) =	ssettm $0x1  }
0x91: {  	s18 =	sld [smem:$0x3FFB];
	_ =	sdelay $0x3  }
0x92: {  	_ =	strace s18  }
0x93: {  	s3 =	sld [smem:$0x3FFC];
	_ =	sdelay $0x3  }
0x94: {  	_ =	strace s3  }
0x95: {  	s3 =	sld [smem:$0x3FFD];
	_ =	sdelay $0x3  }
0x96: {  	_ =	strace s3  }
0x97: {  	_ =	strace $0x8FFFFFFF  }
0x98: {  	s19 =	sld [smem:$0x3FDB];
	_ =	sdelay $0x1  }
0x99: {  	s4 =	simm.s32 $_scs_section_size  }
0x9a: {  	s5 =	simm.s32 $_size__tile_overlayer_lowered;
	s6 =	simm.s32 $_tile_overlayer_lowered  }
0x9b: {  	s22 =	simm.s32 $0x1BFF;
	s21 =	sshll.u32 s6, $0x1;
	s3 =	sadd.s32 s4, s19  }
0x9c: {  	s7 =	simm.s32 $0x0;
	s20 =	sshll.u32 s5, $0x1;
	s5 =	sadd.s32 s21, s3  }
0x9d: {  	[timem:s7], [sflag:s22] =	dma.local [hbm:s5], s20  }
0x9e: {  	_ =	swait.ge [sflag:s22], s20  }
0x9f: {  	s4 =	ssub.s32 $0x0, s20;
	[sflag:s22] =	ssyncset.done $0x0  }
0xa0: {  	[sflag:s22] =	ssyncadd.s32 s4;
	_ =	sdelay $0x1  }
0xa1: {  	s23 =	simm.s32 $0x1B8B  }
0xa2: {  	_ =	swait.ge [sflag:s23], $0x1  }
0xa3: {  	[sflag:s23] =	ssyncset.done $0x0  }
0xa4: {  	s25 =	simm.s32 $0x1B8E;
	s24 =	sld [smem:$0x3FFE];
	[sflag:s23] =	ssyncadd.s32 $0xFFFFFFFF  }
0xa5: {  	s26 =	simm.s32 $execute0_lowered;
	[smem:$0x3FD2] =	sst s25  }
0xa6: {  	s5 =	sshll.u32 s26, $0x1;
	_ =	strace $0x8000004F;
	[dreg:$0x1] =	wrdreg $0xFFFFFFFF  }
0xa7: {  	s28 =	simm.s32 $_size_execute0_lowered;
	s3 =	sadd.s32 s3, s5;
	[dreg:$0x0] =	wrdreg $0x0  }
0xa8: {  	s5 =	sshll.u32 s28, $0x1;
	[dreg:$0x2] =	wrdreg s3  }
0xa9: {  	[dreg:$0x3] =	wrdreg s5  }
0xaa: {  	[dreg:$0x4] =	wrdreg $0xC0  }
0xab: {  	_ =	task [dreg:s7], $0x5FFFF  }
0xac: {  	[dreg:$0x1] =	wrdreg $0xFFFFFFFF  }
0xad: {  	[dreg:$0x0] =	wrdreg $0x60  }
0xae: {  	[dreg:$0x2] =	wrdreg s24  }
0xaf: {  	[dreg:$0x3] =	wrdreg s2  }
0xb0: {  	[dreg:$0x4] =	wrdreg $0x9  }
0xb1: {  	_ =	task.clear_ibuf [dreg:s7], $0x5FFFF;
	_ =	strace $0x9000004F  }
0xb2: {  	s29 =	simm.s32 $0x9;
	_ =	strace $0x80000051  }
0xb3: {  	_ =	swait.ge [sflag:s29], $0x1  }
0xb4: {  	[sflag:s29] =	ssyncadd.s32 $0xFFFFFFFF  }
0xb5: {  	_ =	strace $0x90000051  }
0xb6: {  	_ =	sfence  }
0xb7: {  	s30 =	sld [smem:$0x0];
	_ =	sdelay $0x2  }
0xb8: {  	s31 =	sshll.u32 s1, $0xD;
	s1 =	sshrl.u32 s1, $0x2  }
0xb9: {  	s3 =	sand.u32 $0x4000, s31;
	s1 =	sadd.s32 s1, s30  }
0xba: {  	s0 =	sor.u32 s3, s0;
	s1 =	sshll.u32 s1, $0x11  }
0xbb: {  	s0 =	sor.u32 s1, s0  }
0xbc: {  	s0 =	sadd.s32 $0x8F2B, s0  }
0xbd: {  	[sflag:s0] =	ssyncadd.remote.s32 $0x1  }
0xbe: {  	_ =	sfence.sel $0xFFFF  }
0xbf: {  	[dreg:$0x0] =	wrdreg $0xFFFFFFFF;
	(pc) =	sbr.abs _section_cstart, $3  }
0xc0: {  	[dreg:$0x1] =	wrdreg $0xFFFFFFFF  }
0xc1: {  	_ =	task.clear_ibuf [dreg:s7], $0x2FFFF;
	_ =	strace $0x9FFFFFFF  }
0xc2: {  	(tm) =	ssettm $0x7FFFFFFF  }
0xc3: {  	_ =	shalt  }
tec
execute0_lowered:
.L_overlay_start_1:
0x0: {  	(tag) =	ssettag $0x1  }
0x1: {  	s0 =	rddreg [dreg:$0x0]  }
0x2: {  	s2 =	rddreg [dreg:$0x1];
	s1 =	simm.s32 $0x0  }
0x3: {  	s5 =	srdreg.scid;
	s15 =	stileid.u32;
	s20 =	simm.s32 $0x3  }
0x4: {  	s28 =	simm.s32 $0xCA00;
	s29 =	simm.s32 $0x10A00;
	s30 =	simm.s32 $0x14A00  }
0x5: {  	s31 =	simm.s32 $0x1;
	s11 =	sand.u32 $0x1, s5;
	s5 =	smul.u32 $0x2800, s15  }
0x6: {  	s19 =	simm.s32 $0x18A00;
	[smem:$0x7FF] =	sst s1;
	s22 =	smul.u32 $0x140000, s15  }
0x7: {  	s3 =	sadd.s32 $0xC4A00, s0;
	s8 =	sadd.s32 $0x335A00, s0;
	s15 =	smul.u32 $0x28000, s15  }
0x8: {  	s4 =	sadd.s32 $0xBAA00, s0;
	s10 =	sadd.s32 $0x164A00, s0;
	s7 =	smul.u32 $0x28000, s11  }
0x9: {  	s6 =	sadd.s32 $0x4200, s0;
	_ =	strace $0x80000050;
	s9 =	smul.u32 $0x1400000, s11  }
0xa: {  	s12 =	ssub.s32 $0x2, s11;
	s23 =	sshll.u32 s11, $0x4;
	s11 =	smul.u32 $0x280000, s11  }
0xb: {  	s13 =	sshrl.u32 s12, $0x1;
	s2 =	sadd.s32 s2, s23;
	s17 =	sor.u32 $0x100, s5  }
0xc: {  	s21 =	ssub.s32 s12, s13;
	s14 =	sadd.s32 s5, s7;
	s12 =	sadd.s32 s22, s9  }
0xd: {  	[dreg:$0x3] =	wrdreg s2;
	s16 =	sadd.s32 s15, s11;
	s22 =	simm.s32 $0x0  }
0xe: {  	s14 =	sshrl.u32 s14, $0x3;
	s25 =	sshrl.u32 s12, $0x3;
	s0 =	smax.u32 s21, $0x1  }
0xf: {  	s21 =	simm.s32 $0x80;
	s24 =	sadd.s32 s4, s14;
	[dreg:$0x7] =	wrdreg s0  }
0x10: {  	s26 =	sadd.s32 s6, s14;
	s2 =	sadd.s32 s8, s25;
	[dreg:$0x4] =	wrdreg s24  }
0x11: {  	s25 =	simm.s32 $0xC900;
	s0 =	simm.s32 $0xC100;
	[dreg:$0x5] =	wrdreg s26  }
0x12: {  	[dreg:$0x6] =	wrdreg s2;
	s26 =	simm.s32 $0xC980;
	s2 =	simm.s32 $0x2  }
.LBB2_1:
0x13: {  	s12 =	rddreg [dreg:$0x3];
	s13 =	simm.s32 $0x19200  }
0x14: {  	[tilespmem:s13], [sflag:$0x3] =	stream.linear.gather [hbm4b:s12+s1], $0x80, $0x38;
	[tilespmem:$0x19280] =	vst v63  }
0x15: {  	_ =	swait.ge [sflag:s20], $0x80  }
0x16: {  	[sflag:s20] =	ssyncset.done $0x0  }
0x17: {  	[sflag:s20] =	ssyncadd.s32 $0xFFFFFF80  }
0x18: {  	v0 =	vld [tilespmem:$0x19200]  }
0x19: {  	v1 =	vld [tilespmem:$0x19210]  }
0x1a: {  	v2 =	vld [tilespmem:$0x19220]  }
0x1b: {  	v3 =	vld [tilespmem:$0x19230]  }
0x1c: {  	v4 =	vld [tilespmem:$0x19240]  }
0x1d: {  	v5 =	vld [tilespmem:$0x19250]  }
0x1e: {  	s13 =	rddreg [dreg:$0x4];
	v6 =	vld [tilespmem:$0x19260]  }
0x1f: {  	v7 =	vld [tilespmem:$0x19270];
	[tilespmem:s1], [sflag:$0x3] =	stream.linear.gather [hbm4b:s13+s1], $0x80, $0x38  }
0x20: {  	_ =	swait.ge [sflag:s20], $0x80  }
0x21: {  	[sflag:s20] =	ssyncset.done $0x0  }
0x22: {  	s14 =	rddreg [dreg:$0x5];
	[sflag:s20] =	ssyncadd.s32 $0xFFFFFF80  }
0x23: {  	[tilespmem:s21], [sflag:$0x3] =	stream.linear.gather [hbm4b:s14+s1], $0x80, $0x38;
	[tilespmem:$0x19280] =	vst v63  }
0x24: {  	_ =	swait.ge [sflag:s20], $0x80  }
0x25: {  	[sflag:s20] =	ssyncset.done $0x0  }
0x26: {  	s15 =	simm.s32 $0x100;
	[sflag:s20] =	ssyncadd.s32 $0xFFFFFF80  }
0x27: {  	[tilespmem:s15], [sflag:$0x1] =	stream.indirect.gather [hbm4b:s3+s21], $0x80, s1, s21, $0xb8;
	[tilespmem:$0x19280] =	vst v63  }
0x28: {  	s18 =	simm.s32 $0x4100  }
0x29: {  	[tilespmem:s18], [sflag:$0x1] =	stream.indirect.gather [hbm4b:s3+s21], $0x80, s21, s21, $0xb8;
	[tilespmem:$0x19280] =	vst v63  }
0x2a: {  	s24 =	simm.s32 $0x8100;
	s23 =	rddreg [dreg:$0x6]  }
0x2b: {  	[tilespmem:s24], [sflag:$0x1] =	stream.linear.gather [hbm4b:s23+s1], $0x4000, $0x38;
	[tilespmem:$0x19280] =	vst v63  }
0x2c: {  	s23 =	simm.s32 $0x0  }
.LBB2_2:
0x2d: {  	s12 =	sshll.u32 s23, $0x8  }
0x2e: {  	s13 =	sadd.s32 s12, s5  }
0x2f: {  	s24 =	sadd.s32 $0x80, s13  }
0x30: {  	s13 =	sadd.s32 s7, s24  }
0x31: {  	s14 =	sshrl.u32 s13, $0x3  }
0x32: {  	s13 =	simm.s32 $0x0;
	s15 =	sadd.s32 s4, s14  }
0x33: {  	[tilespmem:s25], [sflag:$0x3] =	stream.linear.gather [hbm4b:s15+s13], $0x80, $0x38;
	[tilespmem:$0x19280] =	vst v63  }
0x34: {  	_ =	swait.ge [sflag:s20], $0x80  }
0x35: {  	[sflag:s20] =	ssyncset.done $0x0  }
0x36: {  	s14 =	sadd.s32 s6, s14;
	[sflag:s20] =	ssyncadd.s32 $0xFFFFFF80  }
0x37: {  	[tilespmem:s26], [sflag:$0x3] =	stream.linear.gather [hbm4b:s14+s13], $0x80, $0x38;
	[tilespmem:$0x19280] =	vst v63  }
0x38: {  	_ =	swait.ge [sflag:s20], $0x80  }
0x39: {  	s18 =	sshll.u32 s24, $0x7;
	[sflag:s20] =	ssyncset.done $0x0  }
0x3a: {  	s14 =	sadd.s32 s9, s18;
	[sflag:s20] =	ssyncadd.s32 $0xFFFFFF80  }
0x3b: {  	[tilespmem:s28], [sflag:$0x2] =	stream.indirect.gather [hbm4b:s3+s21], $0x80, s25, s21, $0xb8;
	[tilespmem:$0x19280] =	vst v63  }
0x3c: {  	s14 =	sshrl.u32 s14, $0x3  }
0x3d: {  	[tilespmem:s29], [sflag:$0x2] =	stream.indirect.gather [hbm4b:s3+s21], $0x80, s26, s21, $0xb8;
	[tilespmem:$0x19280] =	vst v63  }
0x3e: {  	s14 =	sadd.s32 s8, s14  }
0x3f: {  	[tilespmem:s30], [sflag:$0x2] =	stream.linear.gather [hbm4b:s14+s13], $0x4000, $0x38;
	[tilespmem:$0x19280] =	vst v63  }
0x40: {  	_ =	swait.ge [sflag:s31], $0x4000  }
0x41: {  	[sflag:s31] =	ssyncset.done $0x0  }
0x42: {  	[sflag:s31] =	ssyncadd.s32 $0xFFFFC000  }
0x43: {  	_ =	swait.ge [sflag:s31], $0x4000  }
0x44: {  	[sflag:s31] =	ssyncset.done $0x0  }
0x45: {  	[sflag:s31] =	ssyncadd.s32 $0xFFFFC000  }
0x46: {  	_ =	swait.ge [sflag:s31], $0x4000  }
0x47: {  	[sflag:s31] =	ssyncset.done $0x0  }
0x48: {  	[sflag:s31] =	ssyncadd.s32 $0xFFFFC000  }
.LBB2_3:
0x49: {  	s14 =	sshll.u32 s13, $0xA  }
0x4a: {  	v8 =	vld [tilespmem:s14+$0x100]  }
0x4b: {  	v9 =	vld [tilespmem:s14+$0x4100]  }
0x4c: {  	v10 =	vld [tilespmem:s14+$0x8100]  }
0x4d: {  	v11 =	vld [tilespmem:s14+$0x110]  }
0x4e: {  	v12 =	vld [tilespmem:s14+$0x4110]  }
0x4f: {  	v13 =	vld [tilespmem:s14+$0x8110]  }
0x50: {  	v14 =	vld [tilespmem:s14+$0x120]  }
0x51: {  	v15 =	vld [tilespmem:s14+$0x4120]  }
0x52: {  	v16 =	vld [tilespmem:s14+$0x8120]  }
0x53: {  	v17 =	vld [tilespmem:s14+$0x130]  }
0x54: {  	v18 =	vld [tilespmem:s14+$0x4130]  }
0x55: {  	v19 =	vld [tilespmem:s14+$0x8130]  }
0x56: {  	v20 =	vld [tilespmem:s14+$0x140]  }
0x57: {  	v32 =	vld [tilespmem:s14+$0x4140];
	v8 =	vadd.f32 v9, v8  }
0x58: {  	v21 =	vld [tilespmem:s14+$0x8140]  }
0x59: {  	v34 =	vld [tilespmem:s14+$0x150];
	v33 =	vadd.f32 v12, v11;
	v8 =	vadd.f32 v10, v8  }
0x5a: {  	v35 =	vld [tilespmem:s14+$0x4150]  }
0x5b: {  	v37 =	vld [tilespmem:s14+$0x8150];
	v36 =	vadd.f32 v15, v14;
	v10 =	vadd.f32 v13, v33;
	v8 =	vmax.f32 v8, $0.0e+00  }
0x5c: {  	v38 =	vld [tilespmem:s14+$0x160];
	v8 =	vmul.f32 v8, v0  }
0x5d: {  	v40 =	vld [tilespmem:s14+$0x4160];
	v39 =	vadd.f32 v18, v17;
	v13 =	vadd.f32 v16, v36;
	v10 =	vmax.f32 v10, $0.0e+00  }
0x5e: {  	v41 =	vld [tilespmem:s14+$0x8160];
	v10 =	vmul.f32 v10, v1;
	v8 =	vadd.f32 $0.0e+00, v8  }
0x5f: {  	v42 =	vld [tilespmem:s14+$0x170];
	v9 =	vadd.f32 v32, v20;
	v16 =	vadd.f32 v19, v39;
	v13 =	vmax.f32 v13, $0.0e+00  }
0x60: {  	v44 =	vld [tilespmem:s14+$0x4170];
	v43 =	vmul.f32 v13, v2;
	v8 =	vadd.f32 v10, v8  }
0x61: {  	v11 =	vadd.f32 v35, v34;
	v9 =	vadd.f32 v21, v9;
	v16 =	vmax.f32 v16, $0.0e+00  }
0x62: {  	v46 =	vld [tilespmem:s14+$0x8170];
	v45 =	vmul.f32 v16, v3;
	v8 =	vadd.f32 v43, v8  }
0x63: {  	v47 =	vadd.f32 v40, v38;
	v11 =	vadd.f32 v37, v11;
	v9 =	vmax.f32 v9, $0.0e+00  }
0x64: {  	v9 =	vmul.f32 v9, v4;
	v8 =	vadd.f32 v45, v8  }
0x65: {  	v49 =	vadd.f32 v41, v47;
	v48 =	vmax.f32 v11, $0.0e+00;
	v13 =	vadd.f32 v44, v42  }
0x66: {  	v50 =	vmul.f32 v48, v5;
	v8 =	vadd.f32 v9, v8  }
0x67: {  	v51 =	vmax.f32 v49, $0.0e+00;
	v52 =	vadd.f32 v46, v13  }
0x68: {  	v53 =	vmul.f32 v51, v6;
	v8 =	vadd.f32 v50, v8  }
0x69: {  	v54 =	vmax.f32 v52, $0.0e+00  }
0x6a: {  	v55 =	vmul.f32 v54, v7;
	v8 =	vadd.f32 v53, v8;
	_ =	sdelay $0x1  }
0x6b: {  	s15 =	sshll.u32 s13, $0x7;
	v8 =	vadd.f32 v55, v8  }
0x6c: {  	s15 =	sand.u32 $0x3FFFFF80, s15  }
0x6d: {  	[tilespmem:s15+$0xC100] =	vst v8  }
0x6e: {  	v8 =	vld [tilespmem:s14+$0x180]  }
0x6f: {  	v56 =	vld [tilespmem:s14+$0x4180]  }
0x70: {  	v57 =	vld [tilespmem:s14+$0x8180]  }
0x71: {  	v58 =	vld [tilespmem:s14+$0x190]  }
0x72: {  	v59 =	vld [tilespmem:s14+$0x4190]  }
0x73: {  	v60 =	vld [tilespmem:s14+$0x8190]  }
0x74: {  	v61 =	vld [tilespmem:s14+$0x1A0]  }
0x75: {  	v62 =	vld [tilespmem:s14+$0x41A0]  }
0x76: {  	v63 =	vld [tilespmem:s14+$0x81A0]  }
0x77: {  	v24 =	vld [tilespmem:s14+$0x1B0]  }
0x78: {  	v25 =	vld [tilespmem:s14+$0x41B0]  }
0x79: {  	v26 =	vld [tilespmem:s14+$0x81B0]  }
0x7a: {  	v27 =	vld [tilespmem:s14+$0x1C0]  }
0x7b: {  	v28 =	vld [tilespmem:s14+$0x41C0];
	v8 =	vadd.f32 v56, v8  }
0x7c: {  	v29 =	vld [tilespmem:s14+$0x81C0]  }
0x7d: {  	v31 =	vld [tilespmem:s14+$0x1D0];
	v30 =	vadd.f32 v59, v58;
	v8 =	vadd.f32 v57, v8  }
0x7e: {  	v32 =	vld [tilespmem:s14+$0x41D0]  }
0x7f: {  	v34 =	vld [tilespmem:s14+$0x81D0];
	v33 =	vadd.f32 v62, v61;
	v10 =	vadd.f32 v60, v30;
	v8 =	vmax.f32 v8, $0.0e+00  }
0x80: {  	v35 =	vld [tilespmem:s14+$0x1E0];
	v8 =	vmul.f32 v8, v0  }
0x81: {  	v37 =	vld [tilespmem:s14+$0x41E0];
	v36 =	vadd.f32 v25, v24;
	v13 =	vadd.f32 v63, v33;
	v10 =	vmax.f32 v10, $0.0e+00  }
0x82: {  	v38 =	vld [tilespmem:s14+$0x81E0];
	v10 =	vmul.f32 v10, v1;
	v8 =	vadd.f32 $0.0e+00, v8  }
0x83: {  	v39 =	vld [tilespmem:s14+$0x1F0];
	v9 =	vadd.f32 v28, v27;
	v16 =	vadd.f32 v26, v36;
	v13 =	vmax.f32 v13, $0.0e+00  }
0x84: {  	v41 =	vld [tilespmem:s14+$0x41F0];
	v40 =	vmul.f32 v13, v2;
	v8 =	vadd.f32 v10, v8  }
0x85: {  	v11 =	vadd.f32 v32, v31;
	v9 =	vadd.f32 v29, v9;
	v16 =	vmax.f32 v16, $0.0e+00  }
0x86: {  	v43 =	vld [tilespmem:s14+$0x81F0];
	v42 =	vmul.f32 v16, v3;
	v8 =	vadd.f32 v40, v8  }
0x87: {  	v44 =	vadd.f32 v37, v35;
	v11 =	vadd.f32 v34, v11;
	v9 =	vmax.f32 v9, $0.0e+00  }
0x88: {  	v9 =	vmul.f32 v9, v4;
	v8 =	vadd.f32 v42, v8  }
0x89: {  	v46 =	vadd.f32 v38, v44;
	v45 =	vmax.f32 v11, $0.0e+00;
	v13 =	vadd.f32 v41, v39  }
0x8a: {  	v47 =	vmul.f32 v45, v5;
	v8 =	vadd.f32 v9, v8  }
0x8b: {  	v48 =	vmax.f32 v46, $0.0e+00;
	v49 =	vadd.f32 v43, v13  }
0x8c: {  	v50 =	vmul.f32 v48, v6;
	v8 =	vadd.f32 v47, v8  }
0x8d: {  	v51 =	vmax.f32 v49, $0.0e+00  }
0x8e: {  	v52 =	vmul.f32 v51, v7;
	v8 =	vadd.f32 v50, v8;
	_ =	sdelay $0x1  }
0x8f: {  	v8 =	vadd.f32 v52, v8;
	_ =	sdelay $0x1  }
0x90: {  	[tilespmem:s15+$0xC110] =	vst v8  }
0x91: {  	v8 =	vld [tilespmem:s14+$0x200]  }
0x92: {  	v53 =	vld [tilespmem:s14+$0x4200]  }
0x93: {  	v54 =	vld [tilespmem:s14+$0x8200]  }
0x94: {  	v55 =	vld [tilespmem:s14+$0x210]  }
0x95: {  	v56 =	vld [tilespmem:s14+$0x4210]  }
0x96: {  	v57 =	vld [tilespmem:s14+$0x8210]  }
0x97: {  	v58 =	vld [tilespmem:s14+$0x220]  }
0x98: {  	v59 =	vld [tilespmem:s14+$0x4220]  }
0x99: {  	v60 =	vld [tilespmem:s14+$0x8220]  }
0x9a: {  	v61 =	vld [tilespmem:s14+$0x230]  }
0x9b: {  	v62 =	vld [tilespmem:s14+$0x4230]  }
0x9c: {  	v63 =	vld [tilespmem:s14+$0x8230]  }
0x9d: {  	v24 =	vld [tilespmem:s14+$0x240]  }
0x9e: {  	v25 =	vld [tilespmem:s14+$0x4240];
	v8 =	vadd.f32 v53, v8  }
0x9f: {  	v26 =	vld [tilespmem:s14+$0x8240]  }
0xa0: {  	v28 =	vld [tilespmem:s14+$0x250];
	v27 =	vadd.f32 v56, v55;
	v8 =	vadd.f32 v54, v8  }
0xa1: {  	v29 =	vld [tilespmem:s14+$0x4250]  }
0xa2: {  	v31 =	vld [tilespmem:s14+$0x8250];
	v30 =	vadd.f32 v59, v58;
	v10 =	vadd.f32 v57, v27;
	v8 =	vmax.f32 v8, $0.0e+00  }
0xa3: {  	v32 =	vld [tilespmem:s14+$0x260];
	v8 =	vmul.f32 v8, v0  }
0xa4: {  	v34 =	vld [tilespmem:s14+$0x4260];
	v33 =	vadd.f32 v62, v61;
	v13 =	vadd.f32 v60, v30;
	v10 =	vmax.f32 v10, $0.0e+00  }
0xa5: {  	v35 =	vld [tilespmem:s14+$0x8260];
	v10 =	vmul.f32 v10, v1;
	v8 =	vadd.f32 $0.0e+00, v8  }
0xa6: {  	v36 =	vld [tilespmem:s14+$0x270];
	v9 =	vadd.f32 v25, v24;
	v16 =	vadd.f32 v63, v33;
	v13 =	vmax.f32 v13, $0.0e+00  }
0xa7: {  	v38 =	vld [tilespmem:s14+$0x4270];
	v37 =	vmul.f32 v13, v2;
	v8 =	vadd.f32 v10, v8  }
0xa8: {  	v11 =	vadd.f32 v29, v28;
	v9 =	vadd.f32 v26, v9;
	v16 =	vmax.f32 v16, $0.0e+00  }
0xa9: {  	v40 =	vld [tilespmem:s14+$0x8270];
	v39 =	vmul.f32 v16, v3;
	v8 =	vadd.f32 v37, v8  }
0xaa: {  	v41 =	vadd.f32 v34, v32;
	v11 =	vadd.f32 v31, v11;
	v9 =	vmax.f32 v9, $0.0e+00  }
0xab: {  	v9 =	vmul.f32 v9, v4;
	v8 =	vadd.f32 v39, v8  }
0xac: {  	v43 =	vadd.f32 v35, v41;
	v42 =	vmax.f32 v11, $0.0e+00;
	v13 =	vadd.f32 v38, v36  }
0xad: {  	v44 =	vmul.f32 v42, v5;
	v8 =	vadd.f32 v9, v8  }
0xae: {  	v45 =	vmax.f32 v43, $0.0e+00;
	v46 =	vadd.f32 v40, v13  }
0xaf: {  	v47 =	vmul.f32 v45, v6;
	v8 =	vadd.f32 v44, v8  }
0xb0: {  	v48 =	vmax.f32 v46, $0.0e+00  }
0xb1: {  	v49 =	vmul.f32 v48, v7;
	v8 =	vadd.f32 v47, v8;
	_ =	sdelay $0x1  }
0xb2: {  	v8 =	vadd.f32 v49, v8;
	_ =	sdelay $0x1  }
0xb3: {  	[tilespmem:s15+$0xC120] =	vst v8  }
0xb4: {  	v8 =	vld [tilespmem:s14+$0x280]  }
0xb5: {  	v50 =	vld [tilespmem:s14+$0x4280]  }
0xb6: {  	v51 =	vld [tilespmem:s14+$0x8280]  }
0xb7: {  	v52 =	vld [tilespmem:s14+$0x290]  }
0xb8: {  	v53 =	vld [tilespmem:s14+$0x4290]  }
0xb9: {  	v54 =	vld [tilespmem:s14+$0x8290]  }
0xba: {  	v55 =	vld [tilespmem:s14+$0x2A0]  }
0xbb: {  	v56 =	vld [tilespmem:s14+$0x42A0]  }
0xbc: {  	v57 =	vld [tilespmem:s14+$0x82A0]  }
0xbd: {  	v58 =	vld [tilespmem:s14+$0x2B0]  }
0xbe: {  	v59 =	vld [tilespmem:s14+$0x42B0]  }
0xbf: {  	v60 =	vld [tilespmem:s14+$0x82B0]  }
0xc0: {  	v61 =	vld [tilespmem:s14+$0x2C0]  }
0xc1: {  	v62 =	vld [tilespmem:s14+$0x42C0];
	v8 =	vadd.f32 v50, v8  }
0xc2: {  	v63 =	vld [tilespmem:s14+$0x82C0]  }
0xc3: {  	v25 =	vld [tilespmem:s14+$0x2D0];
	v24 =	vadd.f32 v53, v52;
	v8 =	vadd.f32 v51, v8  }
0xc4: {  	v26 =	vld [tilespmem:s14+$0x42D0]  }
0xc5: {  	v28 =	vld [tilespmem:s14+$0x82D0];
	v27 =	vadd.f32 v56, v55;
	v10 =	vadd.f32 v54, v24;
	v8 =	vmax.f32 v8, $0.0e+00  }
0xc6: {  	v29 =	vld [tilespmem:s14+$0x2E0];
	v8 =	vmul.f32 v8, v0  }
0xc7: {  	v31 =	vld [tilespmem:s14+$0x42E0];
	v30 =	vadd.f32 v59, v58;
	v13 =	vadd.f32 v57, v27;
	v10 =	vmax.f32 v10, $0.0e+00  }
0xc8: {  	v32 =	vld [tilespmem:s14+$0x82E0];
	v10 =	vmul.f32 v10, v1;
	v8 =	vadd.f32 $0.0e+00, v8  }
0xc9: {  	v33 =	vld [tilespmem:s14+$0x2F0];
	v9 =	vadd.f32 v62, v61;
	v16 =	vadd.f32 v60, v30;
	v13 =	vmax.f32 v13, $0.0e+00  }
0xca: {  	v35 =	vld [tilespmem:s14+$0x42F0];
	v34 =	vmul.f32 v13, v2;
	v8 =	vadd.f32 v10, v8  }
0xcb: {  	v11 =	vadd.f32 v26, v25;
	v9 =	vadd.f32 v63, v9;
	v16 =	vmax.f32 v16, $0.0e+00  }
0xcc: {  	v37 =	vld [tilespmem:s14+$0x82F0];
	v36 =	vmul.f32 v16, v3;
	v8 =	vadd.f32 v34, v8  }
0xcd: {  	v38 =	vadd.f32 v31, v29;
	v11 =	vadd.f32 v28, v11;
	v9 =	vmax.f32 v9, $0.0e+00  }
0xce: {  	v9 =	vmul.f32 v9, v4;
	v8 =	vadd.f32 v36, v8  }
0xcf: {  	v40 =	vadd.f32 v32, v38;
	v39 =	vmax.f32 v11, $0.0e+00;
	v13 =	vadd.f32 v35, v33  }
0xd0: {  	v41 =	vmul.f32 v39, v5;
	v8 =	vadd.f32 v9, v8  }
0xd1: {  	v42 =	vmax.f32 v40, $0.0e+00;
	v43 =	vadd.f32 v37, v13  }
0xd2: {  	v44 =	vmul.f32 v42, v6;
	v8 =	vadd.f32 v41, v8  }
0xd3: {  	v45 =	vmax.f32 v43, $0.0e+00  }
0xd4: {  	v46 =	vmul.f32 v45, v7;
	v8 =	vadd.f32 v44, v8;
	_ =	sdelay $0x1  }
0xd5: {  	v8 =	vadd.f32 v46, v8;
	_ =	sdelay $0x1  }
0xd6: {  	[tilespmem:s15+$0xC130] =	vst v8  }
0xd7: {  	v8 =	vld [tilespmem:s14+$0x300]  }
0xd8: {  	v47 =	vld [tilespmem:s14+$0x4300]  }
0xd9: {  	v48 =	vld [tilespmem:s14+$0x8300]  }
0xda: {  	v49 =	vld [tilespmem:s14+$0x310]  }
0xdb: {  	v50 =	vld [tilespmem:s14+$0x4310]  }
0xdc: {  	v51 =	vld [tilespmem:s14+$0x8310]  }
0xdd: {  	v52 =	vld [tilespmem:s14+$0x320]  }
0xde: {  	v53 =	vld [tilespmem:s14+$0x4320]  }
0xdf: {  	v54 =	vld [tilespmem:s14+$0x8320]  }
0xe0: {  	v55 =	vld [tilespmem:s14+$0x330]  }
0xe1: {  	v56 =	vld [tilespmem:s14+$0x4330]  }
0xe2: {  	v57 =	vld [tilespmem:s14+$0x8330]  }
0xe3: {  	v58 =	vld [tilespmem:s14+$0x340]  }
0xe4: {  	v59 =	vld [tilespmem:s14+$0x4340];
	v8 =	vadd.f32 v47, v8  }
0xe5: {  	v60 =	vld [tilespmem:s14+$0x8340]  }
0xe6: {  	v62 =	vld [tilespmem:s14+$0x350];
	v61 =	vadd.f32 v50, v49;
	v8 =	vadd.f32 v48, v8  }
0xe7: {  	v63 =	vld [tilespmem:s14+$0x4350]  }
0xe8: {  	v23 =	vld [tilespmem:s14+$0x8350];
	v22 =	vadd.f32 v53, v52;
	v10 =	vadd.f32 v51, v61;
	v8 =	vmax.f32 v8, $0.0e+00  }
0xe9: {  	v24 =	vld [tilespmem:s14+$0x360];
	v8 =	vmul.f32 v8, v0  }
0xea: {  	v26 =	vld [tilespmem:s14+$0x4360];
	v25 =	vadd.f32 v56, v55;
	v13 =	vadd.f32 v54, v22;
	v10 =	vmax.f32 v10, $0.0e+00  }
0xeb: {  	v27 =	vld [tilespmem:s14+$0x8360];
	v10 =	vmul.f32 v10, v1;
	v8 =	vadd.f32 $0.0e+00, v8  }
0xec: {  	v28 =	vld [tilespmem:s14+$0x370];
	v9 =	vadd.f32 v59, v58;
	v16 =	vadd.f32 v57, v25;
	v13 =	vmax.f32 v13, $0.0e+00  }
0xed: {  	v30 =	vld [tilespmem:s14+$0x4370];
	v29 =	vmul.f32 v13, v2;
	v8 =	vadd.f32 v10, v8  }
0xee: {  	v11 =	vadd.f32 v63, v62;
	v9 =	vadd.f32 v60, v9;
	v16 =	vmax.f32 v16, $0.0e+00  }
0xef: {  	v32 =	vld [tilespmem:s14+$0x8370];
	v31 =	vmul.f32 v16, v3;
	v8 =	vadd.f32 v29, v8  }
0xf0: {  	v33 =	vadd.f32 v26, v24;
	v11 =	vadd.f32 v23, v11;
	v9 =	vmax.f32 v9, $0.0e+00  }
0xf1: {  	v9 =	vmul.f32 v9, v4;
	v8 =	vadd.f32 v31, v8  }
0xf2: {  	v35 =	vadd.f32 v27, v33;
	v34 =	vmax.f32 v11, $0.0e+00;
	v13 =	vadd.f32 v30, v28  }
0xf3: {  	v36 =	vmul.f32 v34, v5;
	v8 =	vadd.f32 v9, v8  }
0xf4: {  	v37 =	vmax.f32 v35, $0.0e+00;
	v38 =	vadd.f32 v32, v13  }
0xf5: {  	v39 =	vmul.f32 v37, v6;
	v8 =	vadd.f32 v36, v8  }
0xf6: {  	v40 =	vmax.f32 v38, $0.0e+00  }
0xf7: {  	v41 =	vmul.f32 v40, v7;
	v8 =	vadd.f32 v39, v8;
	_ =	sdelay $0x1  }
0xf8: {  	v8 =	vadd.f32 v41, v8;
	_ =	sdelay $0x1  }
0xf9: {  	[tilespmem:s15+$0xC140] =	vst v8  }
0xfa: {  	v8 =	vld [tilespmem:s14+$0x380]  }
0xfb: {  	v42 =	vld [tilespmem:s14+$0x4380]  }
0xfc: {  	v43 =	vld [tilespmem:s14+$0x8380]  }
0xfd: {  	v44 =	vld [tilespmem:s14+$0x390]  }
0xfe: {  	v45 =	vld [tilespmem:s14+$0x4390]  }
0xff: {  	v46 =	vld [tilespmem:s14+$0x8390]  }
0x100: {  	v47 =	vld [tilespmem:s14+$0x3A0]  }
0x101: {  	v48 =	vld [tilespmem:s14+$0x43A0]  }
0x102: {  	v49 =	vld [tilespmem:s14+$0x83A0]  }
0x103: {  	v50 =	vld [tilespmem:s14+$0x3B0]  }
0x104: {  	v51 =	vld [tilespmem:s14+$0x43B0]  }
0x105: {  	v52 =	vld [tilespmem:s14+$0x83B0]  }
0x106: {  	v53 =	vld [tilespmem:s14+$0x3C0]  }
0x107: {  	v54 =	vld [tilespmem:s14+$0x43C0];
	v8 =	vadd.f32 v42, v8  }
0x108: {  	v55 =	vld [tilespmem:s14+$0x83C0]  }
0x109: {  	v57 =	vld [tilespmem:s14+$0x3D0];
	v56 =	vadd.f32 v45, v44;
	v8 =	vadd.f32 v43, v8  }
0x10a: {  	v58 =	vld [tilespmem:s14+$0x43D0]  }
0x10b: {  	v60 =	vld [tilespmem:s14+$0x83D0];
	v59 =	vadd.f32 v48, v47;
	v10 =	vadd.f32 v46, v56;
	v8 =	vmax.f32 v8, $0.0e+00  }
0x10c: {  	v61 =	vld [tilespmem:s14+$0x3E0];
	v8 =	vmul.f32 v8, v0  }
0x10d: {  	v63 =	vld [tilespmem:s14+$0x43E0];
	v62 =	vadd.f32 v51, v50;
	v13 =	vadd.f32 v49, v59;
	v10 =	vmax.f32 v10, $0.0e+00  }
0x10e: {  	v22 =	vld [tilespmem:s14+$0x83E0];
	v10 =	vmul.f32 v10, v1;
	v8 =	vadd.f32 $0.0e+00, v8  }
0x10f: {  	v23 =	vld [tilespmem:s14+$0x3F0];
	v9 =	vadd.f32 v54, v53;
	v16 =	vadd.f32 v52, v62;
	v13 =	vmax.f32 v13, $0.0e+00  }
0x110: {  	v25 =	vld [tilespmem:s14+$0x43F0];
	v24 =	vmul.f32 v13, v2;
	v8 =	vadd.f32 v10, v8  }
0x111: {  	v11 =	vadd.f32 v58, v57;
	v9 =	vadd.f32 v55, v9;
	v16 =	vmax.f32 v16, $0.0e+00  }
0x112: {  	v27 =	vld [tilespmem:s14+$0x83F0];
	v26 =	vmul.f32 v16, v3;
	v8 =	vadd.f32 v24, v8  }
0x113: {  	v28 =	vadd.f32 v63, v61;
	v11 =	vadd.f32 v60, v11;
	v9 =	vmax.f32 v9, $0.0e+00  }
0x114: {  	v9 =	vmul.f32 v9, v4;
	v8 =	vadd.f32 v26, v8  }
0x115: {  	v30 =	vadd.f32 v22, v28;
	v29 =	vmax.f32 v11, $0.0e+00;
	v13 =	vadd.f32 v25, v23  }
0x116: {  	v31 =	vmul.f32 v29, v5;
	v8 =	vadd.f32 v9, v8  }
0x117: {  	v32 =	vmax.f32 v30, $0.0e+00;
	v33 =	vadd.f32 v27, v13  }
0x118: {  	v34 =	vmul.f32 v32, v6;
	v8 =	vadd.f32 v31, v8  }
0x119: {  	v35 =	vmax.f32 v33, $0.0e+00  }
0x11a: {  	v36 =	vmul.f32 v35, v7;
	v8 =	vadd.f32 v34, v8;
	_ =	sdelay $0x1  }
0x11b: {  	v8 =	vadd.f32 v36, v8;
	_ =	sdelay $0x1  }
0x11c: {  	[tilespmem:s15+$0xC150] =	vst v8  }
0x11d: {  	v8 =	vld [tilespmem:s14+$0x400]  }
0x11e: {  	v37 =	vld [tilespmem:s14+$0x4400]  }
0x11f: {  	v38 =	vld [tilespmem:s14+$0x8400]  }
0x120: {  	v39 =	vld [tilespmem:s14+$0x410]  }
0x121: {  	v40 =	vld [tilespmem:s14+$0x4410]  }
0x122: {  	v41 =	vld [tilespmem:s14+$0x8410]  }
0x123: {  	v42 =	vld [tilespmem:s14+$0x420]  }
0x124: {  	v43 =	vld [tilespmem:s14+$0x4420]  }
0x125: {  	v44 =	vld [tilespmem:s14+$0x8420]  }
0x126: {  	v45 =	vld [tilespmem:s14+$0x430]  }
0x127: {  	v46 =	vld [tilespmem:s14+$0x4430]  }
0x128: {  	v47 =	vld [tilespmem:s14+$0x8430]  }
0x129: {  	v48 =	vld [tilespmem:s14+$0x440]  }
0x12a: {  	v49 =	vld [tilespmem:s14+$0x4440];
	v8 =	vadd.f32 v37, v8  }
0x12b: {  	v50 =	vld [tilespmem:s14+$0x8440]  }
0x12c: {  	v52 =	vld [tilespmem:s14+$0x450];
	v51 =	vadd.f32 v40, v39;
	v8 =	vadd.f32 v38, v8  }
0x12d: {  	v53 =	vld [tilespmem:s14+$0x4450]  }
0x12e: {  	v55 =	vld [tilespmem:s14+$0x8450];
	v54 =	vadd.f32 v43, v42;
	v10 =	vadd.f32 v41, v51;
	v8 =	vmax.f32 v8, $0.0e+00  }
0x12f: {  	v56 =	vld [tilespmem:s14+$0x460];
	v8 =	vmul.f32 v8, v0  }
0x130: {  	v58 =	vld [tilespmem:s14+$0x4460];
	v57 =	vadd.f32 v46, v45;
	v13 =	vadd.f32 v44, v54;
	v10 =	vmax.f32 v10, $0.0e+00  }
0x131: {  	v59 =	vld [tilespmem:s14+$0x8460];
	v10 =	vmul.f32 v10, v1;
	v8 =	vadd.f32 $0.0e+00, v8  }
0x132: {  	v60 =	vld [tilespmem:s14+$0x470];
	v9 =	vadd.f32 v49, v48;
	v16 =	vadd.f32 v47, v57;
	v13 =	vmax.f32 v13, $0.0e+00  }
0x133: {  	v62 =	vld [tilespmem:s14+$0x4470];
	v61 =	vmul.f32 v13, v2;
	v8 =	vadd.f32 v10, v8  }
0x134: {  	v11 =	vadd.f32 v53, v52;
	v9 =	vadd.f32 v50, v9;
	v16 =	vmax.f32 v16, $0.0e+00  }
0x135: {  	v63 =	vmul.f32 v16, v3;
	v16 =	vld [tilespmem:s14+$0x8470];
	v8 =	vadd.f32 v61, v8  }
0x136: {  	v17 =	vadd.f32 v58, v56;
	v11 =	vadd.f32 v55, v11;
	v9 =	vmax.f32 v9, $0.0e+00  }
0x137: {  	v9 =	vmul.f32 v9, v4;
	v8 =	vadd.f32 v63, v8  }
0x138: {  	v21 =	vadd.f32 v59, v17;
	v20 =	vmax.f32 v11, $0.0e+00;
	v13 =	vadd.f32 v62, v60  }
0x139: {  	v22 =	vmul.f32 v20, v5;
	v8 =	vadd.f32 v9, v8  }
0x13a: {  	v23 =	vmax.f32 v21, $0.0e+00;
	v24 =	vadd.f32 v16, v13  }
0x13b: {  	v25 =	vmul.f32 v23, v6;
	v8 =	vadd.f32 v22, v8  }
0x13c: {  	v26 =	vmax.f32 v24, $0.0e+00  }
0x13d: {  	v27 =	vmul.f32 v26, v7;
	v8 =	vadd.f32 v25, v8;
	_ =	sdelay $0x1  }
0x13e: {  	v8 =	vadd.f32 v27, v8;
	_ =	sdelay $0x1  }
0x13f: {  	[tilespmem:s15+$0xC160] =	vst v8  }
0x140: {  	v8 =	vld [tilespmem:s14+$0x480]  }
0x141: {  	v28 =	vld [tilespmem:s14+$0x4480]  }
0x142: {  	v29 =	vld [tilespmem:s14+$0x8480]  }
0x143: {  	v30 =	vld [tilespmem:s14+$0x490]  }
0x144: {  	v31 =	vld [tilespmem:s14+$0x4490]  }
0x145: {  	v32 =	vld [tilespmem:s14+$0x8490]  }
0x146: {  	v33 =	vld [tilespmem:s14+$0x4A0]  }
0x147: {  	v34 =	vld [tilespmem:s14+$0x44A0]  }
0x148: {  	v35 =	vld [tilespmem:s14+$0x84A0]  }
0x149: {  	v36 =	vld [tilespmem:s14+$0x4B0]  }
0x14a: {  	v37 =	vld [tilespmem:s14+$0x44B0]  }
0x14b: {  	v38 =	vld [tilespmem:s14+$0x84B0]  }
0x14c: {  	v39 =	vld [tilespmem:s14+$0x4C0]  }
0x14d: {  	v40 =	vld [tilespmem:s14+$0x44C0];
	v8 =	vadd.f32 v28, v8  }
0x14e: {  	v41 =	vld [tilespmem:s14+$0x84C0]  }
0x14f: {  	v43 =	vld [tilespmem:s14+$0x4D0];
	v42 =	vadd.f32 v31, v30;
	v8 =	vadd.f32 v29, v8  }
0x150: {  	v44 =	vld [tilespmem:s14+$0x44D0]  }
0x151: {  	v46 =	vld [tilespmem:s14+$0x84D0];
	v45 =	vadd.f32 v34, v33;
	v10 =	vadd.f32 v32, v42;
	v8 =	vmax.f32 v8, $0.0e+00  }
0x152: {  	v47 =	vld [tilespmem:s14+$0x4E0];
	v8 =	vmul.f32 v8, v0  }
0x153: {  	v49 =	vld [tilespmem:s14+$0x44E0];
	v48 =	vadd.f32 v37, v36;
	v13 =	vadd.f32 v35, v45;
	v10 =	vmax.f32 v10, $0.0e+00  }
0x154: {  	v50 =	vld [tilespmem:s14+$0x84E0];
	v10 =	vmul.f32 v10, v1;
	v8 =	vadd.f32 $0.0e+00, v8  }
0x155: {  	v51 =	vld [tilespmem:s14+$0x4F0];
	v9 =	vadd.f32 v40, v39;
	v16 =	vadd.f32 v38, v48;
	v13 =	vmax.f32 v13, $0.0e+00  }
0x156: {  	v53 =	vld [tilespmem:s14+$0x44F0];
	v52 =	vmul.f32 v13, v2;
	v8 =	vadd.f32 v10, v8  }
0x157: {  	v11 =	vadd.f32 v44, v43;
	v9 =	vadd.f32 v41, v9;
	v54 =	vmax.f32 v16, $0.0e+00  }
0x158: {  	v56 =	vld [tilespmem:s14+$0x84F0];
	v55 =	vmul.f32 v54, v3;
	v8 =	vadd.f32 v52, v8  }
0x159: {  	v57 =	vadd.f32 v49, v47;
	v11 =	vadd.f32 v46, v11;
	v9 =	vmax.f32 v9, $0.0e+00  }
0x15a: {  	v9 =	vmul.f32 v9, v4;
	v8 =	vadd.f32 v55, v8  }
0x15b: {  	v58 =	vadd.f32 v50, v57;
	v11 =	vmax.f32 v11, $0.0e+00;
	v13 =	vadd.f32 v53, v51  }
0x15c: {  	v59 =	vmul.f32 v11, v5;
	v8 =	vadd.f32 v9, v8  }
0x15d: {  	v60 =	vadd.f32 v56, v13;
	v10 =	vmax.f32 v58, $0.0e+00  }
0x15e: {  	v61 =	vmul.f32 v10, v6;
	v8 =	vadd.f32 v59, v8  }
0x15f: {  	p0 =	sne.s32 s13, $0xF;
	v62 =	vmax.f32 v60, $0.0e+00  }
.Ltmp0:
0x160: {  	v63 =	vmul.f32 v62, v7;
	v8 =	vadd.f32 v61, v8;
	(pc) =	sbr.rel @p0 .LBB2_3-.Ltmp0, $3  }
0x161: {  	_ = 	snop  }
0x162: {  	v8 =	vadd.f32 v63, v8;
	_ =	sdelay $0x1  }
0x163: {  	s13 =	sadd.s32 $0x1, s13;
	[tilespmem:s15+$0xC170] =	vst v8  }
0x164: {  	s13 =	sshll.u32 s23, $0xC  }
0x165: {  	s13 =	sadd.s32 s13, s16  }
0x166: {  	p0 =	seq.s32 s23, $0x27;
	s13 =	sshrl.u32 s13, $0x3  }
0x167: {  	s12 =	sadd.s32 @!p0 s12, s17;
	s13 =	sadd.s32 s10, s13  }
0x168: {  	[hbm4b:s13+s1] =	stream.linear.scatter [tilespmem:s0], [sflag:$0x3], $0x800, $0x38;
	[tilespmem:$0x19280] =	vst v63  }
0x169: {  	s13 =	sadd.s32 @!p0 s7, s12;
	_ =	swait.ge [sflag:s20], $0x800  }
0x16a: {  	s13 =	sshrl.u32 @!p0 s13, $0x3;
	[sflag:s20] =	ssyncset.done $0x0  }
0x16b: {  	s15 =	simm.s32 @!p0 $0x0;
	s14 =	sadd.s32 @!p0 s4, s13;
	[sflag:s20] =	ssyncadd.s32 $0xFFFFF800  }
0x16c: {  	[tilespmem:s15], [sflag:$0x3] =	stream.linear.gather @!p0 [hbm4b:s14+s15], $0x80, $0x38;
	[tilespmem:$0x19280] =	vst v63  }
0x16d: {  	s14 =	simm.s32 @!p0 $0x3  }
0x16e: {  	_ =	swait.ge @!p0 [sflag:s14], $0x80  }
0x16f: {  	[sflag:s14] =	ssyncset.done @!p0 $0x0  }
0x170: {  	s18 =	simm.s32 @!p0 $0x80;
	s13 =	sadd.s32 @!p0 s6, s13;
	[sflag:s14] =	ssyncadd.s32 @!p0 $0xFFFFFF80  }
0x171: {  	[tilespmem:s18], [sflag:$0x3] =	stream.linear.gather @!p0 [hbm4b:s13+s15], $0x80, $0x38;
	[tilespmem:$0x19280] =	vst v63  }
0x172: {  	_ =	swait.ge @!p0 [sflag:s14], $0x80  }
0x173: {  	s12 =	sshll.u32 @!p0 s12, $0x7;
	[sflag:s14] =	ssyncset.done @!p0 $0x0  }
0x174: {  	s12 =	sadd.s32 @!p0 s9, s12;
	s13 =	simm.s32 @!p0 $0x100;
	[sflag:s14] =	ssyncadd.s32 @!p0 $0xFFFFFF80  }
0x175: {  	[tilespmem:s13], [sflag:$0x1] =	stream.indirect.gather @!p0 [hbm4b:s3+s18], $0x80, s15, s18, $0xb8;
	[tilespmem:$0x19280] =	vst v63  }
0x176: {  	s12 =	sshrl.u32 @!p0 s12, $0x3;
	s13 =	simm.s32 @!p0 $0x4100  }
0x177: {  	[tilespmem:s13], [sflag:$0x1] =	stream.indirect.gather @!p0 [hbm4b:s3+s18], $0x80, s18, s18, $0xb8;
	[tilespmem:$0x19280] =	vst v63  }
0x178: {  	s12 =	sadd.s32 @!p0 s8, s12;
	s13 =	simm.s32 @!p0 $0x8100  }
0x179: {  	[tilespmem:s13], [sflag:$0x1] =	stream.linear.gather @!p0 [hbm4b:s12+s15], $0x4000, $0x38;
	[tilespmem:$0x19280] =	vst v63  }
0x17a: {  	_ =	swait.ge [sflag:s2], $0x4000  }
0x17b: {  	[sflag:s2] =	ssyncset.done $0x0  }
0x17c: {  	[sflag:s2] =	ssyncadd.s32 $0xFFFFC000  }
0x17d: {  	_ =	swait.ge [sflag:s2], $0x4000  }
0x17e: {  	[sflag:s2] =	ssyncset.done $0x0  }
0x17f: {  	[sflag:s2] =	ssyncadd.s32 $0xFFFFC000  }
0x180: {  	_ =	swait.ge [sflag:s2], $0x4000  }
0x181: {  	[sflag:s2] =	ssyncset.done $0x0  }
0x182: {  	s12 =	simm.s32 $0x0;
	[sflag:s2] =	ssyncadd.s32 $0xFFFFC000  }
.LBB2_5:
0x183: {  	s13 =	sshll.u32 s12, $0xA  }
0x184: {  	v8 =	vld [tilespmem:s13+$0xCA00]  }
0x185: {  	v9 =	vld [tilespmem:s13+$0x10A00]  }
0x186: {  	v10 =	vld [tilespmem:s13+$0x14A00]  }
0x187: {  	v11 =	vld [tilespmem:s13+$0xCA10]  }
0x188: {  	v12 =	vld [tilespmem:s13+$0x10A10]  }
0x189: {  	v13 =	vld [tilespmem:s13+$0x14A10]  }
0x18a: {  	v14 =	vld [tilespmem:s13+$0xCA20]  }
0x18b: {  	v15 =	vld [tilespmem:s13+$0x10A20]  }
0x18c: {  	v16 =	vld [tilespmem:s13+$0x14A20]  }
0x18d: {  	v17 =	vld [tilespmem:s13+$0xCA30]  }
0x18e: {  	v18 =	vld [tilespmem:s13+$0x10A30]  }
0x18f: {  	v19 =	vld [tilespmem:s13+$0x14A30]  }
0x190: {  	v20 =	vld [tilespmem:s13+$0xCA40]  }
0x191: {  	v32 =	vld [tilespmem:s13+$0x10A40];
	v8 =	vadd.f32 v9, v8  }
0x192: {  	v21 =	vld [tilespmem:s13+$0x14A40]  }
0x193: {  	v34 =	vld [tilespmem:s13+$0xCA50];
	v33 =	vadd.f32 v12, v11;
	v8 =	vadd.f32 v10, v8  }
0x194: {  	v35 =	vld [tilespmem:s13+$0x10A50]  }
0x195: {  	v37 =	vld [tilespmem:s13+$0x14A50];
	v36 =	vadd.f32 v15, v14;
	v10 =	vadd.f32 v13, v33;
	v8 =	vmax.f32 v8, $0.0e+00  }
0x196: {  	v38 =	vld [tilespmem:s13+$0xCA60];
	v8 =	vmul.f32 v8, v0  }
0x197: {  	v40 =	vld [tilespmem:s13+$0x10A60];
	v39 =	vadd.f32 v18, v17;
	v13 =	vadd.f32 v16, v36;
	v10 =	vmax.f32 v10, $0.0e+00  }
0x198: {  	v41 =	vld [tilespmem:s13+$0x14A60];
	v10 =	vmul.f32 v10, v1;
	v8 =	vadd.f32 $0.0e+00, v8  }
0x199: {  	v42 =	vld [tilespmem:s13+$0xCA70];
	v9 =	vadd.f32 v32, v20;
	v16 =	vadd.f32 v19, v39;
	v13 =	vmax.f32 v13, $0.0e+00  }
0x19a: {  	v44 =	vld [tilespmem:s13+$0x10A70];
	v43 =	vmul.f32 v13, v2;
	v8 =	vadd.f32 v10, v8  }
0x19b: {  	v11 =	vadd.f32 v35, v34;
	v9 =	vadd.f32 v21, v9;
	v16 =	vmax.f32 v16, $0.0e+00  }
0x19c: {  	v46 =	vld [tilespmem:s13+$0x14A70];
	v45 =	vmul.f32 v16, v3;
	v8 =	vadd.f32 v43, v8  }
0x19d: {  	v47 =	vadd.f32 v40, v38;
	v11 =	vadd.f32 v37, v11;
	v9 =	vmax.f32 v9, $0.0e+00  }
0x19e: {  	v9 =	vmul.f32 v9, v4;
	v8 =	vadd.f32 v45, v8  }
0x19f: {  	v49 =	vadd.f32 v41, v47;
	v48 =	vmax.f32 v11, $0.0e+00;
	v13 =	vadd.f32 v44, v42  }
0x1a0: {  	v50 =	vmul.f32 v48, v5;
	v8 =	vadd.f32 v9, v8  }
0x1a1: {  	v51 =	vmax.f32 v49, $0.0e+00;
	v52 =	vadd.f32 v46, v13  }
0x1a2: {  	v53 =	vmul.f32 v51, v6;
	v8 =	vadd.f32 v50, v8  }
0x1a3: {  	v54 =	vmax.f32 v52, $0.0e+00  }
0x1a4: {  	v55 =	vmul.f32 v54, v7;
	v8 =	vadd.f32 v53, v8;
	_ =	sdelay $0x1  }
0x1a5: {  	s14 =	sshll.u32 s12, $0x7;
	v8 =	vadd.f32 v55, v8  }
0x1a6: {  	s14 =	sand.u32 $0x3FFFFF80, s14  }
0x1a7: {  	[tilespmem:s14+$0x18A00] =	vst v8  }
0x1a8: {  	v8 =	vld [tilespmem:s13+$0xCA80]  }
0x1a9: {  	v56 =	vld [tilespmem:s13+$0x10A80]  }
0x1aa: {  	v57 =	vld [tilespmem:s13+$0x14A80]  }
0x1ab: {  	v58 =	vld [tilespmem:s13+$0xCA90]  }
0x1ac: {  	v59 =	vld [tilespmem:s13+$0x10A90]  }
0x1ad: {  	v60 =	vld [tilespmem:s13+$0x14A90]  }
0x1ae: {  	v61 =	vld [tilespmem:s13+$0xCAA0]  }
0x1af: {  	v62 =	vld [tilespmem:s13+$0x10AA0]  }
0x1b0: {  	v63 =	vld [tilespmem:s13+$0x14AA0]  }
0x1b1: {  	v24 =	vld [tilespmem:s13+$0xCAB0]  }
0x1b2: {  	v25 =	vld [tilespmem:s13+$0x10AB0]  }
0x1b3: {  	v26 =	vld [tilespmem:s13+$0x14AB0]  }
0x1b4: {  	v27 =	vld [tilespmem:s13+$0xCAC0]  }
0x1b5: {  	v28 =	vld [tilespmem:s13+$0x10AC0];
	v8 =	vadd.f32 v56, v8  }
0x1b6: {  	v29 =	vld [tilespmem:s13+$0x14AC0]  }
0x1b7: {  	v31 =	vld [tilespmem:s13+$0xCAD0];
	v30 =	vadd.f32 v59, v58;
	v8 =	vadd.f32 v57, v8  }
0x1b8: {  	v32 =	vld [tilespmem:s13+$0x10AD0]  }
0x1b9: {  	v34 =	vld [tilespmem:s13+$0x14AD0];
	v33 =	vadd.f32 v62, v61;
	v10 =	vadd.f32 v60, v30;
	v8 =	vmax.f32 v8, $0.0e+00  }
0x1ba: {  	v35 =	vld [tilespmem:s13+$0xCAE0];
	v8 =	vmul.f32 v8, v0  }
0x1bb: {  	v37 =	vld [tilespmem:s13+$0x10AE0];
	v36 =	vadd.f32 v25, v24;
	v13 =	vadd.f32 v63, v33;
	v10 =	vmax.f32 v10, $0.0e+00  }
0x1bc: {  	v38 =	vld [tilespmem:s13+$0x14AE0];
	v10 =	vmul.f32 v10, v1;
	v8 =	vadd.f32 $0.0e+00, v8  }
0x1bd: {  	v39 =	vld [tilespmem:s13+$0xCAF0];
	v9 =	vadd.f32 v28, v27;
	v16 =	vadd.f32 v26, v36;
	v13 =	vmax.f32 v13, $0.0e+00  }
0x1be: {  	v41 =	vld [tilespmem:s13+$0x10AF0];
	v40 =	vmul.f32 v13, v2;
	v8 =	vadd.f32 v10, v8  }
0x1bf: {  	v11 =	vadd.f32 v32, v31;
	v9 =	vadd.f32 v29, v9;
	v16 =	vmax.f32 v16, $0.0e+00  }
0x1c0: {  	v43 =	vld [tilespmem:s13+$0x14AF0];
	v42 =	vmul.f32 v16, v3;
	v8 =	vadd.f32 v40, v8  }
0x1c1: {  	v44 =	vadd.f32 v37, v35;
	v11 =	vadd.f32 v34, v11;
	v9 =	vmax.f32 v9, $0.0e+00  }
0x1c2: {  	v9 =	vmul.f32 v9, v4;
	v8 =	vadd.f32 v42, v8  }
0x1c3: {  	v46 =	vadd.f32 v38, v44;
	v45 =	vmax.f32 v11, $0.0e+00;
	v13 =	vadd.f32 v41, v39  }
0x1c4: {  	v47 =	vmul.f32 v45, v5;
	v8 =	vadd.f32 v9, v8  }
0x1c5: {  	v48 =	vmax.f32 v46, $0.0e+00;
	v49 =	vadd.f32 v43, v13  }
0x1c6: {  	v50 =	vmul.f32 v48, v6;
	v8 =	vadd.f32 v47, v8  }
0x1c7: {  	v51 =	vmax.f32 v49, $0.0e+00  }
0x1c8: {  	v52 =	vmul.f32 v51, v7;
	v8 =	vadd.f32 v50, v8;
	_ =	sdelay $0x1  }
0x1c9: {  	v8 =	vadd.f32 v52, v8;
	_ =	sdelay $0x1  }
0x1ca: {  	[tilespmem:s14+$0x18A10] =	vst v8  }
0x1cb: {  	v8 =	vld [tilespmem:s13+$0xCB00]  }
0x1cc: {  	v53 =	vld [tilespmem:s13+$0x10B00]  }
0x1cd: {  	v54 =	vld [tilespmem:s13+$0x14B00]  }
0x1ce: {  	v55 =	vld [tilespmem:s13+$0xCB10]  }
0x1cf: {  	v56 =	vld [tilespmem:s13+$0x10B10]  }
0x1d0: {  	v57 =	vld [tilespmem:s13+$0x14B10]  }
0x1d1: {  	v58 =	vld [tilespmem:s13+$0xCB20]  }
0x1d2: {  	v59 =	vld [tilespmem:s13+$0x10B20]  }
0x1d3: {  	v60 =	vld [tilespmem:s13+$0x14B20]  }
0x1d4: {  	v61 =	vld [tilespmem:s13+$0xCB30]  }
0x1d5: {  	v62 =	vld [tilespmem:s13+$0x10B30]  }
0x1d6: {  	v63 =	vld [tilespmem:s13+$0x14B30]  }
0x1d7: {  	v24 =	vld [tilespmem:s13+$0xCB40]  }
0x1d8: {  	v25 =	vld [tilespmem:s13+$0x10B40];
	v8 =	vadd.f32 v53, v8  }
0x1d9: {  	v26 =	vld [tilespmem:s13+$0x14B40]  }
0x1da: {  	v28 =	vld [tilespmem:s13+$0xCB50];
	v27 =	vadd.f32 v56, v55;
	v8 =	vadd.f32 v54, v8  }
0x1db: {  	v29 =	vld [tilespmem:s13+$0x10B50]  }
0x1dc: {  	v31 =	vld [tilespmem:s13+$0x14B50];
	v30 =	vadd.f32 v59, v58;
	v10 =	vadd.f32 v57, v27;
	v8 =	vmax.f32 v8, $0.0e+00  }
0x1dd: {  	v32 =	vld [tilespmem:s13+$0xCB60];
	v8 =	vmul.f32 v8, v0  }
0x1de: {  	v34 =	vld [tilespmem:s13+$0x10B60];
	v33 =	vadd.f32 v62, v61;
	v13 =	vadd.f32 v60, v30;
	v10 =	vmax.f32 v10, $0.0e+00  }
0x1df: {  	v35 =	vld [tilespmem:s13+$0x14B60];
	v10 =	vmul.f32 v10, v1;
	v8 =	vadd.f32 $0.0e+00, v8  }
0x1e0: {  	v36 =	vld [tilespmem:s13+$0xCB70];
	v9 =	vadd.f32 v25, v24;
	v16 =	vadd.f32 v63, v33;
	v13 =	vmax.f32 v13, $0.0e+00  }
0x1e1: {  	v38 =	vld [tilespmem:s13+$0x10B70];
	v37 =	vmul.f32 v13, v2;
	v8 =	vadd.f32 v10, v8  }
0x1e2: {  	v11 =	vadd.f32 v29, v28;
	v9 =	vadd.f32 v26, v9;
	v16 =	vmax.f32 v16, $0.0e+00  }
0x1e3: {  	v40 =	vld [tilespmem:s13+$0x14B70];
	v39 =	vmul.f32 v16, v3;
	v8 =	vadd.f32 v37, v8  }
0x1e4: {  	v41 =	vadd.f32 v34, v32;
	v11 =	vadd.f32 v31, v11;
	v9 =	vmax.f32 v9, $0.0e+00  }
0x1e5: {  	v9 =	vmul.f32 v9, v4;
	v8 =	vadd.f32 v39, v8  }
0x1e6: {  	v43 =	vadd.f32 v35, v41;
	v42 =	vmax.f32 v11, $0.0e+00;
	v13 =	vadd.f32 v38, v36  }
0x1e7: {  	v44 =	vmul.f32 v42, v5;
	v8 =	vadd.f32 v9, v8  }
0x1e8: {  	v45 =	vmax.f32 v43, $0.0e+00;
	v46 =	vadd.f32 v40, v13  }
0x1e9: {  	v47 =	vmul.f32 v45, v6;
	v8 =	vadd.f32 v44, v8  }
0x1ea: {  	v48 =	vmax.f32 v46, $0.0e+00  }
0x1eb: {  	v49 =	vmul.f32 v48, v7;
	v8 =	vadd.f32 v47, v8;
	_ =	sdelay $0x1  }
0x1ec: {  	v8 =	vadd.f32 v49, v8;
	_ =	sdelay $0x1  }
0x1ed: {  	[tilespmem:s14+$0x18A20] =	vst v8  }
0x1ee: {  	v8 =	vld [tilespmem:s13+$0xCB80]  }
0x1ef: {  	v50 =	vld [tilespmem:s13+$0x10B80]  }
0x1f0: {  	v51 =	vld [tilespmem:s13+$0x14B80]  }
0x1f1: {  	v52 =	vld [tilespmem:s13+$0xCB90]  }
0x1f2: {  	v53 =	vld [tilespmem:s13+$0x10B90]  }
0x1f3: {  	v54 =	vld [tilespmem:s13+$0x14B90]  }
0x1f4: {  	v55 =	vld [tilespmem:s13+$0xCBA0]  }
0x1f5: {  	v56 =	vld [tilespmem:s13+$0x10BA0]  }
0x1f6: {  	v57 =	vld [tilespmem:s13+$0x14BA0]  }
0x1f7: {  	v58 =	vld [tilespmem:s13+$0xCBB0]  }
0x1f8: {  	v59 =	vld [tilespmem:s13+$0x10BB0]  }
0x1f9: {  	v60 =	vld [tilespmem:s13+$0x14BB0]  }
0x1fa: {  	v61 =	vld [tilespmem:s13+$0xCBC0]  }
0x1fb: {  	v62 =	vld [tilespmem:s13+$0x10BC0];
	v8 =	vadd.f32 v50, v8  }
0x1fc: {  	v63 =	vld [tilespmem:s13+$0x14BC0]  }
0x1fd: {  	v25 =	vld [tilespmem:s13+$0xCBD0];
	v24 =	vadd.f32 v53, v52;
	v8 =	vadd.f32 v51, v8  }
0x1fe: {  	v26 =	vld [tilespmem:s13+$0x10BD0]  }
0x1ff: {  	v28 =	vld [tilespmem:s13+$0x14BD0];
	v27 =	vadd.f32 v56, v55;
	v10 =	vadd.f32 v54, v24;
	v8 =	vmax.f32 v8, $0.0e+00  }
0x200: {  	v29 =	vld [tilespmem:s13+$0xCBE0];
	v8 =	vmul.f32 v8, v0  }
0x201: {  	v31 =	vld [tilespmem:s13+$0x10BE0];
	v30 =	vadd.f32 v59, v58;
	v13 =	vadd.f32 v57, v27;
	v10 =	vmax.f32 v10, $0.0e+00  }
0x202: {  	v32 =	vld [tilespmem:s13+$0x14BE0];
	v10 =	vmul.f32 v10, v1;
	v8 =	vadd.f32 $0.0e+00, v8  }
0x203: {  	v33 =	vld [tilespmem:s13+$0xCBF0];
	v9 =	vadd.f32 v62, v61;
	v16 =	vadd.f32 v60, v30;
	v13 =	vmax.f32 v13, $0.0e+00  }
0x204: {  	v35 =	vld [tilespmem:s13+$0x10BF0];
	v34 =	vmul.f32 v13, v2;
	v8 =	vadd.f32 v10, v8  }
0x205: {  	v11 =	vadd.f32 v26, v25;
	v9 =	vadd.f32 v63, v9;
	v16 =	vmax.f32 v16, $0.0e+00  }
0x206: {  	v37 =	vld [tilespmem:s13+$0x14BF0];
	v36 =	vmul.f32 v16, v3;
	v8 =	vadd.f32 v34, v8  }
0x207: {  	v38 =	vadd.f32 v31, v29;
	v11 =	vadd.f32 v28, v11;
	v9 =	vmax.f32 v9, $0.0e+00  }
0x208: {  	v9 =	vmul.f32 v9, v4;
	v8 =	vadd.f32 v36, v8  }
0x209: {  	v40 =	vadd.f32 v32, v38;
	v39 =	vmax.f32 v11, $0.0e+00;
	v13 =	vadd.f32 v35, v33  }
0x20a: {  	v41 =	vmul.f32 v39, v5;
	v8 =	vadd.f32 v9, v8  }
0x20b: {  	v42 =	vmax.f32 v40, $0.0e+00;
	v43 =	vadd.f32 v37, v13  }
0x20c: {  	v44 =	vmul.f32 v42, v6;
	v8 =	vadd.f32 v41, v8  }
0x20d: {  	v45 =	vmax.f32 v43, $0.0e+00  }
0x20e: {  	v46 =	vmul.f32 v45, v7;
	v8 =	vadd.f32 v44, v8;
	_ =	sdelay $0x1  }
0x20f: {  	v8 =	vadd.f32 v46, v8;
	_ =	sdelay $0x1  }
0x210: {  	[tilespmem:s14+$0x18A30] =	vst v8  }
0x211: {  	v8 =	vld [tilespmem:s13+$0xCC00]  }
0x212: {  	v47 =	vld [tilespmem:s13+$0x10C00]  }
0x213: {  	v48 =	vld [tilespmem:s13+$0x14C00]  }
0x214: {  	v49 =	vld [tilespmem:s13+$0xCC10]  }
0x215: {  	v50 =	vld [tilespmem:s13+$0x10C10]  }
0x216: {  	v51 =	vld [tilespmem:s13+$0x14C10]  }
0x217: {  	v52 =	vld [tilespmem:s13+$0xCC20]  }
0x218: {  	v53 =	vld [tilespmem:s13+$0x10C20]  }
0x219: {  	v54 =	vld [tilespmem:s13+$0x14C20]  }
0x21a: {  	v55 =	vld [tilespmem:s13+$0xCC30]  }
0x21b: {  	v56 =	vld [tilespmem:s13+$0x10C30]  }
0x21c: {  	v57 =	vld [tilespmem:s13+$0x14C30]  }
0x21d: {  	v58 =	vld [tilespmem:s13+$0xCC40]  }
0x21e: {  	v59 =	vld [tilespmem:s13+$0x10C40];
	v8 =	vadd.f32 v47, v8  }
0x21f: {  	v60 =	vld [tilespmem:s13+$0x14C40]  }
0x220: {  	v62 =	vld [tilespmem:s13+$0xCC50];
	v61 =	vadd.f32 v50, v49;
	v8 =	vadd.f32 v48, v8  }
0x221: {  	v63 =	vld [tilespmem:s13+$0x10C50]  }
0x222: {  	v23 =	vld [tilespmem:s13+$0x14C50];
	v22 =	vadd.f32 v53, v52;
	v10 =	vadd.f32 v51, v61;
	v8 =	vmax.f32 v8, $0.0e+00  }
0x223: {  	v24 =	vld [tilespmem:s13+$0xCC60];
	v8 =	vmul.f32 v8, v0  }
0x224: {  	v26 =	vld [tilespmem:s13+$0x10C60];
	v25 =	vadd.f32 v56, v55;
	v13 =	vadd.f32 v54, v22;
	v10 =	vmax.f32 v10, $0.0e+00  }
0x225: {  	v27 =	vld [tilespmem:s13+$0x14C60];
	v10 =	vmul.f32 v10, v1;
	v8 =	vadd.f32 $0.0e+00, v8  }
0x226: {  	v28 =	vld [tilespmem:s13+$0xCC70];
	v9 =	vadd.f32 v59, v58;
	v16 =	vadd.f32 v57, v25;
	v13 =	vmax.f32 v13, $0.0e+00  }
0x227: {  	v30 =	vld [tilespmem:s13+$0x10C70];
	v29 =	vmul.f32 v13, v2;
	v8 =	vadd.f32 v10, v8  }
0x228: {  	v11 =	vadd.f32 v63, v62;
	v9 =	vadd.f32 v60, v9;
	v16 =	vmax.f32 v16, $0.0e+00  }
0x229: {  	v32 =	vld [tilespmem:s13+$0x14C70];
	v31 =	vmul.f32 v16, v3;
	v8 =	vadd.f32 v29, v8  }
0x22a: {  	v33 =	vadd.f32 v26, v24;
	v11 =	vadd.f32 v23, v11;
	v9 =	vmax.f32 v9, $0.0e+00  }
0x22b: {  	v9 =	vmul.f32 v9, v4;
	v8 =	vadd.f32 v31, v8  }
0x22c: {  	v35 =	vadd.f32 v27, v33;
	v34 =	vmax.f32 v11, $0.0e+00;
	v13 =	vadd.f32 v30, v28  }
0x22d: {  	v36 =	vmul.f32 v34, v5;
	v8 =	vadd.f32 v9, v8  }
0x22e: {  	v37 =	vmax.f32 v35, $0.0e+00;
	v38 =	vadd.f32 v32, v13  }
0x22f: {  	v39 =	vmul.f32 v37, v6;
	v8 =	vadd.f32 v36, v8  }
0x230: {  	v40 =	vmax.f32 v38, $0.0e+00  }
0x231: {  	v41 =	vmul.f32 v40, v7;
	v8 =	vadd.f32 v39, v8;
	_ =	sdelay $0x1  }
0x232: {  	v8 =	vadd.f32 v41, v8;
	_ =	sdelay $0x1  }
0x233: {  	[tilespmem:s14+$0x18A40] =	vst v8  }
0x234: {  	v8 =	vld [tilespmem:s13+$0xCC80]  }
0x235: {  	v42 =	vld [tilespmem:s13+$0x10C80]  }
0x236: {  	v43 =	vld [tilespmem:s13+$0x14C80]  }
0x237: {  	v44 =	vld [tilespmem:s13+$0xCC90]  }
0x238: {  	v45 =	vld [tilespmem:s13+$0x10C90]  }
0x239: {  	v46 =	vld [tilespmem:s13+$0x14C90]  }
0x23a: {  	v47 =	vld [tilespmem:s13+$0xCCA0]  }
0x23b: {  	v48 =	vld [tilespmem:s13+$0x10CA0]  }
0x23c: {  	v49 =	vld [tilespmem:s13+$0x14CA0]  }
0x23d: {  	v50 =	vld [tilespmem:s13+$0xCCB0]  }
0x23e: {  	v51 =	vld [tilespmem:s13+$0x10CB0]  }
0x23f: {  	v52 =	vld [tilespmem:s13+$0x14CB0]  }
0x240: {  	v53 =	vld [tilespmem:s13+$0xCCC0]  }
0x241: {  	v54 =	vld [tilespmem:s13+$0x10CC0];
	v8 =	vadd.f32 v42, v8  }
0x242: {  	v55 =	vld [tilespmem:s13+$0x14CC0]  }
0x243: {  	v57 =	vld [tilespmem:s13+$0xCCD0];
	v56 =	vadd.f32 v45, v44;
	v8 =	vadd.f32 v43, v8  }
0x244: {  	v58 =	vld [tilespmem:s13+$0x10CD0]  }
0x245: {  	v60 =	vld [tilespmem:s13+$0x14CD0];
	v59 =	vadd.f32 v48, v47;
	v10 =	vadd.f32 v46, v56;
	v8 =	vmax.f32 v8, $0.0e+00  }
0x246: {  	v61 =	vld [tilespmem:s13+$0xCCE0];
	v8 =	vmul.f32 v8, v0  }
0x247: {  	v63 =	vld [tilespmem:s13+$0x10CE0];
	v62 =	vadd.f32 v51, v50;
	v13 =	vadd.f32 v49, v59;
	v10 =	vmax.f32 v10, $0.0e+00  }
0x248: {  	v22 =	vld [tilespmem:s13+$0x14CE0];
	v10 =	vmul.f32 v10, v1;
	v8 =	vadd.f32 $0.0e+00, v8  }
0x249: {  	v23 =	vld [tilespmem:s13+$0xCCF0];
	v9 =	vadd.f32 v54, v53;
	v16 =	vadd.f32 v52, v62;
	v13 =	vmax.f32 v13, $0.0e+00  }
0x24a: {  	v25 =	vld [tilespmem:s13+$0x10CF0];
	v24 =	vmul.f32 v13, v2;
	v8 =	vadd.f32 v10, v8  }
0x24b: {  	v11 =	vadd.f32 v58, v57;
	v9 =	vadd.f32 v55, v9;
	v16 =	vmax.f32 v16, $0.0e+00  }
0x24c: {  	v27 =	vld [tilespmem:s13+$0x14CF0];
	v26 =	vmul.f32 v16, v3;
	v8 =	vadd.f32 v24, v8  }
0x24d: {  	v28 =	vadd.f32 v63, v61;
	v11 =	vadd.f32 v60, v11;
	v9 =	vmax.f32 v9, $0.0e+00  }
0x24e: {  	v9 =	vmul.f32 v9, v4;
	v8 =	vadd.f32 v26, v8  }
0x24f: {  	v30 =	vadd.f32 v22, v28;
	v29 =	vmax.f32 v11, $0.0e+00;
	v13 =	vadd.f32 v25, v23  }
0x250: {  	v31 =	vmul.f32 v29, v5;
	v8 =	vadd.f32 v9, v8  }
0x251: {  	v32 =	vmax.f32 v30, $0.0e+00;
	v33 =	vadd.f32 v27, v13  }
0x252: {  	v34 =	vmul.f32 v32, v6;
	v8 =	vadd.f32 v31, v8  }
0x253: {  	v35 =	vmax.f32 v33, $0.0e+00  }
0x254: {  	v36 =	vmul.f32 v35, v7;
	v8 =	vadd.f32 v34, v8;
	_ =	sdelay $0x1  }
0x255: {  	v8 =	vadd.f32 v36, v8;
	_ =	sdelay $0x1  }
0x256: {  	[tilespmem:s14+$0x18A50] =	vst v8  }
0x257: {  	v8 =	vld [tilespmem:s13+$0xCD00]  }
0x258: {  	v37 =	vld [tilespmem:s13+$0x10D00]  }
0x259: {  	v38 =	vld [tilespmem:s13+$0x14D00]  }
0x25a: {  	v39 =	vld [tilespmem:s13+$0xCD10]  }
0x25b: {  	v40 =	vld [tilespmem:s13+$0x10D10]  }
0x25c: {  	v41 =	vld [tilespmem:s13+$0x14D10]  }
0x25d: {  	v42 =	vld [tilespmem:s13+$0xCD20]  }
0x25e: {  	v43 =	vld [tilespmem:s13+$0x10D20]  }
0x25f: {  	v44 =	vld [tilespmem:s13+$0x14D20]  }
0x260: {  	v45 =	vld [tilespmem:s13+$0xCD30]  }
0x261: {  	v46 =	vld [tilespmem:s13+$0x10D30]  }
0x262: {  	v47 =	vld [tilespmem:s13+$0x14D30]  }
0x263: {  	v48 =	vld [tilespmem:s13+$0xCD40]  }
0x264: {  	v49 =	vld [tilespmem:s13+$0x10D40];
	v8 =	vadd.f32 v37, v8  }
0x265: {  	v50 =	vld [tilespmem:s13+$0x14D40]  }
0x266: {  	v52 =	vld [tilespmem:s13+$0xCD50];
	v51 =	vadd.f32 v40, v39;
	v8 =	vadd.f32 v38, v8  }
0x267: {  	v53 =	vld [tilespmem:s13+$0x10D50]  }
0x268: {  	v55 =	vld [tilespmem:s13+$0x14D50];
	v54 =	vadd.f32 v43, v42;
	v10 =	vadd.f32 v41, v51;
	v8 =	vmax.f32 v8, $0.0e+00  }
0x269: {  	v56 =	vld [tilespmem:s13+$0xCD60];
	v8 =	vmul.f32 v8, v0  }
0x26a: {  	v58 =	vld [tilespmem:s13+$0x10D60];
	v57 =	vadd.f32 v46, v45;
	v13 =	vadd.f32 v44, v54;
	v10 =	vmax.f32 v10, $0.0e+00  }
0x26b: {  	v59 =	vld [tilespmem:s13+$0x14D60];
	v10 =	vmul.f32 v10, v1;
	v8 =	vadd.f32 $0.0e+00, v8  }
0x26c: {  	v60 =	vld [tilespmem:s13+$0xCD70];
	v9 =	vadd.f32 v49, v48;
	v16 =	vadd.f32 v47, v57;
	v13 =	vmax.f32 v13, $0.0e+00  }
0x26d: {  	v62 =	vld [tilespmem:s13+$0x10D70];
	v61 =	vmul.f32 v13, v2;
	v8 =	vadd.f32 v10, v8  }
0x26e: {  	v11 =	vadd.f32 v53, v52;
	v9 =	vadd.f32 v50, v9;
	v16 =	vmax.f32 v16, $0.0e+00  }
0x26f: {  	v63 =	vmul.f32 v16, v3;
	v16 =	vld [tilespmem:s13+$0x14D70];
	v8 =	vadd.f32 v61, v8  }
0x270: {  	v17 =	vadd.f32 v58, v56;
	v11 =	vadd.f32 v55, v11;
	v9 =	vmax.f32 v9, $0.0e+00  }
0x271: {  	v9 =	vmul.f32 v9, v4;
	v8 =	vadd.f32 v63, v8  }
0x272: {  	v21 =	vadd.f32 v59, v17;
	v20 =	vmax.f32 v11, $0.0e+00;
	v13 =	vadd.f32 v62, v60  }
0x273: {  	v22 =	vmul.f32 v20, v5;
	v8 =	vadd.f32 v9, v8  }
0x274: {  	v23 =	vmax.f32 v21, $0.0e+00;
	v24 =	vadd.f32 v16, v13  }
0x275: {  	v25 =	vmul.f32 v23, v6;
	v8 =	vadd.f32 v22, v8  }
0x276: {  	v26 =	vmax.f32 v24, $0.0e+00  }
0x277: {  	v27 =	vmul.f32 v26, v7;
	v8 =	vadd.f32 v25, v8;
	_ =	sdelay $0x1  }
0x278: {  	v8 =	vadd.f32 v27, v8;
	_ =	sdelay $0x1  }
0x279: {  	[tilespmem:s14+$0x18A60] =	vst v8  }
0x27a: {  	v8 =	vld [tilespmem:s13+$0xCD80]  }
0x27b: {  	v28 =	vld [tilespmem:s13+$0x10D80]  }
0x27c: {  	v29 =	vld [tilespmem:s13+$0x14D80]  }
0x27d: {  	v30 =	vld [tilespmem:s13+$0xCD90]  }
0x27e: {  	v31 =	vld [tilespmem:s13+$0x10D90]  }
0x27f: {  	v32 =	vld [tilespmem:s13+$0x14D90]  }
0x280: {  	v33 =	vld [tilespmem:s13+$0xCDA0]  }
0x281: {  	v34 =	vld [tilespmem:s13+$0x10DA0]  }
0x282: {  	v35 =	vld [tilespmem:s13+$0x14DA0]  }
0x283: {  	v36 =	vld [tilespmem:s13+$0xCDB0]  }
0x284: {  	v37 =	vld [tilespmem:s13+$0x10DB0]  }
0x285: {  	v38 =	vld [tilespmem:s13+$0x14DB0]  }
0x286: {  	v39 =	vld [tilespmem:s13+$0xCDC0]  }
0x287: {  	v40 =	vld [tilespmem:s13+$0x10DC0];
	v8 =	vadd.f32 v28, v8  }
0x288: {  	v41 =	vld [tilespmem:s13+$0x14DC0]  }
0x289: {  	v43 =	vld [tilespmem:s13+$0xCDD0];
	v42 =	vadd.f32 v31, v30;
	v8 =	vadd.f32 v29, v8  }
0x28a: {  	v44 =	vld [tilespmem:s13+$0x10DD0]  }
0x28b: {  	v46 =	vld [tilespmem:s13+$0x14DD0];
	v45 =	vadd.f32 v34, v33;
	v10 =	vadd.f32 v32, v42;
	v8 =	vmax.f32 v8, $0.0e+00  }
0x28c: {  	v47 =	vld [tilespmem:s13+$0xCDE0];
	v8 =	vmul.f32 v8, v0  }
0x28d: {  	v49 =	vld [tilespmem:s13+$0x10DE0];
	v48 =	vadd.f32 v37, v36;
	v13 =	vadd.f32 v35, v45;
	v10 =	vmax.f32 v10, $0.0e+00  }
0x28e: {  	v50 =	vld [tilespmem:s13+$0x14DE0];
	v10 =	vmul.f32 v10, v1;
	v8 =	vadd.f32 $0.0e+00, v8  }
0x28f: {  	v51 =	vld [tilespmem:s13+$0xCDF0];
	v9 =	vadd.f32 v40, v39;
	v16 =	vadd.f32 v38, v48;
	v13 =	vmax.f32 v13, $0.0e+00  }
0x290: {  	v53 =	vld [tilespmem:s13+$0x10DF0];
	v52 =	vmul.f32 v13, v2;
	v8 =	vadd.f32 v10, v8  }
0x291: {  	v11 =	vadd.f32 v44, v43;
	v9 =	vadd.f32 v41, v9;
	v54 =	vmax.f32 v16, $0.0e+00  }
0x292: {  	v56 =	vld [tilespmem:s13+$0x14DF0];
	v55 =	vmul.f32 v54, v3;
	v8 =	vadd.f32 v52, v8  }
0x293: {  	v57 =	vadd.f32 v49, v47;
	v11 =	vadd.f32 v46, v11;
	v9 =	vmax.f32 v9, $0.0e+00  }
0x294: {  	v9 =	vmul.f32 v9, v4;
	v8 =	vadd.f32 v55, v8  }
0x295: {  	v58 =	vadd.f32 v50, v57;
	v11 =	vmax.f32 v11, $0.0e+00;
	v13 =	vadd.f32 v53, v51  }
0x296: {  	v59 =	vmul.f32 v11, v5;
	v8 =	vadd.f32 v9, v8  }
0x297: {  	v60 =	vadd.f32 v56, v13;
	v10 =	vmax.f32 v58, $0.0e+00  }
0x298: {  	v61 =	vmul.f32 v10, v6;
	v8 =	vadd.f32 v59, v8  }
0x299: {  	p0 =	sne.s32 s12, $0xF;
	v62 =	vmax.f32 v60, $0.0e+00  }
.Ltmp1:
0x29a: {  	v63 =	vmul.f32 v62, v7;
	v8 =	vadd.f32 v61, v8;
	(pc) =	sbr.rel @p0 .LBB2_5-.Ltmp1, $3  }
0x29b: {  	_ = 	snop  }
0x29c: {  	v8 =	vadd.f32 v63, v8;
	_ =	sdelay $0x1  }
0x29d: {  	s12 =	sadd.s32 $0x1, s12;
	[tilespmem:s14+$0x18A70] =	vst v8  }
0x29e: {  	s12 =	sshll.u32 s24, $0x4  }
0x29f: {  	s23 =	sadd.s32 $0x1, s23;
	s12 =	sadd.s32 s11, s12  }
0x2a0: {  	p0 =	sne.s32 s23, $0x28;
	s12 =	sshrl.u32 s12, $0x3  }
.Ltmp2:
0x2a1: {  	s12 =	sadd.s32 s10, s12;
	(pc) =	sbr.rel @p0 .LBB2_2-.Ltmp2, $4  }
0x2a2: {  	[hbm4b:s12+s1] =	stream.linear.scatter [tilespmem:s19], [sflag:$0x3], $0x800, $0x38;
	[tilespmem:$0x19280] =	vst v63  }
0x2a3: {  	_ =	swait.ge [sflag:s20], $0x800  }
0x2a4: {  	[sflag:s20] =	ssyncset.done $0x0  }
0x2a5: {  	[sflag:s20] =	ssyncadd.s32 $0xFFFFF800  }
0x2a6: {  	s22 =	sadd.s32 $0x1, s22;
	s12 =	rddreg [dreg:$0x7]  }
0x2a7: {  	p0 =	sne.s32 s22, s12  }
.Ltmp3:
0x2a8: {  	_ = 	snop;
	(pc) =	sbr.rel @p0 .LBB2_1-.Ltmp3, $1  }
0x2a9: {  	_ =	sdelay $0x3  }
0x2aa: {  	_ =	sfence.sel $0x180000  }
0x2ab: {  	[bflag:$0x0] =	sbarrier.arrive $0xFFFF  }
0x2ac: {  	_ =	strace $0x90000050  }
0x2ad: {  	s0 =	stileid.u32;
	[bflag:$0x2] =	sbarrier.arrive $0xFFFF  }
0x2ae: {  	p0 =	sne.s32 s0, $0x0;
	s0 =	rddreg [dreg:$0x2]  }
0x2af: {  	s0 =	sadd.s32 @!p0 $0x100000, s0  }
0x2b0: {  	[sflag:s0] =	ssyncadd.tile.s32 @!p0 $0x1;
	_ =	shalt  }
.Lfunc_end2:
_tile_overlayer_lowered:
.L_overlay_start_2:
0x2b1: {  	(tag) =	ssettag $0x2  }
0x2b2: {  	s0 =	rddreg [dreg:$0x0];
	s2 =	stileid.u32  }
0x2b3: {  	s1 =	rddreg [dreg:$0x1];
	p0 =	sne.s32 s2, $0x0  }
0x2b4: {  	s3 =	rddreg [dreg:$0x2];
	[bflag:$0x3] =	sbarrier.arrive $0xFFFF;
	s2 =	simm.s32 @!p0 $0x1C03  }
0x2b5: {  	[timem:s3], [sflag:s2] =	dma.local @!p0 [hbm:s0], s1  }
0x2b6: {  	s0 =	simm.s32 @!p0 $0x3  }
0x2b7: {  	_ =	swait.ge @!p0 [sflag:s0], s1  }
0x2b8: {  	s1 =	ssub.s32 @!p0 $0x0, s1;
	[sflag:s0] =	ssyncset.done @!p0 $0x0  }
0x2b9: {  	[sflag:s0] =	ssyncadd.s32 @!p0 s1  }
0x2ba: {  	[bflag:$0x3] =	sbarrier.arrive $0xFFFF  }
0x2bb: {  	_ =	shalt  }

</sc_bundles>
